<compile_context>
chip_gen: v7x
topology: tpu7x:2x2x1
jax: 0.10.2.dev20260603
libtpu: 0.0.44.dev20260713+nightly
codegen_flags: <defaults>
</compile_context>

<pallas_src>
import functools

import jax
import jax.numpy as jnp
from jax import lax
from jax.experimental import pallas as pl
from jax.experimental.pallas import tpu as pltpu
from jax.experimental.pallas import tpu_sc as plsc

N = 10000
E = 320000
D = 128

NW = 32
BLK = 128
K = 3
NSB = 27
NB = K * NSB
EPAD = NW * NB * BLK
NPAD = 10240
RPT = NPAD // 16

_mesh = plsc.VectorSubcoreMesh(core_axis_name="c", subcore_axis_name="s")


@functools.partial(
    pl.kernel,
    out_type=jax.ShapeDtypeStruct((2, NPAD, 16), jnp.float32),
    mesh=_mesh,
    compiler_params=pltpu.CompilerParams(use_tc_tiling_on_sc=False),
    scratch_types=[
        pltpu.VMEM((NB, BLK), jnp.int32),
        pltpu.VMEM((BLK, 16), jnp.float32),
        pltpu.VMEM((BLK, 16), jnp.float32),
        pltpu.VMEM_SHARED((NPAD, 16), jnp.float32),
    ],
)
def _sc_deg(dst_hbm, ones_hbm, zeros_hbm, out_hbm, idx_v, ones_v, zeros_v, acc):
    c = lax.axis_index("c")
    s = lax.axis_index("s")
    wid = s * 2 + c
    pltpu.sync_copy(dst_hbm.at[wid], idx_v)
    pltpu.sync_copy(ones_hbm, ones_v)
    pltpu.sync_copy(zeros_hbm, zeros_v)
    for b in range(RPT // BLK):
        pltpu.sync_copy(zeros_v, acc.at[pl.ds(s * RPT + b * BLK, BLK)])
    plsc.subcore_barrier()

    def body(j, carry):
        pltpu.sync_copy(ones_v, acc.at[idx_v.at[j]], add=True)
        return carry

    lax.fori_loop(0, NB, body, 0)
    plsc.subcore_barrier()
    pltpu.sync_copy(acc.at[pl.ds(s * RPT, RPT)], out_hbm.at[c, pl.ds(s * RPT, RPT)])


DH = D // 2


@functools.partial(
    pl.kernel,
    out_type=jax.ShapeDtypeStruct((2, 2, NPAD, DH), jnp.float32),
    mesh=_mesh,
    compiler_params=pltpu.CompilerParams(use_tc_tiling_on_sc=False),
    scratch_types=[
        pltpu.VMEM((NB, BLK), jnp.int32),
        pltpu.VMEM((NB, BLK), jnp.int32),
        pltpu.VMEM((2, K, BLK, DH), jnp.float32),
        pltpu.VMEM((BLK, DH), jnp.float32),
        pltpu.VMEM_SHARED((NPAD, DH), jnp.float32),
        pltpu.SemaphoreType.DMA,
        pltpu.SemaphoreType.DMA,
        pltpu.SemaphoreType.DMA,
        pltpu.SemaphoreType.DMA,
    ],
)
def _sc_scatter(gl_hbm, gr_hbm, src_hbm, dst_hbm, zeros_hbm, out_hbm,
                src_v, dst_v, bufs, zeros_v, acc, sem_ga, sem_gb,
                sem_sa, sem_sb):
    c = lax.axis_index("c")
    s = lax.axis_index("s")
    wid = s * 2 + c
    pltpu.sync_copy(src_hbm.at[wid], src_v)
    pltpu.sync_copy(dst_hbm.at[wid], dst_v)
    pltpu.sync_copy(zeros_hbm, zeros_v)
    gsem = (sem_ga, sem_gb)
    ssem = (sem_sa, sem_sb)
    for half in range(2):
        g_hbm = gl_hbm if half == 0 else gr_hbm

        def fire_g(sb, st):
            for t in range(K):
                pltpu.async_copy(g_hbm.at[src_v.at[sb * K + t]],
                                 bufs.at[st, t], gsem[st])

        def drain_g(sb, st):
            for t in range(K):
                pltpu.make_async_copy(g_hbm.at[src_v.at[sb * K + t]],
                                      bufs.at[st, t], gsem[st]).wait()

        def fire_s(sb, st):
            for t in range(K):
                pltpu.async_copy(bufs.at[st, t], acc.at[dst_v.at[sb * K + t]],
                                 ssem[st], add=True)

        def drain_s(sb, st):
            for t in range(K):
                pltpu.make_async_copy(bufs.at[st, t],
                                      acc.at[dst_v.at[sb * K + t]],
                                      ssem[st]).wait()

        for b in range(RPT // BLK):
            pltpu.sync_copy(zeros_v, acc.at[pl.ds(s * RPT + b * BLK, BLK)])
        plsc.subcore_barrier()

        fire_g(0, 0)

        def body(i, carry):
            sb0 = 2 * i
            sb1 = 2 * i + 1
            drain_g(sb0, 0)
            fire_g(sb1, 1)
            fire_s(sb0, 0)
            drain_s(sb0, 0)
            drain_g(sb1, 1)
            fire_g(sb1 + 1, 0)
            fire_s(sb1, 1)
            drain_s(sb1, 1)
            return carry

        lax.fori_loop(0, (NSB - 1) // 2, body, 0)
        drain_g(NSB - 1, 0)
        fire_s(NSB - 1, 0)
        drain_s(NSB - 1, 0)
        plsc.subcore_barrier()
        pltpu.sync_copy(acc.at[pl.ds(s * RPT, RPT)],
                        out_hbm.at[c, half, pl.ds(s * RPT, RPT)])


_TC_BLK = 1024
_TC_GRID = NPAD // _TC_BLK


def _rows_spec(width=D):
    return pl.BlockSpec((_TC_BLK, width), lambda i: (i, 0))


def _full_spec(shape):
    return pl.BlockSpec(shape, lambda i: (0, 0))


def _pdeg_spec(ci):
    return pl.BlockSpec((1, _TC_BLK, 16), lambda i, ci=ci: (ci, i, 0))


def _u_spec(ci, hi):
    return pl.BlockSpec((1, 1, _TC_BLK, DH), lambda i, ci=ci, hi=hi: (ci, hi, i, 0))


def _dinv(pa_ref, pb_ref):
    deg = 1.0 + pa_ref[0, :, :1] + pb_ref[0, :, :1]
    return lax.rsqrt(deg)


def _usum(u0l, u1l, u0r, u1r):
    return jnp.concatenate([u0l[0, 0] + u1l[0, 0], u0r[0, 0] + u1r[0, 0]],
                           axis=1)


def _tc1_body(x_ref, w_ref, pa_ref, pb_ref, h_ref, gl_ref, gr_ref):
    h = jnp.dot(x_ref[...], w_ref[...], preferred_element_type=jnp.float32)
    dinv = _dinv(pa_ref, pb_ref)
    h_ref[...] = h
    g = h * dinv
    gl_ref[...] = g[:, :DH]
    gr_ref[...] = g[:, DH:]


def _tc2_body(u0l, u1l, u0r, u1r, h1_ref, pa_ref, pb_ref, b1_ref, w2_ref,
              h2_ref, g2l_ref, g2r_ref):
    dinv = _dinv(pa_ref, pb_ref)
    a = dinv * _usum(u0l, u1l, u0r, u1r) + (dinv * dinv) * h1_ref[...] + b1_ref[...]
    o = jnp.maximum(a, 0.0)
    h2 = jnp.dot(o, w2_ref[...], preferred_element_type=jnp.float32)
    h2_ref[...] = h2
    g2 = h2 * dinv
    g2l_ref[...] = g2[:, :DH]
    g2r_ref[...] = g2[:, DH:]


def _tc3_body(u0l, u1l, u0r, u1r, h2_ref, pa_ref, pb_ref, b2_ref, out_ref):
    dinv = _dinv(pa_ref, pb_ref)
    out_ref[...] = (dinv * _usum(u0l, u1l, u0r, u1r)
                    + (dinv * dinv) * h2_ref[...] + b2_ref[...])


_half_out = [jax.ShapeDtypeStruct((NPAD, DH), jnp.float32)] * 2
_u_specs = [_u_spec(0, 0), _u_spec(1, 0), _u_spec(0, 1), _u_spec(1, 1)]

_tc1 = pl.pallas_call(
    _tc1_body,
    grid=(_TC_GRID,),
    in_specs=[_rows_spec(), _full_spec((D, D)), _pdeg_spec(0), _pdeg_spec(1)],
    out_specs=[_rows_spec(), _rows_spec(DH), _rows_spec(DH)],
    out_shape=[jax.ShapeDtypeStruct((NPAD, D), jnp.float32)] + _half_out,
)

_tc2 = pl.pallas_call(
    _tc2_body,
    grid=(_TC_GRID,),
    in_specs=_u_specs + [_rows_spec(), _pdeg_spec(0), _pdeg_spec(1),
                         _full_spec((1, D)), _full_spec((D, D))],
    out_specs=[_rows_spec(), _rows_spec(DH), _rows_spec(DH)],
    out_shape=[jax.ShapeDtypeStruct((NPAD, D), jnp.float32)] + _half_out,
)

_tc3 = pl.pallas_call(
    _tc3_body,
    grid=(_TC_GRID,),
    in_specs=_u_specs + [_rows_spec(), _pdeg_spec(0), _pdeg_spec(1),
                         _full_spec((1, D))],
    out_specs=_rows_spec(),
    out_shape=jax.ShapeDtypeStruct((NPAD, D), jnp.float32),
)


def kernel(x, edge_index, W1, b1, W2, b2):
    ei = edge_index.astype(jnp.int32)
    pad = N + jnp.arange(EPAD - E, dtype=jnp.int32) % (NPAD - N)
    src = jnp.concatenate([ei[0], pad]).reshape(NW, NB, BLK)
    dst = jnp.concatenate([ei[1], pad]).reshape(NW, NB, BLK)
    xp = jnp.pad(x, ((0, NPAD - N), (0, 0)))
    zeros_h = jnp.zeros((BLK, DH), jnp.float32)
    ones16 = jnp.ones((BLK, 16), jnp.float32)
    zeros16 = jnp.zeros((BLK, 16), jnp.float32)

    pdeg = _sc_deg(dst, ones16, zeros16)

    h1, g1l, g1r = _tc1(xp, W1, pdeg, pdeg)
    u1 = _sc_scatter(g1l, g1r, src, dst, zeros_h)
    h2, g2l, g2r = _tc2(u1, u1, u1, u1, h1, pdeg, pdeg,
                        b1.reshape(1, D), W2)
    u2 = _sc_scatter(g2l, g2r, src, dst, zeros_h)
    out = _tc3(u2, u2, u2, u2, h2, pdeg, pdeg, b2.reshape(1, D))
    return out[:N]

# --- scband reference (transcript-rebuilt; emitter-appended) ---
"""Pipeline reference for scband-build-tech-gnn-17549236371722 (READ-ONLY COPY).

The authoritative reference and input builder live on the scoring server;
editing this copy changes nothing except your own understanding.
"""

import jax, jax.numpy as jnp
import numpy as np

N_NODES = 10000
N_EDGES = 320000
D_IN = 128
D_HID = 128
D_OUT = 128


def gcn_conv(x, edge_index, W, b):
    # Faithful GCNConv: add self-loops, symmetric normalization, linear, scatter-add aggregate, bias
    N = x.shape[0]
    loop = jnp.arange(N, dtype=edge_index.dtype)
    src = jnp.concatenate([edge_index[0], loop])
    dst = jnp.concatenate([edge_index[1], loop])
    h = x @ W
    deg = jnp.zeros((N,), dtype=h.dtype).at[dst].add(1.0)
    dinv = jnp.where(deg > 0, 1.0 / jnp.sqrt(deg), 0.0)
    norm = dinv[src] * dinv[dst]
    msg = h[src] * norm[:, None]
    out = jnp.zeros((N, h.shape[1]), dtype=h.dtype).at[dst].add(msg)
    return out + b


def setup_inputs(seed: int = 0) -> dict:
    key = jax.random.key(seed)
    k1, k2, k3, k4, k5, k6 = jax.random.split(key, 6)
    x = jax.random.normal(k1, (N_NODES, D_IN), dtype=jnp.float32)
    edge_index = jax.random.randint(k2, (2, N_EDGES), 0, N_NODES).astype(jnp.int64)
    W1 = jax.random.normal(k3, (D_IN, D_HID), dtype=jnp.float32) * (1.0 / np.sqrt(D_IN))
    b1 = jnp.zeros((D_HID,), dtype=jnp.float32)
    W2 = jax.random.normal(k4, (D_HID, D_OUT), dtype=jnp.float32) * (1.0 / np.sqrt(D_HID))
    b2 = jnp.zeros((D_OUT,), dtype=jnp.float32)
    return {"x": x, "edge_index": edge_index, "W1": W1, "b1": b1, "W2": W2, "b2": b2}


def reference(x, edge_index, W1, b1, W2, b2):
    h = gcn_conv(x, edge_index, W1, b1)
    h = jax.nn.relu(h)
    out = gcn_conv(h, edge_index, W2, b2)
    return out

if __name__ == "__main__":
    import jax
    _d = setup_inputs()
    print(jax.jit(kernel)(*tuple(_d.values())))

</pallas_src>

<mosaic_0001>
#map = affine_map<(d0, d1) -> (0, 0)>
#map1 = affine_map<(d0, d1) -> (0, 0, 0)>
#map2 = affine_map<(d0, d1) -> (0, 0, 0, 0)>
module attributes {stable_mosaic.version = 14 : i64} {
  func.func @_sc_scatter(%arg0: i32, %arg1: i32, %arg2: memref<10240x64xf32, #tpu.memory_space<hbm>>, %arg3: memref<10240x64xf32, #tpu.memory_space<hbm>>, %arg4: memref<32x81x128xi32, #tpu.memory_space<hbm>>, %arg5: memref<32x81x128xi32, #tpu.memory_space<hbm>>, %arg6: memref<128x64xf32, #tpu.memory_space<hbm>>, %arg7: memref<2x2x10240x64xf32, #tpu.memory_space<hbm>>, %arg8: memref<81x128xi32, #tpu.memory_space<vmem>>, %arg9: memref<81x128xi32, #tpu.memory_space<vmem>>, %arg10: memref<2x3x128x64xf32, #tpu.memory_space<vmem>>, %arg11: memref<128x64xf32, #tpu.memory_space<vmem>>, %arg12: memref<10240x64xf32, #tpu.memory_space<vmem_shared>>, %arg13: memref<!tpu.dma_semaphore, #tpu.memory_space<semaphore_mem>>, %arg14: memref<!tpu.dma_semaphore, #tpu.memory_space<semaphore_mem>>, %arg15: memref<!tpu.dma_semaphore, #tpu.memory_space<semaphore_mem>>, %arg16: memref<!tpu.dma_semaphore, #tpu.memory_space<semaphore_mem>>) attributes {dimension_semantics = [#tpu.dimension_semantics<core_parallel>, #tpu.dimension_semantics<subcore_parallel>], iteration_bounds = array<i64: 2, 16>, scalar_prefetch = 0 : i64, scratch_operands = 9 : i64, tpu.core_type = #tpu.core_type<sc_vector_subcore>, window_params = [{transform_indices = #map}, {transform_indices = #map}, {transform_indices = #map1}, {transform_indices = #map1}, {transform_indices = #map}, {transform_indices = #map2}]} {
    %mul3A = arith.constant 2 : i32
    %mul3A_0 = arith.muli %arg1, %mul3A : i32
    %add3A = arith.addi %mul3A_0, %arg0 : i32
    "tpu.region"() ({
      %run_scoped3A_374 = tpu.sem_alloc : memref<!tpu.dma_semaphore, #tpu.memory_space<semaphore_mem>>
      %dma_start3A_375 = arith.constant 0 : i32
      %dma_start3A_376 = arith.constant 0 : i32
      %dma_start3A_377 = tpu.memref_slice %arg4[%add3A, %dma_start3A_375, %dma_start3A_376] : memref<32x81x128xi32, #tpu.memory_space<hbm>> -> memref<1x81x128xi32, #tpu.memory_space<hbm>>
      %dma_start3A_378 = tpu.memref_squeeze %dma_start3A_377 : memref<1x81x128xi32, #tpu.memory_space<hbm>> -> memref<81x128xi32, #tpu.memory_space<hbm>>
      %dma_start3A_379 = arith.constant 0 : i32
      %dma_start3A_380 = arith.constant 0 : i32
      %dma_start3A_381 = tpu.memref_slice %arg4[%add3A, %dma_start3A_379, %dma_start3A_380] : memref<32x81x128xi32, #tpu.memory_space<hbm>> -> memref<1x81x128xi32, #tpu.memory_space<hbm>>
      %dma_start3A_382 = tpu.memref_squeeze %dma_start3A_381 : memref<1x81x128xi32, #tpu.memory_space<hbm>> -> memref<81x128xi32, #tpu.memory_space<hbm>>
      tpu.enqueue_dma source(%dma_start3A_382 : memref<81x128xi32, #tpu.memory_space<hbm>>) target(%arg8 : memref<81x128xi32, #tpu.memory_space<vmem>>) target_semaphore(%run_scoped3A_374 : memref<!tpu.dma_semaphore, #tpu.memory_space<semaphore_mem>>)
      %dma_wait3A_383 = arith.constant 0 : i32
      %dma_wait3A_384 = arith.constant 0 : i32
      %dma_wait3A_385 = tpu.memref_slice %arg4[%add3A, %dma_wait3A_383, %dma_wait3A_384] : memref<32x81x128xi32, #tpu.memory_space<hbm>> -> memref<1x81x128xi32, #tpu.memory_space<hbm>>
      %dma_wait3A_386 = tpu.memref_squeeze %dma_wait3A_385 : memref<1x81x128xi32, #tpu.memory_space<hbm>> -> memref<81x128xi32, #tpu.memory_space<hbm>>
      %dma_wait3A_387 = arith.constant 0 : i32
      %dma_wait3A_388 = arith.constant 0 : i32
      %dma_wait3A_389 = tpu.memref_slice %arg4[%add3A, %dma_wait3A_387, %dma_wait3A_388] : memref<32x81x128xi32, #tpu.memory_space<hbm>> -> memref<1x81x128xi32, #tpu.memory_space<hbm>>
      %dma_wait3A_390 = tpu.memref_squeeze %dma_wait3A_389 : memref<1x81x128xi32, #tpu.memory_space<hbm>> -> memref<81x128xi32, #tpu.memory_space<hbm>>
      tpu.wait_dma2 semaphore(%run_scoped3A_374 : memref<!tpu.dma_semaphore, #tpu.memory_space<semaphore_mem>>) src(%dma_wait3A_390 : memref<81x128xi32, #tpu.memory_space<hbm>>) dst(%arg8 : memref<81x128xi32, #tpu.memory_space<vmem>>)
      tpu.yield
    }) : () -> ()
    "tpu.region"() ({
      %run_scoped3A_374 = tpu.sem_alloc : memref<!tpu.dma_semaphore, #tpu.memory_space<semaphore_mem>>
      %dma_start3A_375 = arith.constant 0 : i32
      %dma_start3A_376 = arith.constant 0 : i32
      %dma_start3A_377 = tpu.memref_slice %arg5[%add3A, %dma_start3A_375, %dma_start3A_376] : memref<32x81x128xi32, #tpu.memory_space<hbm>> -> memref<1x81x128xi32, #tpu.memory_space<hbm>>
      %dma_start3A_378 = tpu.memref_squeeze %dma_start3A_377 : memref<1x81x128xi32, #tpu.memory_space<hbm>> -> memref<81x128xi32, #tpu.memory_space<hbm>>
      %dma_start3A_379 = arith.constant 0 : i32
      %dma_start3A_380 = arith.constant 0 : i32
      %dma_start3A_381 = tpu.memref_slice %arg5[%add3A, %dma_start3A_379, %dma_start3A_380] : memref<32x81x128xi32, #tpu.memory_space<hbm>> -> memref<1x81x128xi32, #tpu.memory_space<hbm>>
      %dma_start3A_382 = tpu.memref_squeeze %dma_start3A_381 : memref<1x81x128xi32, #tpu.memory_space<hbm>> -> memref<81x128xi32, #tpu.memory_space<hbm>>
      tpu.enqueue_dma source(%dma_start3A_382 : memref<81x128xi32, #tpu.memory_space<hbm>>) target(%arg9 : memref<81x128xi32, #tpu.memory_space<vmem>>) target_semaphore(%run_scoped3A_374 : memref<!tpu.dma_semaphore, #tpu.memory_space<semaphore_mem>>)
      %dma_wait3A_383 = arith.constant 0 : i32
      %dma_wait3A_384 = arith.constant 0 : i32
      %dma_wait3A_385 = tpu.memref_slice %arg5[%add3A, %dma_wait3A_383, %dma_wait3A_384] : memref<32x81x128xi32, #tpu.memory_space<hbm>> -> memref<1x81x128xi32, #tpu.memory_space<hbm>>
      %dma_wait3A_386 = tpu.memref_squeeze %dma_wait3A_385 : memref<1x81x128xi32, #tpu.memory_space<hbm>> -> memref<81x128xi32, #tpu.memory_space<hbm>>
      %dma_wait3A_387 = arith.constant 0 : i32
      %dma_wait3A_388 = arith.constant 0 : i32
      %dma_wait3A_389 = tpu.memref_slice %arg5[%add3A, %dma_wait3A_387, %dma_wait3A_388] : memref<32x81x128xi32, #tpu.memory_space<hbm>> -> memref<1x81x128xi32, #tpu.memory_space<hbm>>
      %dma_wait3A_390 = tpu.memref_squeeze %dma_wait3A_389 : memref<1x81x128xi32, #tpu.memory_space<hbm>> -> memref<81x128xi32, #tpu.memory_space<hbm>>
      tpu.wait_dma2 semaphore(%run_scoped3A_374 : memref<!tpu.dma_semaphore, #tpu.memory_space<semaphore_mem>>) src(%dma_wait3A_390 : memref<81x128xi32, #tpu.memory_space<hbm>>) dst(%arg9 : memref<81x128xi32, #tpu.memory_space<vmem>>)
      tpu.yield
    }) : () -> ()
    "tpu.region"() ({
      %run_scoped3A_374 = tpu.sem_alloc : memref<!tpu.dma_semaphore, #tpu.memory_space<semaphore_mem>>
      tpu.enqueue_dma source(%arg6 : memref<128x64xf32, #tpu.memory_space<hbm>>) target(%arg11 : memref<128x64xf32, #tpu.memory_space<vmem>>) target_semaphore(%run_scoped3A_374 : memref<!tpu.dma_semaphore, #tpu.memory_space<semaphore_mem>>)
      tpu.wait_dma2 semaphore(%run_scoped3A_374 : memref<!tpu.dma_semaphore, #tpu.memory_space<semaphore_mem>>) src(%arg6 : memref<128x64xf32, #tpu.memory_space<hbm>>) dst(%arg11 : memref<128x64xf32, #tpu.memory_space<vmem>>)
      tpu.yield
    }) : () -> ()
    %mul3A_1 = arith.constant 640 : i32
    %mul3A_2 = arith.muli %arg1, %mul3A_1 : i32
    %add3A_3 = arith.constant 0 : i32
    %add3A_4 = arith.addi %mul3A_2, %add3A_3 : i32
    "tpu.region"() ({
      %run_scoped3A_374 = tpu.sem_alloc : memref<!tpu.dma_semaphore, #tpu.memory_space<semaphore_mem>>
      %dma_start3A_375 = arith.constant 0 : i32
      %dma_start3A_376 = tpu.memref_slice %arg12[%add3A_4, %dma_start3A_375] : memref<10240x64xf32, #tpu.memory_space<vmem_shared>> -> memref<128x64xf32, #tpu.memory_space<vmem_shared>>
      %dma_start3A_377 = arith.constant 0 : i32
      %dma_start3A_378 = tpu.memref_slice %arg12[%add3A_4, %dma_start3A_377] : memref<10240x64xf32, #tpu.memory_space<vmem_shared>> -> memref<128x64xf32, #tpu.memory_space<vmem_shared>>
      tpu.enqueue_dma source(%arg11 : memref<128x64xf32, #tpu.memory_space<vmem>>) target(%dma_start3A_378 : memref<128x64xf32, #tpu.memory_space<vmem_shared>>) target_semaphore(%run_scoped3A_374 : memref<!tpu.dma_semaphore, #tpu.memory_space<semaphore_mem>>)
      %dma_wait3A_379 = arith.constant 0 : i32
      %dma_wait3A_380 = tpu.memref_slice %arg12[%add3A_4, %dma_wait3A_379] : memref<10240x64xf32, #tpu.memory_space<vmem_shared>> -> memref<128x64xf32, #tpu.memory_space<vmem_shared>>
      %dma_wait3A_381 = arith.constant 0 : i32
      %dma_wait3A_382 = tpu.memref_slice %arg12[%add3A_4, %dma_wait3A_381] : memref<10240x64xf32, #tpu.memory_space<vmem_shared>> -> memref<128x64xf32, #tpu.memory_space<vmem_shared>>
      tpu.wait_dma2 semaphore(%run_scoped3A_374 : memref<!tpu.dma_semaphore, #tpu.memory_space<semaphore_mem>>) src(%arg11 : memref<128x64xf32, #tpu.memory_space<vmem>>) dst(%dma_wait3A_382 : memref<128x64xf32, #tpu.memory_space<vmem_shared>>)
      tpu.yield
    }) : () -> ()
    %mul3A_5 = arith.constant 640 : i32
    %mul3A_6 = arith.muli %arg1, %mul3A_5 : i32
    %add3A_7 = arith.constant 128 : i32
    %add3A_8 = arith.addi %mul3A_6, %add3A_7 : i32
    "tpu.region"() ({
      %run_scoped3A_374 = tpu.sem_alloc : memref<!tpu.dma_semaphore, #tpu.memory_space<semaphore_mem>>
      %dma_start3A_375 = arith.constant 0 : i32
      %dma_start3A_376 = tpu.memref_slice %arg12[%add3A_8, %dma_start3A_375] : memref<10240x64xf32, #tpu.memory_space<vmem_shared>> -> memref<128x64xf32, #tpu.memory_space<vmem_shared>>
      %dma_start3A_377 = arith.constant 0 : i32
      %dma_start3A_378 = tpu.memref_slice %arg12[%add3A_8, %dma_start3A_377] : memref<10240x64xf32, #tpu.memory_space<vmem_shared>> -> memref<128x64xf32, #tpu.memory_space<vmem_shared>>
      tpu.enqueue_dma source(%arg11 : memref<128x64xf32, #tpu.memory_space<vmem>>) target(%dma_start3A_378 : memref<128x64xf32, #tpu.memory_space<vmem_shared>>) target_semaphore(%run_scoped3A_374 : memref<!tpu.dma_semaphore, #tpu.memory_space<semaphore_mem>>)
      %dma_wait3A_379 = arith.constant 0 : i32
      %dma_wait3A_380 = tpu.memref_slice %arg12[%add3A_8, %dma_wait3A_379] : memref<10240x64xf32, #tpu.memory_space<vmem_shared>> -> memref<128x64xf32, #tpu.memory_space<vmem_shared>>
      %dma_wait3A_381 = arith.constant 0 : i32
      %dma_wait3A_382 = tpu.memref_slice %arg12[%add3A_8, %dma_wait3A_381] : memref<10240x64xf32, #tpu.memory_space<vmem_shared>> -> memref<128x64xf32, #tpu.memory_space<vmem_shared>>
      tpu.wait_dma2 semaphore(%run_scoped3A_374 : memref<!tpu.dma_semaphore, #tpu.memory_space<semaphore_mem>>) src(%arg11 : memref<128x64xf32, #tpu.memory_space<vmem>>) dst(%dma_wait3A_382 : memref<128x64xf32, #tpu.memory_space<vmem_shared>>)
      tpu.yield
    }) : () -> ()
    %mul3A_9 = arith.constant 640 : i32
    %mul3A_10 = arith.muli %arg1, %mul3A_9 : i32
    %add3A_11 = arith.constant 256 : i32
    %add3A_12 = arith.addi %mul3A_10, %add3A_11 : i32
    "tpu.region"() ({
      %run_scoped3A_374 = tpu.sem_alloc : memref<!tpu.dma_semaphore, #tpu.memory_space<semaphore_mem>>
      %dma_start3A_375 = arith.constant 0 : i32
      %dma_start3A_376 = tpu.memref_slice %arg12[%add3A_12, %dma_start3A_375] : memref<10240x64xf32, #tpu.memory_space<vmem_shared>> -> memref<128x64xf32, #tpu.memory_space<vmem_shared>>
      %dma_start3A_377 = arith.constant 0 : i32
      %dma_start3A_378 = tpu.memref_slice %arg12[%add3A_12, %dma_start3A_377] : memref<10240x64xf32, #tpu.memory_space<vmem_shared>> -> memref<128x64xf32, #tpu.memory_space<vmem_shared>>
      tpu.enqueue_dma source(%arg11 : memref<128x64xf32, #tpu.memory_space<vmem>>) target(%dma_start3A_378 : memref<128x64xf32, #tpu.memory_space<vmem_shared>>) target_semaphore(%run_scoped3A_374 : memref<!tpu.dma_semaphore, #tpu.memory_space<semaphore_mem>>)
      %dma_wait3A_379 = arith.constant 0 : i32
      %dma_wait3A_380 = tpu.memref_slice %arg12[%add3A_12, %dma_wait3A_379] : memref<10240x64xf32, #tpu.memory_space<vmem_shared>> -> memref<128x64xf32, #tpu.memory_space<vmem_shared>>
      %dma_wait3A_381 = arith.constant 0 : i32
      %dma_wait3A_382 = tpu.memref_slice %arg12[%add3A_12, %dma_wait3A_381] : memref<10240x64xf32, #tpu.memory_space<vmem_shared>> -> memref<128x64xf32, #tpu.memory_space<vmem_shared>>
      tpu.wait_dma2 semaphore(%run_scoped3A_374 : memref<!tpu.dma_semaphore, #tpu.memory_space<semaphore_mem>>) src(%arg11 : memref<128x64xf32, #tpu.memory_space<vmem>>) dst(%dma_wait3A_382 : memref<128x64xf32, #tpu.memory_space<vmem_shared>>)
      tpu.yield
    }) : () -> ()
    %mul3A_13 = arith.constant 640 : i32
    %mul3A_14 = arith.muli %arg1, %mul3A_13 : i32
    %add3A_15 = arith.constant 384 : i32
    %add3A_16 = arith.addi %mul3A_14, %add3A_15 : i32
    "tpu.region"() ({
      %run_scoped3A_374 = tpu.sem_alloc : memref<!tpu.dma_semaphore, #tpu.memory_space<semaphore_mem>>
      %dma_start3A_375 = arith.constant 0 : i32
      %dma_start3A_376 = tpu.memref_slice %arg12[%add3A_16, %dma_start3A_375] : memref<10240x64xf32, #tpu.memory_space<vmem_shared>> -> memref<128x64xf32, #tpu.memory_space<vmem_shared>>
      %dma_start3A_377 = arith.constant 0 : i32
      %dma_start3A_378 = tpu.memref_slice %arg12[%add3A_16, %dma_start3A_377] : memref<10240x64xf32, #tpu.memory_space<vmem_shared>> -> memref<128x64xf32, #tpu.memory_space<vmem_shared>>
      tpu.enqueue_dma source(%arg11 : memref<128x64xf32, #tpu.memory_space<vmem>>) target(%dma_start3A_378 : memref<128x64xf32, #tpu.memory_space<vmem_shared>>) target_semaphore(%run_scoped3A_374 : memref<!tpu.dma_semaphore, #tpu.memory_space<semaphore_mem>>)
      %dma_wait3A_379 = arith.constant 0 : i32
      %dma_wait3A_380 = tpu.memref_slice %arg12[%add3A_16, %dma_wait3A_379] : memref<10240x64xf32, #tpu.memory_space<vmem_shared>> -> memref<128x64xf32, #tpu.memory_space<vmem_shared>>
      %dma_wait3A_381 = arith.constant 0 : i32
      %dma_wait3A_382 = tpu.memref_slice %arg12[%add3A_16, %dma_wait3A_381] : memref<10240x64xf32, #tpu.memory_space<vmem_shared>> -> memref<128x64xf32, #tpu.memory_space<vmem_shared>>
      tpu.wait_dma2 semaphore(%run_scoped3A_374 : memref<!tpu.dma_semaphore, #tpu.memory_space<semaphore_mem>>) src(%arg11 : memref<128x64xf32, #tpu.memory_space<vmem>>) dst(%dma_wait3A_382 : memref<128x64xf32, #tpu.memory_space<vmem_shared>>)
      tpu.yield
    }) : () -> ()
    %mul3A_17 = arith.constant 640 : i32
    %mul3A_18 = arith.muli %arg1, %mul3A_17 : i32
    %add3A_19 = arith.constant 512 : i32
    %add3A_20 = arith.addi %mul3A_18, %add3A_19 : i32
    "tpu.region"() ({
      %run_scoped3A_374 = tpu.sem_alloc : memref<!tpu.dma_semaphore, #tpu.memory_space<semaphore_mem>>
      %dma_start3A_375 = arith.constant 0 : i32
      %dma_start3A_376 = tpu.memref_slice %arg12[%add3A_20, %dma_start3A_375] : memref<10240x64xf32, #tpu.memory_space<vmem_shared>> -> memref<128x64xf32, #tpu.memory_space<vmem_shared>>
      %dma_start3A_377 = arith.constant 0 : i32
      %dma_start3A_378 = tpu.memref_slice %arg12[%add3A_20, %dma_start3A_377] : memref<10240x64xf32, #tpu.memory_space<vmem_shared>> -> memref<128x64xf32, #tpu.memory_space<vmem_shared>>
      tpu.enqueue_dma source(%arg11 : memref<128x64xf32, #tpu.memory_space<vmem>>) target(%dma_start3A_378 : memref<128x64xf32, #tpu.memory_space<vmem_shared>>) target_semaphore(%run_scoped3A_374 : memref<!tpu.dma_semaphore, #tpu.memory_space<semaphore_mem>>)
      %dma_wait3A_379 = arith.constant 0 : i32
      %dma_wait3A_380 = tpu.memref_slice %arg12[%add3A_20, %dma_wait3A_379] : memref<10240x64xf32, #tpu.memory_space<vmem_shared>> -> memref<128x64xf32, #tpu.memory_space<vmem_shared>>
      %dma_wait3A_381 = arith.constant 0 : i32
      %dma_wait3A_382 = tpu.memref_slice %arg12[%add3A_20, %dma_wait3A_381] : memref<10240x64xf32, #tpu.memory_space<vmem_shared>> -> memref<128x64xf32, #tpu.memory_space<vmem_shared>>
      tpu.wait_dma2 semaphore(%run_scoped3A_374 : memref<!tpu.dma_semaphore, #tpu.memory_space<semaphore_mem>>) src(%arg11 : memref<128x64xf32, #tpu.memory_space<vmem>>) dst(%dma_wait3A_382 : memref<128x64xf32, #tpu.memory_space<vmem_shared>>)
      tpu.yield
    }) : () -> ()
    %barrier3A = arith.constant 0 : index
    tpu.barrier barrier_id(%barrier3A)
    %dma_start3A = arith.constant 0 : i32
    %dma_start3A_21 = arith.constant 0 : i32
    %dma_start3A_22 = arith.constant 0 : i32
    %dma_start3A_23 = arith.constant 0 : i32
    %dma_start3A_24 = arith.constant 0 : i32
    %dma_start3A_25 = tpu.memref_slice %arg10[%dma_start3A_21, %dma_start3A_22, %dma_start3A_23, %dma_start3A_24] : memref<2x3x128x64xf32, #tpu.memory_space<vmem>> -> memref<1x1x128x64xf32, #tpu.memory_space<vmem>>
    %dma_start3A_26 = tpu.memref_squeeze %dma_start3A_25 : memref<1x1x128x64xf32, #tpu.memory_space<vmem>> -> memref<128x64xf32, #tpu.memory_space<vmem>>
    %dma_start3A_27 = arith.constant 0 : i32
    %dma_start3A_28 = tpu.memref_slice %arg8[%dma_start3A, %dma_start3A_27] : memref<81x128xi32, #tpu.memory_space<vmem>> -> memref<1x128xi32, #tpu.memory_space<vmem>>
    %dma_start3A_29 = tpu.memref_squeeze %dma_start3A_28 : memref<1x128xi32, #tpu.memory_space<vmem>> -> memref<128xi32, #tpu.memory_space<vmem>>
    %dma_start3A_30 = arith.constant 0 : i32
    %dma_start3A_31 = arith.constant 0 : i32
    %dma_start3A_32 = tpu.memref_slice %arg2[%dma_start3A_30, %dma_start3A_31] : memref<10240x64xf32, #tpu.memory_space<hbm>> -> memref<10240x64xf32, #tpu.memory_space<hbm>>
    tpu.enqueue_indirect_dma source(%dma_start3A_32 : memref<10240x64xf32, #tpu.memory_space<hbm>>) target(%dma_start3A_26 : memref<128x64xf32, #tpu.memory_space<vmem>>) offsets(%dma_start3A_29 : memref<128xi32, #tpu.memory_space<vmem>>) semaphore(%arg13 : memref<!tpu.dma_semaphore, #tpu.memory_space<semaphore_mem>>)
    %dma_start3A_33 = arith.constant 1 : i32
    %dma_start3A_34 = arith.constant 0 : i32
    %dma_start3A_35 = arith.constant 1 : i32
    %dma_start3A_36 = arith.constant 0 : i32
    %dma_start3A_37 = arith.constant 0 : i32
    %dma_start3A_38 = tpu.memref_slice %arg10[%dma_start3A_34, %dma_start3A_35, %dma_start3A_36, %dma_start3A_37] : memref<2x3x128x64xf32, #tpu.memory_space<vmem>> -> memref<1x1x128x64xf32, #tpu.memory_space<vmem>>
    %dma_start3A_39 = tpu.memref_squeeze %dma_start3A_38 : memref<1x1x128x64xf32, #tpu.memory_space<vmem>> -> memref<128x64xf32, #tpu.memory_space<vmem>>
    %dma_start3A_40 = arith.constant 0 : i32
    %dma_start3A_41 = tpu.memref_slice %arg8[%dma_start3A_33, %dma_start3A_40] : memref<81x128xi32, #tpu.memory_space<vmem>> -> memref<1x128xi32, #tpu.memory_space<vmem>>
    %dma_start3A_42 = tpu.memref_squeeze %dma_start3A_41 : memref<1x128xi32, #tpu.memory_space<vmem>> -> memref<128xi32, #tpu.memory_space<vmem>>
    %dma_start3A_43 = arith.constant 0 : i32
    %dma_start3A_44 = arith.constant 0 : i32
    %dma_start3A_45 = tpu.memref_slice %arg2[%dma_start3A_43, %dma_start3A_44] : memref<10240x64xf32, #tpu.memory_space<hbm>> -> memref<10240x64xf32, #tpu.memory_space<hbm>>
    tpu.enqueue_indirect_dma source(%dma_start3A_45 : memref<10240x64xf32, #tpu.memory_space<hbm>>) target(%dma_start3A_39 : memref<128x64xf32, #tpu.memory_space<vmem>>) offsets(%dma_start3A_42 : memref<128xi32, #tpu.memory_space<vmem>>) semaphore(%arg13 : memref<!tpu.dma_semaphore, #tpu.memory_space<semaphore_mem>>)
    %dma_start3A_46 = arith.constant 2 : i32
    %dma_start3A_47 = arith.constant 0 : i32
    %dma_start3A_48 = arith.constant 2 : i32
    %dma_start3A_49 = arith.constant 0 : i32
    %dma_start3A_50 = arith.constant 0 : i32
    %dma_start3A_51 = tpu.memref_slice %arg10[%dma_start3A_47, %dma_start3A_48, %dma_start3A_49, %dma_start3A_50] : memref<2x3x128x64xf32, #tpu.memory_space<vmem>> -> memref<1x1x128x64xf32, #tpu.memory_space<vmem>>
    %dma_start3A_52 = tpu.memref_squeeze %dma_start3A_51 : memref<1x1x128x64xf32, #tpu.memory_space<vmem>> -> memref<128x64xf32, #tpu.memory_space<vmem>>
    %dma_start3A_53 = arith.constant 0 : i32
    %dma_start3A_54 = tpu.memref_slice %arg8[%dma_start3A_46, %dma_start3A_53] : memref<81x128xi32, #tpu.memory_space<vmem>> -> memref<1x128xi32, #tpu.memory_space<vmem>>
    %dma_start3A_55 = tpu.memref_squeeze %dma_start3A_54 : memref<1x128xi32, #tpu.memory_space<vmem>> -> memref<128xi32, #tpu.memory_space<vmem>>
    %dma_start3A_56 = arith.constant 0 : i32
    %dma_start3A_57 = arith.constant 0 : i32
    %dma_start3A_58 = tpu.memref_slice %arg2[%dma_start3A_56, %dma_start3A_57] : memref<10240x64xf32, #tpu.memory_space<hbm>> -> memref<10240x64xf32, #tpu.memory_space<hbm>>
    tpu.enqueue_indirect_dma source(%dma_start3A_58 : memref<10240x64xf32, #tpu.memory_space<hbm>>) target(%dma_start3A_52 : memref<128x64xf32, #tpu.memory_space<vmem>>) offsets(%dma_start3A_55 : memref<128xi32, #tpu.memory_space<vmem>>) semaphore(%arg13 : memref<!tpu.dma_semaphore, #tpu.memory_space<semaphore_mem>>)
    %scan3A = arith.constant 0 : i32
    %scan3A_59 = arith.constant 0 : i32
    %scan3A_60 = arith.constant 13 : i32
    %scan3A_61 = arith.addi %scan3A_59, %scan3A_60 : i32
    %scan3A_62 = arith.constant 1 : i32
    scf.for %scan3A_374 = %scan3A_59 to %scan3A_61 step %scan3A_62  : i32 {
      %mul3A_375 = arith.constant 2 : i32
      %mul3A_376 = arith.muli %mul3A_375, %scan3A_374 : i32
      %mul3A_377 = arith.constant 2 : i32
      %mul3A_378 = arith.muli %mul3A_377, %scan3A_374 : i32
      %add3A_379 = arith.constant 1 : i32
      %add3A_380 = arith.addi %mul3A_378, %add3A_379 : i32
      %mul3A_381 = arith.constant 3 : i32
      %mul3A_382 = arith.muli %mul3A_376, %mul3A_381 : i32
      %add3A_383 = arith.constant 0 : i32
      %add3A_384 = arith.addi %mul3A_382, %add3A_383 : i32
      %dma_wait3A_385 = arith.constant 0 : i32
      %dma_wait3A_386 = arith.constant 0 : i32
      %dma_wait3A_387 = arith.constant 0 : i32
      %dma_wait3A_388 = arith.constant 0 : i32
      %dma_wait3A_389 = tpu.memref_slice %arg10[%dma_wait3A_385, %dma_wait3A_386, %dma_wait3A_387, %dma_wait3A_388] : memref<2x3x128x64xf32, #tpu.memory_space<vmem>> -> memref<1x1x128x64xf32, #tpu.memory_space<vmem>>
      %dma_wait3A_390 = tpu.memref_squeeze %dma_wait3A_389 : memref<1x1x128x64xf32, #tpu.memory_space<vmem>> -> memref<128x64xf32, #tpu.memory_space<vmem>>
      %dma_wait3A_391 = arith.constant 0 : i32
      %dma_wait3A_392 = tpu.memref_slice %arg8[%add3A_384, %dma_wait3A_391] : memref<81x128xi32, #tpu.memory_space<vmem>> -> memref<1x128xi32, #tpu.memory_space<vmem>>
      %dma_wait3A_393 = tpu.memref_squeeze %dma_wait3A_392 : memref<1x128xi32, #tpu.memory_space<vmem>> -> memref<128xi32, #tpu.memory_space<vmem>>
      %dma_wait3A_394 = arith.constant 0 : i32
      %dma_wait3A_395 = arith.constant 0 : i32
      %dma_wait3A_396 = tpu.memref_slice %arg2[%dma_wait3A_394, %dma_wait3A_395] : memref<10240x64xf32, #tpu.memory_space<hbm>> -> memref<10240x64xf32, #tpu.memory_space<hbm>>
      tpu.wait_indirect_dma semaphore(%arg13 : memref<!tpu.dma_semaphore, #tpu.memory_space<semaphore_mem>>) src(%dma_wait3A_396 : memref<10240x64xf32, #tpu.memory_space<hbm>>) dst(%dma_wait3A_390 : memref<128x64xf32, #tpu.memory_space<vmem>>)
      %mul3A_397 = arith.constant 3 : i32
      %mul3A_398 = arith.muli %mul3A_376, %mul3A_397 : i32
      %add3A_399 = arith.constant 1 : i32
      %add3A_400 = arith.addi %mul3A_398, %add3A_399 : i32
      %dma_wait3A_401 = arith.constant 0 : i32
      %dma_wait3A_402 = arith.constant 1 : i32
      %dma_wait3A_403 = arith.constant 0 : i32
      %dma_wait3A_404 = arith.constant 0 : i32
      %dma_wait3A_405 = tpu.memref_slice %arg10[%dma_wait3A_401, %dma_wait3A_402, %dma_wait3A_403, %dma_wait3A_404] : memref<2x3x128x64xf32, #tpu.memory_space<vmem>> -> memref<1x1x128x64xf32, #tpu.memory_space<vmem>>
      %dma_wait3A_406 = tpu.memref_squeeze %dma_wait3A_405 : memref<1x1x128x64xf32, #tpu.memory_space<vmem>> -> memref<128x64xf32, #tpu.memory_space<vmem>>
      %dma_wait3A_407 = arith.constant 0 : i32
      %dma_wait3A_408 = tpu.memref_slice %arg8[%add3A_400, %dma_wait3A_407] : memref<81x128xi32, #tpu.memory_space<vmem>> -> memref<1x128xi32, #tpu.memory_space<vmem>>
      %dma_wait3A_409 = tpu.memref_squeeze %dma_wait3A_408 : memref<1x128xi32, #tpu.memory_space<vmem>> -> memref<128xi32, #tpu.memory_space<vmem>>
      %dma_wait3A_410 = arith.constant 0 : i32
      %dma_wait3A_411 = arith.constant 0 : i32
      %dma_wait3A_412 = tpu.memref_slice %arg2[%dma_wait3A_410, %dma_wait3A_411] : memref<10240x64xf32, #tpu.memory_space<hbm>> -> memref<10240x64xf32, #tpu.memory_space<hbm>>
      tpu.wait_indirect_dma semaphore(%arg13 : memref<!tpu.dma_semaphore, #tpu.memory_space<semaphore_mem>>) src(%dma_wait3A_412 : memref<10240x64xf32, #tpu.memory_space<hbm>>) dst(%dma_wait3A_406 : memref<128x64xf32, #tpu.memory_space<vmem>>)
      %mul3A_413 = arith.constant 3 : i32
      %mul3A_414 = arith.muli %mul3A_376, %mul3A_413 : i32
      %add3A_415 = arith.constant 2 : i32
      %add3A_416 = arith.addi %mul3A_414, %add3A_415 : i32
      %dma_wait3A_417 = arith.constant 0 : i32
      %dma_wait3A_418 = arith.constant 2 : i32
      %dma_wait3A_419 = arith.constant 0 : i32
      %dma_wait3A_420 = arith.constant 0 : i32
      %dma_wait3A_421 = tpu.memref_slice %arg10[%dma_wait3A_417, %dma_wait3A_418, %dma_wait3A_419, %dma_wait3A_420] : memref<2x3x128x64xf32, #tpu.memory_space<vmem>> -> memref<1x1x128x64xf32, #tpu.memory_space<vmem>>
      %dma_wait3A_422 = tpu.memref_squeeze %dma_wait3A_421 : memref<1x1x128x64xf32, #tpu.memory_space<vmem>> -> memref<128x64xf32, #tpu.memory_space<vmem>>
      %dma_wait3A_423 = arith.constant 0 : i32
      %dma_wait3A_424 = tpu.memref_slice %arg8[%add3A_416, %dma_wait3A_423] : memref<81x128xi32, #tpu.memory_space<vmem>> -> memref<1x128xi32, #tpu.memory_space<vmem>>
      %dma_wait3A_425 = tpu.memref_squeeze %dma_wait3A_424 : memref<1x128xi32, #tpu.memory_space<vmem>> -> memref<128xi32, #tpu.memory_space<vmem>>
      %dma_wait3A_426 = arith.constant 0 : i32
      %dma_wait3A_427 = arith.constant 0 : i32
      %dma_wait3A_428 = tpu.memref_slice %arg2[%dma_wait3A_426, %dma_wait3A_427] : memref<10240x64xf32, #tpu.memory_space<hbm>> -> memref<10240x64xf32, #tpu.memory_space<hbm>>
      tpu.wait_indirect_dma semaphore(%arg13 : memref<!tpu.dma_semaphore, #tpu.memory_space<semaphore_mem>>) src(%dma_wait3A_428 : memref<10240x64xf32, #tpu.memory_space<hbm>>) dst(%dma_wait3A_422 : memref<128x64xf32, #tpu.memory_space<vmem>>)
      %mul3A_429 = arith.constant 3 : i32
      %mul3A_430 = arith.muli %add3A_380, %mul3A_429 : i32
      %add3A_431 = arith.constant 0 : i32
      %add3A_432 = arith.addi %mul3A_430, %add3A_431 : i32
      %dma_start3A_433 = arith.constant 1 : i32
      %dma_start3A_434 = arith.constant 0 : i32
      %dma_start3A_435 = arith.constant 0 : i32
      %dma_start3A_436 = arith.constant 0 : i32
      %dma_start3A_437 = tpu.memref_slice %arg10[%dma_start3A_433, %dma_start3A_434, %dma_start3A_435, %dma_start3A_436] : memref<2x3x128x64xf32, #tpu.memory_space<vmem>> -> memref<1x1x128x64xf32, #tpu.memory_space<vmem>>
      %dma_start3A_438 = tpu.memref_squeeze %dma_start3A_437 : memref<1x1x128x64xf32, #tpu.memory_space<vmem>> -> memref<128x64xf32, #tpu.memory_space<vmem>>
      %dma_start3A_439 = arith.constant 0 : i32
      %dma_start3A_440 = tpu.memref_slice %arg8[%add3A_432, %dma_start3A_439] : memref<81x128xi32, #tpu.memory_space<vmem>> -> memref<1x128xi32, #tpu.memory_space<vmem>>
      %dma_start3A_441 = tpu.memref_squeeze %dma_start3A_440 : memref<1x128xi32, #tpu.memory_space<vmem>> -> memref<128xi32, #tpu.memory_space<vmem>>
      %dma_start3A_442 = arith.constant 0 : i32
      %dma_start3A_443 = arith.constant 0 : i32
      %dma_start3A_444 = tpu.memref_slice %arg2[%dma_start3A_442, %dma_start3A_443] : memref<10240x64xf32, #tpu.memory_space<hbm>> -> memref<10240x64xf32, #tpu.memory_space<hbm>>
      tpu.enqueue_indirect_dma source(%dma_start3A_444 : memref<10240x64xf32, #tpu.memory_space<hbm>>) target(%dma_start3A_438 : memref<128x64xf32, #tpu.memory_space<vmem>>) offsets(%dma_start3A_441 : memref<128xi32, #tpu.memory_space<vmem>>) semaphore(%arg14 : memref<!tpu.dma_semaphore, #tpu.memory_space<semaphore_mem>>)
      %mul3A_445 = arith.constant 3 : i32
      %mul3A_446 = arith.muli %add3A_380, %mul3A_445 : i32
      %add3A_447 = arith.constant 1 : i32
      %add3A_448 = arith.addi %mul3A_446, %add3A_447 : i32
      %dma_start3A_449 = arith.constant 1 : i32
      %dma_start3A_450 = arith.constant 1 : i32
      %dma_start3A_451 = arith.constant 0 : i32
      %dma_start3A_452 = arith.constant 0 : i32
      %dma_start3A_453 = tpu.memref_slice %arg10[%dma_start3A_449, %dma_start3A_450, %dma_start3A_451, %dma_start3A_452] : memref<2x3x128x64xf32, #tpu.memory_space<vmem>> -> memref<1x1x128x64xf32, #tpu.memory_space<vmem>>
      %dma_start3A_454 = tpu.memref_squeeze %dma_start3A_453 : memref<1x1x128x64xf32, #tpu.memory_space<vmem>> -> memref<128x64xf32, #tpu.memory_space<vmem>>
      %dma_start3A_455 = arith.constant 0 : i32
      %dma_start3A_456 = tpu.memref_slice %arg8[%add3A_448, %dma_start3A_455] : memref<81x128xi32, #tpu.memory_space<vmem>> -> memref<1x128xi32, #tpu.memory_space<vmem>>
      %dma_start3A_457 = tpu.memref_squeeze %dma_start3A_456 : memref<1x128xi32, #tpu.memory_space<vmem>> -> memref<128xi32, #tpu.memory_space<vmem>>
      %dma_start3A_458 = arith.constant 0 : i32
      %dma_start3A_459 = arith.constant 0 : i32
      %dma_start3A_460 = tpu.memref_slice %arg2[%dma_start3A_458, %dma_start3A_459] : memref<10240x64xf32, #tpu.memory_space<hbm>> -> memref<10240x64xf32, #tpu.memory_space<hbm>>
      tpu.enqueue_indirect_dma source(%dma_start3A_460 : memref<10240x64xf32, #tpu.memory_space<hbm>>) target(%dma_start3A_454 : memref<128x64xf32, #tpu.memory_space<vmem>>) offsets(%dma_start3A_457 : memref<128xi32, #tpu.memory_space<vmem>>) semaphore(%arg14 : memref<!tpu.dma_semaphore, #tpu.memory_space<semaphore_mem>>)
      %mul3A_461 = arith.constant 3 : i32
      %mul3A_462 = arith.muli %add3A_380, %mul3A_461 : i32
      %add3A_463 = arith.constant 2 : i32
      %add3A_464 = arith.addi %mul3A_462, %add3A_463 : i32
      %dma_start3A_465 = arith.constant 1 : i32
      %dma_start3A_466 = arith.constant 2 : i32
      %dma_start3A_467 = arith.constant 0 : i32
      %dma_start3A_468 = arith.constant 0 : i32
      %dma_start3A_469 = tpu.memref_slice %arg10[%dma_start3A_465, %dma_start3A_466, %dma_start3A_467, %dma_start3A_468] : memref<2x3x128x64xf32, #tpu.memory_space<vmem>> -> memref<1x1x128x64xf32, #tpu.memory_space<vmem>>
      %dma_start3A_470 = tpu.memref_squeeze %dma_start3A_469 : memref<1x1x128x64xf32, #tpu.memory_space<vmem>> -> memref<128x64xf32, #tpu.memory_space<vmem>>
      %dma_start3A_471 = arith.constant 0 : i32
      %dma_start3A_472 = tpu.memref_slice %arg8[%add3A_464, %dma_start3A_471] : memref<81x128xi32, #tpu.memory_space<vmem>> -> memref<1x128xi32, #tpu.memory_space<vmem>>
      %dma_start3A_473 = tpu.memref_squeeze %dma_start3A_472 : memref<1x128xi32, #tpu.memory_space<vmem>> -> memref<128xi32, #tpu.memory_space<vmem>>
      %dma_start3A_474 = arith.constant 0 : i32
      %dma_start3A_475 = arith.constant 0 : i32
      %dma_start3A_476 = tpu.memref_slice %arg2[%dma_start3A_474, %dma_start3A_475] : memref<10240x64xf32, #tpu.memory_space<hbm>> -> memref<10240x64xf32, #tpu.memory_space<hbm>>
      tpu.enqueue_indirect_dma source(%dma_start3A_476 : memref<10240x64xf32, #tpu.memory_space<hbm>>) target(%dma_start3A_470 : memref<128x64xf32, #tpu.memory_space<vmem>>) offsets(%dma_start3A_473 : memref<128xi32, #tpu.memory_space<vmem>>) semaphore(%arg14 : memref<!tpu.dma_semaphore, #tpu.memory_space<semaphore_mem>>)
      %mul3A_477 = arith.constant 3 : i32
      %mul3A_478 = arith.muli %mul3A_376, %mul3A_477 : i32
      %add3A_479 = arith.constant 0 : i32
      %add3A_480 = arith.addi %mul3A_478, %add3A_479 : i32
      %dma_start3A_481 = arith.constant 0 : i32
      %dma_start3A_482 = arith.constant 0 : i32
      %dma_start3A_483 = arith.constant 0 : i32
      %dma_start3A_484 = arith.constant 0 : i32
      %dma_start3A_485 = tpu.memref_slice %arg10[%dma_start3A_481, %dma_start3A_482, %dma_start3A_483, %dma_start3A_484] : memref<2x3x128x64xf32, #tpu.memory_space<vmem>> -> memref<1x1x128x64xf32, #tpu.memory_space<vmem>>
      %dma_start3A_486 = tpu.memref_squeeze %dma_start3A_485 : memref<1x1x128x64xf32, #tpu.memory_space<vmem>> -> memref<128x64xf32, #tpu.memory_space<vmem>>
      %dma_start3A_487 = arith.constant 0 : i32
      %dma_start3A_488 = tpu.memref_slice %arg9[%add3A_480, %dma_start3A_487] : memref<81x128xi32, #tpu.memory_space<vmem>> -> memref<1x128xi32, #tpu.memory_space<vmem>>
      %dma_start3A_489 = tpu.memref_squeeze %dma_start3A_488 : memref<1x128xi32, #tpu.memory_space<vmem>> -> memref<128xi32, #tpu.memory_space<vmem>>
      %dma_start3A_490 = arith.constant 0 : i32
      %dma_start3A_491 = arith.constant 0 : i32
      %dma_start3A_492 = tpu.memref_slice %arg12[%dma_start3A_490, %dma_start3A_491] : memref<10240x64xf32, #tpu.memory_space<vmem_shared>> -> memref<10240x64xf32, #tpu.memory_space<vmem_shared>>
      tpu.enqueue_indirect_dma source(%dma_start3A_486 : memref<128x64xf32, #tpu.memory_space<vmem>>) target(%dma_start3A_492 : memref<10240x64xf32, #tpu.memory_space<vmem_shared>>) offsets(%dma_start3A_489 : memref<128xi32, #tpu.memory_space<vmem>>) semaphore(%arg15 : memref<!tpu.dma_semaphore, #tpu.memory_space<semaphore_mem>>) {add = true}
      %mul3A_493 = arith.constant 3 : i32
      %mul3A_494 = arith.muli %mul3A_376, %mul3A_493 : i32
      %add3A_495 = arith.constant 1 : i32
      %add3A_496 = arith.addi %mul3A_494, %add3A_495 : i32
      %dma_start3A_497 = arith.constant 0 : i32
      %dma_start3A_498 = arith.constant 1 : i32
      %dma_start3A_499 = arith.constant 0 : i32
      %dma_start3A_500 = arith.constant 0 : i32
      %dma_start3A_501 = tpu.memref_slice %arg10[%dma_start3A_497, %dma_start3A_498, %dma_start3A_499, %dma_start3A_500] : memref<2x3x128x64xf32, #tpu.memory_space<vmem>> -> memref<1x1x128x64xf32, #tpu.memory_space<vmem>>
      %dma_start3A_502 = tpu.memref_squeeze %dma_start3A_501 : memref<1x1x128x64xf32, #tpu.memory_space<vmem>> -> memref<128x64xf32, #tpu.memory_space<vmem>>
      %dma_start3A_503 = arith.constant 0 : i32
      %dma_start3A_504 = tpu.memref_slice %arg9[%add3A_496, %dma_start3A_503] : memref<81x128xi32, #tpu.memory_space<vmem>> -> memref<1x128xi32, #tpu.memory_space<vmem>>
      %dma_start3A_505 = tpu.memref_squeeze %dma_start3A_504 : memref<1x128xi32, #tpu.memory_space<vmem>> -> memref<128xi32, #tpu.memory_space<vmem>>
      %dma_start3A_506 = arith.constant 0 : i32
      %dma_start3A_507 = arith.constant 0 : i32
      %dma_start3A_508 = tpu.memref_slice %arg12[%dma_start3A_506, %dma_start3A_507] : memref<10240x64xf32, #tpu.memory_space<vmem_shared>> -> memref<10240x64xf32, #tpu.memory_space<vmem_shared>>
      tpu.enqueue_indirect_dma source(%dma_start3A_502 : memref<128x64xf32, #tpu.memory_space<vmem>>) target(%dma_start3A_508 : memref<10240x64xf32, #tpu.memory_space<vmem_shared>>) offsets(%dma_start3A_505 : memref<128xi32, #tpu.memory_space<vmem>>) semaphore(%arg15 : memref<!tpu.dma_semaphore, #tpu.memory_space<semaphore_mem>>) {add = true}
      %mul3A_509 = arith.constant 3 : i32
      %mul3A_510 = arith.muli %mul3A_376, %mul3A_509 : i32
      %add3A_511 = arith.constant 2 : i32
      %add3A_512 = arith.addi %mul3A_510, %add3A_511 : i32
      %dma_start3A_513 = arith.constant 0 : i32
      %dma_start3A_514 = arith.constant 2 : i32
      %dma_start3A_515 = arith.constant 0 : i32
      %dma_start3A_516 = arith.constant 0 : i32
      %dma_start3A_517 = tpu.memref_slice %arg10[%dma_start3A_513, %dma_start3A_514, %dma_start3A_515, %dma_start3A_516] : memref<2x3x128x64xf32, #tpu.memory_space<vmem>> -> memref<1x1x128x64xf32, #tpu.memory_space<vmem>>
      %dma_start3A_518 = tpu.memref_squeeze %dma_start3A_517 : memref<1x1x128x64xf32, #tpu.memory_space<vmem>> -> memref<128x64xf32, #tpu.memory_space<vmem>>
      %dma_start3A_519 = arith.constant 0 : i32
      %dma_start3A_520 = tpu.memref_slice %arg9[%add3A_512, %dma_start3A_519] : memref<81x128xi32, #tpu.memory_space<vmem>> -> memref<1x128xi32, #tpu.memory_space<vmem>>
      %dma_start3A_521 = tpu.memref_squeeze %dma_start3A_520 : memref<1x128xi32, #tpu.memory_space<vmem>> -> memref<128xi32, #tpu.memory_space<vmem>>
      %dma_start3A_522 = arith.constant 0 : i32
      %dma_start3A_523 = arith.constant 0 : i32
      %dma_start3A_524 = tpu.memref_slice %arg12[%dma_start3A_522, %dma_start3A_523] : memref<10240x64xf32, #tpu.memory_space<vmem_shared>> -> memref<10240x64xf32, #tpu.memory_space<vmem_shared>>
      tpu.enqueue_indirect_dma source(%dma_start3A_518 : memref<128x64xf32, #tpu.memory_space<vmem>>) target(%dma_start3A_524 : memref<10240x64xf32, #tpu.memory_space<vmem_shared>>) offsets(%dma_start3A_521 : memref<128xi32, #tpu.memory_space<vmem>>) semaphore(%arg15 : memref<!tpu.dma_semaphore, #tpu.memory_space<semaphore_mem>>) {add = true}
      %mul3A_525 = arith.constant 3 : i32
      %mul3A_526 = arith.muli %mul3A_376, %mul3A_525 : i32
      %add3A_527 = arith.constant 0 : i32
      %add3A_528 = arith.addi %mul3A_526, %add3A_527 : i32
      %dma_wait3A_529 = arith.constant 0 : i32
      %dma_wait3A_530 = arith.constant 0 : i32
      %dma_wait3A_531 = arith.constant 0 : i32
      %dma_wait3A_532 = arith.constant 0 : i32
      %dma_wait3A_533 = tpu.memref_slice %arg10[%dma_wait3A_529, %dma_wait3A_530, %dma_wait3A_531, %dma_wait3A_532] : memref<2x3x128x64xf32, #tpu.memory_space<vmem>> -> memref<1x1x128x64xf32, #tpu.memory_space<vmem>>
      %dma_wait3A_534 = tpu.memref_squeeze %dma_wait3A_533 : memref<1x1x128x64xf32, #tpu.memory_space<vmem>> -> memref<128x64xf32, #tpu.memory_space<vmem>>
      %dma_wait3A_535 = arith.constant 0 : i32
      %dma_wait3A_536 = tpu.memref_slice %arg9[%add3A_528, %dma_wait3A_535] : memref<81x128xi32, #tpu.memory_space<vmem>> -> memref<1x128xi32, #tpu.memory_space<vmem>>
      %dma_wait3A_537 = tpu.memref_squeeze %dma_wait3A_536 : memref<1x128xi32, #tpu.memory_space<vmem>> -> memref<128xi32, #tpu.memory_space<vmem>>
      %dma_wait3A_538 = arith.constant 0 : i32
      %dma_wait3A_539 = arith.constant 0 : i32
      %dma_wait3A_540 = tpu.memref_slice %arg12[%dma_wait3A_538, %dma_wait3A_539] : memref<10240x64xf32, #tpu.memory_space<vmem_shared>> -> memref<10240x64xf32, #tpu.memory_space<vmem_shared>>
      tpu.wait_indirect_dma semaphore(%arg15 : memref<!tpu.dma_semaphore, #tpu.memory_space<semaphore_mem>>) src(%dma_wait3A_534 : memref<128x64xf32, #tpu.memory_space<vmem>>) dst(%dma_wait3A_540 : memref<10240x64xf32, #tpu.memory_space<vmem_shared>>)
      %mul3A_541 = arith.constant 3 : i32
      %mul3A_542 = arith.muli %mul3A_376, %mul3A_541 : i32
      %add3A_543 = arith.constant 1 : i32
      %add3A_544 = arith.addi %mul3A_542, %add3A_543 : i32
      %dma_wait3A_545 = arith.constant 0 : i32
      %dma_wait3A_546 = arith.constant 1 : i32
      %dma_wait3A_547 = arith.constant 0 : i32
      %dma_wait3A_548 = arith.constant 0 : i32
      %dma_wait3A_549 = tpu.memref_slice %arg10[%dma_wait3A_545, %dma_wait3A_546, %dma_wait3A_547, %dma_wait3A_548] : memref<2x3x128x64xf32, #tpu.memory_space<vmem>> -> memref<1x1x128x64xf32, #tpu.memory_space<vmem>>
      %dma_wait3A_550 = tpu.memref_squeeze %dma_wait3A_549 : memref<1x1x128x64xf32, #tpu.memory_space<vmem>> -> memref<128x64xf32, #tpu.memory_space<vmem>>
      %dma_wait3A_551 = arith.constant 0 : i32
      %dma_wait3A_552 = tpu.memref_slice %arg9[%add3A_544, %dma_wait3A_551] : memref<81x128xi32, #tpu.memory_space<vmem>> -> memref<1x128xi32, #tpu.memory_space<vmem>>
      %dma_wait3A_553 = tpu.memref_squeeze %dma_wait3A_552 : memref<1x128xi32, #tpu.memory_space<vmem>> -> memref<128xi32, #tpu.memory_space<vmem>>
      %dma_wait3A_554 = arith.constant 0 : i32
      %dma_wait3A_555 = arith.constant 0 : i32
      %dma_wait3A_556 = tpu.memref_slice %arg12[%dma_wait3A_554, %dma_wait3A_555] : memref<10240x64xf32, #tpu.memory_space<vmem_shared>> -> memref<10240x64xf32, #tpu.memory_space<vmem_shared>>
      tpu.wait_indirect_dma semaphore(%arg15 : memref<!tpu.dma_semaphore, #tpu.memory_space<semaphore_mem>>) src(%dma_wait3A_550 : memref<128x64xf32, #tpu.memory_space<vmem>>) dst(%dma_wait3A_556 : memref<10240x64xf32, #tpu.memory_space<vmem_shared>>)
      %mul3A_557 = arith.constant 3 : i32
      %mul3A_558 = arith.muli %mul3A_376, %mul3A_557 : i32
      %add3A_559 = arith.constant 2 : i32
      %add3A_560 = arith.addi %mul3A_558, %add3A_559 : i32
      %dma_wait3A_561 = arith.constant 0 : i32
      %dma_wait3A_562 = arith.constant 2 : i32
      %dma_wait3A_563 = arith.constant 0 : i32
      %dma_wait3A_564 = arith.constant 0 : i32
      %dma_wait3A_565 = tpu.memref_slice %arg10[%dma_wait3A_561, %dma_wait3A_562, %dma_wait3A_563, %dma_wait3A_564] : memref<2x3x128x64xf32, #tpu.memory_space<vmem>> -> memref<1x1x128x64xf32, #tpu.memory_space<vmem>>
      %dma_wait3A_566 = tpu.memref_squeeze %dma_wait3A_565 : memref<1x1x128x64xf32, #tpu.memory_space<vmem>> -> memref<128x64xf32, #tpu.memory_space<vmem>>
      %dma_wait3A_567 = arith.constant 0 : i32
      %dma_wait3A_568 = tpu.memref_slice %arg9[%add3A_560, %dma_wait3A_567] : memref<81x128xi32, #tpu.memory_space<vmem>> -> memref<1x128xi32, #tpu.memory_space<vmem>>
      %dma_wait3A_569 = tpu.memref_squeeze %dma_wait3A_568 : memref<1x128xi32, #tpu.memory_space<vmem>> -> memref<128xi32, #tpu.memory_space<vmem>>
      %dma_wait3A_570 = arith.constant 0 : i32
      %dma_wait3A_571 = arith.constant 0 : i32
      %dma_wait3A_572 = tpu.memref_slice %arg12[%dma_wait3A_570, %dma_wait3A_571] : memref<10240x64xf32, #tpu.memory_space<vmem_shared>> -> memref<10240x64xf32, #tpu.memory_space<vmem_shared>>
      tpu.wait_indirect_dma semaphore(%arg15 : memref<!tpu.dma_semaphore, #tpu.memory_space<semaphore_mem>>) src(%dma_wait3A_566 : memref<128x64xf32, #tpu.memory_space<vmem>>) dst(%dma_wait3A_572 : memref<10240x64xf32, #tpu.memory_space<vmem_shared>>)
      %mul3A_573 = arith.constant 3 : i32
      %mul3A_574 = arith.muli %add3A_380, %mul3A_573 : i32
      %add3A_575 = arith.constant 0 : i32
      %add3A_576 = arith.addi %mul3A_574, %add3A_575 : i32
      %dma_wait3A_577 = arith.constant 1 : i32
      %dma_wait3A_578 = arith.constant 0 : i32
      %dma_wait3A_579 = arith.constant 0 : i32
      %dma_wait3A_580 = arith.constant 0 : i32
      %dma_wait3A_581 = tpu.memref_slice %arg10[%dma_wait3A_577, %dma_wait3A_578, %dma_wait3A_579, %dma_wait3A_580] : memref<2x3x128x64xf32, #tpu.memory_space<vmem>> -> memref<1x1x128x64xf32, #tpu.memory_space<vmem>>
      %dma_wait3A_582 = tpu.memref_squeeze %dma_wait3A_581 : memref<1x1x128x64xf32, #tpu.memory_space<vmem>> -> memref<128x64xf32, #tpu.memory_space<vmem>>
      %dma_wait3A_583 = arith.constant 0 : i32
      %dma_wait3A_584 = tpu.memref_slice %arg8[%add3A_576, %dma_wait3A_583] : memref<81x128xi32, #tpu.memory_space<vmem>> -> memref<1x128xi32, #tpu.memory_space<vmem>>
      %dma_wait3A_585 = tpu.memref_squeeze %dma_wait3A_584 : memref<1x128xi32, #tpu.memory_space<vmem>> -> memref<128xi32, #tpu.memory_space<vmem>>
      %dma_wait3A_586 = arith.constant 0 : i32
      %dma_wait3A_587 = arith.constant 0 : i32
      %dma_wait3A_588 = tpu.memref_slice %arg2[%dma_wait3A_586, %dma_wait3A_587] : memref<10240x64xf32, #tpu.memory_space<hbm>> -> memref<10240x64xf32, #tpu.memory_space<hbm>>
      tpu.wait_indirect_dma semaphore(%arg14 : memref<!tpu.dma_semaphore, #tpu.memory_space<semaphore_mem>>) src(%dma_wait3A_588 : memref<10240x64xf32, #tpu.memory_space<hbm>>) dst(%dma_wait3A_582 : memref<128x64xf32, #tpu.memory_space<vmem>>)
      %mul3A_589 = arith.constant 3 : i32
      %mul3A_590 = arith.muli %add3A_380, %mul3A_589 : i32
      %add3A_591 = arith.constant 1 : i32
      %add3A_592 = arith.addi %mul3A_590, %add3A_591 : i32
      %dma_wait3A_593 = arith.constant 1 : i32
      %dma_wait3A_594 = arith.constant 1 : i32
      %dma_wait3A_595 = arith.constant 0 : i32
      %dma_wait3A_596 = arith.constant 0 : i32
      %dma_wait3A_597 = tpu.memref_slice %arg10[%dma_wait3A_593, %dma_wait3A_594, %dma_wait3A_595, %dma_wait3A_596] : memref<2x3x128x64xf32, #tpu.memory_space<vmem>> -> memref<1x1x128x64xf32, #tpu.memory_space<vmem>>
      %dma_wait3A_598 = tpu.memref_squeeze %dma_wait3A_597 : memref<1x1x128x64xf32, #tpu.memory_space<vmem>> -> memref<128x64xf32, #tpu.memory_space<vmem>>
      %dma_wait3A_599 = arith.constant 0 : i32
      %dma_wait3A_600 = tpu.memref_slice %arg8[%add3A_592, %dma_wait3A_599] : memref<81x128xi32, #tpu.memory_space<vmem>> -> memref<1x128xi32, #tpu.memory_space<vmem>>
      %dma_wait3A_601 = tpu.memref_squeeze %dma_wait3A_600 : memref<1x128xi32, #tpu.memory_space<vmem>> -> memref<128xi32, #tpu.memory_space<vmem>>
      %dma_wait3A_602 = arith.constant 0 : i32
      %dma_wait3A_603 = arith.constant 0 : i32
      %dma_wait3A_604 = tpu.memref_slice %arg2[%dma_wait3A_602, %dma_wait3A_603] : memref<10240x64xf32, #tpu.memory_space<hbm>> -> memref<10240x64xf32, #tpu.memory_space<hbm>>
      tpu.wait_indirect_dma semaphore(%arg14 : memref<!tpu.dma_semaphore, #tpu.memory_space<semaphore_mem>>) src(%dma_wait3A_604 : memref<10240x64xf32, #tpu.memory_space<hbm>>) dst(%dma_wait3A_598 : memref<128x64xf32, #tpu.memory_space<vmem>>)
      %mul3A_605 = arith.constant 3 : i32
      %mul3A_606 = arith.muli %add3A_380, %mul3A_605 : i32
      %add3A_607 = arith.constant 2 : i32
      %add3A_608 = arith.addi %mul3A_606, %add3A_607 : i32
      %dma_wait3A_609 = arith.constant 1 : i32
      %dma_wait3A_610 = arith.constant 2 : i32
      %dma_wait3A_611 = arith.constant 0 : i32
      %dma_wait3A_612 = arith.constant 0 : i32
      %dma_wait3A_613 = tpu.memref_slice %arg10[%dma_wait3A_609, %dma_wait3A_610, %dma_wait3A_611, %dma_wait3A_612] : memref<2x3x128x64xf32, #tpu.memory_space<vmem>> -> memref<1x1x128x64xf32, #tpu.memory_space<vmem>>
      %dma_wait3A_614 = tpu.memref_squeeze %dma_wait3A_613 : memref<1x1x128x64xf32, #tpu.memory_space<vmem>> -> memref<128x64xf32, #tpu.memory_space<vmem>>
      %dma_wait3A_615 = arith.constant 0 : i32
      %dma_wait3A_616 = tpu.memref_slice %arg8[%add3A_608, %dma_wait3A_615] : memref<81x128xi32, #tpu.memory_space<vmem>> -> memref<1x128xi32, #tpu.memory_space<vmem>>
      %dma_wait3A_617 = tpu.memref_squeeze %dma_wait3A_616 : memref<1x128xi32, #tpu.memory_space<vmem>> -> memref<128xi32, #tpu.memory_space<vmem>>
      %dma_wait3A_618 = arith.constant 0 : i32
      %dma_wait3A_619 = arith.constant 0 : i32
      %dma_wait3A_620 = tpu.memref_slice %arg2[%dma_wait3A_618, %dma_wait3A_619] : memref<10240x64xf32, #tpu.memory_space<hbm>> -> memref<10240x64xf32, #tpu.memory_space<hbm>>
      tpu.wait_indirect_dma semaphore(%arg14 : memref<!tpu.dma_semaphore, #tpu.memory_space<semaphore_mem>>) src(%dma_wait3A_620 : memref<10240x64xf32, #tpu.memory_space<hbm>>) dst(%dma_wait3A_614 : memref<128x64xf32, #tpu.memory_space<vmem>>)
      %add3A_621 = arith.constant 1 : i32
      %add3A_622 = arith.addi %add3A_380, %add3A_621 : i32
      %mul3A_623 = arith.constant 3 : i32
      %mul3A_624 = arith.muli %add3A_622, %mul3A_623 : i32
      %add3A_625 = arith.constant 0 : i32
      %add3A_626 = arith.addi %mul3A_624, %add3A_625 : i32
      %dma_start3A_627 = arith.constant 0 : i32
      %dma_start3A_628 = arith.constant 0 : i32
      %dma_start3A_629 = arith.constant 0 : i32
      %dma_start3A_630 = arith.constant 0 : i32
      %dma_start3A_631 = tpu.memref_slice %arg10[%dma_start3A_627, %dma_start3A_628, %dma_start3A_629, %dma_start3A_630] : memref<2x3x128x64xf32, #tpu.memory_space<vmem>> -> memref<1x1x128x64xf32, #tpu.memory_space<vmem>>
      %dma_start3A_632 = tpu.memref_squeeze %dma_start3A_631 : memref<1x1x128x64xf32, #tpu.memory_space<vmem>> -> memref<128x64xf32, #tpu.memory_space<vmem>>
      %dma_start3A_633 = arith.constant 0 : i32
      %dma_start3A_634 = tpu.memref_slice %arg8[%add3A_626, %dma_start3A_633] : memref<81x128xi32, #tpu.memory_space<vmem>> -> memref<1x128xi32, #tpu.memory_space<vmem>>
      %dma_start3A_635 = tpu.memref_squeeze %dma_start3A_634 : memref<1x128xi32, #tpu.memory_space<vmem>> -> memref<128xi32, #tpu.memory_space<vmem>>
      %dma_start3A_636 = arith.constant 0 : i32
      %dma_start3A_637 = arith.constant 0 : i32
      %dma_start3A_638 = tpu.memref_slice %arg2[%dma_start3A_636, %dma_start3A_637] : memref<10240x64xf32, #tpu.memory_space<hbm>> -> memref<10240x64xf32, #tpu.memory_space<hbm>>
      tpu.enqueue_indirect_dma source(%dma_start3A_638 : memref<10240x64xf32, #tpu.memory_space<hbm>>) target(%dma_start3A_632 : memref<128x64xf32, #tpu.memory_space<vmem>>) offsets(%dma_start3A_635 : memref<128xi32, #tpu.memory_space<vmem>>) semaphore(%arg13 : memref<!tpu.dma_semaphore, #tpu.memory_space<semaphore_mem>>)
      %mul3A_639 = arith.constant 3 : i32
      %mul3A_640 = arith.muli %add3A_622, %mul3A_639 : i32
      %add3A_641 = arith.constant 1 : i32
      %add3A_642 = arith.addi %mul3A_640, %add3A_641 : i32
      %dma_start3A_643 = arith.constant 0 : i32
      %dma_start3A_644 = arith.constant 1 : i32
      %dma_start3A_645 = arith.constant 0 : i32
      %dma_start3A_646 = arith.constant 0 : i32
      %dma_start3A_647 = tpu.memref_slice %arg10[%dma_start3A_643, %dma_start3A_644, %dma_start3A_645, %dma_start3A_646] : memref<2x3x128x64xf32, #tpu.memory_space<vmem>> -> memref<1x1x128x64xf32, #tpu.memory_space<vmem>>
      %dma_start3A_648 = tpu.memref_squeeze %dma_start3A_647 : memref<1x1x128x64xf32, #tpu.memory_space<vmem>> -> memref<128x64xf32, #tpu.memory_space<vmem>>
      %dma_start3A_649 = arith.constant 0 : i32
      %dma_start3A_650 = tpu.memref_slice %arg8[%add3A_642, %dma_start3A_649] : memref<81x128xi32, #tpu.memory_space<vmem>> -> memref<1x128xi32, #tpu.memory_space<vmem>>
      %dma_start3A_651 = tpu.memref_squeeze %dma_start3A_650 : memref<1x128xi32, #tpu.memory_space<vmem>> -> memref<128xi32, #tpu.memory_space<vmem>>
      %dma_start3A_652 = arith.constant 0 : i32
      %dma_start3A_653 = arith.constant 0 : i32
      %dma_start3A_654 = tpu.memref_slice %arg2[%dma_start3A_652, %dma_start3A_653] : memref<10240x64xf32, #tpu.memory_space<hbm>> -> memref<10240x64xf32, #tpu.memory_space<hbm>>
      tpu.enqueue_indirect_dma source(%dma_start3A_654 : memref<10240x64xf32, #tpu.memory_space<hbm>>) target(%dma_start3A_648 : memref<128x64xf32, #tpu.memory_space<vmem>>) offsets(%dma_start3A_651 : memref<128xi32, #tpu.memory_space<vmem>>) semaphore(%arg13 : memref<!tpu.dma_semaphore, #tpu.memory_space<semaphore_mem>>)
      %mul3A_655 = arith.constant 3 : i32
      %mul3A_656 = arith.muli %add3A_622, %mul3A_655 : i32
      %add3A_657 = arith.constant 2 : i32
      %add3A_658 = arith.addi %mul3A_656, %add3A_657 : i32
      %dma_start3A_659 = arith.constant 0 : i32
      %dma_start3A_660 = arith.constant 2 : i32
      %dma_start3A_661 = arith.constant 0 : i32
      %dma_start3A_662 = arith.constant 0 : i32
      %dma_start3A_663 = tpu.memref_slice %arg10[%dma_start3A_659, %dma_start3A_660, %dma_start3A_661, %dma_start3A_662] : memref<2x3x128x64xf32, #tpu.memory_space<vmem>> -> memref<1x1x128x64xf32, #tpu.memory_space<vmem>>
      %dma_start3A_664 = tpu.memref_squeeze %dma_start3A_663 : memref<1x1x128x64xf32, #tpu.memory_space<vmem>> -> memref<128x64xf32, #tpu.memory_space<vmem>>
      %dma_start3A_665 = arith.constant 0 : i32
      %dma_start3A_666 = tpu.memref_slice %arg8[%add3A_658, %dma_start3A_665] : memref<81x128xi32, #tpu.memory_space<vmem>> -> memref<1x128xi32, #tpu.memory_space<vmem>>
      %dma_start3A_667 = tpu.memref_squeeze %dma_start3A_666 : memref<1x128xi32, #tpu.memory_space<vmem>> -> memref<128xi32, #tpu.memory_space<vmem>>
      %dma_start3A_668 = arith.constant 0 : i32
      %dma_start3A_669 = arith.constant 0 : i32
      %dma_start3A_670 = tpu.memref_slice %arg2[%dma_start3A_668, %dma_start3A_669] : memref<10240x64xf32, #tpu.memory_space<hbm>> -> memref<10240x64xf32, #tpu.memory_space<hbm>>
      tpu.enqueue_indirect_dma source(%dma_start3A_670 : memref<10240x64xf32, #tpu.memory_space<hbm>>) target(%dma_start3A_664 : memref<128x64xf32, #tpu.memory_space<vmem>>) offsets(%dma_start3A_667 : memref<128xi32, #tpu.memory_space<vmem>>) semaphore(%arg13 : memref<!tpu.dma_semaphore, #tpu.memory_space<semaphore_mem>>)
      %mul3A_671 = arith.constant 3 : i32
      %mul3A_672 = arith.muli %add3A_380, %mul3A_671 : i32
      %add3A_673 = arith.constant 0 : i32
      %add3A_674 = arith.addi %mul3A_672, %add3A_673 : i32
      %dma_start3A_675 = arith.constant 1 : i32
      %dma_start3A_676 = arith.constant 0 : i32
      %dma_start3A_677 = arith.constant 0 : i32
      %dma_start3A_678 = arith.constant 0 : i32
      %dma_start3A_679 = tpu.memref_slice %arg10[%dma_start3A_675, %dma_start3A_676, %dma_start3A_677, %dma_start3A_678] : memref<2x3x128x64xf32, #tpu.memory_space<vmem>> -> memref<1x1x128x64xf32, #tpu.memory_space<vmem>>
      %dma_start3A_680 = tpu.memref_squeeze %dma_start3A_679 : memref<1x1x128x64xf32, #tpu.memory_space<vmem>> -> memref<128x64xf32, #tpu.memory_space<vmem>>
      %dma_start3A_681 = arith.constant 0 : i32
      %dma_start3A_682 = tpu.memref_slice %arg9[%add3A_674, %dma_start3A_681] : memref<81x128xi32, #tpu.memory_space<vmem>> -> memref<1x128xi32, #tpu.memory_space<vmem>>
      %dma_start3A_683 = tpu.memref_squeeze %dma_start3A_682 : memref<1x128xi32, #tpu.memory_space<vmem>> -> memref<128xi32, #tpu.memory_space<vmem>>
      %dma_start3A_684 = arith.constant 0 : i32
      %dma_start3A_685 = arith.constant 0 : i32
      %dma_start3A_686 = tpu.memref_slice %arg12[%dma_start3A_684, %dma_start3A_685] : memref<10240x64xf32, #tpu.memory_space<vmem_shared>> -> memref<10240x64xf32, #tpu.memory_space<vmem_shared>>
      tpu.enqueue_indirect_dma source(%dma_start3A_680 : memref<128x64xf32, #tpu.memory_space<vmem>>) target(%dma_start3A_686 : memref<10240x64xf32, #tpu.memory_space<vmem_shared>>) offsets(%dma_start3A_683 : memref<128xi32, #tpu.memory_space<vmem>>) semaphore(%arg16 : memref<!tpu.dma_semaphore, #tpu.memory_space<semaphore_mem>>) {add = true}
      %mul3A_687 = arith.constant 3 : i32
      %mul3A_688 = arith.muli %add3A_380, %mul3A_687 : i32
      %add3A_689 = arith.constant 1 : i32
      %add3A_690 = arith.addi %mul3A_688, %add3A_689 : i32
      %dma_start3A_691 = arith.constant 1 : i32
      %dma_start3A_692 = arith.constant 1 : i32
      %dma_start3A_693 = arith.constant 0 : i32
      %dma_start3A_694 = arith.constant 0 : i32
      %dma_start3A_695 = tpu.memref_slice %arg10[%dma_start3A_691, %dma_start3A_692, %dma_start3A_693, %dma_start3A_694] : memref<2x3x128x64xf32, #tpu.memory_space<vmem>> -> memref<1x1x128x64xf32, #tpu.memory_space<vmem>>
      %dma_start3A_696 = tpu.memref_squeeze %dma_start3A_695 : memref<1x1x128x64xf32, #tpu.memory_space<vmem>> -> memref<128x64xf32, #tpu.memory_space<vmem>>
      %dma_start3A_697 = arith.constant 0 : i32
      %dma_start3A_698 = tpu.memref_slice %arg9[%add3A_690, %dma_start3A_697] : memref<81x128xi32, #tpu.memory_space<vmem>> -> memref<1x128xi32, #tpu.memory_space<vmem>>
      %dma_start3A_699 = tpu.memref_squeeze %dma_start3A_698 : memref<1x128xi32, #tpu.memory_space<vmem>> -> memref<128xi32, #tpu.memory_space<vmem>>
      %dma_start3A_700 = arith.constant 0 : i32
      %dma_start3A_701 = arith.constant 0 : i32
      %dma_start3A_702 = tpu.memref_slice %arg12[%dma_start3A_700, %dma_start3A_701] : memref<10240x64xf32, #tpu.memory_space<vmem_shared>> -> memref<10240x64xf32, #tpu.memory_space<vmem_shared>>
      tpu.enqueue_indirect_dma source(%dma_start3A_696 : memref<128x64xf32, #tpu.memory_space<vmem>>) target(%dma_start3A_702 : memref<10240x64xf32, #tpu.memory_space<vmem_shared>>) offsets(%dma_start3A_699 : memref<128xi32, #tpu.memory_space<vmem>>) semaphore(%arg16 : memref<!tpu.dma_semaphore, #tpu.memory_space<semaphore_mem>>) {add = true}
      %mul3A_703 = arith.constant 3 : i32
      %mul3A_704 = arith.muli %add3A_380, %mul3A_703 : i32
      %add3A_705 = arith.constant 2 : i32
      %add3A_706 = arith.addi %mul3A_704, %add3A_705 : i32
      %dma_start3A_707 = arith.constant 1 : i32
      %dma_start3A_708 = arith.constant 2 : i32
      %dma_start3A_709 = arith.constant 0 : i32
      %dma_start3A_710 = arith.constant 0 : i32
      %dma_start3A_711 = tpu.memref_slice %arg10[%dma_start3A_707, %dma_start3A_708, %dma_start3A_709, %dma_start3A_710] : memref<2x3x128x64xf32, #tpu.memory_space<vmem>> -> memref<1x1x128x64xf32, #tpu.memory_space<vmem>>
      %dma_start3A_712 = tpu.memref_squeeze %dma_start3A_711 : memref<1x1x128x64xf32, #tpu.memory_space<vmem>> -> memref<128x64xf32, #tpu.memory_space<vmem>>
      %dma_start3A_713 = arith.constant 0 : i32
      %dma_start3A_714 = tpu.memref_slice %arg9[%add3A_706, %dma_start3A_713] : memref<81x128xi32, #tpu.memory_space<vmem>> -> memref<1x128xi32, #tpu.memory_space<vmem>>
      %dma_start3A_715 = tpu.memref_squeeze %dma_start3A_714 : memref<1x128xi32, #tpu.memory_space<vmem>> -> memref<128xi32, #tpu.memory_space<vmem>>
      %dma_start3A_716 = arith.constant 0 : i32
      %dma_start3A_717 = arith.constant 0 : i32
      %dma_start3A_718 = tpu.memref_slice %arg12[%dma_start3A_716, %dma_start3A_717] : memref<10240x64xf32, #tpu.memory_space<vmem_shared>> -> memref<10240x64xf32, #tpu.memory_space<vmem_shared>>
      tpu.enqueue_indirect_dma source(%dma_start3A_712 : memref<128x64xf32, #tpu.memory_space<vmem>>) target(%dma_start3A_718 : memref<10240x64xf32, #tpu.memory_space<vmem_shared>>) offsets(%dma_start3A_715 : memref<128xi32, #tpu.memory_space<vmem>>) semaphore(%arg16 : memref<!tpu.dma_semaphore, #tpu.memory_space<semaphore_mem>>) {add = true}
      %mul3A_719 = arith.constant 3 : i32
      %mul3A_720 = arith.muli %add3A_380, %mul3A_719 : i32
      %add3A_721 = arith.constant 0 : i32
      %add3A_722 = arith.addi %mul3A_720, %add3A_721 : i32
      %dma_wait3A_723 = arith.constant 1 : i32
      %dma_wait3A_724 = arith.constant 0 : i32
      %dma_wait3A_725 = arith.constant 0 : i32
      %dma_wait3A_726 = arith.constant 0 : i32
      %dma_wait3A_727 = tpu.memref_slice %arg10[%dma_wait3A_723, %dma_wait3A_724, %dma_wait3A_725, %dma_wait3A_726] : memref<2x3x128x64xf32, #tpu.memory_space<vmem>> -> memref<1x1x128x64xf32, #tpu.memory_space<vmem>>
      %dma_wait3A_728 = tpu.memref_squeeze %dma_wait3A_727 : memref<1x1x128x64xf32, #tpu.memory_space<vmem>> -> memref<128x64xf32, #tpu.memory_space<vmem>>
      %dma_wait3A_729 = arith.constant 0 : i32
      %dma_wait3A_730 = tpu.memref_slice %arg9[%add3A_722, %dma_wait3A_729] : memref<81x128xi32, #tpu.memory_space<vmem>> -> memref<1x128xi32, #tpu.memory_space<vmem>>
      %dma_wait3A_731 = tpu.memref_squeeze %dma_wait3A_730 : memref<1x128xi32, #tpu.memory_space<vmem>> -> memref<128xi32, #tpu.memory_space<vmem>>
      %dma_wait3A_732 = arith.constant 0 : i32
      %dma_wait3A_733 = arith.constant 0 : i32
      %dma_wait3A_734 = tpu.memref_slice %arg12[%dma_wait3A_732, %dma_wait3A_733] : memref<10240x64xf32, #tpu.memory_space<vmem_shared>> -> memref<10240x64xf32, #tpu.memory_space<vmem_shared>>
      tpu.wait_indirect_dma semaphore(%arg16 : memref<!tpu.dma_semaphore, #tpu.memory_space<semaphore_mem>>) src(%dma_wait3A_728 : memref<128x64xf32, #tpu.memory_space<vmem>>) dst(%dma_wait3A_734 : memref<10240x64xf32, #tpu.memory_space<vmem_shared>>)
      %mul3A_735 = arith.constant 3 : i32
      %mul3A_736 = arith.muli %add3A_380, %mul3A_735 : i32
      %add3A_737 = arith.constant 1 : i32
      %add3A_738 = arith.addi %mul3A_736, %add3A_737 : i32
      %dma_wait3A_739 = arith.constant 1 : i32
      %dma_wait3A_740 = arith.constant 1 : i32
      %dma_wait3A_741 = arith.constant 0 : i32
      %dma_wait3A_742 = arith.constant 0 : i32
      %dma_wait3A_743 = tpu.memref_slice %arg10[%dma_wait3A_739, %dma_wait3A_740, %dma_wait3A_741, %dma_wait3A_742] : memref<2x3x128x64xf32, #tpu.memory_space<vmem>> -> memref<1x1x128x64xf32, #tpu.memory_space<vmem>>
      %dma_wait3A_744 = tpu.memref_squeeze %dma_wait3A_743 : memref<1x1x128x64xf32, #tpu.memory_space<vmem>> -> memref<128x64xf32, #tpu.memory_space<vmem>>
      %dma_wait3A_745 = arith.constant 0 : i32
      %dma_wait3A_746 = tpu.memref_slice %arg9[%add3A_738, %dma_wait3A_745] : memref<81x128xi32, #tpu.memory_space<vmem>> -> memref<1x128xi32, #tpu.memory_space<vmem>>
      %dma_wait3A_747 = tpu.memref_squeeze %dma_wait3A_746 : memref<1x128xi32, #tpu.memory_space<vmem>> -> memref<128xi32, #tpu.memory_space<vmem>>
      %dma_wait3A_748 = arith.constant 0 : i32
      %dma_wait3A_749 = arith.constant 0 : i32
      %dma_wait3A_750 = tpu.memref_slice %arg12[%dma_wait3A_748, %dma_wait3A_749] : memref<10240x64xf32, #tpu.memory_space<vmem_shared>> -> memref<10240x64xf32, #tpu.memory_space<vmem_shared>>
      tpu.wait_indirect_dma semaphore(%arg16 : memref<!tpu.dma_semaphore, #tpu.memory_space<semaphore_mem>>) src(%dma_wait3A_744 : memref<128x64xf32, #tpu.memory_space<vmem>>) dst(%dma_wait3A_750 : memref<10240x64xf32, #tpu.memory_space<vmem_shared>>)
      %mul3A_751 = arith.constant 3 : i32
      %mul3A_752 = arith.muli %add3A_380, %mul3A_751 : i32
      %add3A_753 = arith.constant 2 : i32
      %add3A_754 = arith.addi %mul3A_752, %add3A_753 : i32
      %dma_wait3A_755 = arith.constant 1 : i32
      %dma_wait3A_756 = arith.constant 2 : i32
      %dma_wait3A_757 = arith.constant 0 : i32
      %dma_wait3A_758 = arith.constant 0 : i32
      %dma_wait3A_759 = tpu.memref_slice %arg10[%dma_wait3A_755, %dma_wait3A_756, %dma_wait3A_757, %dma_wait3A_758] : memref<2x3x128x64xf32, #tpu.memory_space<vmem>> -> memref<1x1x128x64xf32, #tpu.memory_space<vmem>>
      %dma_wait3A_760 = tpu.memref_squeeze %dma_wait3A_759 : memref<1x1x128x64xf32, #tpu.memory_space<vmem>> -> memref<128x64xf32, #tpu.memory_space<vmem>>
      %dma_wait3A_761 = arith.constant 0 : i32
      %dma_wait3A_762 = tpu.memref_slice %arg9[%add3A_754, %dma_wait3A_761] : memref<81x128xi32, #tpu.memory_space<vmem>> -> memref<1x128xi32, #tpu.memory_space<vmem>>
      %dma_wait3A_763 = tpu.memref_squeeze %dma_wait3A_762 : memref<1x128xi32, #tpu.memory_space<vmem>> -> memref<128xi32, #tpu.memory_space<vmem>>
      %dma_wait3A_764 = arith.constant 0 : i32
      %dma_wait3A_765 = arith.constant 0 : i32
      %dma_wait3A_766 = tpu.memref_slice %arg12[%dma_wait3A_764, %dma_wait3A_765] : memref<10240x64xf32, #tpu.memory_space<vmem_shared>> -> memref<10240x64xf32, #tpu.memory_space<vmem_shared>>
      tpu.wait_indirect_dma semaphore(%arg16 : memref<!tpu.dma_semaphore, #tpu.memory_space<semaphore_mem>>) src(%dma_wait3A_760 : memref<128x64xf32, #tpu.memory_space<vmem>>) dst(%dma_wait3A_766 : memref<10240x64xf32, #tpu.memory_space<vmem_shared>>)
    }
    %scan3A_63 = arith.constant 13 : i32
    %dma_wait3A = arith.constant 78 : i32
    %dma_wait3A_64 = arith.constant 0 : i32
    %dma_wait3A_65 = arith.constant 0 : i32
    %dma_wait3A_66 = arith.constant 0 : i32
    %dma_wait3A_67 = arith.constant 0 : i32
    %dma_wait3A_68 = tpu.memref_slice %arg10[%dma_wait3A_64, %dma_wait3A_65, %dma_wait3A_66, %dma_wait3A_67] : memref<2x3x128x64xf32, #tpu.memory_space<vmem>> -> memref<1x1x128x64xf32, #tpu.memory_space<vmem>>
    %dma_wait3A_69 = tpu.memref_squeeze %dma_wait3A_68 : memref<1x1x128x64xf32, #tpu.memory_space<vmem>> -> memref<128x64xf32, #tpu.memory_space<vmem>>
    %dma_wait3A_70 = arith.constant 0 : i32
    %dma_wait3A_71 = tpu.memref_slice %arg8[%dma_wait3A, %dma_wait3A_70] : memref<81x128xi32, #tpu.memory_space<vmem>> -> memref<1x128xi32, #tpu.memory_space<vmem>>
    %dma_wait3A_72 = tpu.memref_squeeze %dma_wait3A_71 : memref<1x128xi32, #tpu.memory_space<vmem>> -> memref<128xi32, #tpu.memory_space<vmem>>
    %dma_wait3A_73 = arith.constant 0 : i32
    %dma_wait3A_74 = arith.constant 0 : i32
    %dma_wait3A_75 = tpu.memref_slice %arg2[%dma_wait3A_73, %dma_wait3A_74] : memref<10240x64xf32, #tpu.memory_space<hbm>> -> memref<10240x64xf32, #tpu.memory_space<hbm>>
    tpu.wait_indirect_dma semaphore(%arg13 : memref<!tpu.dma_semaphore, #tpu.memory_space<semaphore_mem>>) src(%dma_wait3A_75 : memref<10240x64xf32, #tpu.memory_space<hbm>>) dst(%dma_wait3A_69 : memref<128x64xf32, #tpu.memory_space<vmem>>)
    %dma_wait3A_76 = arith.constant 79 : i32
    %dma_wait3A_77 = arith.constant 0 : i32
    %dma_wait3A_78 = arith.constant 1 : i32
    %dma_wait3A_79 = arith.constant 0 : i32
    %dma_wait3A_80 = arith.constant 0 : i32
    %dma_wait3A_81 = tpu.memref_slice %arg10[%dma_wait3A_77, %dma_wait3A_78, %dma_wait3A_79, %dma_wait3A_80] : memref<2x3x128x64xf32, #tpu.memory_space<vmem>> -> memref<1x1x128x64xf32, #tpu.memory_space<vmem>>
    %dma_wait3A_82 = tpu.memref_squeeze %dma_wait3A_81 : memref<1x1x128x64xf32, #tpu.memory_space<vmem>> -> memref<128x64xf32, #tpu.memory_space<vmem>>
    %dma_wait3A_83 = arith.constant 0 : i32
    %dma_wait3A_84 = tpu.memref_slice %arg8[%dma_wait3A_76, %dma_wait3A_83] : memref<81x128xi32, #tpu.memory_space<vmem>> -> memref<1x128xi32, #tpu.memory_space<vmem>>
    %dma_wait3A_85 = tpu.memref_squeeze %dma_wait3A_84 : memref<1x128xi32, #tpu.memory_space<vmem>> -> memref<128xi32, #tpu.memory_space<vmem>>
    %dma_wait3A_86 = arith.constant 0 : i32
    %dma_wait3A_87 = arith.constant 0 : i32
    %dma_wait3A_88 = tpu.memref_slice %arg2[%dma_wait3A_86, %dma_wait3A_87] : memref<10240x64xf32, #tpu.memory_space<hbm>> -> memref<10240x64xf32, #tpu.memory_space<hbm>>
    tpu.wait_indirect_dma semaphore(%arg13 : memref<!tpu.dma_semaphore, #tpu.memory_space<semaphore_mem>>) src(%dma_wait3A_88 : memref<10240x64xf32, #tpu.memory_space<hbm>>) dst(%dma_wait3A_82 : memref<128x64xf32, #tpu.memory_space<vmem>>)
    %dma_wait3A_89 = arith.constant 80 : i32
    %dma_wait3A_90 = arith.constant 0 : i32
    %dma_wait3A_91 = arith.constant 2 : i32
    %dma_wait3A_92 = arith.constant 0 : i32
    %dma_wait3A_93 = arith.constant 0 : i32
    %dma_wait3A_94 = tpu.memref_slice %arg10[%dma_wait3A_90, %dma_wait3A_91, %dma_wait3A_92, %dma_wait3A_93] : memref<2x3x128x64xf32, #tpu.memory_space<vmem>> -> memref<1x1x128x64xf32, #tpu.memory_space<vmem>>
    %dma_wait3A_95 = tpu.memref_squeeze %dma_wait3A_94 : memref<1x1x128x64xf32, #tpu.memory_space<vmem>> -> memref<128x64xf32, #tpu.memory_space<vmem>>
    %dma_wait3A_96 = arith.constant 0 : i32
    %dma_wait3A_97 = tpu.memref_slice %arg8[%dma_wait3A_89, %dma_wait3A_96] : memref<81x128xi32, #tpu.memory_space<vmem>> -> memref<1x128xi32, #tpu.memory_space<vmem>>
    %dma_wait3A_98 = tpu.memref_squeeze %dma_wait3A_97 : memref<1x128xi32, #tpu.memory_space<vmem>> -> memref<128xi32, #tpu.memory_space<vmem>>
    %dma_wait3A_99 = arith.constant 0 : i32
    %dma_wait3A_100 = arith.constant 0 : i32
    %dma_wait3A_101 = tpu.memref_slice %arg2[%dma_wait3A_99, %dma_wait3A_100] : memref<10240x64xf32, #tpu.memory_space<hbm>> -> memref<10240x64xf32, #tpu.memory_space<hbm>>
    tpu.wait_indirect_dma semaphore(%arg13 : memref<!tpu.dma_semaphore, #tpu.memory_space<semaphore_mem>>) src(%dma_wait3A_101 : memref<10240x64xf32, #tpu.memory_space<hbm>>) dst(%dma_wait3A_95 : memref<128x64xf32, #tpu.memory_space<vmem>>)
    %dma_start3A_102 = arith.constant 0 : i32
    %dma_start3A_103 = arith.constant 0 : i32
    %dma_start3A_104 = arith.constant 78 : i32
    %dma_start3A_105 = arith.constant 0 : i32
    %dma_start3A_106 = arith.constant 0 : i32
    %dma_start3A_107 = tpu.memref_slice %arg10[%dma_start3A_102, %dma_start3A_103, %dma_start3A_105, %dma_start3A_106] : memref<2x3x128x64xf32, #tpu.memory_space<vmem>> -> memref<1x1x128x64xf32, #tpu.memory_space<vmem>>
    %dma_start3A_108 = tpu.memref_squeeze %dma_start3A_107 : memref<1x1x128x64xf32, #tpu.memory_space<vmem>> -> memref<128x64xf32, #tpu.memory_space<vmem>>
    %dma_start3A_109 = arith.constant 0 : i32
    %dma_start3A_110 = tpu.memref_slice %arg9[%dma_start3A_104, %dma_start3A_109] : memref<81x128xi32, #tpu.memory_space<vmem>> -> memref<1x128xi32, #tpu.memory_space<vmem>>
    %dma_start3A_111 = tpu.memref_squeeze %dma_start3A_110 : memref<1x128xi32, #tpu.memory_space<vmem>> -> memref<128xi32, #tpu.memory_space<vmem>>
    %dma_start3A_112 = arith.constant 0 : i32
    %dma_start3A_113 = arith.constant 0 : i32
    %dma_start3A_114 = tpu.memref_slice %arg12[%dma_start3A_112, %dma_start3A_113] : memref<10240x64xf32, #tpu.memory_space<vmem_shared>> -> memref<10240x64xf32, #tpu.memory_space<vmem_shared>>
    tpu.enqueue_indirect_dma source(%dma_start3A_108 : memref<128x64xf32, #tpu.memory_space<vmem>>) target(%dma_start3A_114 : memref<10240x64xf32, #tpu.memory_space<vmem_shared>>) offsets(%dma_start3A_111 : memref<128xi32, #tpu.memory_space<vmem>>) semaphore(%arg15 : memref<!tpu.dma_semaphore, #tpu.memory_space<semaphore_mem>>) {add = true}
    %dma_start3A_115 = arith.constant 0 : i32
    %dma_start3A_116 = arith.constant 1 : i32
    %dma_start3A_117 = arith.constant 79 : i32
    %dma_start3A_118 = arith.constant 0 : i32
    %dma_start3A_119 = arith.constant 0 : i32
    %dma_start3A_120 = tpu.memref_slice %arg10[%dma_start3A_115, %dma_start3A_116, %dma_start3A_118, %dma_start3A_119] : memref<2x3x128x64xf32, #tpu.memory_space<vmem>> -> memref<1x1x128x64xf32, #tpu.memory_space<vmem>>
    %dma_start3A_121 = tpu.memref_squeeze %dma_start3A_120 : memref<1x1x128x64xf32, #tpu.memory_space<vmem>> -> memref<128x64xf32, #tpu.memory_space<vmem>>
    %dma_start3A_122 = arith.constant 0 : i32
    %dma_start3A_123 = tpu.memref_slice %arg9[%dma_start3A_117, %dma_start3A_122] : memref<81x128xi32, #tpu.memory_space<vmem>> -> memref<1x128xi32, #tpu.memory_space<vmem>>
    %dma_start3A_124 = tpu.memref_squeeze %dma_start3A_123 : memref<1x128xi32, #tpu.memory_space<vmem>> -> memref<128xi32, #tpu.memory_space<vmem>>
    %dma_start3A_125 = arith.constant 0 : i32
    %dma_start3A_126 = arith.constant 0 : i32
    %dma_start3A_127 = tpu.memref_slice %arg12[%dma_start3A_125, %dma_start3A_126] : memref<10240x64xf32, #tpu.memory_space<vmem_shared>> -> memref<10240x64xf32, #tpu.memory_space<vmem_shared>>
    tpu.enqueue_indirect_dma source(%dma_start3A_121 : memref<128x64xf32, #tpu.memory_space<vmem>>) target(%dma_start3A_127 : memref<10240x64xf32, #tpu.memory_space<vmem_shared>>) offsets(%dma_start3A_124 : memref<128xi32, #tpu.memory_space<vmem>>) semaphore(%arg15 : memref<!tpu.dma_semaphore, #tpu.memory_space<semaphore_mem>>) {add = true}
    %dma_start3A_128 = arith.constant 0 : i32
    %dma_start3A_129 = arith.constant 2 : i32
    %dma_start3A_130 = arith.constant 80 : i32
    %dma_start3A_131 = arith.constant 0 : i32
    %dma_start3A_132 = arith.constant 0 : i32
    %dma_start3A_133 = tpu.memref_slice %arg10[%dma_start3A_128, %dma_start3A_129, %dma_start3A_131, %dma_start3A_132] : memref<2x3x128x64xf32, #tpu.memory_space<vmem>> -> memref<1x1x128x64xf32, #tpu.memory_space<vmem>>
    %dma_start3A_134 = tpu.memref_squeeze %dma_start3A_133 : memref<1x1x128x64xf32, #tpu.memory_space<vmem>> -> memref<128x64xf32, #tpu.memory_space<vmem>>
    %dma_start3A_135 = arith.constant 0 : i32
    %dma_start3A_136 = tpu.memref_slice %arg9[%dma_start3A_130, %dma_start3A_135] : memref<81x128xi32, #tpu.memory_space<vmem>> -> memref<1x128xi32, #tpu.memory_space<vmem>>
    %dma_start3A_137 = tpu.memref_squeeze %dma_start3A_136 : memref<1x128xi32, #tpu.memory_space<vmem>> -> memref<128xi32, #tpu.memory_space<vmem>>
    %dma_start3A_138 = arith.constant 0 : i32
    %dma_start3A_139 = arith.constant 0 : i32
    %dma_start3A_140 = tpu.memref_slice %arg12[%dma_start3A_138, %dma_start3A_139] : memref<10240x64xf32, #tpu.memory_space<vmem_shared>> -> memref<10240x64xf32, #tpu.memory_space<vmem_shared>>
    tpu.enqueue_indirect_dma source(%dma_start3A_134 : memref<128x64xf32, #tpu.memory_space<vmem>>) target(%dma_start3A_140 : memref<10240x64xf32, #tpu.memory_space<vmem_shared>>) offsets(%dma_start3A_137 : memref<128xi32, #tpu.memory_space<vmem>>) semaphore(%arg15 : memref<!tpu.dma_semaphore, #tpu.memory_space<semaphore_mem>>) {add = true}
    %dma_wait3A_141 = arith.constant 0 : i32
    %dma_wait3A_142 = arith.constant 0 : i32
    %dma_wait3A_143 = arith.constant 78 : i32
    %dma_wait3A_144 = arith.constant 0 : i32
    %dma_wait3A_145 = arith.constant 0 : i32
    %dma_wait3A_146 = tpu.memref_slice %arg10[%dma_wait3A_141, %dma_wait3A_142, %dma_wait3A_144, %dma_wait3A_145] : memref<2x3x128x64xf32, #tpu.memory_space<vmem>> -> memref<1x1x128x64xf32, #tpu.memory_space<vmem>>
    %dma_wait3A_147 = tpu.memref_squeeze %dma_wait3A_146 : memref<1x1x128x64xf32, #tpu.memory_space<vmem>> -> memref<128x64xf32, #tpu.memory_space<vmem>>
    %dma_wait3A_148 = arith.constant 0 : i32
    %dma_wait3A_149 = tpu.memref_slice %arg9[%dma_wait3A_143, %dma_wait3A_148] : memref<81x128xi32, #tpu.memory_space<vmem>> -> memref<1x128xi32, #tpu.memory_space<vmem>>
    %dma_wait3A_150 = tpu.memref_squeeze %dma_wait3A_149 : memref<1x128xi32, #tpu.memory_space<vmem>> -> memref<128xi32, #tpu.memory_space<vmem>>
    %dma_wait3A_151 = arith.constant 0 : i32
    %dma_wait3A_152 = arith.constant 0 : i32
    %dma_wait3A_153 = tpu.memref_slice %arg12[%dma_wait3A_151, %dma_wait3A_152] : memref<10240x64xf32, #tpu.memory_space<vmem_shared>> -> memref<10240x64xf32, #tpu.memory_space<vmem_shared>>
    tpu.wait_indirect_dma semaphore(%arg15 : memref<!tpu.dma_semaphore, #tpu.memory_space<semaphore_mem>>) src(%dma_wait3A_147 : memref<128x64xf32, #tpu.memory_space<vmem>>) dst(%dma_wait3A_153 : memref<10240x64xf32, #tpu.memory_space<vmem_shared>>)
    %dma_wait3A_154 = arith.constant 0 : i32
    %dma_wait3A_155 = arith.constant 1 : i32
    %dma_wait3A_156 = arith.constant 79 : i32
    %dma_wait3A_157 = arith.constant 0 : i32
    %dma_wait3A_158 = arith.constant 0 : i32
    %dma_wait3A_159 = tpu.memref_slice %arg10[%dma_wait3A_154, %dma_wait3A_155, %dma_wait3A_157, %dma_wait3A_158] : memref<2x3x128x64xf32, #tpu.memory_space<vmem>> -> memref<1x1x128x64xf32, #tpu.memory_space<vmem>>
    %dma_wait3A_160 = tpu.memref_squeeze %dma_wait3A_159 : memref<1x1x128x64xf32, #tpu.memory_space<vmem>> -> memref<128x64xf32, #tpu.memory_space<vmem>>
    %dma_wait3A_161 = arith.constant 0 : i32
    %dma_wait3A_162 = tpu.memref_slice %arg9[%dma_wait3A_156, %dma_wait3A_161] : memref<81x128xi32, #tpu.memory_space<vmem>> -> memref<1x128xi32, #tpu.memory_space<vmem>>
    %dma_wait3A_163 = tpu.memref_squeeze %dma_wait3A_162 : memref<1x128xi32, #tpu.memory_space<vmem>> -> memref<128xi32, #tpu.memory_space<vmem>>
    %dma_wait3A_164 = arith.constant 0 : i32
    %dma_wait3A_165 = arith.constant 0 : i32
    %dma_wait3A_166 = tpu.memref_slice %arg12[%dma_wait3A_164, %dma_wait3A_165] : memref<10240x64xf32, #tpu.memory_space<vmem_shared>> -> memref<10240x64xf32, #tpu.memory_space<vmem_shared>>
    tpu.wait_indirect_dma semaphore(%arg15 : memref<!tpu.dma_semaphore, #tpu.memory_space<semaphore_mem>>) src(%dma_wait3A_160 : memref<128x64xf32, #tpu.memory_space<vmem>>) dst(%dma_wait3A_166 : memref<10240x64xf32, #tpu.memory_space<vmem_shared>>)
    %dma_wait3A_167 = arith.constant 0 : i32
    %dma_wait3A_168 = arith.constant 2 : i32
    %dma_wait3A_169 = arith.constant 80 : i32
    %dma_wait3A_170 = arith.constant 0 : i32
    %dma_wait3A_171 = arith.constant 0 : i32
    %dma_wait3A_172 = tpu.memref_slice %arg10[%dma_wait3A_167, %dma_wait3A_168, %dma_wait3A_170, %dma_wait3A_171] : memref<2x3x128x64xf32, #tpu.memory_space<vmem>> -> memref<1x1x128x64xf32, #tpu.memory_space<vmem>>
    %dma_wait3A_173 = tpu.memref_squeeze %dma_wait3A_172 : memref<1x1x128x64xf32, #tpu.memory_space<vmem>> -> memref<128x64xf32, #tpu.memory_space<vmem>>
    %dma_wait3A_174 = arith.constant 0 : i32
    %dma_wait3A_175 = tpu.memref_slice %arg9[%dma_wait3A_169, %dma_wait3A_174] : memref<81x128xi32, #tpu.memory_space<vmem>> -> memref<1x128xi32, #tpu.memory_space<vmem>>
    %dma_wait3A_176 = tpu.memref_squeeze %dma_wait3A_175 : memref<1x128xi32, #tpu.memory_space<vmem>> -> memref<128xi32, #tpu.memory_space<vmem>>
    %dma_wait3A_177 = arith.constant 0 : i32
    %dma_wait3A_178 = arith.constant 0 : i32
    %dma_wait3A_179 = tpu.memref_slice %arg12[%dma_wait3A_177, %dma_wait3A_178] : memref<10240x64xf32, #tpu.memory_space<vmem_shared>> -> memref<10240x64xf32, #tpu.memory_space<vmem_shared>>
    tpu.wait_indirect_dma semaphore(%arg15 : memref<!tpu.dma_semaphore, #tpu.memory_space<semaphore_mem>>) src(%dma_wait3A_173 : memref<128x64xf32, #tpu.memory_space<vmem>>) dst(%dma_wait3A_179 : memref<10240x64xf32, #tpu.memory_space<vmem_shared>>)
    %barrier3A_180 = arith.constant 0 : index
    tpu.barrier barrier_id(%barrier3A_180)
    %mul3A_181 = arith.constant 640 : i32
    %mul3A_182 = arith.muli %arg1, %mul3A_181 : i32
    %mul3A_183 = arith.constant 640 : i32
    %mul3A_184 = arith.muli %arg1, %mul3A_183 : i32
    %run_scoped3A = arith.constant 0 : i32
    "tpu.region"() ({
      %run_scoped3A_374 = tpu.sem_alloc : memref<!tpu.dma_semaphore, #tpu.memory_space<semaphore_mem>>
      %dma_start3A_375 = arith.constant 0 : i32
      %dma_start3A_376 = tpu.memref_slice %arg7[%arg0, %run_scoped3A, %mul3A_184, %dma_start3A_375] : memref<2x2x10240x64xf32, #tpu.memory_space<hbm>> -> memref<1x1x640x64xf32, #tpu.memory_space<hbm>>
      %dma_start3A_377 = tpu.memref_squeeze %dma_start3A_376 : memref<1x1x640x64xf32, #tpu.memory_space<hbm>> -> memref<640x64xf32, #tpu.memory_space<hbm>>
      %dma_start3A_378 = arith.constant 0 : i32
      %dma_start3A_379 = tpu.memref_slice %arg12[%mul3A_182, %dma_start3A_378] : memref<10240x64xf32, #tpu.memory_space<vmem_shared>> -> memref<640x64xf32, #tpu.memory_space<vmem_shared>>
      tpu.enqueue_dma source(%dma_start3A_379 : memref<640x64xf32, #tpu.memory_space<vmem_shared>>) target(%dma_start3A_377 : memref<640x64xf32, #tpu.memory_space<hbm>>) target_semaphore(%run_scoped3A_374 : memref<!tpu.dma_semaphore, #tpu.memory_space<semaphore_mem>>)
      %dma_wait3A_380 = arith.constant 0 : i32
      %dma_wait3A_381 = tpu.memref_slice %arg7[%arg0, %run_scoped3A, %mul3A_184, %dma_wait3A_380] : memref<2x2x10240x64xf32, #tpu.memory_space<hbm>> -> memref<1x1x640x64xf32, #tpu.memory_space<hbm>>
      %dma_wait3A_382 = tpu.memref_squeeze %dma_wait3A_381 : memref<1x1x640x64xf32, #tpu.memory_space<hbm>> -> memref<640x64xf32, #tpu.memory_space<hbm>>
      %dma_wait3A_383 = arith.constant 0 : i32
      %dma_wait3A_384 = tpu.memref_slice %arg12[%mul3A_182, %dma_wait3A_383] : memref<10240x64xf32, #tpu.memory_space<vmem_shared>> -> memref<640x64xf32, #tpu.memory_space<vmem_shared>>
      tpu.wait_dma2 semaphore(%run_scoped3A_374 : memref<!tpu.dma_semaphore, #tpu.memory_space<semaphore_mem>>) src(%dma_wait3A_384 : memref<640x64xf32, #tpu.memory_space<vmem_shared>>) dst(%dma_wait3A_382 : memref<640x64xf32, #tpu.memory_space<hbm>>)
      tpu.yield
    }) : () -> ()
    %mul3A_185 = arith.constant 640 : i32
    %mul3A_186 = arith.muli %arg1, %mul3A_185 : i32
    %add3A_187 = arith.constant 0 : i32
    %add3A_188 = arith.addi %mul3A_186, %add3A_187 : i32
    "tpu.region"() ({
      %run_scoped3A_374 = tpu.sem_alloc : memref<!tpu.dma_semaphore, #tpu.memory_space<semaphore_mem>>
      %dma_start3A_375 = arith.constant 0 : i32
      %dma_start3A_376 = tpu.memref_slice %arg12[%add3A_188, %dma_start3A_375] : memref<10240x64xf32, #tpu.memory_space<vmem_shared>> -> memref<128x64xf32, #tpu.memory_space<vmem_shared>>
      %dma_start3A_377 = arith.constant 0 : i32
      %dma_start3A_378 = tpu.memref_slice %arg12[%add3A_188, %dma_start3A_377] : memref<10240x64xf32, #tpu.memory_space<vmem_shared>> -> memref<128x64xf32, #tpu.memory_space<vmem_shared>>
      tpu.enqueue_dma source(%arg11 : memref<128x64xf32, #tpu.memory_space<vmem>>) target(%dma_start3A_378 : memref<128x64xf32, #tpu.memory_space<vmem_shared>>) target_semaphore(%run_scoped3A_374 : memref<!tpu.dma_semaphore, #tpu.memory_space<semaphore_mem>>)
      %dma_wait3A_379 = arith.constant 0 : i32
      %dma_wait3A_380 = tpu.memref_slice %arg12[%add3A_188, %dma_wait3A_379] : memref<10240x64xf32, #tpu.memory_space<vmem_shared>> -> memref<128x64xf32, #tpu.memory_space<vmem_shared>>
      %dma_wait3A_381 = arith.constant 0 : i32
      %dma_wait3A_382 = tpu.memref_slice %arg12[%add3A_188, %dma_wait3A_381] : memref<10240x64xf32, #tpu.memory_space<vmem_shared>> -> memref<128x64xf32, #tpu.memory_space<vmem_shared>>
      tpu.wait_dma2 semaphore(%run_scoped3A_374 : memref<!tpu.dma_semaphore, #tpu.memory_space<semaphore_mem>>) src(%arg11 : memref<128x64xf32, #tpu.memory_space<vmem>>) dst(%dma_wait3A_382 : memref<128x64xf32, #tpu.memory_space<vmem_shared>>)
      tpu.yield
    }) : () -> ()
    %mul3A_189 = arith.constant 640 : i32
    %mul3A_190 = arith.muli %arg1, %mul3A_189 : i32
    %add3A_191 = arith.constant 128 : i32
    %add3A_192 = arith.addi %mul3A_190, %add3A_191 : i32
    "tpu.region"() ({
      %run_scoped3A_374 = tpu.sem_alloc : memref<!tpu.dma_semaphore, #tpu.memory_space<semaphore_mem>>
      %dma_start3A_375 = arith.constant 0 : i32
      %dma_start3A_376 = tpu.memref_slice %arg12[%add3A_192, %dma_start3A_375] : memref<10240x64xf32, #tpu.memory_space<vmem_shared>> -> memref<128x64xf32, #tpu.memory_space<vmem_shared>>
      %dma_start3A_377 = arith.constant 0 : i32
      %dma_start3A_378 = tpu.memref_slice %arg12[%add3A_192, %dma_start3A_377] : memref<10240x64xf32, #tpu.memory_space<vmem_shared>> -> memref<128x64xf32, #tpu.memory_space<vmem_shared>>
      tpu.enqueue_dma source(%arg11 : memref<128x64xf32, #tpu.memory_space<vmem>>) target(%dma_start3A_378 : memref<128x64xf32, #tpu.memory_space<vmem_shared>>) target_semaphore(%run_scoped3A_374 : memref<!tpu.dma_semaphore, #tpu.memory_space<semaphore_mem>>)
      %dma_wait3A_379 = arith.constant 0 : i32
      %dma_wait3A_380 = tpu.memref_slice %arg12[%add3A_192, %dma_wait3A_379] : memref<10240x64xf32, #tpu.memory_space<vmem_shared>> -> memref<128x64xf32, #tpu.memory_space<vmem_shared>>
      %dma_wait3A_381 = arith.constant 0 : i32
      %dma_wait3A_382 = tpu.memref_slice %arg12[%add3A_192, %dma_wait3A_381] : memref<10240x64xf32, #tpu.memory_space<vmem_shared>> -> memref<128x64xf32, #tpu.memory_space<vmem_shared>>
      tpu.wait_dma2 semaphore(%run_scoped3A_374 : memref<!tpu.dma_semaphore, #tpu.memory_space<semaphore_mem>>) src(%arg11 : memref<128x64xf32, #tpu.memory_space<vmem>>) dst(%dma_wait3A_382 : memref<128x64xf32, #tpu.memory_space<vmem_shared>>)
      tpu.yield
    }) : () -> ()
    %mul3A_193 = arith.constant 640 : i32
    %mul3A_194 = arith.muli %arg1, %mul3A_193 : i32
    %add3A_195 = arith.constant 256 : i32
    %add3A_196 = arith.addi %mul3A_194, %add3A_195 : i32
    "tpu.region"() ({
      %run_scoped3A_374 = tpu.sem_alloc : memref<!tpu.dma_semaphore, #tpu.memory_space<semaphore_mem>>
      %dma_start3A_375 = arith.constant 0 : i32
      %dma_start3A_376 = tpu.memref_slice %arg12[%add3A_196, %dma_start3A_375] : memref<10240x64xf32, #tpu.memory_space<vmem_shared>> -> memref<128x64xf32, #tpu.memory_space<vmem_shared>>
      %dma_start3A_377 = arith.constant 0 : i32
      %dma_start3A_378 = tpu.memref_slice %arg12[%add3A_196, %dma_start3A_377] : memref<10240x64xf32, #tpu.memory_space<vmem_shared>> -> memref<128x64xf32, #tpu.memory_space<vmem_shared>>
      tpu.enqueue_dma source(%arg11 : memref<128x64xf32, #tpu.memory_space<vmem>>) target(%dma_start3A_378 : memref<128x64xf32, #tpu.memory_space<vmem_shared>>) target_semaphore(%run_scoped3A_374 : memref<!tpu.dma_semaphore, #tpu.memory_space<semaphore_mem>>)
      %dma_wait3A_379 = arith.constant 0 : i32
      %dma_wait3A_380 = tpu.memref_slice %arg12[%add3A_196, %dma_wait3A_379] : memref<10240x64xf32, #tpu.memory_space<vmem_shared>> -> memref<128x64xf32, #tpu.memory_space<vmem_shared>>
      %dma_wait3A_381 = arith.constant 0 : i32
      %dma_wait3A_382 = tpu.memref_slice %arg12[%add3A_196, %dma_wait3A_381] : memref<10240x64xf32, #tpu.memory_space<vmem_shared>> -> memref<128x64xf32, #tpu.memory_space<vmem_shared>>
      tpu.wait_dma2 semaphore(%run_scoped3A_374 : memref<!tpu.dma_semaphore, #tpu.memory_space<semaphore_mem>>) src(%arg11 : memref<128x64xf32, #tpu.memory_space<vmem>>) dst(%dma_wait3A_382 : memref<128x64xf32, #tpu.memory_space<vmem_shared>>)
      tpu.yield
    }) : () -> ()
    %mul3A_197 = arith.constant 640 : i32
    %mul3A_198 = arith.muli %arg1, %mul3A_197 : i32
    %add3A_199 = arith.constant 384 : i32
    %add3A_200 = arith.addi %mul3A_198, %add3A_199 : i32
    "tpu.region"() ({
      %run_scoped3A_374 = tpu.sem_alloc : memref<!tpu.dma_semaphore, #tpu.memory_space<semaphore_mem>>
      %dma_start3A_375 = arith.constant 0 : i32
      %dma_start3A_376 = tpu.memref_slice %arg12[%add3A_200, %dma_start3A_375] : memref<10240x64xf32, #tpu.memory_space<vmem_shared>> -> memref<128x64xf32, #tpu.memory_space<vmem_shared>>
      %dma_start3A_377 = arith.constant 0 : i32
      %dma_start3A_378 = tpu.memref_slice %arg12[%add3A_200, %dma_start3A_377] : memref<10240x64xf32, #tpu.memory_space<vmem_shared>> -> memref<128x64xf32, #tpu.memory_space<vmem_shared>>
      tpu.enqueue_dma source(%arg11 : memref<128x64xf32, #tpu.memory_space<vmem>>) target(%dma_start3A_378 : memref<128x64xf32, #tpu.memory_space<vmem_shared>>) target_semaphore(%run_scoped3A_374 : memref<!tpu.dma_semaphore, #tpu.memory_space<semaphore_mem>>)
      %dma_wait3A_379 = arith.constant 0 : i32
      %dma_wait3A_380 = tpu.memref_slice %arg12[%add3A_200, %dma_wait3A_379] : memref<10240x64xf32, #tpu.memory_space<vmem_shared>> -> memref<128x64xf32, #tpu.memory_space<vmem_shared>>
      %dma_wait3A_381 = arith.constant 0 : i32
      %dma_wait3A_382 = tpu.memref_slice %arg12[%add3A_200, %dma_wait3A_381] : memref<10240x64xf32, #tpu.memory_space<vmem_shared>> -> memref<128x64xf32, #tpu.memory_space<vmem_shared>>
      tpu.wait_dma2 semaphore(%run_scoped3A_374 : memref<!tpu.dma_semaphore, #tpu.memory_space<semaphore_mem>>) src(%arg11 : memref<128x64xf32, #tpu.memory_space<vmem>>) dst(%dma_wait3A_382 : memref<128x64xf32, #tpu.memory_space<vmem_shared>>)
      tpu.yield
    }) : () -> ()
    %mul3A_201 = arith.constant 640 : i32
    %mul3A_202 = arith.muli %arg1, %mul3A_201 : i32
    %add3A_203 = arith.constant 512 : i32
    %add3A_204 = arith.addi %mul3A_202, %add3A_203 : i32
    "tpu.region"() ({
      %run_scoped3A_374 = tpu.sem_alloc : memref<!tpu.dma_semaphore, #tpu.memory_space<semaphore_mem>>
      %dma_start3A_375 = arith.constant 0 : i32
      %dma_start3A_376 = tpu.memref_slice %arg12[%add3A_204, %dma_start3A_375] : memref<10240x64xf32, #tpu.memory_space<vmem_shared>> -> memref<128x64xf32, #tpu.memory_space<vmem_shared>>
      %dma_start3A_377 = arith.constant 0 : i32
      %dma_start3A_378 = tpu.memref_slice %arg12[%add3A_204, %dma_start3A_377] : memref<10240x64xf32, #tpu.memory_space<vmem_shared>> -> memref<128x64xf32, #tpu.memory_space<vmem_shared>>
      tpu.enqueue_dma source(%arg11 : memref<128x64xf32, #tpu.memory_space<vmem>>) target(%dma_start3A_378 : memref<128x64xf32, #tpu.memory_space<vmem_shared>>) target_semaphore(%run_scoped3A_374 : memref<!tpu.dma_semaphore, #tpu.memory_space<semaphore_mem>>)
      %dma_wait3A_379 = arith.constant 0 : i32
      %dma_wait3A_380 = tpu.memref_slice %arg12[%add3A_204, %dma_wait3A_379] : memref<10240x64xf32, #tpu.memory_space<vmem_shared>> -> memref<128x64xf32, #tpu.memory_space<vmem_shared>>
      %dma_wait3A_381 = arith.constant 0 : i32
      %dma_wait3A_382 = tpu.memref_slice %arg12[%add3A_204, %dma_wait3A_381] : memref<10240x64xf32, #tpu.memory_space<vmem_shared>> -> memref<128x64xf32, #tpu.memory_space<vmem_shared>>
      tpu.wait_dma2 semaphore(%run_scoped3A_374 : memref<!tpu.dma_semaphore, #tpu.memory_space<semaphore_mem>>) src(%arg11 : memref<128x64xf32, #tpu.memory_space<vmem>>) dst(%dma_wait3A_382 : memref<128x64xf32, #tpu.memory_space<vmem_shared>>)
      tpu.yield
    }) : () -> ()
    %barrier3A_205 = arith.constant 0 : index
    tpu.barrier barrier_id(%barrier3A_205)
    %dma_start3A_206 = arith.constant 0 : i32
    %dma_start3A_207 = arith.constant 0 : i32
    %dma_start3A_208 = arith.constant 0 : i32
    %dma_start3A_209 = arith.constant 0 : i32
    %dma_start3A_210 = arith.constant 0 : i32
    %dma_start3A_211 = tpu.memref_slice %arg10[%dma_start3A_207, %dma_start3A_208, %dma_start3A_209, %dma_start3A_210] : memref<2x3x128x64xf32, #tpu.memory_space<vmem>> -> memref<1x1x128x64xf32, #tpu.memory_space<vmem>>
    %dma_start3A_212 = tpu.memref_squeeze %dma_start3A_211 : memref<1x1x128x64xf32, #tpu.memory_space<vmem>> -> memref<128x64xf32, #tpu.memory_space<vmem>>
    %dma_start3A_213 = arith.constant 0 : i32
    %dma_start3A_214 = tpu.memref_slice %arg8[%dma_start3A_206, %dma_start3A_213] : memref<81x128xi32, #tpu.memory_space<vmem>> -> memref<1x128xi32, #tpu.memory_space<vmem>>
    %dma_start3A_215 = tpu.memref_squeeze %dma_start3A_214 : memref<1x128xi32, #tpu.memory_space<vmem>> -> memref<128xi32, #tpu.memory_space<vmem>>
    %dma_start3A_216 = arith.constant 0 : i32
    %dma_start3A_217 = arith.constant 0 : i32
    %dma_start3A_218 = tpu.memref_slice %arg3[%dma_start3A_216, %dma_start3A_217] : memref<10240x64xf32, #tpu.memory_space<hbm>> -> memref<10240x64xf32, #tpu.memory_space<hbm>>
    tpu.enqueue_indirect_dma source(%dma_start3A_218 : memref<10240x64xf32, #tpu.memory_space<hbm>>) target(%dma_start3A_212 : memref<128x64xf32, #tpu.memory_space<vmem>>) offsets(%dma_start3A_215 : memref<128xi32, #tpu.memory_space<vmem>>) semaphore(%arg13 : memref<!tpu.dma_semaphore, #tpu.memory_space<semaphore_mem>>)
    %dma_start3A_219 = arith.constant 1 : i32
    %dma_start3A_220 = arith.constant 0 : i32
    %dma_start3A_221 = arith.constant 1 : i32
    %dma_start3A_222 = arith.constant 0 : i32
    %dma_start3A_223 = arith.constant 0 : i32
    %dma_start3A_224 = tpu.memref_slice %arg10[%dma_start3A_220, %dma_start3A_221, %dma_start3A_222, %dma_start3A_223] : memref<2x3x128x64xf32, #tpu.memory_space<vmem>> -> memref<1x1x128x64xf32, #tpu.memory_space<vmem>>
    %dma_start3A_225 = tpu.memref_squeeze %dma_start3A_224 : memref<1x1x128x64xf32, #tpu.memory_space<vmem>> -> memref<128x64xf32, #tpu.memory_space<vmem>>
    %dma_start3A_226 = arith.constant 0 : i32
    %dma_start3A_227 = tpu.memref_slice %arg8[%dma_start3A_219, %dma_start3A_226] : memref<81x128xi32, #tpu.memory_space<vmem>> -> memref<1x128xi32, #tpu.memory_space<vmem>>
    %dma_start3A_228 = tpu.memref_squeeze %dma_start3A_227 : memref<1x128xi32, #tpu.memory_space<vmem>> -> memref<128xi32, #tpu.memory_space<vmem>>
    %dma_start3A_229 = arith.constant 0 : i32
    %dma_start3A_230 = arith.constant 0 : i32
    %dma_start3A_231 = tpu.memref_slice %arg3[%dma_start3A_229, %dma_start3A_230] : memref<10240x64xf32, #tpu.memory_space<hbm>> -> memref<10240x64xf32, #tpu.memory_space<hbm>>
    tpu.enqueue_indirect_dma source(%dma_start3A_231 : memref<10240x64xf32, #tpu.memory_space<hbm>>) target(%dma_start3A_225 : memref<128x64xf32, #tpu.memory_space<vmem>>) offsets(%dma_start3A_228 : memref<128xi32, #tpu.memory_space<vmem>>) semaphore(%arg13 : memref<!tpu.dma_semaphore, #tpu.memory_space<semaphore_mem>>)
    %dma_start3A_232 = arith.constant 2 : i32
    %dma_start3A_233 = arith.constant 0 : i32
    %dma_start3A_234 = arith.constant 2 : i32
    %dma_start3A_235 = arith.constant 0 : i32
    %dma_start3A_236 = arith.constant 0 : i32
    %dma_start3A_237 = tpu.memref_slice %arg10[%dma_start3A_233, %dma_start3A_234, %dma_start3A_235, %dma_start3A_236] : memref<2x3x128x64xf32, #tpu.memory_space<vmem>> -> memref<1x1x128x64xf32, #tpu.memory_space<vmem>>
    %dma_start3A_238 = tpu.memref_squeeze %dma_start3A_237 : memref<1x1x128x64xf32, #tpu.memory_space<vmem>> -> memref<128x64xf32, #tpu.memory_space<vmem>>
    %dma_start3A_239 = arith.constant 0 : i32
    %dma_start3A_240 = tpu.memref_slice %arg8[%dma_start3A_232, %dma_start3A_239] : memref<81x128xi32, #tpu.memory_space<vmem>> -> memref<1x128xi32, #tpu.memory_space<vmem>>
    %dma_start3A_241 = tpu.memref_squeeze %dma_start3A_240 : memref<1x128xi32, #tpu.memory_space<vmem>> -> memref<128xi32, #tpu.memory_space<vmem>>
    %dma_start3A_242 = arith.constant 0 : i32
    %dma_start3A_243 = arith.constant 0 : i32
    %dma_start3A_244 = tpu.memref_slice %arg3[%dma_start3A_242, %dma_start3A_243] : memref<10240x64xf32, #tpu.memory_space<hbm>> -> memref<10240x64xf32, #tpu.memory_space<hbm>>
    tpu.enqueue_indirect_dma source(%dma_start3A_244 : memref<10240x64xf32, #tpu.memory_space<hbm>>) target(%dma_start3A_238 : memref<128x64xf32, #tpu.memory_space<vmem>>) offsets(%dma_start3A_241 : memref<128xi32, #tpu.memory_space<vmem>>) semaphore(%arg13 : memref<!tpu.dma_semaphore, #tpu.memory_space<semaphore_mem>>)
    %scan3A_245 = arith.constant 0 : i32
    %scan3A_246 = arith.constant 0 : i32
    %scan3A_247 = arith.constant 13 : i32
    %scan3A_248 = arith.addi %scan3A_246, %scan3A_247 : i32
    %scan3A_249 = arith.constant 1 : i32
    scf.for %scan3A_374 = %scan3A_246 to %scan3A_248 step %scan3A_249  : i32 {
      %mul3A_375 = arith.constant 2 : i32
      %mul3A_376 = arith.muli %mul3A_375, %scan3A_374 : i32
      %mul3A_377 = arith.constant 2 : i32
      %mul3A_378 = arith.muli %mul3A_377, %scan3A_374 : i32
      %add3A_379 = arith.constant 1 : i32
      %add3A_380 = arith.addi %mul3A_378, %add3A_379 : i32
      %mul3A_381 = arith.constant 3 : i32
      %mul3A_382 = arith.muli %mul3A_376, %mul3A_381 : i32
      %add3A_383 = arith.constant 0 : i32
      %add3A_384 = arith.addi %mul3A_382, %add3A_383 : i32
      %dma_wait3A_385 = arith.constant 0 : i32
      %dma_wait3A_386 = arith.constant 0 : i32
      %dma_wait3A_387 = arith.constant 0 : i32
      %dma_wait3A_388 = arith.constant 0 : i32
      %dma_wait3A_389 = tpu.memref_slice %arg10[%dma_wait3A_385, %dma_wait3A_386, %dma_wait3A_387, %dma_wait3A_388] : memref<2x3x128x64xf32, #tpu.memory_space<vmem>> -> memref<1x1x128x64xf32, #tpu.memory_space<vmem>>
      %dma_wait3A_390 = tpu.memref_squeeze %dma_wait3A_389 : memref<1x1x128x64xf32, #tpu.memory_space<vmem>> -> memref<128x64xf32, #tpu.memory_space<vmem>>
      %dma_wait3A_391 = arith.constant 0 : i32
      %dma_wait3A_392 = tpu.memref_slice %arg8[%add3A_384, %dma_wait3A_391] : memref<81x128xi32, #tpu.memory_space<vmem>> -> memref<1x128xi32, #tpu.memory_space<vmem>>
      %dma_wait3A_393 = tpu.memref_squeeze %dma_wait3A_392 : memref<1x128xi32, #tpu.memory_space<vmem>> -> memref<128xi32, #tpu.memory_space<vmem>>
      %dma_wait3A_394 = arith.constant 0 : i32
      %dma_wait3A_395 = arith.constant 0 : i32
      %dma_wait3A_396 = tpu.memref_slice %arg3[%dma_wait3A_394, %dma_wait3A_395] : memref<10240x64xf32, #tpu.memory_space<hbm>> -> memref<10240x64xf32, #tpu.memory_space<hbm>>
      tpu.wait_indirect_dma semaphore(%arg13 : memref<!tpu.dma_semaphore, #tpu.memory_space<semaphore_mem>>) src(%dma_wait3A_396 : memref<10240x64xf32, #tpu.memory_space<hbm>>) dst(%dma_wait3A_390 : memref<128x64xf32, #tpu.memory_space<vmem>>)
      %mul3A_397 = arith.constant 3 : i32
      %mul3A_398 = arith.muli %mul3A_376, %mul3A_397 : i32
      %add3A_399 = arith.constant 1 : i32
      %add3A_400 = arith.addi %mul3A_398, %add3A_399 : i32
      %dma_wait3A_401 = arith.constant 0 : i32
      %dma_wait3A_402 = arith.constant 1 : i32
      %dma_wait3A_403 = arith.constant 0 : i32
      %dma_wait3A_404 = arith.constant 0 : i32
      %dma_wait3A_405 = tpu.memref_slice %arg10[%dma_wait3A_401, %dma_wait3A_402, %dma_wait3A_403, %dma_wait3A_404] : memref<2x3x128x64xf32, #tpu.memory_space<vmem>> -> memref<1x1x128x64xf32, #tpu.memory_space<vmem>>
      %dma_wait3A_406 = tpu.memref_squeeze %dma_wait3A_405 : memref<1x1x128x64xf32, #tpu.memory_space<vmem>> -> memref<128x64xf32, #tpu.memory_space<vmem>>
      %dma_wait3A_407 = arith.constant 0 : i32
      %dma_wait3A_408 = tpu.memref_slice %arg8[%add3A_400, %dma_wait3A_407] : memref<81x128xi32, #tpu.memory_space<vmem>> -> memref<1x128xi32, #tpu.memory_space<vmem>>
      %dma_wait3A_409 = tpu.memref_squeeze %dma_wait3A_408 : memref<1x128xi32, #tpu.memory_space<vmem>> -> memref<128xi32, #tpu.memory_space<vmem>>
      %dma_wait3A_410 = arith.constant 0 : i32
      %dma_wait3A_411 = arith.constant 0 : i32
      %dma_wait3A_412 = tpu.memref_slice %arg3[%dma_wait3A_410, %dma_wait3A_411] : memref<10240x64xf32, #tpu.memory_space<hbm>> -> memref<10240x64xf32, #tpu.memory_space<hbm>>
      tpu.wait_indirect_dma semaphore(%arg13 : memref<!tpu.dma_semaphore, #tpu.memory_space<semaphore_mem>>) src(%dma_wait3A_412 : memref<10240x64xf32, #tpu.memory_space<hbm>>) dst(%dma_wait3A_406 : memref<128x64xf32, #tpu.memory_space<vmem>>)
      %mul3A_413 = arith.constant 3 : i32
      %mul3A_414 = arith.muli %mul3A_376, %mul3A_413 : i32
      %add3A_415 = arith.constant 2 : i32
      %add3A_416 = arith.addi %mul3A_414, %add3A_415 : i32
      %dma_wait3A_417 = arith.constant 0 : i32
      %dma_wait3A_418 = arith.constant 2 : i32
      %dma_wait3A_419 = arith.constant 0 : i32
      %dma_wait3A_420 = arith.constant 0 : i32
      %dma_wait3A_421 = tpu.memref_slice %arg10[%dma_wait3A_417, %dma_wait3A_418, %dma_wait3A_419, %dma_wait3A_420] : memref<2x3x128x64xf32, #tpu.memory_space<vmem>> -> memref<1x1x128x64xf32, #tpu.memory_space<vmem>>
      %dma_wait3A_422 = tpu.memref_squeeze %dma_wait3A_421 : memref<1x1x128x64xf32, #tpu.memory_space<vmem>> -> memref<128x64xf32, #tpu.memory_space<vmem>>
      %dma_wait3A_423 = arith.constant 0 : i32
      %dma_wait3A_424 = tpu.memref_slice %arg8[%add3A_416, %dma_wait3A_423] : memref<81x128xi32, #tpu.memory_space<vmem>> -> memref<1x128xi32, #tpu.memory_space<vmem>>
      %dma_wait3A_425 = tpu.memref_squeeze %dma_wait3A_424 : memref<1x128xi32, #tpu.memory_space<vmem>> -> memref<128xi32, #tpu.memory_space<vmem>>
      %dma_wait3A_426 = arith.constant 0 : i32
      %dma_wait3A_427 = arith.constant 0 : i32
      %dma_wait3A_428 = tpu.memref_slice %arg3[%dma_wait3A_426, %dma_wait3A_427] : memref<10240x64xf32, #tpu.memory_space<hbm>> -> memref<10240x64xf32, #tpu.memory_space<hbm>>
      tpu.wait_indirect_dma semaphore(%arg13 : memref<!tpu.dma_semaphore, #tpu.memory_space<semaphore_mem>>) src(%dma_wait3A_428 : memref<10240x64xf32, #tpu.memory_space<hbm>>) dst(%dma_wait3A_422 : memref<128x64xf32, #tpu.memory_space<vmem>>)
      %mul3A_429 = arith.constant 3 : i32
      %mul3A_430 = arith.muli %add3A_380, %mul3A_429 : i32
      %add3A_431 = arith.constant 0 : i32
      %add3A_432 = arith.addi %mul3A_430, %add3A_431 : i32
      %dma_start3A_433 = arith.constant 1 : i32
      %dma_start3A_434 = arith.constant 0 : i32
      %dma_start3A_435 = arith.constant 0 : i32
      %dma_start3A_436 = arith.constant 0 : i32
      %dma_start3A_437 = tpu.memref_slice %arg10[%dma_start3A_433, %dma_start3A_434, %dma_start3A_435, %dma_start3A_436] : memref<2x3x128x64xf32, #tpu.memory_space<vmem>> -> memref<1x1x128x64xf32, #tpu.memory_space<vmem>>
      %dma_start3A_438 = tpu.memref_squeeze %dma_start3A_437 : memref<1x1x128x64xf32, #tpu.memory_space<vmem>> -> memref<128x64xf32, #tpu.memory_space<vmem>>
      %dma_start3A_439 = arith.constant 0 : i32
      %dma_start3A_440 = tpu.memref_slice %arg8[%add3A_432, %dma_start3A_439] : memref<81x128xi32, #tpu.memory_space<vmem>> -> memref<1x128xi32, #tpu.memory_space<vmem>>
      %dma_start3A_441 = tpu.memref_squeeze %dma_start3A_440 : memref<1x128xi32, #tpu.memory_space<vmem>> -> memref<128xi32, #tpu.memory_space<vmem>>
      %dma_start3A_442 = arith.constant 0 : i32
      %dma_start3A_443 = arith.constant 0 : i32
      %dma_start3A_444 = tpu.memref_slice %arg3[%dma_start3A_442, %dma_start3A_443] : memref<10240x64xf32, #tpu.memory_space<hbm>> -> memref<10240x64xf32, #tpu.memory_space<hbm>>
      tpu.enqueue_indirect_dma source(%dma_start3A_444 : memref<10240x64xf32, #tpu.memory_space<hbm>>) target(%dma_start3A_438 : memref<128x64xf32, #tpu.memory_space<vmem>>) offsets(%dma_start3A_441 : memref<128xi32, #tpu.memory_space<vmem>>) semaphore(%arg14 : memref<!tpu.dma_semaphore, #tpu.memory_space<semaphore_mem>>)
      %mul3A_445 = arith.constant 3 : i32
      %mul3A_446 = arith.muli %add3A_380, %mul3A_445 : i32
      %add3A_447 = arith.constant 1 : i32
      %add3A_448 = arith.addi %mul3A_446, %add3A_447 : i32
      %dma_start3A_449 = arith.constant 1 : i32
      %dma_start3A_450 = arith.constant 1 : i32
      %dma_start3A_451 = arith.constant 0 : i32
      %dma_start3A_452 = arith.constant 0 : i32
      %dma_start3A_453 = tpu.memref_slice %arg10[%dma_start3A_449, %dma_start3A_450, %dma_start3A_451, %dma_start3A_452] : memref<2x3x128x64xf32, #tpu.memory_space<vmem>> -> memref<1x1x128x64xf32, #tpu.memory_space<vmem>>
      %dma_start3A_454 = tpu.memref_squeeze %dma_start3A_453 : memref<1x1x128x64xf32, #tpu.memory_space<vmem>> -> memref<128x64xf32, #tpu.memory_space<vmem>>
      %dma_start3A_455 = arith.constant 0 : i32
      %dma_start3A_456 = tpu.memref_slice %arg8[%add3A_448, %dma_start3A_455] : memref<81x128xi32, #tpu.memory_space<vmem>> -> memref<1x128xi32, #tpu.memory_space<vmem>>
      %dma_start3A_457 = tpu.memref_squeeze %dma_start3A_456 : memref<1x128xi32, #tpu.memory_space<vmem>> -> memref<128xi32, #tpu.memory_space<vmem>>
      %dma_start3A_458 = arith.constant 0 : i32
      %dma_start3A_459 = arith.constant 0 : i32
      %dma_start3A_460 = tpu.memref_slice %arg3[%dma_start3A_458, %dma_start3A_459] : memref<10240x64xf32, #tpu.memory_space<hbm>> -> memref<10240x64xf32, #tpu.memory_space<hbm>>
      tpu.enqueue_indirect_dma source(%dma_start3A_460 : memref<10240x64xf32, #tpu.memory_space<hbm>>) target(%dma_start3A_454 : memref<128x64xf32, #tpu.memory_space<vmem>>) offsets(%dma_start3A_457 : memref<128xi32, #tpu.memory_space<vmem>>) semaphore(%arg14 : memref<!tpu.dma_semaphore, #tpu.memory_space<semaphore_mem>>)
      %mul3A_461 = arith.constant 3 : i32
      %mul3A_462 = arith.muli %add3A_380, %mul3A_461 : i32
      %add3A_463 = arith.constant 2 : i32
      %add3A_464 = arith.addi %mul3A_462, %add3A_463 : i32
      %dma_start3A_465 = arith.constant 1 : i32
      %dma_start3A_466 = arith.constant 2 : i32
      %dma_start3A_467 = arith.constant 0 : i32
      %dma_start3A_468 = arith.constant 0 : i32
      %dma_start3A_469 = tpu.memref_slice %arg10[%dma_start3A_465, %dma_start3A_466, %dma_start3A_467, %dma_start3A_468] : memref<2x3x128x64xf32, #tpu.memory_space<vmem>> -> memref<1x1x128x64xf32, #tpu.memory_space<vmem>>
      %dma_start3A_470 = tpu.memref_squeeze %dma_start3A_469 : memref<1x1x128x64xf32, #tpu.memory_space<vmem>> -> memref<128x64xf32, #tpu.memory_space<vmem>>
      %dma_start3A_471 = arith.constant 0 : i32
      %dma_start3A_472 = tpu.memref_slice %arg8[%add3A_464, %dma_start3A_471] : memref<81x128xi32, #tpu.memory_space<vmem>> -> memref<1x128xi32, #tpu.memory_space<vmem>>
      %dma_start3A_473 = tpu.memref_squeeze %dma_start3A_472 : memref<1x128xi32, #tpu.memory_space<vmem>> -> memref<128xi32, #tpu.memory_space<vmem>>
      %dma_start3A_474 = arith.constant 0 : i32
      %dma_start3A_475 = arith.constant 0 : i32
      %dma_start3A_476 = tpu.memref_slice %arg3[%dma_start3A_474, %dma_start3A_475] : memref<10240x64xf32, #tpu.memory_space<hbm>> -> memref<10240x64xf32, #tpu.memory_space<hbm>>
      tpu.enqueue_indirect_dma source(%dma_start3A_476 : memref<10240x64xf32, #tpu.memory_space<hbm>>) target(%dma_start3A_470 : memref<128x64xf32, #tpu.memory_space<vmem>>) offsets(%dma_start3A_473 : memref<128xi32, #tpu.memory_space<vmem>>) semaphore(%arg14 : memref<!tpu.dma_semaphore, #tpu.memory_space<semaphore_mem>>)
      %mul3A_477 = arith.constant 3 : i32
      %mul3A_478 = arith.muli %mul3A_376, %mul3A_477 : i32
      %add3A_479 = arith.constant 0 : i32
      %add3A_480 = arith.addi %mul3A_478, %add3A_479 : i32
      %dma_start3A_481 = arith.constant 0 : i32
      %dma_start3A_482 = arith.constant 0 : i32
      %dma_start3A_483 = arith.constant 0 : i32
      %dma_start3A_484 = arith.constant 0 : i32
      %dma_start3A_485 = tpu.memref_slice %arg10[%dma_start3A_481, %dma_start3A_482, %dma_start3A_483, %dma_start3A_484] : memref<2x3x128x64xf32, #tpu.memory_space<vmem>> -> memref<1x1x128x64xf32, #tpu.memory_space<vmem>>
      %dma_start3A_486 = tpu.memref_squeeze %dma_start3A_485 : memref<1x1x128x64xf32, #tpu.memory_space<vmem>> -> memref<128x64xf32, #tpu.memory_space<vmem>>
      %dma_start3A_487 = arith.constant 0 : i32
      %dma_start3A_488 = tpu.memref_slice %arg9[%add3A_480, %dma_start3A_487] : memref<81x128xi32, #tpu.memory_space<vmem>> -> memref<1x128xi32, #tpu.memory_space<vmem>>
      %dma_start3A_489 = tpu.memref_squeeze %dma_start3A_488 : memref<1x128xi32, #tpu.memory_space<vmem>> -> memref<128xi32, #tpu.memory_space<vmem>>
      %dma_start3A_490 = arith.constant 0 : i32
      %dma_start3A_491 = arith.constant 0 : i32
      %dma_start3A_492 = tpu.memref_slice %arg12[%dma_start3A_490, %dma_start3A_491] : memref<10240x64xf32, #tpu.memory_space<vmem_shared>> -> memref<10240x64xf32, #tpu.memory_space<vmem_shared>>
      tpu.enqueue_indirect_dma source(%dma_start3A_486 : memref<128x64xf32, #tpu.memory_space<vmem>>) target(%dma_start3A_492 : memref<10240x64xf32, #tpu.memory_space<vmem_shared>>) offsets(%dma_start3A_489 : memref<128xi32, #tpu.memory_space<vmem>>) semaphore(%arg15 : memref<!tpu.dma_semaphore, #tpu.memory_space<semaphore_mem>>) {add = true}
      %mul3A_493 = arith.constant 3 : i32
      %mul3A_494 = arith.muli %mul3A_376, %mul3A_493 : i32
      %add3A_495 = arith.constant 1 : i32
      %add3A_496 = arith.addi %mul3A_494, %add3A_495 : i32
      %dma_start3A_497 = arith.constant 0 : i32
      %dma_start3A_498 = arith.constant 1 : i32
      %dma_start3A_499 = arith.constant 0 : i32
      %dma_start3A_500 = arith.constant 0 : i32
      %dma_start3A_501 = tpu.memref_slice %arg10[%dma_start3A_497, %dma_start3A_498, %dma_start3A_499, %dma_start3A_500] : memref<2x3x128x64xf32, #tpu.memory_space<vmem>> -> memref<1x1x128x64xf32, #tpu.memory_space<vmem>>
      %dma_start3A_502 = tpu.memref_squeeze %dma_start3A_501 : memref<1x1x128x64xf32, #tpu.memory_space<vmem>> -> memref<128x64xf32, #tpu.memory_space<vmem>>
      %dma_start3A_503 = arith.constant 0 : i32
      %dma_start3A_504 = tpu.memref_slice %arg9[%add3A_496, %dma_start3A_503] : memref<81x128xi32, #tpu.memory_space<vmem>> -> memref<1x128xi32, #tpu.memory_space<vmem>>
      %dma_start3A_505 = tpu.memref_squeeze %dma_start3A_504 : memref<1x128xi32, #tpu.memory_space<vmem>> -> memref<128xi32, #tpu.memory_space<vmem>>
      %dma_start3A_506 = arith.constant 0 : i32
      %dma_start3A_507 = arith.constant 0 : i32
      %dma_start3A_508 = tpu.memref_slice %arg12[%dma_start3A_506, %dma_start3A_507] : memref<10240x64xf32, #tpu.memory_space<vmem_shared>> -> memref<10240x64xf32, #tpu.memory_space<vmem_shared>>
      tpu.enqueue_indirect_dma source(%dma_start3A_502 : memref<128x64xf32, #tpu.memory_space<vmem>>) target(%dma_start3A_508 : memref<10240x64xf32, #tpu.memory_space<vmem_shared>>) offsets(%dma_start3A_505 : memref<128xi32, #tpu.memory_space<vmem>>) semaphore(%arg15 : memref<!tpu.dma_semaphore, #tpu.memory_space<semaphore_mem>>) {add = true}
      %mul3A_509 = arith.constant 3 : i32
      %mul3A_510 = arith.muli %mul3A_376, %mul3A_509 : i32
      %add3A_511 = arith.constant 2 : i32
      %add3A_512 = arith.addi %mul3A_510, %add3A_511 : i32
      %dma_start3A_513 = arith.constant 0 : i32
      %dma_start3A_514 = arith.constant 2 : i32
      %dma_start3A_515 = arith.constant 0 : i32
      %dma_start3A_516 = arith.constant 0 : i32
      %dma_start3A_517 = tpu.memref_slice %arg10[%dma_start3A_513, %dma_start3A_514, %dma_start3A_515, %dma_start3A_516] : memref<2x3x128x64xf32, #tpu.memory_space<vmem>> -> memref<1x1x128x64xf32, #tpu.memory_space<vmem>>
      %dma_start3A_518 = tpu.memref_squeeze %dma_start3A_517 : memref<1x1x128x64xf32, #tpu.memory_space<vmem>> -> memref<128x64xf32, #tpu.memory_space<vmem>>
      %dma_start3A_519 = arith.constant 0 : i32
      %dma_start3A_520 = tpu.memref_slice %arg9[%add3A_512, %dma_start3A_519] : memref<81x128xi32, #tpu.memory_space<vmem>> -> memref<1x128xi32, #tpu.memory_space<vmem>>
      %dma_start3A_521 = tpu.memref_squeeze %dma_start3A_520 : memref<1x128xi32, #tpu.memory_space<vmem>> -> memref<128xi32, #tpu.memory_space<vmem>>
      %dma_start3A_522 = arith.constant 0 : i32
      %dma_start3A_523 = arith.constant 0 : i32
      %dma_start3A_524 = tpu.memref_slice %arg12[%dma_start3A_522, %dma_start3A_523] : memref<10240x64xf32, #tpu.memory_space<vmem_shared>> -> memref<10240x64xf32, #tpu.memory_space<vmem_shared>>
      tpu.enqueue_indirect_dma source(%dma_start3A_518 : memref<128x64xf32, #tpu.memory_space<vmem>>) target(%dma_start3A_524 : memref<10240x64xf32, #tpu.memory_space<vmem_shared>>) offsets(%dma_start3A_521 : memref<128xi32, #tpu.memory_space<vmem>>) semaphore(%arg15 : memref<!tpu.dma_semaphore, #tpu.memory_space<semaphore_mem>>) {add = true}
      %mul3A_525 = arith.constant 3 : i32
      %mul3A_526 = arith.muli %mul3A_376, %mul3A_525 : i32
      %add3A_527 = arith.constant 0 : i32
      %add3A_528 = arith.addi %mul3A_526, %add3A_527 : i32
      %dma_wait3A_529 = arith.constant 0 : i32
      %dma_wait3A_530 = arith.constant 0 : i32
      %dma_wait3A_531 = arith.constant 0 : i32
      %dma_wait3A_532 = arith.constant 0 : i32
      %dma_wait3A_533 = tpu.memref_slice %arg10[%dma_wait3A_529, %dma_wait3A_530, %dma_wait3A_531, %dma_wait3A_532] : memref<2x3x128x64xf32, #tpu.memory_space<vmem>> -> memref<1x1x128x64xf32, #tpu.memory_space<vmem>>
      %dma_wait3A_534 = tpu.memref_squeeze %dma_wait3A_533 : memref<1x1x128x64xf32, #tpu.memory_space<vmem>> -> memref<128x64xf32, #tpu.memory_space<vmem>>
      %dma_wait3A_535 = arith.constant 0 : i32
      %dma_wait3A_536 = tpu.memref_slice %arg9[%add3A_528, %dma_wait3A_535] : memref<81x128xi32, #tpu.memory_space<vmem>> -> memref<1x128xi32, #tpu.memory_space<vmem>>
      %dma_wait3A_537 = tpu.memref_squeeze %dma_wait3A_536 : memref<1x128xi32, #tpu.memory_space<vmem>> -> memref<128xi32, #tpu.memory_space<vmem>>
      %dma_wait3A_538 = arith.constant 0 : i32
      %dma_wait3A_539 = arith.constant 0 : i32
      %dma_wait3A_540 = tpu.memref_slice %arg12[%dma_wait3A_538, %dma_wait3A_539] : memref<10240x64xf32, #tpu.memory_space<vmem_shared>> -> memref<10240x64xf32, #tpu.memory_space<vmem_shared>>
      tpu.wait_indirect_dma semaphore(%arg15 : memref<!tpu.dma_semaphore, #tpu.memory_space<semaphore_mem>>) src(%dma_wait3A_534 : memref<128x64xf32, #tpu.memory_space<vmem>>) dst(%dma_wait3A_540 : memref<10240x64xf32, #tpu.memory_space<vmem_shared>>)
      %mul3A_541 = arith.constant 3 : i32
      %mul3A_542 = arith.muli %mul3A_376, %mul3A_541 : i32
      %add3A_543 = arith.constant 1 : i32
      %add3A_544 = arith.addi %mul3A_542, %add3A_543 : i32
      %dma_wait3A_545 = arith.constant 0 : i32
      %dma_wait3A_546 = arith.constant 1 : i32
      %dma_wait3A_547 = arith.constant 0 : i32
      %dma_wait3A_548 = arith.constant 0 : i32
      %dma_wait3A_549 = tpu.memref_slice %arg10[%dma_wait3A_545, %dma_wait3A_546, %dma_wait3A_547, %dma_wait3A_548] : memref<2x3x128x64xf32, #tpu.memory_space<vmem>> -> memref<1x1x128x64xf32, #tpu.memory_space<vmem>>
      %dma_wait3A_550 = tpu.memref_squeeze %dma_wait3A_549 : memref<1x1x128x64xf32, #tpu.memory_space<vmem>> -> memref<128x64xf32, #tpu.memory_space<vmem>>
      %dma_wait3A_551 = arith.constant 0 : i32
      %dma_wait3A_552 = tpu.memref_slice %arg9[%add3A_544, %dma_wait3A_551] : memref<81x128xi32, #tpu.memory_space<vmem>> -> memref<1x128xi32, #tpu.memory_space<vmem>>
      %dma_wait3A_553 = tpu.memref_squeeze %dma_wait3A_552 : memref<1x128xi32, #tpu.memory_space<vmem>> -> memref<128xi32, #tpu.memory_space<vmem>>
      %dma_wait3A_554 = arith.constant 0 : i32
      %dma_wait3A_555 = arith.constant 0 : i32
      %dma_wait3A_556 = tpu.memref_slice %arg12[%dma_wait3A_554, %dma_wait3A_555] : memref<10240x64xf32, #tpu.memory_space<vmem_shared>> -> memref<10240x64xf32, #tpu.memory_space<vmem_shared>>
      tpu.wait_indirect_dma semaphore(%arg15 : memref<!tpu.dma_semaphore, #tpu.memory_space<semaphore_mem>>) src(%dma_wait3A_550 : memref<128x64xf32, #tpu.memory_space<vmem>>) dst(%dma_wait3A_556 : memref<10240x64xf32, #tpu.memory_space<vmem_shared>>)
      %mul3A_557 = arith.constant 3 : i32
      %mul3A_558 = arith.muli %mul3A_376, %mul3A_557 : i32
      %add3A_559 = arith.constant 2 : i32
      %add3A_560 = arith.addi %mul3A_558, %add3A_559 : i32
      %dma_wait3A_561 = arith.constant 0 : i32
      %dma_wait3A_562 = arith.constant 2 : i32
      %dma_wait3A_563 = arith.constant 0 : i32
      %dma_wait3A_564 = arith.constant 0 : i32
      %dma_wait3A_565 = tpu.memref_slice %arg10[%dma_wait3A_561, %dma_wait3A_562, %dma_wait3A_563, %dma_wait3A_564] : memref<2x3x128x64xf32, #tpu.memory_space<vmem>> -> memref<1x1x128x64xf32, #tpu.memory_space<vmem>>
      %dma_wait3A_566 = tpu.memref_squeeze %dma_wait3A_565 : memref<1x1x128x64xf32, #tpu.memory_space<vmem>> -> memref<128x64xf32, #tpu.memory_space<vmem>>
      %dma_wait3A_567 = arith.constant 0 : i32
      %dma_wait3A_568 = tpu.memref_slice %arg9[%add3A_560, %dma_wait3A_567] : memref<81x128xi32, #tpu.memory_space<vmem>> -> memref<1x128xi32, #tpu.memory_space<vmem>>
      %dma_wait3A_569 = tpu.memref_squeeze %dma_wait3A_568 : memref<1x128xi32, #tpu.memory_space<vmem>> -> memref<128xi32, #tpu.memory_space<vmem>>
      %dma_wait3A_570 = arith.constant 0 : i32
      %dma_wait3A_571 = arith.constant 0 : i32
      %dma_wait3A_572 = tpu.memref_slice %arg12[%dma_wait3A_570, %dma_wait3A_571] : memref<10240x64xf32, #tpu.memory_space<vmem_shared>> -> memref<10240x64xf32, #tpu.memory_space<vmem_shared>>
      tpu.wait_indirect_dma semaphore(%arg15 : memref<!tpu.dma_semaphore, #tpu.memory_space<semaphore_mem>>) src(%dma_wait3A_566 : memref<128x64xf32, #tpu.memory_space<vmem>>) dst(%dma_wait3A_572 : memref<10240x64xf32, #tpu.memory_space<vmem_shared>>)
      %mul3A_573 = arith.constant 3 : i32
      %mul3A_574 = arith.muli %add3A_380, %mul3A_573 : i32
      %add3A_575 = arith.constant 0 : i32
      %add3A_576 = arith.addi %mul3A_574, %add3A_575 : i32
      %dma_wait3A_577 = arith.constant 1 : i32
      %dma_wait3A_578 = arith.constant 0 : i32
      %dma_wait3A_579 = arith.constant 0 : i32
      %dma_wait3A_580 = arith.constant 0 : i32
      %dma_wait3A_581 = tpu.memref_slice %arg10[%dma_wait3A_577, %dma_wait3A_578, %dma_wait3A_579, %dma_wait3A_580] : memref<2x3x128x64xf32, #tpu.memory_space<vmem>> -> memref<1x1x128x64xf32, #tpu.memory_space<vmem>>
      %dma_wait3A_582 = tpu.memref_squeeze %dma_wait3A_581 : memref<1x1x128x64xf32, #tpu.memory_space<vmem>> -> memref<128x64xf32, #tpu.memory_space<vmem>>
      %dma_wait3A_583 = arith.constant 0 : i32
      %dma_wait3A_584 = tpu.memref_slice %arg8[%add3A_576, %dma_wait3A_583] : memref<81x128xi32, #tpu.memory_space<vmem>> -> memref<1x128xi32, #tpu.memory_space<vmem>>
      %dma_wait3A_585 = tpu.memref_squeeze %dma_wait3A_584 : memref<1x128xi32, #tpu.memory_space<vmem>> -> memref<128xi32, #tpu.memory_space<vmem>>
      %dma_wait3A_586 = arith.constant 0 : i32
      %dma_wait3A_587 = arith.constant 0 : i32
      %dma_wait3A_588 = tpu.memref_slice %arg3[%dma_wait3A_586, %dma_wait3A_587] : memref<10240x64xf32, #tpu.memory_space<hbm>> -> memref<10240x64xf32, #tpu.memory_space<hbm>>
      tpu.wait_indirect_dma semaphore(%arg14 : memref<!tpu.dma_semaphore, #tpu.memory_space<semaphore_mem>>) src(%dma_wait3A_588 : memref<10240x64xf32, #tpu.memory_space<hbm>>) dst(%dma_wait3A_582 : memref<128x64xf32, #tpu.memory_space<vmem>>)
      %mul3A_589 = arith.constant 3 : i32
      %mul3A_590 = arith.muli %add3A_380, %mul3A_589 : i32
      %add3A_591 = arith.constant 1 : i32
      %add3A_592 = arith.addi %mul3A_590, %add3A_591 : i32
      %dma_wait3A_593 = arith.constant 1 : i32
      %dma_wait3A_594 = arith.constant 1 : i32
      %dma_wait3A_595 = arith.constant 0 : i32
      %dma_wait3A_596 = arith.constant 0 : i32
      %dma_wait3A_597 = tpu.memref_slice %arg10[%dma_wait3A_593, %dma_wait3A_594, %dma_wait3A_595, %dma_wait3A_596] : memref<2x3x128x64xf32, #tpu.memory_space<vmem>> -> memref<1x1x128x64xf32, #tpu.memory_space<vmem>>
      %dma_wait3A_598 = tpu.memref_squeeze %dma_wait3A_597 : memref<1x1x128x64xf32, #tpu.memory_space<vmem>> -> memref<128x64xf32, #tpu.memory_space<vmem>>
      %dma_wait3A_599 = arith.constant 0 : i32
      %dma_wait3A_600 = tpu.memref_slice %arg8[%add3A_592, %dma_wait3A_599] : memref<81x128xi32, #tpu.memory_space<vmem>> -> memref<1x128xi32, #tpu.memory_space<vmem>>
      %dma_wait3A_601 = tpu.memref_squeeze %dma_wait3A_600 : memref<1x128xi32, #tpu.memory_space<vmem>> -> memref<128xi32, #tpu.memory_space<vmem>>
      %dma_wait3A_602 = arith.constant 0 : i32
      %dma_wait3A_603 = arith.constant 0 : i32
      %dma_wait3A_604 = tpu.memref_slice %arg3[%dma_wait3A_602, %dma_wait3A_603] : memref<10240x64xf32, #tpu.memory_space<hbm>> -> memref<10240x64xf32, #tpu.memory_space<hbm>>
      tpu.wait_indirect_dma semaphore(%arg14 : memref<!tpu.dma_semaphore, #tpu.memory_space<semaphore_mem>>) src(%dma_wait3A_604 : memref<10240x64xf32, #tpu.memory_space<hbm>>) dst(%dma_wait3A_598 : memref<128x64xf32, #tpu.memory_space<vmem>>)
      %mul3A_605 = arith.constant 3 : i32
      %mul3A_606 = arith.muli %add3A_380, %mul3A_605 : i32
      %add3A_607 = arith.constant 2 : i32
      %add3A_608 = arith.addi %mul3A_606, %add3A_607 : i32
      %dma_wait3A_609 = arith.constant 1 : i32
      %dma_wait3A_610 = arith.constant 2 : i32
      %dma_wait3A_611 = arith.constant 0 : i32
      %dma_wait3A_612 = arith.constant 0 : i32
      %dma_wait3A_613 = tpu.memref_slice %arg10[%dma_wait3A_609, %dma_wait3A_610, %dma_wait3A_611, %dma_wait3A_612] : memref<2x3x128x64xf32, #tpu.memory_space<vmem>> -> memref<1x1x128x64xf32, #tpu.memory_space<vmem>>
      %dma_wait3A_614 = tpu.memref_squeeze %dma_wait3A_613 : memref<1x1x128x64xf32, #tpu.memory_space<vmem>> -> memref<128x64xf32, #tpu.memory_space<vmem>>
      %dma_wait3A_615 = arith.constant 0 : i32
      %dma_wait3A_616 = tpu.memref_slice %arg8[%add3A_608, %dma_wait3A_615] : memref<81x128xi32, #tpu.memory_space<vmem>> -> memref<1x128xi32, #tpu.memory_space<vmem>>
      %dma_wait3A_617 = tpu.memref_squeeze %dma_wait3A_616 : memref<1x128xi32, #tpu.memory_space<vmem>> -> memref<128xi32, #tpu.memory_space<vmem>>
      %dma_wait3A_618 = arith.constant 0 : i32
      %dma_wait3A_619 = arith.constant 0 : i32
      %dma_wait3A_620 = tpu.memref_slice %arg3[%dma_wait3A_618, %dma_wait3A_619] : memref<10240x64xf32, #tpu.memory_space<hbm>> -> memref<10240x64xf32, #tpu.memory_space<hbm>>
      tpu.wait_indirect_dma semaphore(%arg14 : memref<!tpu.dma_semaphore, #tpu.memory_space<semaphore_mem>>) src(%dma_wait3A_620 : memref<10240x64xf32, #tpu.memory_space<hbm>>) dst(%dma_wait3A_614 : memref<128x64xf32, #tpu.memory_space<vmem>>)
      %add3A_621 = arith.constant 1 : i32
      %add3A_622 = arith.addi %add3A_380, %add3A_621 : i32
      %mul3A_623 = arith.constant 3 : i32
      %mul3A_624 = arith.muli %add3A_622, %mul3A_623 : i32
      %add3A_625 = arith.constant 0 : i32
      %add3A_626 = arith.addi %mul3A_624, %add3A_625 : i32
      %dma_start3A_627 = arith.constant 0 : i32
      %dma_start3A_628 = arith.constant 0 : i32
      %dma_start3A_629 = arith.constant 0 : i32
      %dma_start3A_630 = arith.constant 0 : i32
      %dma_start3A_631 = tpu.memref_slice %arg10[%dma_start3A_627, %dma_start3A_628, %dma_start3A_629, %dma_start3A_630] : memref<2x3x128x64xf32, #tpu.memory_space<vmem>> -> memref<1x1x128x64xf32, #tpu.memory_space<vmem>>
      %dma_start3A_632 = tpu.memref_squeeze %dma_start3A_631 : memref<1x1x128x64xf32, #tpu.memory_space<vmem>> -> memref<128x64xf32, #tpu.memory_space<vmem>>
      %dma_start3A_633 = arith.constant 0 : i32
      %dma_start3A_634 = tpu.memref_slice %arg8[%add3A_626, %dma_start3A_633] : memref<81x128xi32, #tpu.memory_space<vmem>> -> memref<1x128xi32, #tpu.memory_space<vmem>>
      %dma_start3A_635 = tpu.memref_squeeze %dma_start3A_634 : memref<1x128xi32, #tpu.memory_space<vmem>> -> memref<128xi32, #tpu.memory_space<vmem>>
      %dma_start3A_636 = arith.constant 0 : i32
      %dma_start3A_637 = arith.constant 0 : i32
      %dma_start3A_638 = tpu.memref_slice %arg3[%dma_start3A_636, %dma_start3A_637] : memref<10240x64xf32, #tpu.memory_space<hbm>> -> memref<10240x64xf32, #tpu.memory_space<hbm>>
      tpu.enqueue_indirect_dma source(%dma_start3A_638 : memref<10240x64xf32, #tpu.memory_space<hbm>>) target(%dma_start3A_632 : memref<128x64xf32, #tpu.memory_space<vmem>>) offsets(%dma_start3A_635 : memref<128xi32, #tpu.memory_space<vmem>>) semaphore(%arg13 : memref<!tpu.dma_semaphore, #tpu.memory_space<semaphore_mem>>)
      %mul3A_639 = arith.constant 3 : i32
      %mul3A_640 = arith.muli %add3A_622, %mul3A_639 : i32
      %add3A_641 = arith.constant 1 : i32
      %add3A_642 = arith.addi %mul3A_640, %add3A_641 : i32
      %dma_start3A_643 = arith.constant 0 : i32
      %dma_start3A_644 = arith.constant 1 : i32
      %dma_start3A_645 = arith.constant 0 : i32
      %dma_start3A_646 = arith.constant 0 : i32
      %dma_start3A_647 = tpu.memref_slice %arg10[%dma_start3A_643, %dma_start3A_644, %dma_start3A_645, %dma_start3A_646] : memref<2x3x128x64xf32, #tpu.memory_space<vmem>> -> memref<1x1x128x64xf32, #tpu.memory_space<vmem>>
      %dma_start3A_648 = tpu.memref_squeeze %dma_start3A_647 : memref<1x1x128x64xf32, #tpu.memory_space<vmem>> -> memref<128x64xf32, #tpu.memory_space<vmem>>
      %dma_start3A_649 = arith.constant 0 : i32
      %dma_start3A_650 = tpu.memref_slice %arg8[%add3A_642, %dma_start3A_649] : memref<81x128xi32, #tpu.memory_space<vmem>> -> memref<1x128xi32, #tpu.memory_space<vmem>>
      %dma_start3A_651 = tpu.memref_squeeze %dma_start3A_650 : memref<1x128xi32, #tpu.memory_space<vmem>> -> memref<128xi32, #tpu.memory_space<vmem>>
      %dma_start3A_652 = arith.constant 0 : i32
      %dma_start3A_653 = arith.constant 0 : i32
      %dma_start3A_654 = tpu.memref_slice %arg3[%dma_start3A_652, %dma_start3A_653] : memref<10240x64xf32, #tpu.memory_space<hbm>> -> memref<10240x64xf32, #tpu.memory_space<hbm>>
      tpu.enqueue_indirect_dma source(%dma_start3A_654 : memref<10240x64xf32, #tpu.memory_space<hbm>>) target(%dma_start3A_648 : memref<128x64xf32, #tpu.memory_space<vmem>>) offsets(%dma_start3A_651 : memref<128xi32, #tpu.memory_space<vmem>>) semaphore(%arg13 : memref<!tpu.dma_semaphore, #tpu.memory_space<semaphore_mem>>)
      %mul3A_655 = arith.constant 3 : i32
      %mul3A_656 = arith.muli %add3A_622, %mul3A_655 : i32
      %add3A_657 = arith.constant 2 : i32
      %add3A_658 = arith.addi %mul3A_656, %add3A_657 : i32
      %dma_start3A_659 = arith.constant 0 : i32
      %dma_start3A_660 = arith.constant 2 : i32
      %dma_start3A_661 = arith.constant 0 : i32
      %dma_start3A_662 = arith.constant 0 : i32
      %dma_start3A_663 = tpu.memref_slice %arg10[%dma_start3A_659, %dma_start3A_660, %dma_start3A_661, %dma_start3A_662] : memref<2x3x128x64xf32, #tpu.memory_space<vmem>> -> memref<1x1x128x64xf32, #tpu.memory_space<vmem>>
      %dma_start3A_664 = tpu.memref_squeeze %dma_start3A_663 : memref<1x1x128x64xf32, #tpu.memory_space<vmem>> -> memref<128x64xf32, #tpu.memory_space<vmem>>
      %dma_start3A_665 = arith.constant 0 : i32
      %dma_start3A_666 = tpu.memref_slice %arg8[%add3A_658, %dma_start3A_665] : memref<81x128xi32, #tpu.memory_space<vmem>> -> memref<1x128xi32, #tpu.memory_space<vmem>>
      %dma_start3A_667 = tpu.memref_squeeze %dma_start3A_666 : memref<1x128xi32, #tpu.memory_space<vmem>> -> memref<128xi32, #tpu.memory_space<vmem>>
      %dma_start3A_668 = arith.constant 0 : i32
      %dma_start3A_669 = arith.constant 0 : i32
      %dma_start3A_670 = tpu.memref_slice %arg3[%dma_start3A_668, %dma_start3A_669] : memref<10240x64xf32, #tpu.memory_space<hbm>> -> memref<10240x64xf32, #tpu.memory_space<hbm>>
      tpu.enqueue_indirect_dma source(%dma_start3A_670 : memref<10240x64xf32, #tpu.memory_space<hbm>>) target(%dma_start3A_664 : memref<128x64xf32, #tpu.memory_space<vmem>>) offsets(%dma_start3A_667 : memref<128xi32, #tpu.memory_space<vmem>>) semaphore(%arg13 : memref<!tpu.dma_semaphore, #tpu.memory_space<semaphore_mem>>)
      %mul3A_671 = arith.constant 3 : i32
      %mul3A_672 = arith.muli %add3A_380, %mul3A_671 : i32
      %add3A_673 = arith.constant 0 : i32
      %add3A_674 = arith.addi %mul3A_672, %add3A_673 : i32
      %dma_start3A_675 = arith.constant 1 : i32
      %dma_start3A_676 = arith.constant 0 : i32
      %dma_start3A_677 = arith.constant 0 : i32
      %dma_start3A_678 = arith.constant 0 : i32
      %dma_start3A_679 = tpu.memref_slice %arg10[%dma_start3A_675, %dma_start3A_676, %dma_start3A_677, %dma_start3A_678] : memref<2x3x128x64xf32, #tpu.memory_space<vmem>> -> memref<1x1x128x64xf32, #tpu.memory_space<vmem>>
      %dma_start3A_680 = tpu.memref_squeeze %dma_start3A_679 : memref<1x1x128x64xf32, #tpu.memory_space<vmem>> -> memref<128x64xf32, #tpu.memory_space<vmem>>
      %dma_start3A_681 = arith.constant 0 : i32
      %dma_start3A_682 = tpu.memref_slice %arg9[%add3A_674, %dma_start3A_681] : memref<81x128xi32, #tpu.memory_space<vmem>> -> memref<1x128xi32, #tpu.memory_space<vmem>>
      %dma_start3A_683 = tpu.memref_squeeze %dma_start3A_682 : memref<1x128xi32, #tpu.memory_space<vmem>> -> memref<128xi32, #tpu.memory_space<vmem>>
      %dma_start3A_684 = arith.constant 0 : i32
      %dma_start3A_685 = arith.constant 0 : i32
      %dma_start3A_686 = tpu.memref_slice %arg12[%dma_start3A_684, %dma_start3A_685] : memref<10240x64xf32, #tpu.memory_space<vmem_shared>> -> memref<10240x64xf32, #tpu.memory_space<vmem_shared>>
      tpu.enqueue_indirect_dma source(%dma_start3A_680 : memref<128x64xf32, #tpu.memory_space<vmem>>) target(%dma_start3A_686 : memref<10240x64xf32, #tpu.memory_space<vmem_shared>>) offsets(%dma_start3A_683 : memref<128xi32, #tpu.memory_space<vmem>>) semaphore(%arg16 : memref<!tpu.dma_semaphore, #tpu.memory_space<semaphore_mem>>) {add = true}
      %mul3A_687 = arith.constant 3 : i32
      %mul3A_688 = arith.muli %add3A_380, %mul3A_687 : i32
      %add3A_689 = arith.constant 1 : i32
      %add3A_690 = arith.addi %mul3A_688, %add3A_689 : i32
      %dma_start3A_691 = arith.constant 1 : i32
      %dma_start3A_692 = arith.constant 1 : i32
      %dma_start3A_693 = arith.constant 0 : i32
      %dma_start3A_694 = arith.constant 0 : i32
      %dma_start3A_695 = tpu.memref_slice %arg10[%dma_start3A_691, %dma_start3A_692, %dma_start3A_693, %dma_start3A_694] : memref<2x3x128x64xf32, #tpu.memory_space<vmem>> -> memref<1x1x128x64xf32, #tpu.memory_space<vmem>>
      %dma_start3A_696 = tpu.memref_squeeze %dma_start3A_695 : memref<1x1x128x64xf32, #tpu.memory_space<vmem>> -> memref<128x64xf32, #tpu.memory_space<vmem>>
      %dma_start3A_697 = arith.constant 0 : i32
      %dma_start3A_698 = tpu.memref_slice %arg9[%add3A_690, %dma_start3A_697] : memref<81x128xi32, #tpu.memory_space<vmem>> -> memref<1x128xi32, #tpu.memory_space<vmem>>
      %dma_start3A_699 = tpu.memref_squeeze %dma_start3A_698 : memref<1x128xi32, #tpu.memory_space<vmem>> -> memref<128xi32, #tpu.memory_space<vmem>>
      %dma_start3A_700 = arith.constant 0 : i32
      %dma_start3A_701 = arith.constant 0 : i32
      %dma_start3A_702 = tpu.memref_slice %arg12[%dma_start3A_700, %dma_start3A_701] : memref<10240x64xf32, #tpu.memory_space<vmem_shared>> -> memref<10240x64xf32, #tpu.memory_space<vmem_shared>>
      tpu.enqueue_indirect_dma source(%dma_start3A_696 : memref<128x64xf32, #tpu.memory_space<vmem>>) target(%dma_start3A_702 : memref<10240x64xf32, #tpu.memory_space<vmem_shared>>) offsets(%dma_start3A_699 : memref<128xi32, #tpu.memory_space<vmem>>) semaphore(%arg16 : memref<!tpu.dma_semaphore, #tpu.memory_space<semaphore_mem>>) {add = true}
      %mul3A_703 = arith.constant 3 : i32
      %mul3A_704 = arith.muli %add3A_380, %mul3A_703 : i32
      %add3A_705 = arith.constant 2 : i32
      %add3A_706 = arith.addi %mul3A_704, %add3A_705 : i32
      %dma_start3A_707 = arith.constant 1 : i32
      %dma_start3A_708 = arith.constant 2 : i32
      %dma_start3A_709 = arith.constant 0 : i32
      %dma_start3A_710 = arith.constant 0 : i32
      %dma_start3A_711 = tpu.memref_slice %arg10[%dma_start3A_707, %dma_start3A_708, %dma_start3A_709, %dma_start3A_710] : memref<2x3x128x64xf32, #tpu.memory_space<vmem>> -> memref<1x1x128x64xf32, #tpu.memory_space<vmem>>
      %dma_start3A_712 = tpu.memref_squeeze %dma_start3A_711 : memref<1x1x128x64xf32, #tpu.memory_space<vmem>> -> memref<128x64xf32, #tpu.memory_space<vmem>>
      %dma_start3A_713 = arith.constant 0 : i32
      %dma_start3A_714 = tpu.memref_slice %arg9[%add3A_706, %dma_start3A_713] : memref<81x128xi32, #tpu.memory_space<vmem>> -> memref<1x128xi32, #tpu.memory_space<vmem>>
      %dma_start3A_715 = tpu.memref_squeeze %dma_start3A_714 : memref<1x128xi32, #tpu.memory_space<vmem>> -> memref<128xi32, #tpu.memory_space<vmem>>
      %dma_start3A_716 = arith.constant 0 : i32
      %dma_start3A_717 = arith.constant 0 : i32
      %dma_start3A_718 = tpu.memref_slice %arg12[%dma_start3A_716, %dma_start3A_717] : memref<10240x64xf32, #tpu.memory_space<vmem_shared>> -> memref<10240x64xf32, #tpu.memory_space<vmem_shared>>
      tpu.enqueue_indirect_dma source(%dma_start3A_712 : memref<128x64xf32, #tpu.memory_space<vmem>>) target(%dma_start3A_718 : memref<10240x64xf32, #tpu.memory_space<vmem_shared>>) offsets(%dma_start3A_715 : memref<128xi32, #tpu.memory_space<vmem>>) semaphore(%arg16 : memref<!tpu.dma_semaphore, #tpu.memory_space<semaphore_mem>>) {add = true}
      %mul3A_719 = arith.constant 3 : i32
      %mul3A_720 = arith.muli %add3A_380, %mul3A_719 : i32
      %add3A_721 = arith.constant 0 : i32
      %add3A_722 = arith.addi %mul3A_720, %add3A_721 : i32
      %dma_wait3A_723 = arith.constant 1 : i32
      %dma_wait3A_724 = arith.constant 0 : i32
      %dma_wait3A_725 = arith.constant 0 : i32
      %dma_wait3A_726 = arith.constant 0 : i32
      %dma_wait3A_727 = tpu.memref_slice %arg10[%dma_wait3A_723, %dma_wait3A_724, %dma_wait3A_725, %dma_wait3A_726] : memref<2x3x128x64xf32, #tpu.memory_space<vmem>> -> memref<1x1x128x64xf32, #tpu.memory_space<vmem>>
      %dma_wait3A_728 = tpu.memref_squeeze %dma_wait3A_727 : memref<1x1x128x64xf32, #tpu.memory_space<vmem>> -> memref<128x64xf32, #tpu.memory_space<vmem>>
      %dma_wait3A_729 = arith.constant 0 : i32
      %dma_wait3A_730 = tpu.memref_slice %arg9[%add3A_722, %dma_wait3A_729] : memref<81x128xi32, #tpu.memory_space<vmem>> -> memref<1x128xi32, #tpu.memory_space<vmem>>
      %dma_wait3A_731 = tpu.memref_squeeze %dma_wait3A_730 : memref<1x128xi32, #tpu.memory_space<vmem>> -> memref<128xi32, #tpu.memory_space<vmem>>
      %dma_wait3A_732 = arith.constant 0 : i32
      %dma_wait3A_733 = arith.constant 0 : i32
      %dma_wait3A_734 = tpu.memref_slice %arg12[%dma_wait3A_732, %dma_wait3A_733] : memref<10240x64xf32, #tpu.memory_space<vmem_shared>> -> memref<10240x64xf32, #tpu.memory_space<vmem_shared>>
      tpu.wait_indirect_dma semaphore(%arg16 : memref<!tpu.dma_semaphore, #tpu.memory_space<semaphore_mem>>) src(%dma_wait3A_728 : memref<128x64xf32, #tpu.memory_space<vmem>>) dst(%dma_wait3A_734 : memref<10240x64xf32, #tpu.memory_space<vmem_shared>>)
      %mul3A_735 = arith.constant 3 : i32
      %mul3A_736 = arith.muli %add3A_380, %mul3A_735 : i32
      %add3A_737 = arith.constant 1 : i32
      %add3A_738 = arith.addi %mul3A_736, %add3A_737 : i32
      %dma_wait3A_739 = arith.constant 1 : i32
      %dma_wait3A_740 = arith.constant 1 : i32
      %dma_wait3A_741 = arith.constant 0 : i32
      %dma_wait3A_742 = arith.constant 0 : i32
      %dma_wait3A_743 = tpu.memref_slice %arg10[%dma_wait3A_739, %dma_wait3A_740, %dma_wait3A_741, %dma_wait3A_742] : memref<2x3x128x64xf32, #tpu.memory_space<vmem>> -> memref<1x1x128x64xf32, #tpu.memory_space<vmem>>
      %dma_wait3A_744 = tpu.memref_squeeze %dma_wait3A_743 : memref<1x1x128x64xf32, #tpu.memory_space<vmem>> -> memref<128x64xf32, #tpu.memory_space<vmem>>
      %dma_wait3A_745 = arith.constant 0 : i32
      %dma_wait3A_746 = tpu.memref_slice %arg9[%add3A_738, %dma_wait3A_745] : memref<81x128xi32, #tpu.memory_space<vmem>> -> memref<1x128xi32, #tpu.memory_space<vmem>>
      %dma_wait3A_747 = tpu.memref_squeeze %dma_wait3A_746 : memref<1x128xi32, #tpu.memory_space<vmem>> -> memref<128xi32, #tpu.memory_space<vmem>>
      %dma_wait3A_748 = arith.constant 0 : i32
      %dma_wait3A_749 = arith.constant 0 : i32
      %dma_wait3A_750 = tpu.memref_slice %arg12[%dma_wait3A_748, %dma_wait3A_749] : memref<10240x64xf32, #tpu.memory_space<vmem_shared>> -> memref<10240x64xf32, #tpu.memory_space<vmem_shared>>
      tpu.wait_indirect_dma semaphore(%arg16 : memref<!tpu.dma_semaphore, #tpu.memory_space<semaphore_mem>>) src(%dma_wait3A_744 : memref<128x64xf32, #tpu.memory_space<vmem>>) dst(%dma_wait3A_750 : memref<10240x64xf32, #tpu.memory_space<vmem_shared>>)
      %mul3A_751 = arith.constant 3 : i32
      %mul3A_752 = arith.muli %add3A_380, %mul3A_751 : i32
      %add3A_753 = arith.constant 2 : i32
      %add3A_754 = arith.addi %mul3A_752, %add3A_753 : i32
      %dma_wait3A_755 = arith.constant 1 : i32
      %dma_wait3A_756 = arith.constant 2 : i32
      %dma_wait3A_757 = arith.constant 0 : i32
      %dma_wait3A_758 = arith.constant 0 : i32
      %dma_wait3A_759 = tpu.memref_slice %arg10[%dma_wait3A_755, %dma_wait3A_756, %dma_wait3A_757, %dma_wait3A_758] : memref<2x3x128x64xf32, #tpu.memory_space<vmem>> -> memref<1x1x128x64xf32, #tpu.memory_space<vmem>>
      %dma_wait3A_760 = tpu.memref_squeeze %dma_wait3A_759 : memref<1x1x128x64xf32, #tpu.memory_space<vmem>> -> memref<128x64xf32, #tpu.memory_space<vmem>>
      %dma_wait3A_761 = arith.constant 0 : i32
      %dma_wait3A_762 = tpu.memref_slice %arg9[%add3A_754, %dma_wait3A_761] : memref<81x128xi32, #tpu.memory_space<vmem>> -> memref<1x128xi32, #tpu.memory_space<vmem>>
      %dma_wait3A_763 = tpu.memref_squeeze %dma_wait3A_762 : memref<1x128xi32, #tpu.memory_space<vmem>> -> memref<128xi32, #tpu.memory_space<vmem>>
      %dma_wait3A_764 = arith.constant 0 : i32
      %dma_wait3A_765 = arith.constant 0 : i32
      %dma_wait3A_766 = tpu.memref_slice %arg12[%dma_wait3A_764, %dma_wait3A_765] : memref<10240x64xf32, #tpu.memory_space<vmem_shared>> -> memref<10240x64xf32, #tpu.memory_space<vmem_shared>>
      tpu.wait_indirect_dma semaphore(%arg16 : memref<!tpu.dma_semaphore, #tpu.memory_space<semaphore_mem>>) src(%dma_wait3A_760 : memref<128x64xf32, #tpu.memory_space<vmem>>) dst(%dma_wait3A_766 : memref<10240x64xf32, #tpu.memory_space<vmem_shared>>)
    }
    %scan3A_250 = arith.constant 13 : i32
    %dma_wait3A_251 = arith.constant 78 : i32
    %dma_wait3A_252 = arith.constant 0 : i32
    %dma_wait3A_253 = arith.constant 0 : i32
    %dma_wait3A_254 = arith.constant 0 : i32
    %dma_wait3A_255 = arith.constant 0 : i32
    %dma_wait3A_256 = tpu.memref_slice %arg10[%dma_wait3A_252, %dma_wait3A_253, %dma_wait3A_254, %dma_wait3A_255] : memref<2x3x128x64xf32, #tpu.memory_space<vmem>> -> memref<1x1x128x64xf32, #tpu.memory_space<vmem>>
    %dma_wait3A_257 = tpu.memref_squeeze %dma_wait3A_256 : memref<1x1x128x64xf32, #tpu.memory_space<vmem>> -> memref<128x64xf32, #tpu.memory_space<vmem>>
    %dma_wait3A_258 = arith.constant 0 : i32
    %dma_wait3A_259 = tpu.memref_slice %arg8[%dma_wait3A_251, %dma_wait3A_258] : memref<81x128xi32, #tpu.memory_space<vmem>> -> memref<1x128xi32, #tpu.memory_space<vmem>>
    %dma_wait3A_260 = tpu.memref_squeeze %dma_wait3A_259 : memref<1x128xi32, #tpu.memory_space<vmem>> -> memref<128xi32, #tpu.memory_space<vmem>>
    %dma_wait3A_261 = arith.constant 0 : i32
    %dma_wait3A_262 = arith.constant 0 : i32
    %dma_wait3A_263 = tpu.memref_slice %arg3[%dma_wait3A_261, %dma_wait3A_262] : memref<10240x64xf32, #tpu.memory_space<hbm>> -> memref<10240x64xf32, #tpu.memory_space<hbm>>
    tpu.wait_indirect_dma semaphore(%arg13 : memref<!tpu.dma_semaphore, #tpu.memory_space<semaphore_mem>>) src(%dma_wait3A_263 : memref<10240x64xf32, #tpu.memory_space<hbm>>) dst(%dma_wait3A_257 : memref<128x64xf32, #tpu.memory_space<vmem>>)
    %dma_wait3A_264 = arith.constant 79 : i32
    %dma_wait3A_265 = arith.constant 0 : i32
    %dma_wait3A_266 = arith.constant 1 : i32
    %dma_wait3A_267 = arith.constant 0 : i32
    %dma_wait3A_268 = arith.constant 0 : i32
    %dma_wait3A_269 = tpu.memref_slice %arg10[%dma_wait3A_265, %dma_wait3A_266, %dma_wait3A_267, %dma_wait3A_268] : memref<2x3x128x64xf32, #tpu.memory_space<vmem>> -> memref<1x1x128x64xf32, #tpu.memory_space<vmem>>
    %dma_wait3A_270 = tpu.memref_squeeze %dma_wait3A_269 : memref<1x1x128x64xf32, #tpu.memory_space<vmem>> -> memref<128x64xf32, #tpu.memory_space<vmem>>
    %dma_wait3A_271 = arith.constant 0 : i32
    %dma_wait3A_272 = tpu.memref_slice %arg8[%dma_wait3A_264, %dma_wait3A_271] : memref<81x128xi32, #tpu.memory_space<vmem>> -> memref<1x128xi32, #tpu.memory_space<vmem>>
    %dma_wait3A_273 = tpu.memref_squeeze %dma_wait3A_272 : memref<1x128xi32, #tpu.memory_space<vmem>> -> memref<128xi32, #tpu.memory_space<vmem>>
    %dma_wait3A_274 = arith.constant 0 : i32
    %dma_wait3A_275 = arith.constant 0 : i32
    %dma_wait3A_276 = tpu.memref_slice %arg3[%dma_wait3A_274, %dma_wait3A_275] : memref<10240x64xf32, #tpu.memory_space<hbm>> -> memref<10240x64xf32, #tpu.memory_space<hbm>>
    tpu.wait_indirect_dma semaphore(%arg13 : memref<!tpu.dma_semaphore, #tpu.memory_space<semaphore_mem>>) src(%dma_wait3A_276 : memref<10240x64xf32, #tpu.memory_space<hbm>>) dst(%dma_wait3A_270 : memref<128x64xf32, #tpu.memory_space<vmem>>)
    %dma_wait3A_277 = arith.constant 80 : i32
    %dma_wait3A_278 = arith.constant 0 : i32
    %dma_wait3A_279 = arith.constant 2 : i32
    %dma_wait3A_280 = arith.constant 0 : i32
    %dma_wait3A_281 = arith.constant 0 : i32
    %dma_wait3A_282 = tpu.memref_slice %arg10[%dma_wait3A_278, %dma_wait3A_279, %dma_wait3A_280, %dma_wait3A_281] : memref<2x3x128x64xf32, #tpu.memory_space<vmem>> -> memref<1x1x128x64xf32, #tpu.memory_space<vmem>>
    %dma_wait3A_283 = tpu.memref_squeeze %dma_wait3A_282 : memref<1x1x128x64xf32, #tpu.memory_space<vmem>> -> memref<128x64xf32, #tpu.memory_space<vmem>>
    %dma_wait3A_284 = arith.constant 0 : i32
    %dma_wait3A_285 = tpu.memref_slice %arg8[%dma_wait3A_277, %dma_wait3A_284] : memref<81x128xi32, #tpu.memory_space<vmem>> -> memref<1x128xi32, #tpu.memory_space<vmem>>
    %dma_wait3A_286 = tpu.memref_squeeze %dma_wait3A_285 : memref<1x128xi32, #tpu.memory_space<vmem>> -> memref<128xi32, #tpu.memory_space<vmem>>
    %dma_wait3A_287 = arith.constant 0 : i32
    %dma_wait3A_288 = arith.constant 0 : i32
    %dma_wait3A_289 = tpu.memref_slice %arg3[%dma_wait3A_287, %dma_wait3A_288] : memref<10240x64xf32, #tpu.memory_space<hbm>> -> memref<10240x64xf32, #tpu.memory_space<hbm>>
    tpu.wait_indirect_dma semaphore(%arg13 : memref<!tpu.dma_semaphore, #tpu.memory_space<semaphore_mem>>) src(%dma_wait3A_289 : memref<10240x64xf32, #tpu.memory_space<hbm>>) dst(%dma_wait3A_283 : memref<128x64xf32, #tpu.memory_space<vmem>>)
    %dma_start3A_290 = arith.constant 0 : i32
    %dma_start3A_291 = arith.constant 0 : i32
    %dma_start3A_292 = arith.constant 78 : i32
    %dma_start3A_293 = arith.constant 0 : i32
    %dma_start3A_294 = arith.constant 0 : i32
    %dma_start3A_295 = tpu.memref_slice %arg10[%dma_start3A_290, %dma_start3A_291, %dma_start3A_293, %dma_start3A_294] : memref<2x3x128x64xf32, #tpu.memory_space<vmem>> -> memref<1x1x128x64xf32, #tpu.memory_space<vmem>>
    %dma_start3A_296 = tpu.memref_squeeze %dma_start3A_295 : memref<1x1x128x64xf32, #tpu.memory_space<vmem>> -> memref<128x64xf32, #tpu.memory_space<vmem>>
    %dma_start3A_297 = arith.constant 0 : i32
    %dma_start3A_298 = tpu.memref_slice %arg9[%dma_start3A_292, %dma_start3A_297] : memref<81x128xi32, #tpu.memory_space<vmem>> -> memref<1x128xi32, #tpu.memory_space<vmem>>
    %dma_start3A_299 = tpu.memref_squeeze %dma_start3A_298 : memref<1x128xi32, #tpu.memory_space<vmem>> -> memref<128xi32, #tpu.memory_space<vmem>>
    %dma_start3A_300 = arith.constant 0 : i32
    %dma_start3A_301 = arith.constant 0 : i32
    %dma_start3A_302 = tpu.memref_slice %arg12[%dma_start3A_300, %dma_start3A_301] : memref<10240x64xf32, #tpu.memory_space<vmem_shared>> -> memref<10240x64xf32, #tpu.memory_space<vmem_shared>>
    tpu.enqueue_indirect_dma source(%dma_start3A_296 : memref<128x64xf32, #tpu.memory_space<vmem>>) target(%dma_start3A_302 : memref<10240x64xf32, #tpu.memory_space<vmem_shared>>) offsets(%dma_start3A_299 : memref<128xi32, #tpu.memory_space<vmem>>) semaphore(%arg15 : memref<!tpu.dma_semaphore, #tpu.memory_space<semaphore_mem>>) {add = true}
    %dma_start3A_303 = arith.constant 0 : i32
    %dma_start3A_304 = arith.constant 1 : i32
    %dma_start3A_305 = arith.constant 79 : i32
    %dma_start3A_306 = arith.constant 0 : i32
    %dma_start3A_307 = arith.constant 0 : i32
    %dma_start3A_308 = tpu.memref_slice %arg10[%dma_start3A_303, %dma_start3A_304, %dma_start3A_306, %dma_start3A_307] : memref<2x3x128x64xf32, #tpu.memory_space<vmem>> -> memref<1x1x128x64xf32, #tpu.memory_space<vmem>>
    %dma_start3A_309 = tpu.memref_squeeze %dma_start3A_308 : memref<1x1x128x64xf32, #tpu.memory_space<vmem>> -> memref<128x64xf32, #tpu.memory_space<vmem>>
    %dma_start3A_310 = arith.constant 0 : i32
    %dma_start3A_311 = tpu.memref_slice %arg9[%dma_start3A_305, %dma_start3A_310] : memref<81x128xi32, #tpu.memory_space<vmem>> -> memref<1x128xi32, #tpu.memory_space<vmem>>
    %dma_start3A_312 = tpu.memref_squeeze %dma_start3A_311 : memref<1x128xi32, #tpu.memory_space<vmem>> -> memref<128xi32, #tpu.memory_space<vmem>>
    %dma_start3A_313 = arith.constant 0 : i32
    %dma_start3A_314 = arith.constant 0 : i32
    %dma_start3A_315 = tpu.memref_slice %arg12[%dma_start3A_313, %dma_start3A_314] : memref<10240x64xf32, #tpu.memory_space<vmem_shared>> -> memref<10240x64xf32, #tpu.memory_space<vmem_shared>>
    tpu.enqueue_indirect_dma source(%dma_start3A_309 : memref<128x64xf32, #tpu.memory_space<vmem>>) target(%dma_start3A_315 : memref<10240x64xf32, #tpu.memory_space<vmem_shared>>) offsets(%dma_start3A_312 : memref<128xi32, #tpu.memory_space<vmem>>) semaphore(%arg15 : memref<!tpu.dma_semaphore, #tpu.memory_space<semaphore_mem>>) {add = true}
    %dma_start3A_316 = arith.constant 0 : i32
    %dma_start3A_317 = arith.constant 2 : i32
    %dma_start3A_318 = arith.constant 80 : i32
    %dma_start3A_319 = arith.constant 0 : i32
    %dma_start3A_320 = arith.constant 0 : i32
    %dma_start3A_321 = tpu.memref_slice %arg10[%dma_start3A_316, %dma_start3A_317, %dma_start3A_319, %dma_start3A_320] : memref<2x3x128x64xf32, #tpu.memory_space<vmem>> -> memref<1x1x128x64xf32, #tpu.memory_space<vmem>>
    %dma_start3A_322 = tpu.memref_squeeze %dma_start3A_321 : memref<1x1x128x64xf32, #tpu.memory_space<vmem>> -> memref<128x64xf32, #tpu.memory_space<vmem>>
    %dma_start3A_323 = arith.constant 0 : i32
    %dma_start3A_324 = tpu.memref_slice %arg9[%dma_start3A_318, %dma_start3A_323] : memref<81x128xi32, #tpu.memory_space<vmem>> -> memref<1x128xi32, #tpu.memory_space<vmem>>
    %dma_start3A_325 = tpu.memref_squeeze %dma_start3A_324 : memref<1x128xi32, #tpu.memory_space<vmem>> -> memref<128xi32, #tpu.memory_space<vmem>>
    %dma_start3A_326 = arith.constant 0 : i32
    %dma_start3A_327 = arith.constant 0 : i32
    %dma_start3A_328 = tpu.memref_slice %arg12[%dma_start3A_326, %dma_start3A_327] : memref<10240x64xf32, #tpu.memory_space<vmem_shared>> -> memref<10240x64xf32, #tpu.memory_space<vmem_shared>>
    tpu.enqueue_indirect_dma source(%dma_start3A_322 : memref<128x64xf32, #tpu.memory_space<vmem>>) target(%dma_start3A_328 : memref<10240x64xf32, #tpu.memory_space<vmem_shared>>) offsets(%dma_start3A_325 : memref<128xi32, #tpu.memory_space<vmem>>) semaphore(%arg15 : memref<!tpu.dma_semaphore, #tpu.memory_space<semaphore_mem>>) {add = true}
    %dma_wait3A_329 = arith.constant 0 : i32
    %dma_wait3A_330 = arith.constant 0 : i32
    %dma_wait3A_331 = arith.constant 78 : i32
    %dma_wait3A_332 = arith.constant 0 : i32
    %dma_wait3A_333 = arith.constant 0 : i32
    %dma_wait3A_334 = tpu.memref_slice %arg10[%dma_wait3A_329, %dma_wait3A_330, %dma_wait3A_332, %dma_wait3A_333] : memref<2x3x128x64xf32, #tpu.memory_space<vmem>> -> memref<1x1x128x64xf32, #tpu.memory_space<vmem>>
    %dma_wait3A_335 = tpu.memref_squeeze %dma_wait3A_334 : memref<1x1x128x64xf32, #tpu.memory_space<vmem>> -> memref<128x64xf32, #tpu.memory_space<vmem>>
    %dma_wait3A_336 = arith.constant 0 : i32
    %dma_wait3A_337 = tpu.memref_slice %arg9[%dma_wait3A_331, %dma_wait3A_336] : memref<81x128xi32, #tpu.memory_space<vmem>> -> memref<1x128xi32, #tpu.memory_space<vmem>>
    %dma_wait3A_338 = tpu.memref_squeeze %dma_wait3A_337 : memref<1x128xi32, #tpu.memory_space<vmem>> -> memref<128xi32, #tpu.memory_space<vmem>>
    %dma_wait3A_339 = arith.constant 0 : i32
    %dma_wait3A_340 = arith.constant 0 : i32
    %dma_wait3A_341 = tpu.memref_slice %arg12[%dma_wait3A_339, %dma_wait3A_340] : memref<10240x64xf32, #tpu.memory_space<vmem_shared>> -> memref<10240x64xf32, #tpu.memory_space<vmem_shared>>
    tpu.wait_indirect_dma semaphore(%arg15 : memref<!tpu.dma_semaphore, #tpu.memory_space<semaphore_mem>>) src(%dma_wait3A_335 : memref<128x64xf32, #tpu.memory_space<vmem>>) dst(%dma_wait3A_341 : memref<10240x64xf32, #tpu.memory_space<vmem_shared>>)
    %dma_wait3A_342 = arith.constant 0 : i32
    %dma_wait3A_343 = arith.constant 1 : i32
    %dma_wait3A_344 = arith.constant 79 : i32
    %dma_wait3A_345 = arith.constant 0 : i32
    %dma_wait3A_346 = arith.constant 0 : i32
    %dma_wait3A_347 = tpu.memref_slice %arg10[%dma_wait3A_342, %dma_wait3A_343, %dma_wait3A_345, %dma_wait3A_346] : memref<2x3x128x64xf32, #tpu.memory_space<vmem>> -> memref<1x1x128x64xf32, #tpu.memory_space<vmem>>
    %dma_wait3A_348 = tpu.memref_squeeze %dma_wait3A_347 : memref<1x1x128x64xf32, #tpu.memory_space<vmem>> -> memref<128x64xf32, #tpu.memory_space<vmem>>
    %dma_wait3A_349 = arith.constant 0 : i32
    %dma_wait3A_350 = tpu.memref_slice %arg9[%dma_wait3A_344, %dma_wait3A_349] : memref<81x128xi32, #tpu.memory_space<vmem>> -> memref<1x128xi32, #tpu.memory_space<vmem>>
    %dma_wait3A_351 = tpu.memref_squeeze %dma_wait3A_350 : memref<1x128xi32, #tpu.memory_space<vmem>> -> memref<128xi32, #tpu.memory_space<vmem>>
    %dma_wait3A_352 = arith.constant 0 : i32
    %dma_wait3A_353 = arith.constant 0 : i32
    %dma_wait3A_354 = tpu.memref_slice %arg12[%dma_wait3A_352, %dma_wait3A_353] : memref<10240x64xf32, #tpu.memory_space<vmem_shared>> -> memref<10240x64xf32, #tpu.memory_space<vmem_shared>>
    tpu.wait_indirect_dma semaphore(%arg15 : memref<!tpu.dma_semaphore, #tpu.memory_space<semaphore_mem>>) src(%dma_wait3A_348 : memref<128x64xf32, #tpu.memory_space<vmem>>) dst(%dma_wait3A_354 : memref<10240x64xf32, #tpu.memory_space<vmem_shared>>)
    %dma_wait3A_355 = arith.constant 0 : i32
    %dma_wait3A_356 = arith.constant 2 : i32
    %dma_wait3A_357 = arith.constant 80 : i32
    %dma_wait3A_358 = arith.constant 0 : i32
    %dma_wait3A_359 = arith.constant 0 : i32
    %dma_wait3A_360 = tpu.memref_slice %arg10[%dma_wait3A_355, %dma_wait3A_356, %dma_wait3A_358, %dma_wait3A_359] : memref<2x3x128x64xf32, #tpu.memory_space<vmem>> -> memref<1x1x128x64xf32, #tpu.memory_space<vmem>>
    %dma_wait3A_361 = tpu.memref_squeeze %dma_wait3A_360 : memref<1x1x128x64xf32, #tpu.memory_space<vmem>> -> memref<128x64xf32, #tpu.memory_space<vmem>>
    %dma_wait3A_362 = arith.constant 0 : i32
    %dma_wait3A_363 = tpu.memref_slice %arg9[%dma_wait3A_357, %dma_wait3A_362] : memref<81x128xi32, #tpu.memory_space<vmem>> -> memref<1x128xi32, #tpu.memory_space<vmem>>
    %dma_wait3A_364 = tpu.memref_squeeze %dma_wait3A_363 : memref<1x128xi32, #tpu.memory_space<vmem>> -> memref<128xi32, #tpu.memory_space<vmem>>
    %dma_wait3A_365 = arith.constant 0 : i32
    %dma_wait3A_366 = arith.constant 0 : i32
    %dma_wait3A_367 = tpu.memref_slice %arg12[%dma_wait3A_365, %dma_wait3A_366] : memref<10240x64xf32, #tpu.memory_space<vmem_shared>> -> memref<10240x64xf32, #tpu.memory_space<vmem_shared>>
    tpu.wait_indirect_dma semaphore(%arg15 : memref<!tpu.dma_semaphore, #tpu.memory_space<semaphore_mem>>) src(%dma_wait3A_361 : memref<128x64xf32, #tpu.memory_space<vmem>>) dst(%dma_wait3A_367 : memref<10240x64xf32, #tpu.memory_space<vmem_shared>>)
    %barrier3A_368 = arith.constant 0 : index
    tpu.barrier barrier_id(%barrier3A_368)
    %mul3A_369 = arith.constant 640 : i32
    %mul3A_370 = arith.muli %arg1, %mul3A_369 : i32
    %mul3A_371 = arith.constant 640 : i32
    %mul3A_372 = arith.muli %arg1, %mul3A_371 : i32
    %run_scoped3A_373 = arith.constant 1 : i32
    "tpu.region"() ({
      %run_scoped3A_374 = tpu.sem_alloc : memref<!tpu.dma_semaphore, #tpu.memory_space<semaphore_mem>>
      %dma_start3A_375 = arith.constant 0 : i32
      %dma_start3A_376 = tpu.memref_slice %arg7[%arg0, %run_scoped3A_373, %mul3A_372, %dma_start3A_375] : memref<2x2x10240x64xf32, #tpu.memory_space<hbm>> -> memref<1x1x640x64xf32, #tpu.memory_space<hbm>>
      %dma_start3A_377 = tpu.memref_squeeze %dma_start3A_376 : memref<1x1x640x64xf32, #tpu.memory_space<hbm>> -> memref<640x64xf32, #tpu.memory_space<hbm>>
      %dma_start3A_378 = arith.constant 0 : i32
      %dma_start3A_379 = tpu.memref_slice %arg12[%mul3A_370, %dma_start3A_378] : memref<10240x64xf32, #tpu.memory_space<vmem_shared>> -> memref<640x64xf32, #tpu.memory_space<vmem_shared>>
      tpu.enqueue_dma source(%dma_start3A_379 : memref<640x64xf32, #tpu.memory_space<vmem_shared>>) target(%dma_start3A_377 : memref<640x64xf32, #tpu.memory_space<hbm>>) target_semaphore(%run_scoped3A_374 : memref<!tpu.dma_semaphore, #tpu.memory_space<semaphore_mem>>)
      %dma_wait3A_380 = arith.constant 0 : i32
      %dma_wait3A_381 = tpu.memref_slice %arg7[%arg0, %run_scoped3A_373, %mul3A_372, %dma_wait3A_380] : memref<2x2x10240x64xf32, #tpu.memory_space<hbm>> -> memref<1x1x640x64xf32, #tpu.memory_space<hbm>>
      %dma_wait3A_382 = tpu.memref_squeeze %dma_wait3A_381 : memref<1x1x640x64xf32, #tpu.memory_space<hbm>> -> memref<640x64xf32, #tpu.memory_space<hbm>>
      %dma_wait3A_383 = arith.constant 0 : i32
      %dma_wait3A_384 = tpu.memref_slice %arg12[%mul3A_370, %dma_wait3A_383] : memref<10240x64xf32, #tpu.memory_space<vmem_shared>> -> memref<640x64xf32, #tpu.memory_space<vmem_shared>>
      tpu.wait_dma2 semaphore(%run_scoped3A_374 : memref<!tpu.dma_semaphore, #tpu.memory_space<semaphore_mem>>) src(%dma_wait3A_384 : memref<640x64xf32, #tpu.memory_space<vmem_shared>>) dst(%dma_wait3A_382 : memref<640x64xf32, #tpu.memory_space<hbm>>)
      tpu.yield
    }) : () -> ()
    return
  }
}

#map = affine_map<(d0, d1) -> (0, 0, 0)>
#map1 = affine_map<(d0, d1) -> (0, 0)>
module attributes {stable_mosaic.version = 14 : i64} {
  func.func @_sc_deg(%arg0: i32, %arg1: i32, %arg2: memref<32x81x128xi32, #tpu.memory_space<hbm>>, %arg3: memref<128x16xf32, #tpu.memory_space<hbm>>, %arg4: memref<128x16xf32, #tpu.memory_space<hbm>>, %arg5: memref<2x10240x16xf32, #tpu.memory_space<hbm>>, %arg6: memref<81x128xi32, #tpu.memory_space<vmem>>, %arg7: memref<128x16xf32, #tpu.memory_space<vmem>>, %arg8: memref<128x16xf32, #tpu.memory_space<vmem>>, %arg9: memref<10240x16xf32, #tpu.memory_space<vmem_shared>>) attributes {dimension_semantics = [#tpu.dimension_semantics<core_parallel>, #tpu.dimension_semantics<subcore_parallel>], iteration_bounds = array<i64: 2, 16>, scalar_prefetch = 0 : i64, scratch_operands = 4 : i64, tpu.core_type = #tpu.core_type<sc_vector_subcore>, window_params = [{transform_indices = #map}, {transform_indices = #map1}, {transform_indices = #map1}, {transform_indices = #map}]} {
    %mul3A = arith.constant 2 : i32
    %mul3A_0 = arith.muli %arg1, %mul3A : i32
    %add3A = arith.addi %mul3A_0, %arg0 : i32
    "tpu.region"() ({
      %run_scoped3A = tpu.sem_alloc : memref<!tpu.dma_semaphore, #tpu.memory_space<semaphore_mem>>
      %dma_start3A = arith.constant 0 : i32
      %dma_start3A_31 = arith.constant 0 : i32
      %dma_start3A_32 = tpu.memref_slice %arg2[%add3A, %dma_start3A, %dma_start3A_31] : memref<32x81x128xi32, #tpu.memory_space<hbm>> -> memref<1x81x128xi32, #tpu.memory_space<hbm>>
      %dma_start3A_33 = tpu.memref_squeeze %dma_start3A_32 : memref<1x81x128xi32, #tpu.memory_space<hbm>> -> memref<81x128xi32, #tpu.memory_space<hbm>>
      %dma_start3A_34 = arith.constant 0 : i32
      %dma_start3A_35 = arith.constant 0 : i32
      %dma_start3A_36 = tpu.memref_slice %arg2[%add3A, %dma_start3A_34, %dma_start3A_35] : memref<32x81x128xi32, #tpu.memory_space<hbm>> -> memref<1x81x128xi32, #tpu.memory_space<hbm>>
      %dma_start3A_37 = tpu.memref_squeeze %dma_start3A_36 : memref<1x81x128xi32, #tpu.memory_space<hbm>> -> memref<81x128xi32, #tpu.memory_space<hbm>>
      tpu.enqueue_dma source(%dma_start3A_37 : memref<81x128xi32, #tpu.memory_space<hbm>>) target(%arg6 : memref<81x128xi32, #tpu.memory_space<vmem>>) target_semaphore(%run_scoped3A : memref<!tpu.dma_semaphore, #tpu.memory_space<semaphore_mem>>)
      %dma_wait3A = arith.constant 0 : i32
      %dma_wait3A_38 = arith.constant 0 : i32
      %dma_wait3A_39 = tpu.memref_slice %arg2[%add3A, %dma_wait3A, %dma_wait3A_38] : memref<32x81x128xi32, #tpu.memory_space<hbm>> -> memref<1x81x128xi32, #tpu.memory_space<hbm>>
      %dma_wait3A_40 = tpu.memref_squeeze %dma_wait3A_39 : memref<1x81x128xi32, #tpu.memory_space<hbm>> -> memref<81x128xi32, #tpu.memory_space<hbm>>
      %dma_wait3A_41 = arith.constant 0 : i32
      %dma_wait3A_42 = arith.constant 0 : i32
      %dma_wait3A_43 = tpu.memref_slice %arg2[%add3A, %dma_wait3A_41, %dma_wait3A_42] : memref<32x81x128xi32, #tpu.memory_space<hbm>> -> memref<1x81x128xi32, #tpu.memory_space<hbm>>
      %dma_wait3A_44 = tpu.memref_squeeze %dma_wait3A_43 : memref<1x81x128xi32, #tpu.memory_space<hbm>> -> memref<81x128xi32, #tpu.memory_space<hbm>>
      tpu.wait_dma2 semaphore(%run_scoped3A : memref<!tpu.dma_semaphore, #tpu.memory_space<semaphore_mem>>) src(%dma_wait3A_44 : memref<81x128xi32, #tpu.memory_space<hbm>>) dst(%arg6 : memref<81x128xi32, #tpu.memory_space<vmem>>)
      tpu.yield
    }) : () -> ()
    "tpu.region"() ({
      %run_scoped3A = tpu.sem_alloc : memref<!tpu.dma_semaphore, #tpu.memory_space<semaphore_mem>>
      tpu.enqueue_dma source(%arg3 : memref<128x16xf32, #tpu.memory_space<hbm>>) target(%arg7 : memref<128x16xf32, #tpu.memory_space<vmem>>) target_semaphore(%run_scoped3A : memref<!tpu.dma_semaphore, #tpu.memory_space<semaphore_mem>>)
      tpu.wait_dma2 semaphore(%run_scoped3A : memref<!tpu.dma_semaphore, #tpu.memory_space<semaphore_mem>>) src(%arg3 : memref<128x16xf32, #tpu.memory_space<hbm>>) dst(%arg7 : memref<128x16xf32, #tpu.memory_space<vmem>>)
      tpu.yield
    }) : () -> ()
    "tpu.region"() ({
      %run_scoped3A = tpu.sem_alloc : memref<!tpu.dma_semaphore, #tpu.memory_space<semaphore_mem>>
      tpu.enqueue_dma source(%arg4 : memref<128x16xf32, #tpu.memory_space<hbm>>) target(%arg8 : memref<128x16xf32, #tpu.memory_space<vmem>>) target_semaphore(%run_scoped3A : memref<!tpu.dma_semaphore, #tpu.memory_space<semaphore_mem>>)
      tpu.wait_dma2 semaphore(%run_scoped3A : memref<!tpu.dma_semaphore, #tpu.memory_space<semaphore_mem>>) src(%arg4 : memref<128x16xf32, #tpu.memory_space<hbm>>) dst(%arg8 : memref<128x16xf32, #tpu.memory_space<vmem>>)
      tpu.yield
    }) : () -> ()
    %mul3A_1 = arith.constant 640 : i32
    %mul3A_2 = arith.muli %arg1, %mul3A_1 : i32
    %add3A_3 = arith.constant 0 : i32
    %add3A_4 = arith.addi %mul3A_2, %add3A_3 : i32
    "tpu.region"() ({
      %run_scoped3A = tpu.sem_alloc : memref<!tpu.dma_semaphore, #tpu.memory_space<semaphore_mem>>
      %dma_start3A = arith.constant 0 : i32
      %dma_start3A_31 = tpu.memref_slice %arg9[%add3A_4, %dma_start3A] : memref<10240x16xf32, #tpu.memory_space<vmem_shared>> -> memref<128x16xf32, #tpu.memory_space<vmem_shared>>
      %dma_start3A_32 = arith.constant 0 : i32
      %dma_start3A_33 = tpu.memref_slice %arg9[%add3A_4, %dma_start3A_32] : memref<10240x16xf32, #tpu.memory_space<vmem_shared>> -> memref<128x16xf32, #tpu.memory_space<vmem_shared>>
      tpu.enqueue_dma source(%arg8 : memref<128x16xf32, #tpu.memory_space<vmem>>) target(%dma_start3A_33 : memref<128x16xf32, #tpu.memory_space<vmem_shared>>) target_semaphore(%run_scoped3A : memref<!tpu.dma_semaphore, #tpu.memory_space<semaphore_mem>>)
      %dma_wait3A = arith.constant 0 : i32
      %dma_wait3A_34 = tpu.memref_slice %arg9[%add3A_4, %dma_wait3A] : memref<10240x16xf32, #tpu.memory_space<vmem_shared>> -> memref<128x16xf32, #tpu.memory_space<vmem_shared>>
      %dma_wait3A_35 = arith.constant 0 : i32
      %dma_wait3A_36 = tpu.memref_slice %arg9[%add3A_4, %dma_wait3A_35] : memref<10240x16xf32, #tpu.memory_space<vmem_shared>> -> memref<128x16xf32, #tpu.memory_space<vmem_shared>>
      tpu.wait_dma2 semaphore(%run_scoped3A : memref<!tpu.dma_semaphore, #tpu.memory_space<semaphore_mem>>) src(%arg8 : memref<128x16xf32, #tpu.memory_space<vmem>>) dst(%dma_wait3A_36 : memref<128x16xf32, #tpu.memory_space<vmem_shared>>)
      tpu.yield
    }) : () -> ()
    %mul3A_5 = arith.constant 640 : i32
    %mul3A_6 = arith.muli %arg1, %mul3A_5 : i32
    %add3A_7 = arith.constant 128 : i32
    %add3A_8 = arith.addi %mul3A_6, %add3A_7 : i32
    "tpu.region"() ({
      %run_scoped3A = tpu.sem_alloc : memref<!tpu.dma_semaphore, #tpu.memory_space<semaphore_mem>>
      %dma_start3A = arith.constant 0 : i32
      %dma_start3A_31 = tpu.memref_slice %arg9[%add3A_8, %dma_start3A] : memref<10240x16xf32, #tpu.memory_space<vmem_shared>> -> memref<128x16xf32, #tpu.memory_space<vmem_shared>>
      %dma_start3A_32 = arith.constant 0 : i32
      %dma_start3A_33 = tpu.memref_slice %arg9[%add3A_8, %dma_start3A_32] : memref<10240x16xf32, #tpu.memory_space<vmem_shared>> -> memref<128x16xf32, #tpu.memory_space<vmem_shared>>
      tpu.enqueue_dma source(%arg8 : memref<128x16xf32, #tpu.memory_space<vmem>>) target(%dma_start3A_33 : memref<128x16xf32, #tpu.memory_space<vmem_shared>>) target_semaphore(%run_scoped3A : memref<!tpu.dma_semaphore, #tpu.memory_space<semaphore_mem>>)
      %dma_wait3A = arith.constant 0 : i32
      %dma_wait3A_34 = tpu.memref_slice %arg9[%add3A_8, %dma_wait3A] : memref<10240x16xf32, #tpu.memory_space<vmem_shared>> -> memref<128x16xf32, #tpu.memory_space<vmem_shared>>
      %dma_wait3A_35 = arith.constant 0 : i32
      %dma_wait3A_36 = tpu.memref_slice %arg9[%add3A_8, %dma_wait3A_35] : memref<10240x16xf32, #tpu.memory_space<vmem_shared>> -> memref<128x16xf32, #tpu.memory_space<vmem_shared>>
      tpu.wait_dma2 semaphore(%run_scoped3A : memref<!tpu.dma_semaphore, #tpu.memory_space<semaphore_mem>>) src(%arg8 : memref<128x16xf32, #tpu.memory_space<vmem>>) dst(%dma_wait3A_36 : memref<128x16xf32, #tpu.memory_space<vmem_shared>>)
      tpu.yield
    }) : () -> ()
    %mul3A_9 = arith.constant 640 : i32
    %mul3A_10 = arith.muli %arg1, %mul3A_9 : i32
    %add3A_11 = arith.constant 256 : i32
    %add3A_12 = arith.addi %mul3A_10, %add3A_11 : i32
    "tpu.region"() ({
      %run_scoped3A = tpu.sem_alloc : memref<!tpu.dma_semaphore, #tpu.memory_space<semaphore_mem>>
      %dma_start3A = arith.constant 0 : i32
      %dma_start3A_31 = tpu.memref_slice %arg9[%add3A_12, %dma_start3A] : memref<10240x16xf32, #tpu.memory_space<vmem_shared>> -> memref<128x16xf32, #tpu.memory_space<vmem_shared>>
      %dma_start3A_32 = arith.constant 0 : i32
      %dma_start3A_33 = tpu.memref_slice %arg9[%add3A_12, %dma_start3A_32] : memref<10240x16xf32, #tpu.memory_space<vmem_shared>> -> memref<128x16xf32, #tpu.memory_space<vmem_shared>>
      tpu.enqueue_dma source(%arg8 : memref<128x16xf32, #tpu.memory_space<vmem>>) target(%dma_start3A_33 : memref<128x16xf32, #tpu.memory_space<vmem_shared>>) target_semaphore(%run_scoped3A : memref<!tpu.dma_semaphore, #tpu.memory_space<semaphore_mem>>)
      %dma_wait3A = arith.constant 0 : i32
      %dma_wait3A_34 = tpu.memref_slice %arg9[%add3A_12, %dma_wait3A] : memref<10240x16xf32, #tpu.memory_space<vmem_shared>> -> memref<128x16xf32, #tpu.memory_space<vmem_shared>>
      %dma_wait3A_35 = arith.constant 0 : i32
      %dma_wait3A_36 = tpu.memref_slice %arg9[%add3A_12, %dma_wait3A_35] : memref<10240x16xf32, #tpu.memory_space<vmem_shared>> -> memref<128x16xf32, #tpu.memory_space<vmem_shared>>
      tpu.wait_dma2 semaphore(%run_scoped3A : memref<!tpu.dma_semaphore, #tpu.memory_space<semaphore_mem>>) src(%arg8 : memref<128x16xf32, #tpu.memory_space<vmem>>) dst(%dma_wait3A_36 : memref<128x16xf32, #tpu.memory_space<vmem_shared>>)
      tpu.yield
    }) : () -> ()
    %mul3A_13 = arith.constant 640 : i32
    %mul3A_14 = arith.muli %arg1, %mul3A_13 : i32
    %add3A_15 = arith.constant 384 : i32
    %add3A_16 = arith.addi %mul3A_14, %add3A_15 : i32
    "tpu.region"() ({
      %run_scoped3A = tpu.sem_alloc : memref<!tpu.dma_semaphore, #tpu.memory_space<semaphore_mem>>
      %dma_start3A = arith.constant 0 : i32
      %dma_start3A_31 = tpu.memref_slice %arg9[%add3A_16, %dma_start3A] : memref<10240x16xf32, #tpu.memory_space<vmem_shared>> -> memref<128x16xf32, #tpu.memory_space<vmem_shared>>
      %dma_start3A_32 = arith.constant 0 : i32
      %dma_start3A_33 = tpu.memref_slice %arg9[%add3A_16, %dma_start3A_32] : memref<10240x16xf32, #tpu.memory_space<vmem_shared>> -> memref<128x16xf32, #tpu.memory_space<vmem_shared>>
      tpu.enqueue_dma source(%arg8 : memref<128x16xf32, #tpu.memory_space<vmem>>) target(%dma_start3A_33 : memref<128x16xf32, #tpu.memory_space<vmem_shared>>) target_semaphore(%run_scoped3A : memref<!tpu.dma_semaphore, #tpu.memory_space<semaphore_mem>>)
      %dma_wait3A = arith.constant 0 : i32
      %dma_wait3A_34 = tpu.memref_slice %arg9[%add3A_16, %dma_wait3A] : memref<10240x16xf32, #tpu.memory_space<vmem_shared>> -> memref<128x16xf32, #tpu.memory_space<vmem_shared>>
      %dma_wait3A_35 = arith.constant 0 : i32
      %dma_wait3A_36 = tpu.memref_slice %arg9[%add3A_16, %dma_wait3A_35] : memref<10240x16xf32, #tpu.memory_space<vmem_shared>> -> memref<128x16xf32, #tpu.memory_space<vmem_shared>>
      tpu.wait_dma2 semaphore(%run_scoped3A : memref<!tpu.dma_semaphore, #tpu.memory_space<semaphore_mem>>) src(%arg8 : memref<128x16xf32, #tpu.memory_space<vmem>>) dst(%dma_wait3A_36 : memref<128x16xf32, #tpu.memory_space<vmem_shared>>)
      tpu.yield
    }) : () -> ()
    %mul3A_17 = arith.constant 640 : i32
    %mul3A_18 = arith.muli %arg1, %mul3A_17 : i32
    %add3A_19 = arith.constant 512 : i32
    %add3A_20 = arith.addi %mul3A_18, %add3A_19 : i32
    "tpu.region"() ({
      %run_scoped3A = tpu.sem_alloc : memref<!tpu.dma_semaphore, #tpu.memory_space<semaphore_mem>>
      %dma_start3A = arith.constant 0 : i32
      %dma_start3A_31 = tpu.memref_slice %arg9[%add3A_20, %dma_start3A] : memref<10240x16xf32, #tpu.memory_space<vmem_shared>> -> memref<128x16xf32, #tpu.memory_space<vmem_shared>>
      %dma_start3A_32 = arith.constant 0 : i32
      %dma_start3A_33 = tpu.memref_slice %arg9[%add3A_20, %dma_start3A_32] : memref<10240x16xf32, #tpu.memory_space<vmem_shared>> -> memref<128x16xf32, #tpu.memory_space<vmem_shared>>
      tpu.enqueue_dma source(%arg8 : memref<128x16xf32, #tpu.memory_space<vmem>>) target(%dma_start3A_33 : memref<128x16xf32, #tpu.memory_space<vmem_shared>>) target_semaphore(%run_scoped3A : memref<!tpu.dma_semaphore, #tpu.memory_space<semaphore_mem>>)
      %dma_wait3A = arith.constant 0 : i32
      %dma_wait3A_34 = tpu.memref_slice %arg9[%add3A_20, %dma_wait3A] : memref<10240x16xf32, #tpu.memory_space<vmem_shared>> -> memref<128x16xf32, #tpu.memory_space<vmem_shared>>
      %dma_wait3A_35 = arith.constant 0 : i32
      %dma_wait3A_36 = tpu.memref_slice %arg9[%add3A_20, %dma_wait3A_35] : memref<10240x16xf32, #tpu.memory_space<vmem_shared>> -> memref<128x16xf32, #tpu.memory_space<vmem_shared>>
      tpu.wait_dma2 semaphore(%run_scoped3A : memref<!tpu.dma_semaphore, #tpu.memory_space<semaphore_mem>>) src(%arg8 : memref<128x16xf32, #tpu.memory_space<vmem>>) dst(%dma_wait3A_36 : memref<128x16xf32, #tpu.memory_space<vmem_shared>>)
      tpu.yield
    }) : () -> ()
    %barrier3A = arith.constant 0 : index
    tpu.barrier barrier_id(%barrier3A)
    %scan3A = arith.constant 0 : i32
    %scan3A_21 = arith.constant 0 : i32
    %scan3A_22 = arith.constant 81 : i32
    %scan3A_23 = arith.addi %scan3A_21, %scan3A_22 : i32
    %scan3A_24 = arith.constant 1 : i32
    scf.for %scan3A_31 = %scan3A_21 to %scan3A_23 step %scan3A_24  : i32 {
      "tpu.region"() ({
        %run_scoped3A = tpu.sem_alloc : memref<!tpu.dma_semaphore, #tpu.memory_space<semaphore_mem>>
        %dma_start3A = arith.constant 0 : i32
        %dma_start3A_32 = tpu.memref_slice %arg6[%scan3A_31, %dma_start3A] : memref<81x128xi32, #tpu.memory_space<vmem>> -> memref<1x128xi32, #tpu.memory_space<vmem>>
        %dma_start3A_33 = tpu.memref_squeeze %dma_start3A_32 : memref<1x128xi32, #tpu.memory_space<vmem>> -> memref<128xi32, #tpu.memory_space<vmem>>
        %dma_start3A_34 = arith.constant 0 : i32
        %dma_start3A_35 = arith.constant 0 : i32
        %dma_start3A_36 = tpu.memref_slice %arg9[%dma_start3A_34, %dma_start3A_35] : memref<10240x16xf32, #tpu.memory_space<vmem_shared>> -> memref<10240x16xf32, #tpu.memory_space<vmem_shared>>
        tpu.enqueue_indirect_dma source(%arg7 : memref<128x16xf32, #tpu.memory_space<vmem>>) target(%dma_start3A_36 : memref<10240x16xf32, #tpu.memory_space<vmem_shared>>) offsets(%dma_start3A_33 : memref<128xi32, #tpu.memory_space<vmem>>) semaphore(%run_scoped3A : memref<!tpu.dma_semaphore, #tpu.memory_space<semaphore_mem>>) {add = true}
        %dma_wait3A = arith.constant 0 : i32
        %dma_wait3A_37 = tpu.memref_slice %arg6[%scan3A_31, %dma_wait3A] : memref<81x128xi32, #tpu.memory_space<vmem>> -> memref<1x128xi32, #tpu.memory_space<vmem>>
        %dma_wait3A_38 = tpu.memref_squeeze %dma_wait3A_37 : memref<1x128xi32, #tpu.memory_space<vmem>> -> memref<128xi32, #tpu.memory_space<vmem>>
        %dma_wait3A_39 = arith.constant 0 : i32
        %dma_wait3A_40 = arith.constant 0 : i32
        %dma_wait3A_41 = tpu.memref_slice %arg9[%dma_wait3A_39, %dma_wait3A_40] : memref<10240x16xf32, #tpu.memory_space<vmem_shared>> -> memref<10240x16xf32, #tpu.memory_space<vmem_shared>>
        tpu.wait_indirect_dma semaphore(%run_scoped3A : memref<!tpu.dma_semaphore, #tpu.memory_space<semaphore_mem>>) src(%arg7 : memref<128x16xf32, #tpu.memory_space<vmem>>) dst(%dma_wait3A_41 : memref<10240x16xf32, #tpu.memory_space<vmem_shared>>)
        tpu.yield
      }) : () -> ()
    }
    %scan3A_25 = arith.constant 81 : i32
    %barrier3A_26 = arith.constant 0 : index
    tpu.barrier barrier_id(%barrier3A_26)
    %mul3A_27 = arith.constant 640 : i32
    %mul3A_28 = arith.muli %arg1, %mul3A_27 : i32
    %mul3A_29 = arith.constant 640 : i32
    %mul3A_30 = arith.muli %arg1, %mul3A_29 : i32
    "tpu.region"() ({
      %run_scoped3A = tpu.sem_alloc : memref<!tpu.dma_semaphore, #tpu.memory_space<semaphore_mem>>
      %dma_start3A = arith.constant 0 : i32
      %dma_start3A_31 = tpu.memref_slice %arg5[%arg0, %mul3A_30, %dma_start3A] : memref<2x10240x16xf32, #tpu.memory_space<hbm>> -> memref<1x640x16xf32, #tpu.memory_space<hbm>>
      %dma_start3A_32 = tpu.memref_squeeze %dma_start3A_31 : memref<1x640x16xf32, #tpu.memory_space<hbm>> -> memref<640x16xf32, #tpu.memory_space<hbm>>
      %dma_start3A_33 = arith.constant 0 : i32
      %dma_start3A_34 = tpu.memref_slice %arg9[%mul3A_28, %dma_start3A_33] : memref<10240x16xf32, #tpu.memory_space<vmem_shared>> -> memref<640x16xf32, #tpu.memory_space<vmem_shared>>
      tpu.enqueue_dma source(%dma_start3A_34 : memref<640x16xf32, #tpu.memory_space<vmem_shared>>) target(%dma_start3A_32 : memref<640x16xf32, #tpu.memory_space<hbm>>) target_semaphore(%run_scoped3A : memref<!tpu.dma_semaphore, #tpu.memory_space<semaphore_mem>>)
      %dma_wait3A = arith.constant 0 : i32
      %dma_wait3A_35 = tpu.memref_slice %arg5[%arg0, %mul3A_30, %dma_wait3A] : memref<2x10240x16xf32, #tpu.memory_space<hbm>> -> memref<1x640x16xf32, #tpu.memory_space<hbm>>
      %dma_wait3A_36 = tpu.memref_squeeze %dma_wait3A_35 : memref<1x640x16xf32, #tpu.memory_space<hbm>> -> memref<640x16xf32, #tpu.memory_space<hbm>>
      %dma_wait3A_37 = arith.constant 0 : i32
      %dma_wait3A_38 = tpu.memref_slice %arg9[%mul3A_28, %dma_wait3A_37] : memref<10240x16xf32, #tpu.memory_space<vmem_shared>> -> memref<640x16xf32, #tpu.memory_space<vmem_shared>>
      tpu.wait_dma2 semaphore(%run_scoped3A : memref<!tpu.dma_semaphore, #tpu.memory_space<semaphore_mem>>) src(%dma_wait3A_38 : memref<640x16xf32, #tpu.memory_space<vmem_shared>>) dst(%dma_wait3A_36 : memref<640x16xf32, #tpu.memory_space<hbm>>)
      tpu.yield
    }) : () -> ()
    return
  }
}

#map = affine_map<(d0, d1) -> (0, 0)>
#map1 = affine_map<(d0, d1) -> (0, 0, 0)>
#map2 = affine_map<(d0, d1) -> (0, 0, 0, 0)>
module attributes {stable_mosaic.version = 14 : i64} {
  func.func @_sc_scatter(%arg0: i32, %arg1: i32, %arg2: memref<10240x64xf32, #tpu.memory_space<hbm>>, %arg3: memref<10240x64xf32, #tpu.memory_space<hbm>>, %arg4: memref<32x81x128xi32, #tpu.memory_space<hbm>>, %arg5: memref<32x81x128xi32, #tpu.memory_space<hbm>>, %arg6: memref<128x64xf32, #tpu.memory_space<hbm>>, %arg7: memref<2x2x10240x64xf32, #tpu.memory_space<hbm>>, %arg8: memref<81x128xi32, #tpu.memory_space<vmem>>, %arg9: memref<81x128xi32, #tpu.memory_space<vmem>>, %arg10: memref<2x3x128x64xf32, #tpu.memory_space<vmem>>, %arg11: memref<128x64xf32, #tpu.memory_space<vmem>>, %arg12: memref<10240x64xf32, #tpu.memory_space<vmem_shared>>, %arg13: memref<!tpu.dma_semaphore, #tpu.memory_space<semaphore_mem>>, %arg14: memref<!tpu.dma_semaphore, #tpu.memory_space<semaphore_mem>>, %arg15: memref<!tpu.dma_semaphore, #tpu.memory_space<semaphore_mem>>, %arg16: memref<!tpu.dma_semaphore, #tpu.memory_space<semaphore_mem>>) attributes {dimension_semantics = [#tpu.dimension_semantics<core_parallel>, #tpu.dimension_semantics<subcore_parallel>], iteration_bounds = array<i64: 2, 16>, scalar_prefetch = 0 : i64, scratch_operands = 9 : i64, tpu.core_type = #tpu.core_type<sc_vector_subcore>, window_params = [{transform_indices = #map}, {transform_indices = #map}, {transform_indices = #map1}, {transform_indices = #map1}, {transform_indices = #map}, {transform_indices = #map2}]} {
    %mul3A = arith.constant 2 : i32
    %mul3A_0 = arith.muli %arg1, %mul3A : i32
    %add3A = arith.addi %mul3A_0, %arg0 : i32
    "tpu.region"() ({
      %run_scoped3A_374 = tpu.sem_alloc : memref<!tpu.dma_semaphore, #tpu.memory_space<semaphore_mem>>
      %dma_start3A_375 = arith.constant 0 : i32
      %dma_start3A_376 = arith.constant 0 : i32
      %dma_start3A_377 = tpu.memref_slice %arg4[%add3A, %dma_start3A_375, %dma_start3A_376] : memref<32x81x128xi32, #tpu.memory_space<hbm>> -> memref<1x81x128xi32, #tpu.memory_space<hbm>>
      %dma_start3A_378 = tpu.memref_squeeze %dma_start3A_377 : memref<1x81x128xi32, #tpu.memory_space<hbm>> -> memref<81x128xi32, #tpu.memory_space<hbm>>
      %dma_start3A_379 = arith.constant 0 : i32
      %dma_start3A_380 = arith.constant 0 : i32
      %dma_start3A_381 = tpu.memref_slice %arg4[%add3A, %dma_start3A_379, %dma_start3A_380] : memref<32x81x128xi32, #tpu.memory_space<hbm>> -> memref<1x81x128xi32, #tpu.memory_space<hbm>>
      %dma_start3A_382 = tpu.memref_squeeze %dma_start3A_381 : memref<1x81x128xi32, #tpu.memory_space<hbm>> -> memref<81x128xi32, #tpu.memory_space<hbm>>
      tpu.enqueue_dma source(%dma_start3A_382 : memref<81x128xi32, #tpu.memory_space<hbm>>) target(%arg8 : memref<81x128xi32, #tpu.memory_space<vmem>>) target_semaphore(%run_scoped3A_374 : memref<!tpu.dma_semaphore, #tpu.memory_space<semaphore_mem>>)
      %dma_wait3A_383 = arith.constant 0 : i32
      %dma_wait3A_384 = arith.constant 0 : i32
      %dma_wait3A_385 = tpu.memref_slice %arg4[%add3A, %dma_wait3A_383, %dma_wait3A_384] : memref<32x81x128xi32, #tpu.memory_space<hbm>> -> memref<1x81x128xi32, #tpu.memory_space<hbm>>
      %dma_wait3A_386 = tpu.memref_squeeze %dma_wait3A_385 : memref<1x81x128xi32, #tpu.memory_space<hbm>> -> memref<81x128xi32, #tpu.memory_space<hbm>>
      %dma_wait3A_387 = arith.constant 0 : i32
      %dma_wait3A_388 = arith.constant 0 : i32
      %dma_wait3A_389 = tpu.memref_slice %arg4[%add3A, %dma_wait3A_387, %dma_wait3A_388] : memref<32x81x128xi32, #tpu.memory_space<hbm>> -> memref<1x81x128xi32, #tpu.memory_space<hbm>>
      %dma_wait3A_390 = tpu.memref_squeeze %dma_wait3A_389 : memref<1x81x128xi32, #tpu.memory_space<hbm>> -> memref<81x128xi32, #tpu.memory_space<hbm>>
      tpu.wait_dma2 semaphore(%run_scoped3A_374 : memref<!tpu.dma_semaphore, #tpu.memory_space<semaphore_mem>>) src(%dma_wait3A_390 : memref<81x128xi32, #tpu.memory_space<hbm>>) dst(%arg8 : memref<81x128xi32, #tpu.memory_space<vmem>>)
      tpu.yield
    }) : () -> ()
    "tpu.region"() ({
      %run_scoped3A_374 = tpu.sem_alloc : memref<!tpu.dma_semaphore, #tpu.memory_space<semaphore_mem>>
      %dma_start3A_375 = arith.constant 0 : i32
      %dma_start3A_376 = arith.constant 0 : i32
      %dma_start3A_377 = tpu.memref_slice %arg5[%add3A, %dma_start3A_375, %dma_start3A_376] : memref<32x81x128xi32, #tpu.memory_space<hbm>> -> memref<1x81x128xi32, #tpu.memory_space<hbm>>
      %dma_start3A_378 = tpu.memref_squeeze %dma_start3A_377 : memref<1x81x128xi32, #tpu.memory_space<hbm>> -> memref<81x128xi32, #tpu.memory_space<hbm>>
      %dma_start3A_379 = arith.constant 0 : i32
      %dma_start3A_380 = arith.constant 0 : i32
      %dma_start3A_381 = tpu.memref_slice %arg5[%add3A, %dma_start3A_379, %dma_start3A_380] : memref<32x81x128xi32, #tpu.memory_space<hbm>> -> memref<1x81x128xi32, #tpu.memory_space<hbm>>
      %dma_start3A_382 = tpu.memref_squeeze %dma_start3A_381 : memref<1x81x128xi32, #tpu.memory_space<hbm>> -> memref<81x128xi32, #tpu.memory_space<hbm>>
      tpu.enqueue_dma source(%dma_start3A_382 : memref<81x128xi32, #tpu.memory_space<hbm>>) target(%arg9 : memref<81x128xi32, #tpu.memory_space<vmem>>) target_semaphore(%run_scoped3A_374 : memref<!tpu.dma_semaphore, #tpu.memory_space<semaphore_mem>>)
      %dma_wait3A_383 = arith.constant 0 : i32
      %dma_wait3A_384 = arith.constant 0 : i32
      %dma_wait3A_385 = tpu.memref_slice %arg5[%add3A, %dma_wait3A_383, %dma_wait3A_384] : memref<32x81x128xi32, #tpu.memory_space<hbm>> -> memref<1x81x128xi32, #tpu.memory_space<hbm>>
      %dma_wait3A_386 = tpu.memref_squeeze %dma_wait3A_385 : memref<1x81x128xi32, #tpu.memory_space<hbm>> -> memref<81x128xi32, #tpu.memory_space<hbm>>
      %dma_wait3A_387 = arith.constant 0 : i32
      %dma_wait3A_388 = arith.constant 0 : i32
      %dma_wait3A_389 = tpu.memref_slice %arg5[%add3A, %dma_wait3A_387, %dma_wait3A_388] : memref<32x81x128xi32, #tpu.memory_space<hbm>> -> memref<1x81x128xi32, #tpu.memory_space<hbm>>
      %dma_wait3A_390 = tpu.memref_squeeze %dma_wait3A_389 : memref<1x81x128xi32, #tpu.memory_space<hbm>> -> memref<81x128xi32, #tpu.memory_space<hbm>>
      tpu.wait_dma2 semaphore(%run_scoped3A_374 : memref<!tpu.dma_semaphore, #tpu.memory_space<semaphore_mem>>) src(%dma_wait3A_390 : memref<81x128xi32, #tpu.memory_space<hbm>>) dst(%arg9 : memref<81x128xi32, #tpu.memory_space<vmem>>)
      tpu.yield
    }) : () -> ()
    "tpu.region"() ({
      %run_scoped3A_374 = tpu.sem_alloc : memref<!tpu.dma_semaphore, #tpu.memory_space<semaphore_mem>>
      tpu.enqueue_dma source(%arg6 : memref<128x64xf32, #tpu.memory_space<hbm>>) target(%arg11 : memref<128x64xf32, #tpu.memory_space<vmem>>) target_semaphore(%run_scoped3A_374 : memref<!tpu.dma_semaphore, #tpu.memory_space<semaphore_mem>>)
      tpu.wait_dma2 semaphore(%run_scoped3A_374 : memref<!tpu.dma_semaphore, #tpu.memory_space<semaphore_mem>>) src(%arg6 : memref<128x64xf32, #tpu.memory_space<hbm>>) dst(%arg11 : memref<128x64xf32, #tpu.memory_space<vmem>>)
      tpu.yield
    }) : () -> ()
    %mul3A_1 = arith.constant 640 : i32
    %mul3A_2 = arith.muli %arg1, %mul3A_1 : i32
    %add3A_3 = arith.constant 0 : i32
    %add3A_4 = arith.addi %mul3A_2, %add3A_3 : i32
    "tpu.region"() ({
      %run_scoped3A_374 = tpu.sem_alloc : memref<!tpu.dma_semaphore, #tpu.memory_space<semaphore_mem>>
      %dma_start3A_375 = arith.constant 0 : i32
      %dma_start3A_376 = tpu.memref_slice %arg12[%add3A_4, %dma_start3A_375] : memref<10240x64xf32, #tpu.memory_space<vmem_shared>> -> memref<128x64xf32, #tpu.memory_space<vmem_shared>>
      %dma_start3A_377 = arith.constant 0 : i32
      %dma_start3A_378 = tpu.memref_slice %arg12[%add3A_4, %dma_start3A_377] : memref<10240x64xf32, #tpu.memory_space<vmem_shared>> -> memref<128x64xf32, #tpu.memory_space<vmem_shared>>
      tpu.enqueue_dma source(%arg11 : memref<128x64xf32, #tpu.memory_space<vmem>>) target(%dma_start3A_378 : memref<128x64xf32, #tpu.memory_space<vmem_shared>>) target_semaphore(%run_scoped3A_374 : memref<!tpu.dma_semaphore, #tpu.memory_space<semaphore_mem>>)
      %dma_wait3A_379 = arith.constant 0 : i32
      %dma_wait3A_380 = tpu.memref_slice %arg12[%add3A_4, %dma_wait3A_379] : memref<10240x64xf32, #tpu.memory_space<vmem_shared>> -> memref<128x64xf32, #tpu.memory_space<vmem_shared>>
      %dma_wait3A_381 = arith.constant 0 : i32
      %dma_wait3A_382 = tpu.memref_slice %arg12[%add3A_4, %dma_wait3A_381] : memref<10240x64xf32, #tpu.memory_space<vmem_shared>> -> memref<128x64xf32, #tpu.memory_space<vmem_shared>>
      tpu.wait_dma2 semaphore(%run_scoped3A_374 : memref<!tpu.dma_semaphore, #tpu.memory_space<semaphore_mem>>) src(%arg11 : memref<128x64xf32, #tpu.memory_space<vmem>>) dst(%dma_wait3A_382 : memref<128x64xf32, #tpu.memory_space<vmem_shared>>)
      tpu.yield
    }) : () -> ()
    %mul3A_5 = arith.constant 640 : i32
    %mul3A_6 = arith.muli %arg1, %mul3A_5 : i32
    %add3A_7 = arith.constant 128 : i32
    %add3A_8 = arith.addi %mul3A_6, %add3A_7 : i32
    "tpu.region"() ({
      %run_scoped3A_374 = tpu.sem_alloc : memref<!tpu.dma_semaphore, #tpu.memory_space<semaphore_mem>>
      %dma_start3A_375 = arith.constant 0 : i32
      %dma_start3A_376 = tpu.memref_slice %arg12[%add3A_8, %dma_start3A_375] : memref<10240x64xf32, #tpu.memory_space<vmem_shared>> -> memref<128x64xf32, #tpu.memory_space<vmem_shared>>
      %dma_start3A_377 = arith.constant 0 : i32
      %dma_start3A_378 = tpu.memref_slice %arg12[%add3A_8, %dma_start3A_377] : memref<10240x64xf32, #tpu.memory_space<vmem_shared>> -> memref<128x64xf32, #tpu.memory_space<vmem_shared>>
      tpu.enqueue_dma source(%arg11 : memref<128x64xf32, #tpu.memory_space<vmem>>) target(%dma_start3A_378 : memref<128x64xf32, #tpu.memory_space<vmem_shared>>) target_semaphore(%run_scoped3A_374 : memref<!tpu.dma_semaphore, #tpu.memory_space<semaphore_mem>>)
      %dma_wait3A_379 = arith.constant 0 : i32
      %dma_wait3A_380 = tpu.memref_slice %arg12[%add3A_8, %dma_wait3A_379] : memref<10240x64xf32, #tpu.memory_space<vmem_shared>> -> memref<128x64xf32, #tpu.memory_space<vmem_shared>>
      %dma_wait3A_381 = arith.constant 0 : i32
      %dma_wait3A_382 = tpu.memref_slice %arg12[%add3A_8, %dma_wait3A_381] : memref<10240x64xf32, #tpu.memory_space<vmem_shared>> -> memref<128x64xf32, #tpu.memory_space<vmem_shared>>
      tpu.wait_dma2 semaphore(%run_scoped3A_374 : memref<!tpu.dma_semaphore, #tpu.memory_space<semaphore_mem>>) src(%arg11 : memref<128x64xf32, #tpu.memory_space<vmem>>) dst(%dma_wait3A_382 : memref<128x64xf32, #tpu.memory_space<vmem_shared>>)
      tpu.yield
    }) : () -> ()
    %mul3A_9 = arith.constant 640 : i32
    %mul3A_10 = arith.muli %arg1, %mul3A_9 : i32
    %add3A_11 = arith.constant 256 : i32
    %add3A_12 = arith.addi %mul3A_10, %add3A_11 : i32
    "tpu.region"() ({
      %run_scoped3A_374 = tpu.sem_alloc : memref<!tpu.dma_semaphore, #tpu.memory_space<semaphore_mem>>
      %dma_start3A_375 = arith.constant 0 : i32
      %dma_start3A_376 = tpu.memref_slice %arg12[%add3A_12, %dma_start3A_375] : memref<10240x64xf32, #tpu.memory_space<vmem_shared>> -> memref<128x64xf32, #tpu.memory_space<vmem_shared>>
      %dma_start3A_377 = arith.constant 0 : i32
      %dma_start3A_378 = tpu.memref_slice %arg12[%add3A_12, %dma_start3A_377] : memref<10240x64xf32, #tpu.memory_space<vmem_shared>> -> memref<128x64xf32, #tpu.memory_space<vmem_shared>>
      tpu.enqueue_dma source(%arg11 : memref<128x64xf32, #tpu.memory_space<vmem>>) target(%dma_start3A_378 : memref<128x64xf32, #tpu.memory_space<vmem_shared>>) target_semaphore(%run_scoped3A_374 : memref<!tpu.dma_semaphore, #tpu.memory_space<semaphore_mem>>)
      %dma_wait3A_379 = arith.constant 0 : i32
      %dma_wait3A_380 = tpu.memref_slice %arg12[%add3A_12, %dma_wait3A_379] : memref<10240x64xf32, #tpu.memory_space<vmem_shared>> -> memref<128x64xf32, #tpu.memory_space<vmem_shared>>
      %dma_wait3A_381 = arith.constant 0 : i32
      %dma_wait3A_382 = tpu.memref_slice %arg12[%add3A_12, %dma_wait3A_381] : memref<10240x64xf32, #tpu.memory_space<vmem_shared>> -> memref<128x64xf32, #tpu.memory_space<vmem_shared>>
      tpu.wait_dma2 semaphore(%run_scoped3A_374 : memref<!tpu.dma_semaphore, #tpu.memory_space<semaphore_mem>>) src(%arg11 : memref<128x64xf32, #tpu.memory_space<vmem>>) dst(%dma_wait3A_382 : memref<128x64xf32, #tpu.memory_space<vmem_shared>>)
      tpu.yield
    }) : () -> ()
    %mul3A_13 = arith.constant 640 : i32
    %mul3A_14 = arith.muli %arg1, %mul3A_13 : i32
    %add3A_15 = arith.constant 384 : i32
    %add3A_16 = arith.addi %mul3A_14, %add3A_15 : i32
    "tpu.region"() ({
      %run_scoped3A_374 = tpu.sem_alloc : memref<!tpu.dma_semaphore, #tpu.memory_space<semaphore_mem>>
      %dma_start3A_375 = arith.constant 0 : i32
      %dma_start3A_376 = tpu.memref_slice %arg12[%add3A_16, %dma_start3A_375] : memref<10240x64xf32, #tpu.memory_space<vmem_shared>> -> memref<128x64xf32, #tpu.memory_space<vmem_shared>>
      %dma_start3A_377 = arith.constant 0 : i32
      %dma_start3A_378 = tpu.memref_slice %arg12[%add3A_16, %dma_start3A_377] : memref<10240x64xf32, #tpu.memory_space<vmem_shared>> -> memref<128x64xf32, #tpu.memory_space<vmem_shared>>
      tpu.enqueue_dma source(%arg11 : memref<128x64xf32, #tpu.memory_space<vmem>>) target(%dma_start3A_378 : memref<128x64xf32, #tpu.memory_space<vmem_shared>>) target_semaphore(%run_scoped3A_374 : memref<!tpu.dma_semaphore, #tpu.memory_space<semaphore_mem>>)
      %dma_wait3A_379 = arith.constant 0 : i32
      %dma_wait3A_380 = tpu.memref_slice %arg12[%add3A_16, %dma_wait3A_379] : memref<10240x64xf32, #tpu.memory_space<vmem_shared>> -> memref<128x64xf32, #tpu.memory_space<vmem_shared>>
      %dma_wait3A_381 = arith.constant 0 : i32
      %dma_wait3A_382 = tpu.memref_slice %arg12[%add3A_16, %dma_wait3A_381] : memref<10240x64xf32, #tpu.memory_space<vmem_shared>> -> memref<128x64xf32, #tpu.memory_space<vmem_shared>>
      tpu.wait_dma2 semaphore(%run_scoped3A_374 : memref<!tpu.dma_semaphore, #tpu.memory_space<semaphore_mem>>) src(%arg11 : memref<128x64xf32, #tpu.memory_space<vmem>>) dst(%dma_wait3A_382 : memref<128x64xf32, #tpu.memory_space<vmem_shared>>)
      tpu.yield
    }) : () -> ()
    %mul3A_17 = arith.constant 640 : i32
    %mul3A_18 = arith.muli %arg1, %mul3A_17 : i32
    %add3A_19 = arith.constant 512 : i32
    %add3A_20 = arith.addi %mul3A_18, %add3A_19 : i32
    "tpu.region"() ({
      %run_scoped3A_374 = tpu.sem_alloc : memref<!tpu.dma_semaphore, #tpu.memory_space<semaphore_mem>>
      %dma_start3A_375 = arith.constant 0 : i32
      %dma_start3A_376 = tpu.memref_slice %arg12[%add3A_20, %dma_start3A_375] : memref<10240x64xf32, #tpu.memory_space<vmem_shared>> -> memref<128x64xf32, #tpu.memory_space<vmem_shared>>
      %dma_start3A_377 = arith.constant 0 : i32
      %dma_start3A_378 = tpu.memref_slice %arg12[%add3A_20, %dma_start3A_377] : memref<10240x64xf32, #tpu.memory_space<vmem_shared>> -> memref<128x64xf32, #tpu.memory_space<vmem_shared>>
      tpu.enqueue_dma source(%arg11 : memref<128x64xf32, #tpu.memory_space<vmem>>) target(%dma_start3A_378 : memref<128x64xf32, #tpu.memory_space<vmem_shared>>) target_semaphore(%run_scoped3A_374 : memref<!tpu.dma_semaphore, #tpu.memory_space<semaphore_mem>>)
      %dma_wait3A_379 = arith.constant 0 : i32
      %dma_wait3A_380 = tpu.memref_slice %arg12[%add3A_20, %dma_wait3A_379] : memref<10240x64xf32, #tpu.memory_space<vmem_shared>> -> memref<128x64xf32, #tpu.memory_space<vmem_shared>>
      %dma_wait3A_381 = arith.constant 0 : i32
      %dma_wait3A_382 = tpu.memref_slice %arg12[%add3A_20, %dma_wait3A_381] : memref<10240x64xf32, #tpu.memory_space<vmem_shared>> -> memref<128x64xf32, #tpu.memory_space<vmem_shared>>
      tpu.wait_dma2 semaphore(%run_scoped3A_374 : memref<!tpu.dma_semaphore, #tpu.memory_space<semaphore_mem>>) src(%arg11 : memref<128x64xf32, #tpu.memory_space<vmem>>) dst(%dma_wait3A_382 : memref<128x64xf32, #tpu.memory_space<vmem_shared>>)
      tpu.yield
    }) : () -> ()
    %barrier3A = arith.constant 0 : index
    tpu.barrier barrier_id(%barrier3A)
    %dma_start3A = arith.constant 0 : i32
    %dma_start3A_21 = arith.constant 0 : i32
    %dma_start3A_22 = arith.constant 0 : i32
    %dma_start3A_23 = arith.constant 0 : i32
    %dma_start3A_24 = arith.constant 0 : i32
    %dma_start3A_25 = tpu.memref_slice %arg10[%dma_start3A_21, %dma_start3A_22, %dma_start3A_23, %dma_start3A_24] : memref<2x3x128x64xf32, #tpu.memory_space<vmem>> -> memref<1x1x128x64xf32, #tpu.memory_space<vmem>>
    %dma_start3A_26 = tpu.memref_squeeze %dma_start3A_25 : memref<1x1x128x64xf32, #tpu.memory_space<vmem>> -> memref<128x64xf32, #tpu.memory_space<vmem>>
    %dma_start3A_27 = arith.constant 0 : i32
    %dma_start3A_28 = tpu.memref_slice %arg8[%dma_start3A, %dma_start3A_27] : memref<81x128xi32, #tpu.memory_space<vmem>> -> memref<1x128xi32, #tpu.memory_space<vmem>>
    %dma_start3A_29 = tpu.memref_squeeze %dma_start3A_28 : memref<1x128xi32, #tpu.memory_space<vmem>> -> memref<128xi32, #tpu.memory_space<vmem>>
    %dma_start3A_30 = arith.constant 0 : i32
    %dma_start3A_31 = arith.constant 0 : i32
    %dma_start3A_32 = tpu.memref_slice %arg2[%dma_start3A_30, %dma_start3A_31] : memref<10240x64xf32, #tpu.memory_space<hbm>> -> memref<10240x64xf32, #tpu.memory_space<hbm>>
    tpu.enqueue_indirect_dma source(%dma_start3A_32 : memref<10240x64xf32, #tpu.memory_space<hbm>>) target(%dma_start3A_26 : memref<128x64xf32, #tpu.memory_space<vmem>>) offsets(%dma_start3A_29 : memref<128xi32, #tpu.memory_space<vmem>>) semaphore(%arg13 : memref<!tpu.dma_semaphore, #tpu.memory_space<semaphore_mem>>)
    %dma_start3A_33 = arith.constant 1 : i32
    %dma_start3A_34 = arith.constant 0 : i32
    %dma_start3A_35 = arith.constant 1 : i32
    %dma_start3A_36 = arith.constant 0 : i32
    %dma_start3A_37 = arith.constant 0 : i32
    %dma_start3A_38 = tpu.memref_slice %arg10[%dma_start3A_34, %dma_start3A_35, %dma_start3A_36, %dma_start3A_37] : memref<2x3x128x64xf32, #tpu.memory_space<vmem>> -> memref<1x1x128x64xf32, #tpu.memory_space<vmem>>
    %dma_start3A_39 = tpu.memref_squeeze %dma_start3A_38 : memref<1x1x128x64xf32, #tpu.memory_space<vmem>> -> memref<128x64xf32, #tpu.memory_space<vmem>>
    %dma_start3A_40 = arith.constant 0 : i32
    %dma_start3A_41 = tpu.memref_slice %arg8[%dma_start3A_33, %dma_start3A_40] : memref<81x128xi32, #tpu.memory_space<vmem>> -> memref<1x128xi32, #tpu.memory_space<vmem>>
    %dma_start3A_42 = tpu.memref_squeeze %dma_start3A_41 : memref<1x128xi32, #tpu.memory_space<vmem>> -> memref<128xi32, #tpu.memory_space<vmem>>
    %dma_start3A_43 = arith.constant 0 : i32
    %dma_start3A_44 = arith.constant 0 : i32
    %dma_start3A_45 = tpu.memref_slice %arg2[%dma_start3A_43, %dma_start3A_44] : memref<10240x64xf32, #tpu.memory_space<hbm>> -> memref<10240x64xf32, #tpu.memory_space<hbm>>
    tpu.enqueue_indirect_dma source(%dma_start3A_45 : memref<10240x64xf32, #tpu.memory_space<hbm>>) target(%dma_start3A_39 : memref<128x64xf32, #tpu.memory_space<vmem>>) offsets(%dma_start3A_42 : memref<128xi32, #tpu.memory_space<vmem>>) semaphore(%arg13 : memref<!tpu.dma_semaphore, #tpu.memory_space<semaphore_mem>>)
    %dma_start3A_46 = arith.constant 2 : i32
    %dma_start3A_47 = arith.constant 0 : i32
    %dma_start3A_48 = arith.constant 2 : i32
    %dma_start3A_49 = arith.constant 0 : i32
    %dma_start3A_50 = arith.constant 0 : i32
    %dma_start3A_51 = tpu.memref_slice %arg10[%dma_start3A_47, %dma_start3A_48, %dma_start3A_49, %dma_start3A_50] : memref<2x3x128x64xf32, #tpu.memory_space<vmem>> -> memref<1x1x128x64xf32, #tpu.memory_space<vmem>>
    %dma_start3A_52 = tpu.memref_squeeze %dma_start3A_51 : memref<1x1x128x64xf32, #tpu.memory_space<vmem>> -> memref<128x64xf32, #tpu.memory_space<vmem>>
    %dma_start3A_53 = arith.constant 0 : i32
    %dma_start3A_54 = tpu.memref_slice %arg8[%dma_start3A_46, %dma_start3A_53] : memref<81x128xi32, #tpu.memory_space<vmem>> -> memref<1x128xi32, #tpu.memory_space<vmem>>
    %dma_start3A_55 = tpu.memref_squeeze %dma_start3A_54 : memref<1x128xi32, #tpu.memory_space<vmem>> -> memref<128xi32, #tpu.memory_space<vmem>>
    %dma_start3A_56 = arith.constant 0 : i32
    %dma_start3A_57 = arith.constant 0 : i32
    %dma_start3A_58 = tpu.memref_slice %arg2[%dma_start3A_56, %dma_start3A_57] : memref<10240x64xf32, #tpu.memory_space<hbm>> -> memref<10240x64xf32, #tpu.memory_space<hbm>>
    tpu.enqueue_indirect_dma source(%dma_start3A_58 : memref<10240x64xf32, #tpu.memory_space<hbm>>) target(%dma_start3A_52 : memref<128x64xf32, #tpu.memory_space<vmem>>) offsets(%dma_start3A_55 : memref<128xi32, #tpu.memory_space<vmem>>) semaphore(%arg13 : memref<!tpu.dma_semaphore, #tpu.memory_space<semaphore_mem>>)
    %scan3A = arith.constant 0 : i32
    %scan3A_59 = arith.constant 0 : i32
    %scan3A_60 = arith.constant 13 : i32
    %scan3A_61 = arith.addi %scan3A_59, %scan3A_60 : i32
    %scan3A_62 = arith.constant 1 : i32
    scf.for %scan3A_374 = %scan3A_59 to %scan3A_61 step %scan3A_62  : i32 {
      %mul3A_375 = arith.constant 2 : i32
      %mul3A_376 = arith.muli %mul3A_375, %scan3A_374 : i32
      %mul3A_377 = arith.constant 2 : i32
      %mul3A_378 = arith.muli %mul3A_377, %scan3A_374 : i32
      %add3A_379 = arith.constant 1 : i32
      %add3A_380 = arith.addi %mul3A_378, %add3A_379 : i32
      %mul3A_381 = arith.constant 3 : i32
      %mul3A_382 = arith.muli %mul3A_376, %mul3A_381 : i32
      %add3A_383 = arith.constant 0 : i32
      %add3A_384 = arith.addi %mul3A_382, %add3A_383 : i32
      %dma_wait3A_385 = arith.constant 0 : i32
      %dma_wait3A_386 = arith.constant 0 : i32
      %dma_wait3A_387 = arith.constant 0 : i32
      %dma_wait3A_388 = arith.constant 0 : i32
      %dma_wait3A_389 = tpu.memref_slice %arg10[%dma_wait3A_385, %dma_wait3A_386, %dma_wait3A_387, %dma_wait3A_388] : memref<2x3x128x64xf32, #tpu.memory_space<vmem>> -> memref<1x1x128x64xf32, #tpu.memory_space<vmem>>
      %dma_wait3A_390 = tpu.memref_squeeze %dma_wait3A_389 : memref<1x1x128x64xf32, #tpu.memory_space<vmem>> -> memref<128x64xf32, #tpu.memory_space<vmem>>
      %dma_wait3A_391 = arith.constant 0 : i32
      %dma_wait3A_392 = tpu.memref_slice %arg8[%add3A_384, %dma_wait3A_391] : memref<81x128xi32, #tpu.memory_space<vmem>> -> memref<1x128xi32, #tpu.memory_space<vmem>>
      %dma_wait3A_393 = tpu.memref_squeeze %dma_wait3A_392 : memref<1x128xi32, #tpu.memory_space<vmem>> -> memref<128xi32, #tpu.memory_space<vmem>>
      %dma_wait3A_394 = arith.constant 0 : i32
      %dma_wait3A_395 = arith.constant 0 : i32
      %dma_wait3A_396 = tpu.memref_slice %arg2[%dma_wait3A_394, %dma_wait3A_395] : memref<10240x64xf32, #tpu.memory_space<hbm>> -> memref<10240x64xf32, #tpu.memory_space<hbm>>
      tpu.wait_indirect_dma semaphore(%arg13 : memref<!tpu.dma_semaphore, #tpu.memory_space<semaphore_mem>>) src(%dma_wait3A_396 : memref<10240x64xf32, #tpu.memory_space<hbm>>) dst(%dma_wait3A_390 : memref<128x64xf32, #tpu.memory_space<vmem>>)
      %mul3A_397 = arith.constant 3 : i32
      %mul3A_398 = arith.muli %mul3A_376, %mul3A_397 : i32
      %add3A_399 = arith.constant 1 : i32
      %add3A_400 = arith.addi %mul3A_398, %add3A_399 : i32
      %dma_wait3A_401 = arith.constant 0 : i32
      %dma_wait3A_402 = arith.constant 1 : i32
      %dma_wait3A_403 = arith.constant 0 : i32
      %dma_wait3A_404 = arith.constant 0 : i32
      %dma_wait3A_405 = tpu.memref_slice %arg10[%dma_wait3A_401, %dma_wait3A_402, %dma_wait3A_403, %dma_wait3A_404] : memref<2x3x128x64xf32, #tpu.memory_space<vmem>> -> memref<1x1x128x64xf32, #tpu.memory_space<vmem>>
      %dma_wait3A_406 = tpu.memref_squeeze %dma_wait3A_405 : memref<1x1x128x64xf32, #tpu.memory_space<vmem>> -> memref<128x64xf32, #tpu.memory_space<vmem>>
      %dma_wait3A_407 = arith.constant 0 : i32
      %dma_wait3A_408 = tpu.memref_slice %arg8[%add3A_400, %dma_wait3A_407] : memref<81x128xi32, #tpu.memory_space<vmem>> -> memref<1x128xi32, #tpu.memory_space<vmem>>
      %dma_wait3A_409 = tpu.memref_squeeze %dma_wait3A_408 : memref<1x128xi32, #tpu.memory_space<vmem>> -> memref<128xi32, #tpu.memory_space<vmem>>
      %dma_wait3A_410 = arith.constant 0 : i32
      %dma_wait3A_411 = arith.constant 0 : i32
      %dma_wait3A_412 = tpu.memref_slice %arg2[%dma_wait3A_410, %dma_wait3A_411] : memref<10240x64xf32, #tpu.memory_space<hbm>> -> memref<10240x64xf32, #tpu.memory_space<hbm>>
      tpu.wait_indirect_dma semaphore(%arg13 : memref<!tpu.dma_semaphore, #tpu.memory_space<semaphore_mem>>) src(%dma_wait3A_412 : memref<10240x64xf32, #tpu.memory_space<hbm>>) dst(%dma_wait3A_406 : memref<128x64xf32, #tpu.memory_space<vmem>>)
      %mul3A_413 = arith.constant 3 : i32
      %mul3A_414 = arith.muli %mul3A_376, %mul3A_413 : i32
      %add3A_415 = arith.constant 2 : i32
      %add3A_416 = arith.addi %mul3A_414, %add3A_415 : i32
      %dma_wait3A_417 = arith.constant 0 : i32
      %dma_wait3A_418 = arith.constant 2 : i32
      %dma_wait3A_419 = arith.constant 0 : i32
      %dma_wait3A_420 = arith.constant 0 : i32
      %dma_wait3A_421 = tpu.memref_slice %arg10[%dma_wait3A_417, %dma_wait3A_418, %dma_wait3A_419, %dma_wait3A_420] : memref<2x3x128x64xf32, #tpu.memory_space<vmem>> -> memref<1x1x128x64xf32, #tpu.memory_space<vmem>>
      %dma_wait3A_422 = tpu.memref_squeeze %dma_wait3A_421 : memref<1x1x128x64xf32, #tpu.memory_space<vmem>> -> memref<128x64xf32, #tpu.memory_space<vmem>>
      %dma_wait3A_423 = arith.constant 0 : i32
      %dma_wait3A_424 = tpu.memref_slice %arg8[%add3A_416, %dma_wait3A_423] : memref<81x128xi32, #tpu.memory_space<vmem>> -> memref<1x128xi32, #tpu.memory_space<vmem>>
      %dma_wait3A_425 = tpu.memref_squeeze %dma_wait3A_424 : memref<1x128xi32, #tpu.memory_space<vmem>> -> memref<128xi32, #tpu.memory_space<vmem>>
      %dma_wait3A_426 = arith.constant 0 : i32
      %dma_wait3A_427 = arith.constant 0 : i32
      %dma_wait3A_428 = tpu.memref_slice %arg2[%dma_wait3A_426, %dma_wait3A_427] : memref<10240x64xf32, #tpu.memory_space<hbm>> -> memref<10240x64xf32, #tpu.memory_space<hbm>>
      tpu.wait_indirect_dma semaphore(%arg13 : memref<!tpu.dma_semaphore, #tpu.memory_space<semaphore_mem>>) src(%dma_wait3A_428 : memref<10240x64xf32, #tpu.memory_space<hbm>>) dst(%dma_wait3A_422 : memref<128x64xf32, #tpu.memory_space<vmem>>)
      %mul3A_429 = arith.constant 3 : i32
      %mul3A_430 = arith.muli %add3A_380, %mul3A_429 : i32
      %add3A_431 = arith.constant 0 : i32
      %add3A_432 = arith.addi %mul3A_430, %add3A_431 : i32
      %dma_start3A_433 = arith.constant 1 : i32
      %dma_start3A_434 = arith.constant 0 : i32
      %dma_start3A_435 = arith.constant 0 : i32
      %dma_start3A_436 = arith.constant 0 : i32
      %dma_start3A_437 = tpu.memref_slice %arg10[%dma_start3A_433, %dma_start3A_434, %dma_start3A_435, %dma_start3A_436] : memref<2x3x128x64xf32, #tpu.memory_space<vmem>> -> memref<1x1x128x64xf32, #tpu.memory_space<vmem>>
      %dma_start3A_438 = tpu.memref_squeeze %dma_start3A_437 : memref<1x1x128x64xf32, #tpu.memory_space<vmem>> -> memref<128x64xf32, #tpu.memory_space<vmem>>
      %dma_start3A_439 = arith.constant 0 : i32
      %dma_start3A_440 = tpu.memref_slice %arg8[%add3A_432, %dma_start3A_439] : memref<81x128xi32, #tpu.memory_space<vmem>> -> memref<1x128xi32, #tpu.memory_space<vmem>>
      %dma_start3A_441 = tpu.memref_squeeze %dma_start3A_440 : memref<1x128xi32, #tpu.memory_space<vmem>> -> memref<128xi32, #tpu.memory_space<vmem>>
      %dma_start3A_442 = arith.constant 0 : i32
      %dma_start3A_443 = arith.constant 0 : i32
      %dma_start3A_444 = tpu.memref_slice %arg2[%dma_start3A_442, %dma_start3A_443] : memref<10240x64xf32, #tpu.memory_space<hbm>> -> memref<10240x64xf32, #tpu.memory_space<hbm>>
      tpu.enqueue_indirect_dma source(%dma_start3A_444 : memref<10240x64xf32, #tpu.memory_space<hbm>>) target(%dma_start3A_438 : memref<128x64xf32, #tpu.memory_space<vmem>>) offsets(%dma_start3A_441 : memref<128xi32, #tpu.memory_space<vmem>>) semaphore(%arg14 : memref<!tpu.dma_semaphore, #tpu.memory_space<semaphore_mem>>)
      %mul3A_445 = arith.constant 3 : i32
      %mul3A_446 = arith.muli %add3A_380, %mul3A_445 : i32
      %add3A_447 = arith.constant 1 : i32
      %add3A_448 = arith.addi %mul3A_446, %add3A_447 : i32
      %dma_start3A_449 = arith.constant 1 : i32
      %dma_start3A_450 = arith.constant 1 : i32
      %dma_start3A_451 = arith.constant 0 : i32
      %dma_start3A_452 = arith.constant 0 : i32
      %dma_start3A_453 = tpu.memref_slice %arg10[%dma_start3A_449, %dma_start3A_450, %dma_start3A_451, %dma_start3A_452] : memref<2x3x128x64xf32, #tpu.memory_space<vmem>> -> memref<1x1x128x64xf32, #tpu.memory_space<vmem>>
      %dma_start3A_454 = tpu.memref_squeeze %dma_start3A_453 : memref<1x1x128x64xf32, #tpu.memory_space<vmem>> -> memref<128x64xf32, #tpu.memory_space<vmem>>
      %dma_start3A_455 = arith.constant 0 : i32
      %dma_start3A_456 = tpu.memref_slice %arg8[%add3A_448, %dma_start3A_455] : memref<81x128xi32, #tpu.memory_space<vmem>> -> memref<1x128xi32, #tpu.memory_space<vmem>>
      %dma_start3A_457 = tpu.memref_squeeze %dma_start3A_456 : memref<1x128xi32, #tpu.memory_space<vmem>> -> memref<128xi32, #tpu.memory_space<vmem>>
      %dma_start3A_458 = arith.constant 0 : i32
      %dma_start3A_459 = arith.constant 0 : i32
      %dma_start3A_460 = tpu.memref_slice %arg2[%dma_start3A_458, %dma_start3A_459] : memref<10240x64xf32, #tpu.memory_space<hbm>> -> memref<10240x64xf32, #tpu.memory_space<hbm>>
      tpu.enqueue_indirect_dma source(%dma_start3A_460 : memref<10240x64xf32, #tpu.memory_space<hbm>>) target(%dma_start3A_454 : memref<128x64xf32, #tpu.memory_space<vmem>>) offsets(%dma_start3A_457 : memref<128xi32, #tpu.memory_space<vmem>>) semaphore(%arg14 : memref<!tpu.dma_semaphore, #tpu.memory_space<semaphore_mem>>)
      %mul3A_461 = arith.constant 3 : i32
      %mul3A_462 = arith.muli %add3A_380, %mul3A_461 : i32
      %add3A_463 = arith.constant 2 : i32
      %add3A_464 = arith.addi %mul3A_462, %add3A_463 : i32
      %dma_start3A_465 = arith.constant 1 : i32
      %dma_start3A_466 = arith.constant 2 : i32
      %dma_start3A_467 = arith.constant 0 : i32
      %dma_start3A_468 = arith.constant 0 : i32
      %dma_start3A_469 = tpu.memref_slice %arg10[%dma_start3A_465, %dma_start3A_466, %dma_start3A_467, %dma_start3A_468] : memref<2x3x128x64xf32, #tpu.memory_space<vmem>> -> memref<1x1x128x64xf32, #tpu.memory_space<vmem>>
      %dma_start3A_470 = tpu.memref_squeeze %dma_start3A_469 : memref<1x1x128x64xf32, #tpu.memory_space<vmem>> -> memref<128x64xf32, #tpu.memory_space<vmem>>
      %dma_start3A_471 = arith.constant 0 : i32
      %dma_start3A_472 = tpu.memref_slice %arg8[%add3A_464, %dma_start3A_471] : memref<81x128xi32, #tpu.memory_space<vmem>> -> memref<1x128xi32, #tpu.memory_space<vmem>>
      %dma_start3A_473 = tpu.memref_squeeze %dma_start3A_472 : memref<1x128xi32, #tpu.memory_space<vmem>> -> memref<128xi32, #tpu.memory_space<vmem>>
      %dma_start3A_474 = arith.constant 0 : i32
      %dma_start3A_475 = arith.constant 0 : i32
      %dma_start3A_476 = tpu.memref_slice %arg2[%dma_start3A_474, %dma_start3A_475] : memref<10240x64xf32, #tpu.memory_space<hbm>> -> memref<10240x64xf32, #tpu.memory_space<hbm>>
      tpu.enqueue_indirect_dma source(%dma_start3A_476 : memref<10240x64xf32, #tpu.memory_space<hbm>>) target(%dma_start3A_470 : memref<128x64xf32, #tpu.memory_space<vmem>>) offsets(%dma_start3A_473 : memref<128xi32, #tpu.memory_space<vmem>>) semaphore(%arg14 : memref<!tpu.dma_semaphore, #tpu.memory_space<semaphore_mem>>)
      %mul3A_477 = arith.constant 3 : i32
      %mul3A_478 = arith.muli %mul3A_376, %mul3A_477 : i32
      %add3A_479 = arith.constant 0 : i32
      %add3A_480 = arith.addi %mul3A_478, %add3A_479 : i32
      %dma_start3A_481 = arith.constant 0 : i32
      %dma_start3A_482 = arith.constant 0 : i32
      %dma_start3A_483 = arith.constant 0 : i32
      %dma_start3A_484 = arith.constant 0 : i32
      %dma_start3A_485 = tpu.memref_slice %arg10[%dma_start3A_481, %dma_start3A_482, %dma_start3A_483, %dma_start3A_484] : memref<2x3x128x64xf32, #tpu.memory_space<vmem>> -> memref<1x1x128x64xf32, #tpu.memory_space<vmem>>
      %dma_start3A_486 = tpu.memref_squeeze %dma_start3A_485 : memref<1x1x128x64xf32, #tpu.memory_space<vmem>> -> memref<128x64xf32, #tpu.memory_space<vmem>>
      %dma_start3A_487 = arith.constant 0 : i32
      %dma_start3A_488 = tpu.memref_slice %arg9[%add3A_480, %dma_start3A_487] : memref<81x128xi32, #tpu.memory_space<vmem>> -> memref<1x128xi32, #tpu.memory_space<vmem>>
      %dma_start3A_489 = tpu.memref_squeeze %dma_start3A_488 : memref<1x128xi32, #tpu.memory_space<vmem>> -> memref<128xi32, #tpu.memory_space<vmem>>
      %dma_start3A_490 = arith.constant 0 : i32
      %dma_start3A_491 = arith.constant 0 : i32
      %dma_start3A_492 = tpu.memref_slice %arg12[%dma_start3A_490, %dma_start3A_491] : memref<10240x64xf32, #tpu.memory_space<vmem_shared>> -> memref<10240x64xf32, #tpu.memory_space<vmem_shared>>
      tpu.enqueue_indirect_dma source(%dma_start3A_486 : memref<128x64xf32, #tpu.memory_space<vmem>>) target(%dma_start3A_492 : memref<10240x64xf32, #tpu.memory_space<vmem_shared>>) offsets(%dma_start3A_489 : memref<128xi32, #tpu.memory_space<vmem>>) semaphore(%arg15 : memref<!tpu.dma_semaphore, #tpu.memory_space<semaphore_mem>>) {add = true}
      %mul3A_493 = arith.constant 3 : i32
      %mul3A_494 = arith.muli %mul3A_376, %mul3A_493 : i32
      %add3A_495 = arith.constant 1 : i32
      %add3A_496 = arith.addi %mul3A_494, %add3A_495 : i32
      %dma_start3A_497 = arith.constant 0 : i32
      %dma_start3A_498 = arith.constant 1 : i32
      %dma_start3A_499 = arith.constant 0 : i32
      %dma_start3A_500 = arith.constant 0 : i32
      %dma_start3A_501 = tpu.memref_slice %arg10[%dma_start3A_497, %dma_start3A_498, %dma_start3A_499, %dma_start3A_500] : memref<2x3x128x64xf32, #tpu.memory_space<vmem>> -> memref<1x1x128x64xf32, #tpu.memory_space<vmem>>
      %dma_start3A_502 = tpu.memref_squeeze %dma_start3A_501 : memref<1x1x128x64xf32, #tpu.memory_space<vmem>> -> memref<128x64xf32, #tpu.memory_space<vmem>>
      %dma_start3A_503 = arith.constant 0 : i32
      %dma_start3A_504 = tpu.memref_slice %arg9[%add3A_496, %dma_start3A_503] : memref<81x128xi32, #tpu.memory_space<vmem>> -> memref<1x128xi32, #tpu.memory_space<vmem>>
      %dma_start3A_505 = tpu.memref_squeeze %dma_start3A_504 : memref<1x128xi32, #tpu.memory_space<vmem>> -> memref<128xi32, #tpu.memory_space<vmem>>
      %dma_start3A_506 = arith.constant 0 : i32
      %dma_start3A_507 = arith.constant 0 : i32
      %dma_start3A_508 = tpu.memref_slice %arg12[%dma_start3A_506, %dma_start3A_507] : memref<10240x64xf32, #tpu.memory_space<vmem_shared>> -> memref<10240x64xf32, #tpu.memory_space<vmem_shared>>
      tpu.enqueue_indirect_dma source(%dma_start3A_502 : memref<128x64xf32, #tpu.memory_space<vmem>>) target(%dma_start3A_508 : memref<10240x64xf32, #tpu.memory_space<vmem_shared>>) offsets(%dma_start3A_505 : memref<128xi32, #tpu.memory_space<vmem>>) semaphore(%arg15 : memref<!tpu.dma_semaphore, #tpu.memory_space<semaphore_mem>>) {add = true}
      %mul3A_509 = arith.constant 3 : i32
      %mul3A_510 = arith.muli %mul3A_376, %mul3A_509 : i32
      %add3A_511 = arith.constant 2 : i32
      %add3A_512 = arith.addi %mul3A_510, %add3A_511 : i32
      %dma_start3A_513 = arith.constant 0 : i32
      %dma_start3A_514 = arith.constant 2 : i32
      %dma_start3A_515 = arith.constant 0 : i32
      %dma_start3A_516 = arith.constant 0 : i32
      %dma_start3A_517 = tpu.memref_slice %arg10[%dma_start3A_513, %dma_start3A_514, %dma_start3A_515, %dma_start3A_516] : memref<2x3x128x64xf32, #tpu.memory_space<vmem>> -> memref<1x1x128x64xf32, #tpu.memory_space<vmem>>
      %dma_start3A_518 = tpu.memref_squeeze %dma_start3A_517 : memref<1x1x128x64xf32, #tpu.memory_space<vmem>> -> memref<128x64xf32, #tpu.memory_space<vmem>>
      %dma_start3A_519 = arith.constant 0 : i32
      %dma_start3A_520 = tpu.memref_slice %arg9[%add3A_512, %dma_start3A_519] : memref<81x128xi32, #tpu.memory_space<vmem>> -> memref<1x128xi32, #tpu.memory_space<vmem>>
      %dma_start3A_521 = tpu.memref_squeeze %dma_start3A_520 : memref<1x128xi32, #tpu.memory_space<vmem>> -> memref<128xi32, #tpu.memory_space<vmem>>
      %dma_start3A_522 = arith.constant 0 : i32
      %dma_start3A_523 = arith.constant 0 : i32
      %dma_start3A_524 = tpu.memref_slice %arg12[%dma_start3A_522, %dma_start3A_523] : memref<10240x64xf32, #tpu.memory_space<vmem_shared>> -> memref<10240x64xf32, #tpu.memory_space<vmem_shared>>
      tpu.enqueue_indirect_dma source(%dma_start3A_518 : memref<128x64xf32, #tpu.memory_space<vmem>>) target(%dma_start3A_524 : memref<10240x64xf32, #tpu.memory_space<vmem_shared>>) offsets(%dma_start3A_521 : memref<128xi32, #tpu.memory_space<vmem>>) semaphore(%arg15 : memref<!tpu.dma_semaphore, #tpu.memory_space<semaphore_mem>>) {add = true}
      %mul3A_525 = arith.constant 3 : i32
      %mul3A_526 = arith.muli %mul3A_376, %mul3A_525 : i32
      %add3A_527 = arith.constant 0 : i32
      %add3A_528 = arith.addi %mul3A_526, %add3A_527 : i32
      %dma_wait3A_529 = arith.constant 0 : i32
      %dma_wait3A_530 = arith.constant 0 : i32
      %dma_wait3A_531 = arith.constant 0 : i32
      %dma_wait3A_532 = arith.constant 0 : i32
      %dma_wait3A_533 = tpu.memref_slice %arg10[%dma_wait3A_529, %dma_wait3A_530, %dma_wait3A_531, %dma_wait3A_532] : memref<2x3x128x64xf32, #tpu.memory_space<vmem>> -> memref<1x1x128x64xf32, #tpu.memory_space<vmem>>
      %dma_wait3A_534 = tpu.memref_squeeze %dma_wait3A_533 : memref<1x1x128x64xf32, #tpu.memory_space<vmem>> -> memref<128x64xf32, #tpu.memory_space<vmem>>
      %dma_wait3A_535 = arith.constant 0 : i32
      %dma_wait3A_536 = tpu.memref_slice %arg9[%add3A_528, %dma_wait3A_535] : memref<81x128xi32, #tpu.memory_space<vmem>> -> memref<1x128xi32, #tpu.memory_space<vmem>>
      %dma_wait3A_537 = tpu.memref_squeeze %dma_wait3A_536 : memref<1x128xi32, #tpu.memory_space<vmem>> -> memref<128xi32, #tpu.memory_space<vmem>>
      %dma_wait3A_538 = arith.constant 0 : i32
      %dma_wait3A_539 = arith.constant 0 : i32
      %dma_wait3A_540 = tpu.memref_slice %arg12[%dma_wait3A_538, %dma_wait3A_539] : memref<10240x64xf32, #tpu.memory_space<vmem_shared>> -> memref<10240x64xf32, #tpu.memory_space<vmem_shared>>
      tpu.wait_indirect_dma semaphore(%arg15 : memref<!tpu.dma_semaphore, #tpu.memory_space<semaphore_mem>>) src(%dma_wait3A_534 : memref<128x64xf32, #tpu.memory_space<vmem>>) dst(%dma_wait3A_540 : memref<10240x64xf32, #tpu.memory_space<vmem_shared>>)
      %mul3A_541 = arith.constant 3 : i32
      %mul3A_542 = arith.muli %mul3A_376, %mul3A_541 : i32
      %add3A_543 = arith.constant 1 : i32
      %add3A_544 = arith.addi %mul3A_542, %add3A_543 : i32
      %dma_wait3A_545 = arith.constant 0 : i32
      %dma_wait3A_546 = arith.constant 1 : i32
      %dma_wait3A_547 = arith.constant 0 : i32
      %dma_wait3A_548 = arith.constant 0 : i32
      %dma_wait3A_549 = tpu.memref_slice %arg10[%dma_wait3A_545, %dma_wait3A_546, %dma_wait3A_547, %dma_wait3A_548] : memref<2x3x128x64xf32, #tpu.memory_space<vmem>> -> memref<1x1x128x64xf32, #tpu.memory_space<vmem>>
      %dma_wait3A_550 = tpu.memref_squeeze %dma_wait3A_549 : memref<1x1x128x64xf32, #tpu.memory_space<vmem>> -> memref<128x64xf32, #tpu.memory_space<vmem>>
      %dma_wait3A_551 = arith.constant 0 : i32
      %dma_wait3A_552 = tpu.memref_slice %arg9[%add3A_544, %dma_wait3A_551] : memref<81x128xi32, #tpu.memory_space<vmem>> -> memref<1x128xi32, #tpu.memory_space<vmem>>
      %dma_wait3A_553 = tpu.memref_squeeze %dma_wait3A_552 : memref<1x128xi32, #tpu.memory_space<vmem>> -> memref<128xi32, #tpu.memory_space<vmem>>
      %dma_wait3A_554 = arith.constant 0 : i32
      %dma_wait3A_555 = arith.constant 0 : i32
      %dma_wait3A_556 = tpu.memref_slice %arg12[%dma_wait3A_554, %dma_wait3A_555] : memref<10240x64xf32, #tpu.memory_space<vmem_shared>> -> memref<10240x64xf32, #tpu.memory_space<vmem_shared>>
      tpu.wait_indirect_dma semaphore(%arg15 : memref<!tpu.dma_semaphore, #tpu.memory_space<semaphore_mem>>) src(%dma_wait3A_550 : memref<128x64xf32, #tpu.memory_space<vmem>>) dst(%dma_wait3A_556 : memref<10240x64xf32, #tpu.memory_space<vmem_shared>>)
      %mul3A_557 = arith.constant 3 : i32
      %mul3A_558 = arith.muli %mul3A_376, %mul3A_557 : i32
      %add3A_559 = arith.constant 2 : i32
      %add3A_560 = arith.addi %mul3A_558, %add3A_559 : i32
      %dma_wait3A_561 = arith.constant 0 : i32
      %dma_wait3A_562 = arith.constant 2 : i32
      %dma_wait3A_563 = arith.constant 0 : i32
      %dma_wait3A_564 = arith.constant 0 : i32
      %dma_wait3A_565 = tpu.memref_slice %arg10[%dma_wait3A_561, %dma_wait3A_562, %dma_wait3A_563, %dma_wait3A_564] : memref<2x3x128x64xf32, #tpu.memory_space<vmem>> -> memref<1x1x128x64xf32, #tpu.memory_space<vmem>>
      %dma_wait3A_566 = tpu.memref_squeeze %dma_wait3A_565 : memref<1x1x128x64xf32, #tpu.memory_space<vmem>> -> memref<128x64xf32, #tpu.memory_space<vmem>>
      %dma_wait3A_567 = arith.constant 0 : i32
      %dma_wait3A_568 = tpu.memref_slice %arg9[%add3A_560, %dma_wait3A_567] : memref<81x128xi32, #tpu.memory_space<vmem>> -> memref<1x128xi32, #tpu.memory_space<vmem>>
      %dma_wait3A_569 = tpu.memref_squeeze %dma_wait3A_568 : memref<1x128xi32, #tpu.memory_space<vmem>> -> memref<128xi32, #tpu.memory_space<vmem>>
      %dma_wait3A_570 = arith.constant 0 : i32
      %dma_wait3A_571 = arith.constant 0 : i32
      %dma_wait3A_572 = tpu.memref_slice %arg12[%dma_wait3A_570, %dma_wait3A_571] : memref<10240x64xf32, #tpu.memory_space<vmem_shared>> -> memref<10240x64xf32, #tpu.memory_space<vmem_shared>>
      tpu.wait_indirect_dma semaphore(%arg15 : memref<!tpu.dma_semaphore, #tpu.memory_space<semaphore_mem>>) src(%dma_wait3A_566 : memref<128x64xf32, #tpu.memory_space<vmem>>) dst(%dma_wait3A_572 : memref<10240x64xf32, #tpu.memory_space<vmem_shared>>)
      %mul3A_573 = arith.constant 3 : i32
      %mul3A_574 = arith.muli %add3A_380, %mul3A_573 : i32
      %add3A_575 = arith.constant 0 : i32
      %add3A_576 = arith.addi %mul3A_574, %add3A_575 : i32
      %dma_wait3A_577 = arith.constant 1 : i32
      %dma_wait3A_578 = arith.constant 0 : i32
      %dma_wait3A_579 = arith.constant 0 : i32
      %dma_wait3A_580 = arith.constant 0 : i32
      %dma_wait3A_581 = tpu.memref_slice %arg10[%dma_wait3A_577, %dma_wait3A_578, %dma_wait3A_579, %dma_wait3A_580] : memref<2x3x128x64xf32, #tpu.memory_space<vmem>> -> memref<1x1x128x64xf32, #tpu.memory_space<vmem>>
      %dma_wait3A_582 = tpu.memref_squeeze %dma_wait3A_581 : memref<1x1x128x64xf32, #tpu.memory_space<vmem>> -> memref<128x64xf32, #tpu.memory_space<vmem>>
      %dma_wait3A_583 = arith.constant 0 : i32
      %dma_wait3A_584 = tpu.memref_slice %arg8[%add3A_576, %dma_wait3A_583] : memref<81x128xi32, #tpu.memory_space<vmem>> -> memref<1x128xi32, #tpu.memory_space<vmem>>
      %dma_wait3A_585 = tpu.memref_squeeze %dma_wait3A_584 : memref<1x128xi32, #tpu.memory_space<vmem>> -> memref<128xi32, #tpu.memory_space<vmem>>
      %dma_wait3A_586 = arith.constant 0 : i32
      %dma_wait3A_587 = arith.constant 0 : i32
      %dma_wait3A_588 = tpu.memref_slice %arg2[%dma_wait3A_586, %dma_wait3A_587] : memref<10240x64xf32, #tpu.memory_space<hbm>> -> memref<10240x64xf32, #tpu.memory_space<hbm>>
      tpu.wait_indirect_dma semaphore(%arg14 : memref<!tpu.dma_semaphore, #tpu.memory_space<semaphore_mem>>) src(%dma_wait3A_588 : memref<10240x64xf32, #tpu.memory_space<hbm>>) dst(%dma_wait3A_582 : memref<128x64xf32, #tpu.memory_space<vmem>>)
      %mul3A_589 = arith.constant 3 : i32
      %mul3A_590 = arith.muli %add3A_380, %mul3A_589 : i32
      %add3A_591 = arith.constant 1 : i32
      %add3A_592 = arith.addi %mul3A_590, %add3A_591 : i32
      %dma_wait3A_593 = arith.constant 1 : i32
      %dma_wait3A_594 = arith.constant 1 : i32
      %dma_wait3A_595 = arith.constant 0 : i32
      %dma_wait3A_596 = arith.constant 0 : i32
      %dma_wait3A_597 = tpu.memref_slice %arg10[%dma_wait3A_593, %dma_wait3A_594, %dma_wait3A_595, %dma_wait3A_596] : memref<2x3x128x64xf32, #tpu.memory_space<vmem>> -> memref<1x1x128x64xf32, #tpu.memory_space<vmem>>
      %dma_wait3A_598 = tpu.memref_squeeze %dma_wait3A_597 : memref<1x1x128x64xf32, #tpu.memory_space<vmem>> -> memref<128x64xf32, #tpu.memory_space<vmem>>
      %dma_wait3A_599 = arith.constant 0 : i32
      %dma_wait3A_600 = tpu.memref_slice %arg8[%add3A_592, %dma_wait3A_599] : memref<81x128xi32, #tpu.memory_space<vmem>> -> memref<1x128xi32, #tpu.memory_space<vmem>>
      %dma_wait3A_601 = tpu.memref_squeeze %dma_wait3A_600 : memref<1x128xi32, #tpu.memory_space<vmem>> -> memref<128xi32, #tpu.memory_space<vmem>>
      %dma_wait3A_602 = arith.constant 0 : i32
      %dma_wait3A_603 = arith.constant 0 : i32
      %dma_wait3A_604 = tpu.memref_slice %arg2[%dma_wait3A_602, %dma_wait3A_603] : memref<10240x64xf32, #tpu.memory_space<hbm>> -> memref<10240x64xf32, #tpu.memory_space<hbm>>
      tpu.wait_indirect_dma semaphore(%arg14 : memref<!tpu.dma_semaphore, #tpu.memory_space<semaphore_mem>>) src(%dma_wait3A_604 : memref<10240x64xf32, #tpu.memory_space<hbm>>) dst(%dma_wait3A_598 : memref<128x64xf32, #tpu.memory_space<vmem>>)
      %mul3A_605 = arith.constant 3 : i32
      %mul3A_606 = arith.muli %add3A_380, %mul3A_605 : i32
      %add3A_607 = arith.constant 2 : i32
      %add3A_608 = arith.addi %mul3A_606, %add3A_607 : i32
      %dma_wait3A_609 = arith.constant 1 : i32
      %dma_wait3A_610 = arith.constant 2 : i32
      %dma_wait3A_611 = arith.constant 0 : i32
      %dma_wait3A_612 = arith.constant 0 : i32
      %dma_wait3A_613 = tpu.memref_slice %arg10[%dma_wait3A_609, %dma_wait3A_610, %dma_wait3A_611, %dma_wait3A_612] : memref<2x3x128x64xf32, #tpu.memory_space<vmem>> -> memref<1x1x128x64xf32, #tpu.memory_space<vmem>>
      %dma_wait3A_614 = tpu.memref_squeeze %dma_wait3A_613 : memref<1x1x128x64xf32, #tpu.memory_space<vmem>> -> memref<128x64xf32, #tpu.memory_space<vmem>>
      %dma_wait3A_615 = arith.constant 0 : i32
      %dma_wait3A_616 = tpu.memref_slice %arg8[%add3A_608, %dma_wait3A_615] : memref<81x128xi32, #tpu.memory_space<vmem>> -> memref<1x128xi32, #tpu.memory_space<vmem>>
      %dma_wait3A_617 = tpu.memref_squeeze %dma_wait3A_616 : memref<1x128xi32, #tpu.memory_space<vmem>> -> memref<128xi32, #tpu.memory_space<vmem>>
      %dma_wait3A_618 = arith.constant 0 : i32
      %dma_wait3A_619 = arith.constant 0 : i32
      %dma_wait3A_620 = tpu.memref_slice %arg2[%dma_wait3A_618, %dma_wait3A_619] : memref<10240x64xf32, #tpu.memory_space<hbm>> -> memref<10240x64xf32, #tpu.memory_space<hbm>>
      tpu.wait_indirect_dma semaphore(%arg14 : memref<!tpu.dma_semaphore, #tpu.memory_space<semaphore_mem>>) src(%dma_wait3A_620 : memref<10240x64xf32, #tpu.memory_space<hbm>>) dst(%dma_wait3A_614 : memref<128x64xf32, #tpu.memory_space<vmem>>)
      %add3A_621 = arith.constant 1 : i32
      %add3A_622 = arith.addi %add3A_380, %add3A_621 : i32
      %mul3A_623 = arith.constant 3 : i32
      %mul3A_624 = arith.muli %add3A_622, %mul3A_623 : i32
      %add3A_625 = arith.constant 0 : i32
      %add3A_626 = arith.addi %mul3A_624, %add3A_625 : i32
      %dma_start3A_627 = arith.constant 0 : i32
      %dma_start3A_628 = arith.constant 0 : i32
      %dma_start3A_629 = arith.constant 0 : i32
      %dma_start3A_630 = arith.constant 0 : i32
      %dma_start3A_631 = tpu.memref_slice %arg10[%dma_start3A_627, %dma_start3A_628, %dma_start3A_629, %dma_start3A_630] : memref<2x3x128x64xf32, #tpu.memory_space<vmem>> -> memref<1x1x128x64xf32, #tpu.memory_space<vmem>>
      %dma_start3A_632 = tpu.memref_squeeze %dma_start3A_631 : memref<1x1x128x64xf32, #tpu.memory_space<vmem>> -> memref<128x64xf32, #tpu.memory_space<vmem>>
      %dma_start3A_633 = arith.constant 0 : i32
      %dma_start3A_634 = tpu.memref_slice %arg8[%add3A_626, %dma_start3A_633] : memref<81x128xi32, #tpu.memory_space<vmem>> -> memref<1x128xi32, #tpu.memory_space<vmem>>
      %dma_start3A_635 = tpu.memref_squeeze %dma_start3A_634 : memref<1x128xi32, #tpu.memory_space<vmem>> -> memref<128xi32, #tpu.memory_space<vmem>>
      %dma_start3A_636 = arith.constant 0 : i32
      %dma_start3A_637 = arith.constant 0 : i32
      %dma_start3A_638 = tpu.memref_slice %arg2[%dma_start3A_636, %dma_start3A_637] : memref<10240x64xf32, #tpu.memory_space<hbm>> -> memref<10240x64xf32, #tpu.memory_space<hbm>>
      tpu.enqueue_indirect_dma source(%dma_start3A_638 : memref<10240x64xf32, #tpu.memory_space<hbm>>) target(%dma_start3A_632 : memref<128x64xf32, #tpu.memory_space<vmem>>) offsets(%dma_start3A_635 : memref<128xi32, #tpu.memory_space<vmem>>) semaphore(%arg13 : memref<!tpu.dma_semaphore, #tpu.memory_space<semaphore_mem>>)
      %mul3A_639 = arith.constant 3 : i32
      %mul3A_640 = arith.muli %add3A_622, %mul3A_639 : i32
      %add3A_641 = arith.constant 1 : i32
      %add3A_642 = arith.addi %mul3A_640, %add3A_641 : i32
      %dma_start3A_643 = arith.constant 0 : i32
      %dma_start3A_644 = arith.constant 1 : i32
      %dma_start3A_645 = arith.constant 0 : i32
      %dma_start3A_646 = arith.constant 0 : i32
      %dma_start3A_647 = tpu.memref_slice %arg10[%dma_start3A_643, %dma_start3A_644, %dma_start3A_645, %dma_start3A_646] : memref<2x3x128x64xf32, #tpu.memory_space<vmem>> -> memref<1x1x128x64xf32, #tpu.memory_space<vmem>>
      %dma_start3A_648 = tpu.memref_squeeze %dma_start3A_647 : memref<1x1x128x64xf32, #tpu.memory_space<vmem>> -> memref<128x64xf32, #tpu.memory_space<vmem>>
      %dma_start3A_649 = arith.constant 0 : i32
      %dma_start3A_650 = tpu.memref_slice %arg8[%add3A_642, %dma_start3A_649] : memref<81x128xi32, #tpu.memory_space<vmem>> -> memref<1x128xi32, #tpu.memory_space<vmem>>
      %dma_start3A_651 = tpu.memref_squeeze %dma_start3A_650 : memref<1x128xi32, #tpu.memory_space<vmem>> -> memref<128xi32, #tpu.memory_space<vmem>>
      %dma_start3A_652 = arith.constant 0 : i32
      %dma_start3A_653 = arith.constant 0 : i32
      %dma_start3A_654 = tpu.memref_slice %arg2[%dma_start3A_652, %dma_start3A_653] : memref<10240x64xf32, #tpu.memory_space<hbm>> -> memref<10240x64xf32, #tpu.memory_space<hbm>>
      tpu.enqueue_indirect_dma source(%dma_start3A_654 : memref<10240x64xf32, #tpu.memory_space<hbm>>) target(%dma_start3A_648 : memref<128x64xf32, #tpu.memory_space<vmem>>) offsets(%dma_start3A_651 : memref<128xi32, #tpu.memory_space<vmem>>) semaphore(%arg13 : memref<!tpu.dma_semaphore, #tpu.memory_space<semaphore_mem>>)
      %mul3A_655 = arith.constant 3 : i32
      %mul3A_656 = arith.muli %add3A_622, %mul3A_655 : i32
      %add3A_657 = arith.constant 2 : i32
      %add3A_658 = arith.addi %mul3A_656, %add3A_657 : i32
      %dma_start3A_659 = arith.constant 0 : i32
      %dma_start3A_660 = arith.constant 2 : i32
      %dma_start3A_661 = arith.constant 0 : i32
      %dma_start3A_662 = arith.constant 0 : i32
      %dma_start3A_663 = tpu.memref_slice %arg10[%dma_start3A_659, %dma_start3A_660, %dma_start3A_661, %dma_start3A_662] : memref<2x3x128x64xf32, #tpu.memory_space<vmem>> -> memref<1x1x128x64xf32, #tpu.memory_space<vmem>>
      %dma_start3A_664 = tpu.memref_squeeze %dma_start3A_663 : memref<1x1x128x64xf32, #tpu.memory_space<vmem>> -> memref<128x64xf32, #tpu.memory_space<vmem>>
      %dma_start3A_665 = arith.constant 0 : i32
      %dma_start3A_666 = tpu.memref_slice %arg8[%add3A_658, %dma_start3A_665] : memref<81x128xi32, #tpu.memory_space<vmem>> -> memref<1x128xi32, #tpu.memory_space<vmem>>
      %dma_start3A_667 = tpu.memref_squeeze %dma_start3A_666 : memref<1x128xi32, #tpu.memory_space<vmem>> -> memref<128xi32, #tpu.memory_space<vmem>>
      %dma_start3A_668 = arith.constant 0 : i32
      %dma_start3A_669 = arith.constant 0 : i32
      %dma_start3A_670 = tpu.memref_slice %arg2[%dma_start3A_668, %dma_start3A_669] : memref<10240x64xf32, #tpu.memory_space<hbm>> -> memref<10240x64xf32, #tpu.memory_space<hbm>>
      tpu.enqueue_indirect_dma source(%dma_start3A_670 : memref<10240x64xf32, #tpu.memory_space<hbm>>) target(%dma_start3A_664 : memref<128x64xf32, #tpu.memory_space<vmem>>) offsets(%dma_start3A_667 : memref<128xi32, #tpu.memory_space<vmem>>) semaphore(%arg13 : memref<!tpu.dma_semaphore, #tpu.memory_space<semaphore_mem>>)
      %mul3A_671 = arith.constant 3 : i32
      %mul3A_672 = arith.muli %add3A_380, %mul3A_671 : i32
      %add3A_673 = arith.constant 0 : i32
      %add3A_674 = arith.addi %mul3A_672, %add3A_673 : i32
      %dma_start3A_675 = arith.constant 1 : i32
      %dma_start3A_676 = arith.constant 0 : i32
      %dma_start3A_677 = arith.constant 0 : i32
      %dma_start3A_678 = arith.constant 0 : i32
      %dma_start3A_679 = tpu.memref_slice %arg10[%dma_start3A_675, %dma_start3A_676, %dma_start3A_677, %dma_start3A_678] : memref<2x3x128x64xf32, #tpu.memory_space<vmem>> -> memref<1x1x128x64xf32, #tpu.memory_space<vmem>>
      %dma_start3A_680 = tpu.memref_squeeze %dma_start3A_679 : memref<1x1x128x64xf32, #tpu.memory_space<vmem>> -> memref<128x64xf32, #tpu.memory_space<vmem>>
      %dma_start3A_681 = arith.constant 0 : i32
      %dma_start3A_682 = tpu.memref_slice %arg9[%add3A_674, %dma_start3A_681] : memref<81x128xi32, #tpu.memory_space<vmem>> -> memref<1x128xi32, #tpu.memory_space<vmem>>
      %dma_start3A_683 = tpu.memref_squeeze %dma_start3A_682 : memref<1x128xi32, #tpu.memory_space<vmem>> -> memref<128xi32, #tpu.memory_space<vmem>>
      %dma_start3A_684 = arith.constant 0 : i32
      %dma_start3A_685 = arith.constant 0 : i32
      %dma_start3A_686 = tpu.memref_slice %arg12[%dma_start3A_684, %dma_start3A_685] : memref<10240x64xf32, #tpu.memory_space<vmem_shared>> -> memref<10240x64xf32, #tpu.memory_space<vmem_shared>>
      tpu.enqueue_indirect_dma source(%dma_start3A_680 : memref<128x64xf32, #tpu.memory_space<vmem>>) target(%dma_start3A_686 : memref<10240x64xf32, #tpu.memory_space<vmem_shared>>) offsets(%dma_start3A_683 : memref<128xi32, #tpu.memory_space<vmem>>) semaphore(%arg16 : memref<!tpu.dma_semaphore, #tpu.memory_space<semaphore_mem>>) {add = true}
      %mul3A_687 = arith.constant 3 : i32
      %mul3A_688 = arith.muli %add3A_380, %mul3A_687 : i32
      %add3A_689 = arith.constant 1 : i32
      %add3A_690 = arith.addi %mul3A_688, %add3A_689 : i32
      %dma_start3A_691 = arith.constant 1 : i32
      %dma_start3A_692 = arith.constant 1 : i32
      %dma_start3A_693 = arith.constant 0 : i32
      %dma_start3A_694 = arith.constant 0 : i32
      %dma_start3A_695 = tpu.memref_slice %arg10[%dma_start3A_691, %dma_start3A_692, %dma_start3A_693, %dma_start3A_694] : memref<2x3x128x64xf32, #tpu.memory_space<vmem>> -> memref<1x1x128x64xf32, #tpu.memory_space<vmem>>
      %dma_start3A_696 = tpu.memref_squeeze %dma_start3A_695 : memref<1x1x128x64xf32, #tpu.memory_space<vmem>> -> memref<128x64xf32, #tpu.memory_space<vmem>>
      %dma_start3A_697 = arith.constant 0 : i32
      %dma_start3A_698 = tpu.memref_slice %arg9[%add3A_690, %dma_start3A_697] : memref<81x128xi32, #tpu.memory_space<vmem>> -> memref<1x128xi32, #tpu.memory_space<vmem>>
      %dma_start3A_699 = tpu.memref_squeeze %dma_start3A_698 : memref<1x128xi32, #tpu.memory_space<vmem>> -> memref<128xi32, #tpu.memory_space<vmem>>
      %dma_start3A_700 = arith.constant 0 : i32
      %dma_start3A_701 = arith.constant 0 : i32
      %dma_start3A_702 = tpu.memref_slice %arg12[%dma_start3A_700, %dma_start3A_701] : memref<10240x64xf32, #tpu.memory_space<vmem_shared>> -> memref<10240x64xf32, #tpu.memory_space<vmem_shared>>
      tpu.enqueue_indirect_dma source(%dma_start3A_696 : memref<128x64xf32, #tpu.memory_space<vmem>>) target(%dma_start3A_702 : memref<10240x64xf32, #tpu.memory_space<vmem_shared>>) offsets(%dma_start3A_699 : memref<128xi32, #tpu.memory_space<vmem>>) semaphore(%arg16 : memref<!tpu.dma_semaphore, #tpu.memory_space<semaphore_mem>>) {add = true}
      %mul3A_703 = arith.constant 3 : i32
      %mul3A_704 = arith.muli %add3A_380, %mul3A_703 : i32
      %add3A_705 = arith.constant 2 : i32
      %add3A_706 = arith.addi %mul3A_704, %add3A_705 : i32
      %dma_start3A_707 = arith.constant 1 : i32
      %dma_start3A_708 = arith.constant 2 : i32
      %dma_start3A_709 = arith.constant 0 : i32
      %dma_start3A_710 = arith.constant 0 : i32
      %dma_start3A_711 = tpu.memref_slice %arg10[%dma_start3A_707, %dma_start3A_708, %dma_start3A_709, %dma_start3A_710] : memref<2x3x128x64xf32, #tpu.memory_space<vmem>> -> memref<1x1x128x64xf32, #tpu.memory_space<vmem>>
      %dma_start3A_712 = tpu.memref_squeeze %dma_start3A_711 : memref<1x1x128x64xf32, #tpu.memory_space<vmem>> -> memref<128x64xf32, #tpu.memory_space<vmem>>
      %dma_start3A_713 = arith.constant 0 : i32
      %dma_start3A_714 = tpu.memref_slice %arg9[%add3A_706, %dma_start3A_713] : memref<81x128xi32, #tpu.memory_space<vmem>> -> memref<1x128xi32, #tpu.memory_space<vmem>>
      %dma_start3A_715 = tpu.memref_squeeze %dma_start3A_714 : memref<1x128xi32, #tpu.memory_space<vmem>> -> memref<128xi32, #tpu.memory_space<vmem>>
      %dma_start3A_716 = arith.constant 0 : i32
      %dma_start3A_717 = arith.constant 0 : i32
      %dma_start3A_718 = tpu.memref_slice %arg12[%dma_start3A_716, %dma_start3A_717] : memref<10240x64xf32, #tpu.memory_space<vmem_shared>> -> memref<10240x64xf32, #tpu.memory_space<vmem_shared>>
      tpu.enqueue_indirect_dma source(%dma_start3A_712 : memref<128x64xf32, #tpu.memory_space<vmem>>) target(%dma_start3A_718 : memref<10240x64xf32, #tpu.memory_space<vmem_shared>>) offsets(%dma_start3A_715 : memref<128xi32, #tpu.memory_space<vmem>>) semaphore(%arg16 : memref<!tpu.dma_semaphore, #tpu.memory_space<semaphore_mem>>) {add = true}
      %mul3A_719 = arith.constant 3 : i32
      %mul3A_720 = arith.muli %add3A_380, %mul3A_719 : i32
      %add3A_721 = arith.constant 0 : i32
      %add3A_722 = arith.addi %mul3A_720, %add3A_721 : i32
      %dma_wait3A_723 = arith.constant 1 : i32
      %dma_wait3A_724 = arith.constant 0 : i32
      %dma_wait3A_725 = arith.constant 0 : i32
      %dma_wait3A_726 = arith.constant 0 : i32
      %dma_wait3A_727 = tpu.memref_slice %arg10[%dma_wait3A_723, %dma_wait3A_724, %dma_wait3A_725, %dma_wait3A_726] : memref<2x3x128x64xf32, #tpu.memory_space<vmem>> -> memref<1x1x128x64xf32, #tpu.memory_space<vmem>>
      %dma_wait3A_728 = tpu.memref_squeeze %dma_wait3A_727 : memref<1x1x128x64xf32, #tpu.memory_space<vmem>> -> memref<128x64xf32, #tpu.memory_space<vmem>>
      %dma_wait3A_729 = arith.constant 0 : i32
      %dma_wait3A_730 = tpu.memref_slice %arg9[%add3A_722, %dma_wait3A_729] : memref<81x128xi32, #tpu.memory_space<vmem>> -> memref<1x128xi32, #tpu.memory_space<vmem>>
      %dma_wait3A_731 = tpu.memref_squeeze %dma_wait3A_730 : memref<1x128xi32, #tpu.memory_space<vmem>> -> memref<128xi32, #tpu.memory_space<vmem>>
      %dma_wait3A_732 = arith.constant 0 : i32
      %dma_wait3A_733 = arith.constant 0 : i32
      %dma_wait3A_734 = tpu.memref_slice %arg12[%dma_wait3A_732, %dma_wait3A_733] : memref<10240x64xf32, #tpu.memory_space<vmem_shared>> -> memref<10240x64xf32, #tpu.memory_space<vmem_shared>>
      tpu.wait_indirect_dma semaphore(%arg16 : memref<!tpu.dma_semaphore, #tpu.memory_space<semaphore_mem>>) src(%dma_wait3A_728 : memref<128x64xf32, #tpu.memory_space<vmem>>) dst(%dma_wait3A_734 : memref<10240x64xf32, #tpu.memory_space<vmem_shared>>)
      %mul3A_735 = arith.constant 3 : i32
      %mul3A_736 = arith.muli %add3A_380, %mul3A_735 : i32
      %add3A_737 = arith.constant 1 : i32
      %add3A_738 = arith.addi %mul3A_736, %add3A_737 : i32
      %dma_wait3A_739 = arith.constant 1 : i32
      %dma_wait3A_740 = arith.constant 1 : i32
      %dma_wait3A_741 = arith.constant 0 : i32
      %dma_wait3A_742 = arith.constant 0 : i32
      %dma_wait3A_743 = tpu.memref_slice %arg10[%dma_wait3A_739, %dma_wait3A_740, %dma_wait3A_741, %dma_wait3A_742] : memref<2x3x128x64xf32, #tpu.memory_space<vmem>> -> memref<1x1x128x64xf32, #tpu.memory_space<vmem>>
      %dma_wait3A_744 = tpu.memref_squeeze %dma_wait3A_743 : memref<1x1x128x64xf32, #tpu.memory_space<vmem>> -> memref<128x64xf32, #tpu.memory_space<vmem>>
      %dma_wait3A_745 = arith.constant 0 : i32
      %dma_wait3A_746 = tpu.memref_slice %arg9[%add3A_738, %dma_wait3A_745] : memref<81x128xi32, #tpu.memory_space<vmem>> -> memref<1x128xi32, #tpu.memory_space<vmem>>
      %dma_wait3A_747 = tpu.memref_squeeze %dma_wait3A_746 : memref<1x128xi32, #tpu.memory_space<vmem>> -> memref<128xi32, #tpu.memory_space<vmem>>
      %dma_wait3A_748 = arith.constant 0 : i32
      %dma_wait3A_749 = arith.constant 0 : i32
      %dma_wait3A_750 = tpu.memref_slice %arg12[%dma_wait3A_748, %dma_wait3A_749] : memref<10240x64xf32, #tpu.memory_space<vmem_shared>> -> memref<10240x64xf32, #tpu.memory_space<vmem_shared>>
      tpu.wait_indirect_dma semaphore(%arg16 : memref<!tpu.dma_semaphore, #tpu.memory_space<semaphore_mem>>) src(%dma_wait3A_744 : memref<128x64xf32, #tpu.memory_space<vmem>>) dst(%dma_wait3A_750 : memref<10240x64xf32, #tpu.memory_space<vmem_shared>>)
      %mul3A_751 = arith.constant 3 : i32
      %mul3A_752 = arith.muli %add3A_380, %mul3A_751 : i32
      %add3A_753 = arith.constant 2 : i32
      %add3A_754 = arith.addi %mul3A_752, %add3A_753 : i32
      %dma_wait3A_755 = arith.constant 1 : i32
      %dma_wait3A_756 = arith.constant 2 : i32
      %dma_wait3A_757 = arith.constant 0 : i32
      %dma_wait3A_758 = arith.constant 0 : i32
      %dma_wait3A_759 = tpu.memref_slice %arg10[%dma_wait3A_755, %dma_wait3A_756, %dma_wait3A_757, %dma_wait3A_758] : memref<2x3x128x64xf32, #tpu.memory_space<vmem>> -> memref<1x1x128x64xf32, #tpu.memory_space<vmem>>
      %dma_wait3A_760 = tpu.memref_squeeze %dma_wait3A_759 : memref<1x1x128x64xf32, #tpu.memory_space<vmem>> -> memref<128x64xf32, #tpu.memory_space<vmem>>
      %dma_wait3A_761 = arith.constant 0 : i32
      %dma_wait3A_762 = tpu.memref_slice %arg9[%add3A_754, %dma_wait3A_761] : memref<81x128xi32, #tpu.memory_space<vmem>> -> memref<1x128xi32, #tpu.memory_space<vmem>>
      %dma_wait3A_763 = tpu.memref_squeeze %dma_wait3A_762 : memref<1x128xi32, #tpu.memory_space<vmem>> -> memref<128xi32, #tpu.memory_space<vmem>>
      %dma_wait3A_764 = arith.constant 0 : i32
      %dma_wait3A_765 = arith.constant 0 : i32
      %dma_wait3A_766 = tpu.memref_slice %arg12[%dma_wait3A_764, %dma_wait3A_765] : memref<10240x64xf32, #tpu.memory_space<vmem_shared>> -> memref<10240x64xf32, #tpu.memory_space<vmem_shared>>
      tpu.wait_indirect_dma semaphore(%arg16 : memref<!tpu.dma_semaphore, #tpu.memory_space<semaphore_mem>>) src(%dma_wait3A_760 : memref<128x64xf32, #tpu.memory_space<vmem>>) dst(%dma_wait3A_766 : memref<10240x64xf32, #tpu.memory_space<vmem_shared>>)
    }
    %scan3A_63 = arith.constant 13 : i32
    %dma_wait3A = arith.constant 78 : i32
    %dma_wait3A_64 = arith.constant 0 : i32
    %dma_wait3A_65 = arith.constant 0 : i32
    %dma_wait3A_66 = arith.constant 0 : i32
    %dma_wait3A_67 = arith.constant 0 : i32
    %dma_wait3A_68 = tpu.memref_slice %arg10[%dma_wait3A_64, %dma_wait3A_65, %dma_wait3A_66, %dma_wait3A_67] : memref<2x3x128x64xf32, #tpu.memory_space<vmem>> -> memref<1x1x128x64xf32, #tpu.memory_space<vmem>>
    %dma_wait3A_69 = tpu.memref_squeeze %dma_wait3A_68 : memref<1x1x128x64xf32, #tpu.memory_space<vmem>> -> memref<128x64xf32, #tpu.memory_space<vmem>>
    %dma_wait3A_70 = arith.constant 0 : i32
    %dma_wait3A_71 = tpu.memref_slice %arg8[%dma_wait3A, %dma_wait3A_70] : memref<81x128xi32, #tpu.memory_space<vmem>> -> memref<1x128xi32, #tpu.memory_space<vmem>>
    %dma_wait3A_72 = tpu.memref_squeeze %dma_wait3A_71 : memref<1x128xi32, #tpu.memory_space<vmem>> -> memref<128xi32, #tpu.memory_space<vmem>>
    %dma_wait3A_73 = arith.constant 0 : i32
    %dma_wait3A_74 = arith.constant 0 : i32
    %dma_wait3A_75 = tpu.memref_slice %arg2[%dma_wait3A_73, %dma_wait3A_74] : memref<10240x64xf32, #tpu.memory_space<hbm>> -> memref<10240x64xf32, #tpu.memory_space<hbm>>
    tpu.wait_indirect_dma semaphore(%arg13 : memref<!tpu.dma_semaphore, #tpu.memory_space<semaphore_mem>>) src(%dma_wait3A_75 : memref<10240x64xf32, #tpu.memory_space<hbm>>) dst(%dma_wait3A_69 : memref<128x64xf32, #tpu.memory_space<vmem>>)
    %dma_wait3A_76 = arith.constant 79 : i32
    %dma_wait3A_77 = arith.constant 0 : i32
    %dma_wait3A_78 = arith.constant 1 : i32
    %dma_wait3A_79 = arith.constant 0 : i32
    %dma_wait3A_80 = arith.constant 0 : i32
    %dma_wait3A_81 = tpu.memref_slice %arg10[%dma_wait3A_77, %dma_wait3A_78, %dma_wait3A_79, %dma_wait3A_80] : memref<2x3x128x64xf32, #tpu.memory_space<vmem>> -> memref<1x1x128x64xf32, #tpu.memory_space<vmem>>
    %dma_wait3A_82 = tpu.memref_squeeze %dma_wait3A_81 : memref<1x1x128x64xf32, #tpu.memory_space<vmem>> -> memref<128x64xf32, #tpu.memory_space<vmem>>
    %dma_wait3A_83 = arith.constant 0 : i32
    %dma_wait3A_84 = tpu.memref_slice %arg8[%dma_wait3A_76, %dma_wait3A_83] : memref<81x128xi32, #tpu.memory_space<vmem>> -> memref<1x128xi32, #tpu.memory_space<vmem>>
    %dma_wait3A_85 = tpu.memref_squeeze %dma_wait3A_84 : memref<1x128xi32, #tpu.memory_space<vmem>> -> memref<128xi32, #tpu.memory_space<vmem>>
    %dma_wait3A_86 = arith.constant 0 : i32
    %dma_wait3A_87 = arith.constant 0 : i32
    %dma_wait3A_88 = tpu.memref_slice %arg2[%dma_wait3A_86, %dma_wait3A_87] : memref<10240x64xf32, #tpu.memory_space<hbm>> -> memref<10240x64xf32, #tpu.memory_space<hbm>>
    tpu.wait_indirect_dma semaphore(%arg13 : memref<!tpu.dma_semaphore, #tpu.memory_space<semaphore_mem>>) src(%dma_wait3A_88 : memref<10240x64xf32, #tpu.memory_space<hbm>>) dst(%dma_wait3A_82 : memref<128x64xf32, #tpu.memory_space<vmem>>)
    %dma_wait3A_89 = arith.constant 80 : i32
    %dma_wait3A_90 = arith.constant 0 : i32
    %dma_wait3A_91 = arith.constant 2 : i32
    %dma_wait3A_92 = arith.constant 0 : i32
    %dma_wait3A_93 = arith.constant 0 : i32
    %dma_wait3A_94 = tpu.memref_slice %arg10[%dma_wait3A_90, %dma_wait3A_91, %dma_wait3A_92, %dma_wait3A_93] : memref<2x3x128x64xf32, #tpu.memory_space<vmem>> -> memref<1x1x128x64xf32, #tpu.memory_space<vmem>>
    %dma_wait3A_95 = tpu.memref_squeeze %dma_wait3A_94 : memref<1x1x128x64xf32, #tpu.memory_space<vmem>> -> memref<128x64xf32, #tpu.memory_space<vmem>>
    %dma_wait3A_96 = arith.constant 0 : i32
    %dma_wait3A_97 = tpu.memref_slice %arg8[%dma_wait3A_89, %dma_wait3A_96] : memref<81x128xi32, #tpu.memory_space<vmem>> -> memref<1x128xi32, #tpu.memory_space<vmem>>
    %dma_wait3A_98 = tpu.memref_squeeze %dma_wait3A_97 : memref<1x128xi32, #tpu.memory_space<vmem>> -> memref<128xi32, #tpu.memory_space<vmem>>
    %dma_wait3A_99 = arith.constant 0 : i32
    %dma_wait3A_100 = arith.constant 0 : i32
    %dma_wait3A_101 = tpu.memref_slice %arg2[%dma_wait3A_99, %dma_wait3A_100] : memref<10240x64xf32, #tpu.memory_space<hbm>> -> memref<10240x64xf32, #tpu.memory_space<hbm>>
    tpu.wait_indirect_dma semaphore(%arg13 : memref<!tpu.dma_semaphore, #tpu.memory_space<semaphore_mem>>) src(%dma_wait3A_101 : memref<10240x64xf32, #tpu.memory_space<hbm>>) dst(%dma_wait3A_95 : memref<128x64xf32, #tpu.memory_space<vmem>>)
    %dma_start3A_102 = arith.constant 0 : i32
    %dma_start3A_103 = arith.constant 0 : i32
    %dma_start3A_104 = arith.constant 78 : i32
    %dma_start3A_105 = arith.constant 0 : i32
    %dma_start3A_106 = arith.constant 0 : i32
    %dma_start3A_107 = tpu.memref_slice %arg10[%dma_start3A_102, %dma_start3A_103, %dma_start3A_105, %dma_start3A_106] : memref<2x3x128x64xf32, #tpu.memory_space<vmem>> -> memref<1x1x128x64xf32, #tpu.memory_space<vmem>>
    %dma_start3A_108 = tpu.memref_squeeze %dma_start3A_107 : memref<1x1x128x64xf32, #tpu.memory_space<vmem>> -> memref<128x64xf32, #tpu.memory_space<vmem>>
    %dma_start3A_109 = arith.constant 0 : i32
    %dma_start3A_110 = tpu.memref_slice %arg9[%dma_start3A_104, %dma_start3A_109] : memref<81x128xi32, #tpu.memory_space<vmem>> -> memref<1x128xi32, #tpu.memory_space<vmem>>
    %dma_start3A_111 = tpu.memref_squeeze %dma_start3A_110 : memref<1x128xi32, #tpu.memory_space<vmem>> -> memref<128xi32, #tpu.memory_space<vmem>>
    %dma_start3A_112 = arith.constant 0 : i32
    %dma_start3A_113 = arith.constant 0 : i32
    %dma_start3A_114 = tpu.memref_slice %arg12[%dma_start3A_112, %dma_start3A_113] : memref<10240x64xf32, #tpu.memory_space<vmem_shared>> -> memref<10240x64xf32, #tpu.memory_space<vmem_shared>>
    tpu.enqueue_indirect_dma source(%dma_start3A_108 : memref<128x64xf32, #tpu.memory_space<vmem>>) target(%dma_start3A_114 : memref<10240x64xf32, #tpu.memory_space<vmem_shared>>) offsets(%dma_start3A_111 : memref<128xi32, #tpu.memory_space<vmem>>) semaphore(%arg15 : memref<!tpu.dma_semaphore, #tpu.memory_space<semaphore_mem>>) {add = true}
    %dma_start3A_115 = arith.constant 0 : i32
    %dma_start3A_116 = arith.constant 1 : i32
    %dma_start3A_117 = arith.constant 79 : i32
    %dma_start3A_118 = arith.constant 0 : i32
    %dma_start3A_119 = arith.constant 0 : i32
    %dma_start3A_120 = tpu.memref_slice %arg10[%dma_start3A_115, %dma_start3A_116, %dma_start3A_118, %dma_start3A_119] : memref<2x3x128x64xf32, #tpu.memory_space<vmem>> -> memref<1x1x128x64xf32, #tpu.memory_space<vmem>>
    %dma_start3A_121 = tpu.memref_squeeze %dma_start3A_120 : memref<1x1x128x64xf32, #tpu.memory_space<vmem>> -> memref<128x64xf32, #tpu.memory_space<vmem>>
    %dma_start3A_122 = arith.constant 0 : i32
    %dma_start3A_123 = tpu.memref_slice %arg9[%dma_start3A_117, %dma_start3A_122] : memref<81x128xi32, #tpu.memory_space<vmem>> -> memref<1x128xi32, #tpu.memory_space<vmem>>
    %dma_start3A_124 = tpu.memref_squeeze %dma_start3A_123 : memref<1x128xi32, #tpu.memory_space<vmem>> -> memref<128xi32, #tpu.memory_space<vmem>>
    %dma_start3A_125 = arith.constant 0 : i32
    %dma_start3A_126 = arith.constant 0 : i32
    %dma_start3A_127 = tpu.memref_slice %arg12[%dma_start3A_125, %dma_start3A_126] : memref<10240x64xf32, #tpu.memory_space<vmem_shared>> -> memref<10240x64xf32, #tpu.memory_space<vmem_shared>>
    tpu.enqueue_indirect_dma source(%dma_start3A_121 : memref<128x64xf32, #tpu.memory_space<vmem>>) target(%dma_start3A_127 : memref<10240x64xf32, #tpu.memory_space<vmem_shared>>) offsets(%dma_start3A_124 : memref<128xi32, #tpu.memory_space<vmem>>) semaphore(%arg15 : memref<!tpu.dma_semaphore, #tpu.memory_space<semaphore_mem>>) {add = true}
    %dma_start3A_128 = arith.constant 0 : i32
    %dma_start3A_129 = arith.constant 2 : i32
    %dma_start3A_130 = arith.constant 80 : i32
    %dma_start3A_131 = arith.constant 0 : i32
    %dma_start3A_132 = arith.constant 0 : i32
    %dma_start3A_133 = tpu.memref_slice %arg10[%dma_start3A_128, %dma_start3A_129, %dma_start3A_131, %dma_start3A_132] : memref<2x3x128x64xf32, #tpu.memory_space<vmem>> -> memref<1x1x128x64xf32, #tpu.memory_space<vmem>>
    %dma_start3A_134 = tpu.memref_squeeze %dma_start3A_133 : memref<1x1x128x64xf32, #tpu.memory_space<vmem>> -> memref<128x64xf32, #tpu.memory_space<vmem>>
    %dma_start3A_135 = arith.constant 0 : i32
    %dma_start3A_136 = tpu.memref_slice %arg9[%dma_start3A_130, %dma_start3A_135] : memref<81x128xi32, #tpu.memory_space<vmem>> -> memref<1x128xi32, #tpu.memory_space<vmem>>
    %dma_start3A_137 = tpu.memref_squeeze %dma_start3A_136 : memref<1x128xi32, #tpu.memory_space<vmem>> -> memref<128xi32, #tpu.memory_space<vmem>>
    %dma_start3A_138 = arith.constant 0 : i32
    %dma_start3A_139 = arith.constant 0 : i32
    %dma_start3A_140 = tpu.memref_slice %arg12[%dma_start3A_138, %dma_start3A_139] : memref<10240x64xf32, #tpu.memory_space<vmem_shared>> -> memref<10240x64xf32, #tpu.memory_space<vmem_shared>>
    tpu.enqueue_indirect_dma source(%dma_start3A_134 : memref<128x64xf32, #tpu.memory_space<vmem>>) target(%dma_start3A_140 : memref<10240x64xf32, #tpu.memory_space<vmem_shared>>) offsets(%dma_start3A_137 : memref<128xi32, #tpu.memory_space<vmem>>) semaphore(%arg15 : memref<!tpu.dma_semaphore, #tpu.memory_space<semaphore_mem>>) {add = true}
    %dma_wait3A_141 = arith.constant 0 : i32
    %dma_wait3A_142 = arith.constant 0 : i32
    %dma_wait3A_143 = arith.constant 78 : i32
    %dma_wait3A_144 = arith.constant 0 : i32
    %dma_wait3A_145 = arith.constant 0 : i32
    %dma_wait3A_146 = tpu.memref_slice %arg10[%dma_wait3A_141, %dma_wait3A_142, %dma_wait3A_144, %dma_wait3A_145] : memref<2x3x128x64xf32, #tpu.memory_space<vmem>> -> memref<1x1x128x64xf32, #tpu.memory_space<vmem>>
    %dma_wait3A_147 = tpu.memref_squeeze %dma_wait3A_146 : memref<1x1x128x64xf32, #tpu.memory_space<vmem>> -> memref<128x64xf32, #tpu.memory_space<vmem>>
    %dma_wait3A_148 = arith.constant 0 : i32
    %dma_wait3A_149 = tpu.memref_slice %arg9[%dma_wait3A_143, %dma_wait3A_148] : memref<81x128xi32, #tpu.memory_space<vmem>> -> memref<1x128xi32, #tpu.memory_space<vmem>>
    %dma_wait3A_150 = tpu.memref_squeeze %dma_wait3A_149 : memref<1x128xi32, #tpu.memory_space<vmem>> -> memref<128xi32, #tpu.memory_space<vmem>>
    %dma_wait3A_151 = arith.constant 0 : i32
    %dma_wait3A_152 = arith.constant 0 : i32
    %dma_wait3A_153 = tpu.memref_slice %arg12[%dma_wait3A_151, %dma_wait3A_152] : memref<10240x64xf32, #tpu.memory_space<vmem_shared>> -> memref<10240x64xf32, #tpu.memory_space<vmem_shared>>
    tpu.wait_indirect_dma semaphore(%arg15 : memref<!tpu.dma_semaphore, #tpu.memory_space<semaphore_mem>>) src(%dma_wait3A_147 : memref<128x64xf32, #tpu.memory_space<vmem>>) dst(%dma_wait3A_153 : memref<10240x64xf32, #tpu.memory_space<vmem_shared>>)
    %dma_wait3A_154 = arith.constant 0 : i32
    %dma_wait3A_155 = arith.constant 1 : i32
    %dma_wait3A_156 = arith.constant 79 : i32
    %dma_wait3A_157 = arith.constant 0 : i32
    %dma_wait3A_158 = arith.constant 0 : i32
    %dma_wait3A_159 = tpu.memref_slice %arg10[%dma_wait3A_154, %dma_wait3A_155, %dma_wait3A_157, %dma_wait3A_158] : memref<2x3x128x64xf32, #tpu.memory_space<vmem>> -> memref<1x1x128x64xf32, #tpu.memory_space<vmem>>
    %dma_wait3A_160 = tpu.memref_squeeze %dma_wait3A_159 : memref<1x1x128x64xf32, #tpu.memory_space<vmem>> -> memref<128x64xf32, #tpu.memory_space<vmem>>
    %dma_wait3A_161 = arith.constant 0 : i32
    %dma_wait3A_162 = tpu.memref_slice %arg9[%dma_wait3A_156, %dma_wait3A_161] : memref<81x128xi32, #tpu.memory_space<vmem>> -> memref<1x128xi32, #tpu.memory_space<vmem>>
    %dma_wait3A_163 = tpu.memref_squeeze %dma_wait3A_162 : memref<1x128xi32, #tpu.memory_space<vmem>> -> memref<128xi32, #tpu.memory_space<vmem>>
    %dma_wait3A_164 = arith.constant 0 : i32
    %dma_wait3A_165 = arith.constant 0 : i32
    %dma_wait3A_166 = tpu.memref_slice %arg12[%dma_wait3A_164, %dma_wait3A_165] : memref<10240x64xf32, #tpu.memory_space<vmem_shared>> -> memref<10240x64xf32, #tpu.memory_space<vmem_shared>>
    tpu.wait_indirect_dma semaphore(%arg15 : memref<!tpu.dma_semaphore, #tpu.memory_space<semaphore_mem>>) src(%dma_wait3A_160 : memref<128x64xf32, #tpu.memory_space<vmem>>) dst(%dma_wait3A_166 : memref<10240x64xf32, #tpu.memory_space<vmem_shared>>)
    %dma_wait3A_167 = arith.constant 0 : i32
    %dma_wait3A_168 = arith.constant 2 : i32
    %dma_wait3A_169 = arith.constant 80 : i32
    %dma_wait3A_170 = arith.constant 0 : i32
    %dma_wait3A_171 = arith.constant 0 : i32
    %dma_wait3A_172 = tpu.memref_slice %arg10[%dma_wait3A_167, %dma_wait3A_168, %dma_wait3A_170, %dma_wait3A_171] : memref<2x3x128x64xf32, #tpu.memory_space<vmem>> -> memref<1x1x128x64xf32, #tpu.memory_space<vmem>>
    %dma_wait3A_173 = tpu.memref_squeeze %dma_wait3A_172 : memref<1x1x128x64xf32, #tpu.memory_space<vmem>> -> memref<128x64xf32, #tpu.memory_space<vmem>>
    %dma_wait3A_174 = arith.constant 0 : i32
    %dma_wait3A_175 = tpu.memref_slice %arg9[%dma_wait3A_169, %dma_wait3A_174] : memref<81x128xi32, #tpu.memory_space<vmem>> -> memref<1x128xi32, #tpu.memory_space<vmem>>
    %dma_wait3A_176 = tpu.memref_squeeze %dma_wait3A_175 : memref<1x128xi32, #tpu.memory_space<vmem>> -> memref<128xi32, #tpu.memory_space<vmem>>
    %dma_wait3A_177 = arith.constant 0 : i32
    %dma_wait3A_178 = arith.constant 0 : i32
    %dma_wait3A_179 = tpu.memref_slice %arg12[%dma_wait3A_177, %dma_wait3A_178] : memref<10240x64xf32, #tpu.memory_space<vmem_shared>> -> memref<10240x64xf32, #tpu.memory_space<vmem_shared>>
    tpu.wait_indirect_dma semaphore(%arg15 : memref<!tpu.dma_semaphore, #tpu.memory_space<semaphore_mem>>) src(%dma_wait3A_173 : memref<128x64xf32, #tpu.memory_space<vmem>>) dst(%dma_wait3A_179 : memref<10240x64xf32, #tpu.memory_space<vmem_shared>>)
    %barrier3A_180 = arith.constant 0 : index
    tpu.barrier barrier_id(%barrier3A_180)
    %mul3A_181 = arith.constant 640 : i32
    %mul3A_182 = arith.muli %arg1, %mul3A_181 : i32
    %mul3A_183 = arith.constant 640 : i32
    %mul3A_184 = arith.muli %arg1, %mul3A_183 : i32
    %run_scoped3A = arith.constant 0 : i32
    "tpu.region"() ({
      %run_scoped3A_374 = tpu.sem_alloc : memref<!tpu.dma_semaphore, #tpu.memory_space<semaphore_mem>>
      %dma_start3A_375 = arith.constant 0 : i32
      %dma_start3A_376 = tpu.memref_slice %arg7[%arg0, %run_scoped3A, %mul3A_184, %dma_start3A_375] : memref<2x2x10240x64xf32, #tpu.memory_space<hbm>> -> memref<1x1x640x64xf32, #tpu.memory_space<hbm>>
      %dma_start3A_377 = tpu.memref_squeeze %dma_start3A_376 : memref<1x1x640x64xf32, #tpu.memory_space<hbm>> -> memref<640x64xf32, #tpu.memory_space<hbm>>
      %dma_start3A_378 = arith.constant 0 : i32
      %dma_start3A_379 = tpu.memref_slice %arg12[%mul3A_182, %dma_start3A_378] : memref<10240x64xf32, #tpu.memory_space<vmem_shared>> -> memref<640x64xf32, #tpu.memory_space<vmem_shared>>
      tpu.enqueue_dma source(%dma_start3A_379 : memref<640x64xf32, #tpu.memory_space<vmem_shared>>) target(%dma_start3A_377 : memref<640x64xf32, #tpu.memory_space<hbm>>) target_semaphore(%run_scoped3A_374 : memref<!tpu.dma_semaphore, #tpu.memory_space<semaphore_mem>>)
      %dma_wait3A_380 = arith.constant 0 : i32
      %dma_wait3A_381 = tpu.memref_slice %arg7[%arg0, %run_scoped3A, %mul3A_184, %dma_wait3A_380] : memref<2x2x10240x64xf32, #tpu.memory_space<hbm>> -> memref<1x1x640x64xf32, #tpu.memory_space<hbm>>
      %dma_wait3A_382 = tpu.memref_squeeze %dma_wait3A_381 : memref<1x1x640x64xf32, #tpu.memory_space<hbm>> -> memref<640x64xf32, #tpu.memory_space<hbm>>
      %dma_wait3A_383 = arith.constant 0 : i32
      %dma_wait3A_384 = tpu.memref_slice %arg12[%mul3A_182, %dma_wait3A_383] : memref<10240x64xf32, #tpu.memory_space<vmem_shared>> -> memref<640x64xf32, #tpu.memory_space<vmem_shared>>
      tpu.wait_dma2 semaphore(%run_scoped3A_374 : memref<!tpu.dma_semaphore, #tpu.memory_space<semaphore_mem>>) src(%dma_wait3A_384 : memref<640x64xf32, #tpu.memory_space<vmem_shared>>) dst(%dma_wait3A_382 : memref<640x64xf32, #tpu.memory_space<hbm>>)
      tpu.yield
    }) : () -> ()
    %mul3A_185 = arith.constant 640 : i32
    %mul3A_186 = arith.muli %arg1, %mul3A_185 : i32
    %add3A_187 = arith.constant 0 : i32
    %add3A_188 = arith.addi %mul3A_186, %add3A_187 : i32
    "tpu.region"() ({
      %run_scoped3A_374 = tpu.sem_alloc : memref<!tpu.dma_semaphore, #tpu.memory_space<semaphore_mem>>
      %dma_start3A_375 = arith.constant 0 : i32
      %dma_start3A_376 = tpu.memref_slice %arg12[%add3A_188, %dma_start3A_375] : memref<10240x64xf32, #tpu.memory_space<vmem_shared>> -> memref<128x64xf32, #tpu.memory_space<vmem_shared>>
      %dma_start3A_377 = arith.constant 0 : i32
      %dma_start3A_378 = tpu.memref_slice %arg12[%add3A_188, %dma_start3A_377] : memref<10240x64xf32, #tpu.memory_space<vmem_shared>> -> memref<128x64xf32, #tpu.memory_space<vmem_shared>>
      tpu.enqueue_dma source(%arg11 : memref<128x64xf32, #tpu.memory_space<vmem>>) target(%dma_start3A_378 : memref<128x64xf32, #tpu.memory_space<vmem_shared>>) target_semaphore(%run_scoped3A_374 : memref<!tpu.dma_semaphore, #tpu.memory_space<semaphore_mem>>)
      %dma_wait3A_379 = arith.constant 0 : i32
      %dma_wait3A_380 = tpu.memref_slice %arg12[%add3A_188, %dma_wait3A_379] : memref<10240x64xf32, #tpu.memory_space<vmem_shared>> -> memref<128x64xf32, #tpu.memory_space<vmem_shared>>
      %dma_wait3A_381 = arith.constant 0 : i32
      %dma_wait3A_382 = tpu.memref_slice %arg12[%add3A_188, %dma_wait3A_381] : memref<10240x64xf32, #tpu.memory_space<vmem_shared>> -> memref<128x64xf32, #tpu.memory_space<vmem_shared>>
      tpu.wait_dma2 semaphore(%run_scoped3A_374 : memref<!tpu.dma_semaphore, #tpu.memory_space<semaphore_mem>>) src(%arg11 : memref<128x64xf32, #tpu.memory_space<vmem>>) dst(%dma_wait3A_382 : memref<128x64xf32, #tpu.memory_space<vmem_shared>>)
      tpu.yield
    }) : () -> ()
    %mul3A_189 = arith.constant 640 : i32
    %mul3A_190 = arith.muli %arg1, %mul3A_189 : i32
    %add3A_191 = arith.constant 128 : i32
    %add3A_192 = arith.addi %mul3A_190, %add3A_191 : i32
    "tpu.region"() ({
      %run_scoped3A_374 = tpu.sem_alloc : memref<!tpu.dma_semaphore, #tpu.memory_space<semaphore_mem>>
      %dma_start3A_375 = arith.constant 0 : i32
      %dma_start3A_376 = tpu.memref_slice %arg12[%add3A_192, %dma_start3A_375] : memref<10240x64xf32, #tpu.memory_space<vmem_shared>> -> memref<128x64xf32, #tpu.memory_space<vmem_shared>>
      %dma_start3A_377 = arith.constant 0 : i32
      %dma_start3A_378 = tpu.memref_slice %arg12[%add3A_192, %dma_start3A_377] : memref<10240x64xf32, #tpu.memory_space<vmem_shared>> -> memref<128x64xf32, #tpu.memory_space<vmem_shared>>
      tpu.enqueue_dma source(%arg11 : memref<128x64xf32, #tpu.memory_space<vmem>>) target(%dma_start3A_378 : memref<128x64xf32, #tpu.memory_space<vmem_shared>>) target_semaphore(%run_scoped3A_374 : memref<!tpu.dma_semaphore, #tpu.memory_space<semaphore_mem>>)
      %dma_wait3A_379 = arith.constant 0 : i32
      %dma_wait3A_380 = tpu.memref_slice %arg12[%add3A_192, %dma_wait3A_379] : memref<10240x64xf32, #tpu.memory_space<vmem_shared>> -> memref<128x64xf32, #tpu.memory_space<vmem_shared>>
      %dma_wait3A_381 = arith.constant 0 : i32
      %dma_wait3A_382 = tpu.memref_slice %arg12[%add3A_192, %dma_wait3A_381] : memref<10240x64xf32, #tpu.memory_space<vmem_shared>> -> memref<128x64xf32, #tpu.memory_space<vmem_shared>>
      tpu.wait_dma2 semaphore(%run_scoped3A_374 : memref<!tpu.dma_semaphore, #tpu.memory_space<semaphore_mem>>) src(%arg11 : memref<128x64xf32, #tpu.memory_space<vmem>>) dst(%dma_wait3A_382 : memref<128x64xf32, #tpu.memory_space<vmem_shared>>)
      tpu.yield
    }) : () -> ()
    %mul3A_193 = arith.constant 640 : i32
    %mul3A_194 = arith.muli %arg1, %mul3A_193 : i32
    %add3A_195 = arith.constant 256 : i32
    %add3A_196 = arith.addi %mul3A_194, %add3A_195 : i32
    "tpu.region"() ({
      %run_scoped3A_374 = tpu.sem_alloc : memref<!tpu.dma_semaphore, #tpu.memory_space<semaphore_mem>>
      %dma_start3A_375 = arith.constant 0 : i32
      %dma_start3A_376 = tpu.memref_slice %arg12[%add3A_196, %dma_start3A_375] : memref<10240x64xf32, #tpu.memory_space<vmem_shared>> -> memref<128x64xf32, #tpu.memory_space<vmem_shared>>
      %dma_start3A_377 = arith.constant 0 : i32
      %dma_start3A_378 = tpu.memref_slice %arg12[%add3A_196, %dma_start3A_377] : memref<10240x64xf32, #tpu.memory_space<vmem_shared>> -> memref<128x64xf32, #tpu.memory_space<vmem_shared>>
      tpu.enqueue_dma source(%arg11 : memref<128x64xf32, #tpu.memory_space<vmem>>) target(%dma_start3A_378 : memref<128x64xf32, #tpu.memory_space<vmem_shared>>) target_semaphore(%run_scoped3A_374 : memref<!tpu.dma_semaphore, #tpu.memory_space<semaphore_mem>>)
      %dma_wait3A_379 = arith.constant 0 : i32
      %dma_wait3A_380 = tpu.memref_slice %arg12[%add3A_196, %dma_wait3A_379] : memref<10240x64xf32, #tpu.memory_space<vmem_shared>> -> memref<128x64xf32, #tpu.memory_space<vmem_shared>>
      %dma_wait3A_381 = arith.constant 0 : i32
      %dma_wait3A_382 = tpu.memref_slice %arg12[%add3A_196, %dma_wait3A_381] : memref<10240x64xf32, #tpu.memory_space<vmem_shared>> -> memref<128x64xf32, #tpu.memory_space<vmem_shared>>
      tpu.wait_dma2 semaphore(%run_scoped3A_374 : memref<!tpu.dma_semaphore, #tpu.memory_space<semaphore_mem>>) src(%arg11 : memref<128x64xf32, #tpu.memory_space<vmem>>) dst(%dma_wait3A_382 : memref<128x64xf32, #tpu.memory_space<vmem_shared>>)
      tpu.yield
    }) : () -> ()
    %mul3A_197 = arith.constant 640 : i32
    %mul3A_198 = arith.muli %arg1, %mul3A_197 : i32
    %add3A_199 = arith.constant 384 : i32
    %add3A_200 = arith.addi %mul3A_198, %add3A_199 : i32
    "tpu.region"() ({
      %run_scoped3A_374 = tpu.sem_alloc : memref<!tpu.dma_semaphore, #tpu.memory_space<semaphore_mem>>
      %dma_start3A_375 = arith.constant 0 : i32
      %dma_start3A_376 = tpu.memref_slice %arg12[%add3A_200, %dma_start3A_375] : memref<10240x64xf32, #tpu.memory_space<vmem_shared>> -> memref<128x64xf32, #tpu.memory_space<vmem_shared>>
      %dma_start3A_377 = arith.constant 0 : i32
      %dma_start3A_378 = tpu.memref_slice %arg12[%add3A_200, %dma_start3A_377] : memref<10240x64xf32, #tpu.memory_space<vmem_shared>> -> memref<128x64xf32, #tpu.memory_space<vmem_shared>>
      tpu.enqueue_dma source(%arg11 : memref<128x64xf32, #tpu.memory_space<vmem>>) target(%dma_start3A_378 : memref<128x64xf32, #tpu.memory_space<vmem_shared>>) target_semaphore(%run_scoped3A_374 : memref<!tpu.dma_semaphore, #tpu.memory_space<semaphore_mem>>)
      %dma_wait3A_379 = arith.constant 0 : i32
      %dma_wait3A_380 = tpu.memref_slice %arg12[%add3A_200, %dma_wait3A_379] : memref<10240x64xf32, #tpu.memory_space<vmem_shared>> -> memref<128x64xf32, #tpu.memory_space<vmem_shared>>
      %dma_wait3A_381 = arith.constant 0 : i32
      %dma_wait3A_382 = tpu.memref_slice %arg12[%add3A_200, %dma_wait3A_381] : memref<10240x64xf32, #tpu.memory_space<vmem_shared>> -> memref<128x64xf32, #tpu.memory_space<vmem_shared>>
      tpu.wait_dma2 semaphore(%run_scoped3A_374 : memref<!tpu.dma_semaphore, #tpu.memory_space<semaphore_mem>>) src(%arg11 : memref<128x64xf32, #tpu.memory_space<vmem>>) dst(%dma_wait3A_382 : memref<128x64xf32, #tpu.memory_space<vmem_shared>>)
      tpu.yield
    }) : () -> ()
    %mul3A_201 = arith.constant 640 : i32
    %mul3A_202 = arith.muli %arg1, %mul3A_201 : i32
    %add3A_203 = arith.constant 512 : i32
    %add3A_204 = arith.addi %mul3A_202, %add3A_203 : i32
    "tpu.region"() ({
      %run_scoped3A_374 = tpu.sem_alloc : memref<!tpu.dma_semaphore, #tpu.memory_space<semaphore_mem>>
      %dma_start3A_375 = arith.constant 0 : i32
      %dma_start3A_376 = tpu.memref_slice %arg12[%add3A_204, %dma_start3A_375] : memref<10240x64xf32, #tpu.memory_space<vmem_shared>> -> memref<128x64xf32, #tpu.memory_space<vmem_shared>>
      %dma_start3A_377 = arith.constant 0 : i32
      %dma_start3A_378 = tpu.memref_slice %arg12[%add3A_204, %dma_start3A_377] : memref<10240x64xf32, #tpu.memory_space<vmem_shared>> -> memref<128x64xf32, #tpu.memory_space<vmem_shared>>
      tpu.enqueue_dma source(%arg11 : memref<128x64xf32, #tpu.memory_space<vmem>>) target(%dma_start3A_378 : memref<128x64xf32, #tpu.memory_space<vmem_shared>>) target_semaphore(%run_scoped3A_374 : memref<!tpu.dma_semaphore, #tpu.memory_space<semaphore_mem>>)
      %dma_wait3A_379 = arith.constant 0 : i32
      %dma_wait3A_380 = tpu.memref_slice %arg12[%add3A_204, %dma_wait3A_379] : memref<10240x64xf32, #tpu.memory_space<vmem_shared>> -> memref<128x64xf32, #tpu.memory_space<vmem_shared>>
      %dma_wait3A_381 = arith.constant 0 : i32
      %dma_wait3A_382 = tpu.memref_slice %arg12[%add3A_204, %dma_wait3A_381] : memref<10240x64xf32, #tpu.memory_space<vmem_shared>> -> memref<128x64xf32, #tpu.memory_space<vmem_shared>>
      tpu.wait_dma2 semaphore(%run_scoped3A_374 : memref<!tpu.dma_semaphore, #tpu.memory_space<semaphore_mem>>) src(%arg11 : memref<128x64xf32, #tpu.memory_space<vmem>>) dst(%dma_wait3A_382 : memref<128x64xf32, #tpu.memory_space<vmem_shared>>)
      tpu.yield
    }) : () -> ()
    %barrier3A_205 = arith.constant 0 : index
    tpu.barrier barrier_id(%barrier3A_205)
    %dma_start3A_206 = arith.constant 0 : i32
    %dma_start3A_207 = arith.constant 0 : i32
    %dma_start3A_208 = arith.constant 0 : i32
    %dma_start3A_209 = arith.constant 0 : i32
    %dma_start3A_210 = arith.constant 0 : i32
    %dma_start3A_211 = tpu.memref_slice %arg10[%dma_start3A_207, %dma_start3A_208, %dma_start3A_209, %dma_start3A_210] : memref<2x3x128x64xf32, #tpu.memory_space<vmem>> -> memref<1x1x128x64xf32, #tpu.memory_space<vmem>>
    %dma_start3A_212 = tpu.memref_squeeze %dma_start3A_211 : memref<1x1x128x64xf32, #tpu.memory_space<vmem>> -> memref<128x64xf32, #tpu.memory_space<vmem>>
    %dma_start3A_213 = arith.constant 0 : i32
    %dma_start3A_214 = tpu.memref_slice %arg8[%dma_start3A_206, %dma_start3A_213] : memref<81x128xi32, #tpu.memory_space<vmem>> -> memref<1x128xi32, #tpu.memory_space<vmem>>
    %dma_start3A_215 = tpu.memref_squeeze %dma_start3A_214 : memref<1x128xi32, #tpu.memory_space<vmem>> -> memref<128xi32, #tpu.memory_space<vmem>>
    %dma_start3A_216 = arith.constant 0 : i32
    %dma_start3A_217 = arith.constant 0 : i32
    %dma_start3A_218 = tpu.memref_slice %arg3[%dma_start3A_216, %dma_start3A_217] : memref<10240x64xf32, #tpu.memory_space<hbm>> -> memref<10240x64xf32, #tpu.memory_space<hbm>>
    tpu.enqueue_indirect_dma source(%dma_start3A_218 : memref<10240x64xf32, #tpu.memory_space<hbm>>) target(%dma_start3A_212 : memref<128x64xf32, #tpu.memory_space<vmem>>) offsets(%dma_start3A_215 : memref<128xi32, #tpu.memory_space<vmem>>) semaphore(%arg13 : memref<!tpu.dma_semaphore, #tpu.memory_space<semaphore_mem>>)
    %dma_start3A_219 = arith.constant 1 : i32
    %dma_start3A_220 = arith.constant 0 : i32
    %dma_start3A_221 = arith.constant 1 : i32
    %dma_start3A_222 = arith.constant 0 : i32
    %dma_start3A_223 = arith.constant 0 : i32
    %dma_start3A_224 = tpu.memref_slice %arg10[%dma_start3A_220, %dma_start3A_221, %dma_start3A_222, %dma_start3A_223] : memref<2x3x128x64xf32, #tpu.memory_space<vmem>> -> memref<1x1x128x64xf32, #tpu.memory_space<vmem>>
    %dma_start3A_225 = tpu.memref_squeeze %dma_start3A_224 : memref<1x1x128x64xf32, #tpu.memory_space<vmem>> -> memref<128x64xf32, #tpu.memory_space<vmem>>
    %dma_start3A_226 = arith.constant 0 : i32
    %dma_start3A_227 = tpu.memref_slice %arg8[%dma_start3A_219, %dma_start3A_226] : memref<81x128xi32, #tpu.memory_space<vmem>> -> memref<1x128xi32, #tpu.memory_space<vmem>>
    %dma_start3A_228 = tpu.memref_squeeze %dma_start3A_227 : memref<1x128xi32, #tpu.memory_space<vmem>> -> memref<128xi32, #tpu.memory_space<vmem>>
    %dma_start3A_229 = arith.constant 0 : i32
    %dma_start3A_230 = arith.constant 0 : i32
    %dma_start3A_231 = tpu.memref_slice %arg3[%dma_start3A_229, %dma_start3A_230] : memref<10240x64xf32, #tpu.memory_space<hbm>> -> memref<10240x64xf32, #tpu.memory_space<hbm>>
    tpu.enqueue_indirect_dma source(%dma_start3A_231 : memref<10240x64xf32, #tpu.memory_space<hbm>>) target(%dma_start3A_225 : memref<128x64xf32, #tpu.memory_space<vmem>>) offsets(%dma_start3A_228 : memref<128xi32, #tpu.memory_space<vmem>>) semaphore(%arg13 : memref<!tpu.dma_semaphore, #tpu.memory_space<semaphore_mem>>)
    %dma_start3A_232 = arith.constant 2 : i32
    %dma_start3A_233 = arith.constant 0 : i32
    %dma_start3A_234 = arith.constant 2 : i32
    %dma_start3A_235 = arith.constant 0 : i32
    %dma_start3A_236 = arith.constant 0 : i32
    %dma_start3A_237 = tpu.memref_slice %arg10[%dma_start3A_233, %dma_start3A_234, %dma_start3A_235, %dma_start3A_236] : memref<2x3x128x64xf32, #tpu.memory_space<vmem>> -> memref<1x1x128x64xf32, #tpu.memory_space<vmem>>
    %dma_start3A_238 = tpu.memref_squeeze %dma_start3A_237 : memref<1x1x128x64xf32, #tpu.memory_space<vmem>> -> memref<128x64xf32, #tpu.memory_space<vmem>>
    %dma_start3A_239 = arith.constant 0 : i32
    %dma_start3A_240 = tpu.memref_slice %arg8[%dma_start3A_232, %dma_start3A_239] : memref<81x128xi32, #tpu.memory_space<vmem>> -> memref<1x128xi32, #tpu.memory_space<vmem>>
    %dma_start3A_241 = tpu.memref_squeeze %dma_start3A_240 : memref<1x128xi32, #tpu.memory_space<vmem>> -> memref<128xi32, #tpu.memory_space<vmem>>
    %dma_start3A_242 = arith.constant 0 : i32
    %dma_start3A_243 = arith.constant 0 : i32
    %dma_start3A_244 = tpu.memref_slice %arg3[%dma_start3A_242, %dma_start3A_243] : memref<10240x64xf32, #tpu.memory_space<hbm>> -> memref<10240x64xf32, #tpu.memory_space<hbm>>
    tpu.enqueue_indirect_dma source(%dma_start3A_244 : memref<10240x64xf32, #tpu.memory_space<hbm>>) target(%dma_start3A_238 : memref<128x64xf32, #tpu.memory_space<vmem>>) offsets(%dma_start3A_241 : memref<128xi32, #tpu.memory_space<vmem>>) semaphore(%arg13 : memref<!tpu.dma_semaphore, #tpu.memory_space<semaphore_mem>>)
    %scan3A_245 = arith.constant 0 : i32
    %scan3A_246 = arith.constant 0 : i32
    %scan3A_247 = arith.constant 13 : i32
    %scan3A_248 = arith.addi %scan3A_246, %scan3A_247 : i32
    %scan3A_249 = arith.constant 1 : i32
    scf.for %scan3A_374 = %scan3A_246 to %scan3A_248 step %scan3A_249  : i32 {
      %mul3A_375 = arith.constant 2 : i32
      %mul3A_376 = arith.muli %mul3A_375, %scan3A_374 : i32
      %mul3A_377 = arith.constant 2 : i32
      %mul3A_378 = arith.muli %mul3A_377, %scan3A_374 : i32
      %add3A_379 = arith.constant 1 : i32
      %add3A_380 = arith.addi %mul3A_378, %add3A_379 : i32
      %mul3A_381 = arith.constant 3 : i32
      %mul3A_382 = arith.muli %mul3A_376, %mul3A_381 : i32
      %add3A_383 = arith.constant 0 : i32
      %add3A_384 = arith.addi %mul3A_382, %add3A_383 : i32
      %dma_wait3A_385 = arith.constant 0 : i32
      %dma_wait3A_386 = arith.constant 0 : i32
      %dma_wait3A_387 = arith.constant 0 : i32
      %dma_wait3A_388 = arith.constant 0 : i32
      %dma_wait3A_389 = tpu.memref_slice %arg10[%dma_wait3A_385, %dma_wait3A_386, %dma_wait3A_387, %dma_wait3A_388] : memref<2x3x128x64xf32, #tpu.memory_space<vmem>> -> memref<1x1x128x64xf32, #tpu.memory_space<vmem>>
      %dma_wait3A_390 = tpu.memref_squeeze %dma_wait3A_389 : memref<1x1x128x64xf32, #tpu.memory_space<vmem>> -> memref<128x64xf32, #tpu.memory_space<vmem>>
      %dma_wait3A_391 = arith.constant 0 : i32
      %dma_wait3A_392 = tpu.memref_slice %arg8[%add3A_384, %dma_wait3A_391] : memref<81x128xi32, #tpu.memory_space<vmem>> -> memref<1x128xi32, #tpu.memory_space<vmem>>
      %dma_wait3A_393 = tpu.memref_squeeze %dma_wait3A_392 : memref<1x128xi32, #tpu.memory_space<vmem>> -> memref<128xi32, #tpu.memory_space<vmem>>
      %dma_wait3A_394 = arith.constant 0 : i32
      %dma_wait3A_395 = arith.constant 0 : i32
      %dma_wait3A_396 = tpu.memref_slice %arg3[%dma_wait3A_394, %dma_wait3A_395] : memref<10240x64xf32, #tpu.memory_space<hbm>> -> memref<10240x64xf32, #tpu.memory_space<hbm>>
      tpu.wait_indirect_dma semaphore(%arg13 : memref<!tpu.dma_semaphore, #tpu.memory_space<semaphore_mem>>) src(%dma_wait3A_396 : memref<10240x64xf32, #tpu.memory_space<hbm>>) dst(%dma_wait3A_390 : memref<128x64xf32, #tpu.memory_space<vmem>>)
      %mul3A_397 = arith.constant 3 : i32
      %mul3A_398 = arith.muli %mul3A_376, %mul3A_397 : i32
      %add3A_399 = arith.constant 1 : i32
      %add3A_400 = arith.addi %mul3A_398, %add3A_399 : i32
      %dma_wait3A_401 = arith.constant 0 : i32
      %dma_wait3A_402 = arith.constant 1 : i32
      %dma_wait3A_403 = arith.constant 0 : i32
      %dma_wait3A_404 = arith.constant 0 : i32
      %dma_wait3A_405 = tpu.memref_slice %arg10[%dma_wait3A_401, %dma_wait3A_402, %dma_wait3A_403, %dma_wait3A_404] : memref<2x3x128x64xf32, #tpu.memory_space<vmem>> -> memref<1x1x128x64xf32, #tpu.memory_space<vmem>>
      %dma_wait3A_406 = tpu.memref_squeeze %dma_wait3A_405 : memref<1x1x128x64xf32, #tpu.memory_space<vmem>> -> memref<128x64xf32, #tpu.memory_space<vmem>>
      %dma_wait3A_407 = arith.constant 0 : i32
      %dma_wait3A_408 = tpu.memref_slice %arg8[%add3A_400, %dma_wait3A_407] : memref<81x128xi32, #tpu.memory_space<vmem>> -> memref<1x128xi32, #tpu.memory_space<vmem>>
      %dma_wait3A_409 = tpu.memref_squeeze %dma_wait3A_408 : memref<1x128xi32, #tpu.memory_space<vmem>> -> memref<128xi32, #tpu.memory_space<vmem>>
      %dma_wait3A_410 = arith.constant 0 : i32
      %dma_wait3A_411 = arith.constant 0 : i32
      %dma_wait3A_412 = tpu.memref_slice %arg3[%dma_wait3A_410, %dma_wait3A_411] : memref<10240x64xf32, #tpu.memory_space<hbm>> -> memref<10240x64xf32, #tpu.memory_space<hbm>>
      tpu.wait_indirect_dma semaphore(%arg13 : memref<!tpu.dma_semaphore, #tpu.memory_space<semaphore_mem>>) src(%dma_wait3A_412 : memref<10240x64xf32, #tpu.memory_space<hbm>>) dst(%dma_wait3A_406 : memref<128x64xf32, #tpu.memory_space<vmem>>)
      %mul3A_413 = arith.constant 3 : i32
      %mul3A_414 = arith.muli %mul3A_376, %mul3A_413 : i32
      %add3A_415 = arith.constant 2 : i32
      %add3A_416 = arith.addi %mul3A_414, %add3A_415 : i32
      %dma_wait3A_417 = arith.constant 0 : i32
      %dma_wait3A_418 = arith.constant 2 : i32
      %dma_wait3A_419 = arith.constant 0 : i32
      %dma_wait3A_420 = arith.constant 0 : i32
      %dma_wait3A_421 = tpu.memref_slice %arg10[%dma_wait3A_417, %dma_wait3A_418, %dma_wait3A_419, %dma_wait3A_420] : memref<2x3x128x64xf32, #tpu.memory_space<vmem>> -> memref<1x1x128x64xf32, #tpu.memory_space<vmem>>
      %dma_wait3A_422 = tpu.memref_squeeze %dma_wait3A_421 : memref<1x1x128x64xf32, #tpu.memory_space<vmem>> -> memref<128x64xf32, #tpu.memory_space<vmem>>
      %dma_wait3A_423 = arith.constant 0 : i32
      %dma_wait3A_424 = tpu.memref_slice %arg8[%add3A_416, %dma_wait3A_423] : memref<81x128xi32, #tpu.memory_space<vmem>> -> memref<1x128xi32, #tpu.memory_space<vmem>>
      %dma_wait3A_425 = tpu.memref_squeeze %dma_wait3A_424 : memref<1x128xi32, #tpu.memory_space<vmem>> -> memref<128xi32, #tpu.memory_space<vmem>>
      %dma_wait3A_426 = arith.constant 0 : i32
      %dma_wait3A_427 = arith.constant 0 : i32
      %dma_wait3A_428 = tpu.memref_slice %arg3[%dma_wait3A_426, %dma_wait3A_427] : memref<10240x64xf32, #tpu.memory_space<hbm>> -> memref<10240x64xf32, #tpu.memory_space<hbm>>
      tpu.wait_indirect_dma semaphore(%arg13 : memref<!tpu.dma_semaphore, #tpu.memory_space<semaphore_mem>>) src(%dma_wait3A_428 : memref<10240x64xf32, #tpu.memory_space<hbm>>) dst(%dma_wait3A_422 : memref<128x64xf32, #tpu.memory_space<vmem>>)
      %mul3A_429 = arith.constant 3 : i32
      %mul3A_430 = arith.muli %add3A_380, %mul3A_429 : i32
      %add3A_431 = arith.constant 0 : i32
      %add3A_432 = arith.addi %mul3A_430, %add3A_431 : i32
      %dma_start3A_433 = arith.constant 1 : i32
      %dma_start3A_434 = arith.constant 0 : i32
      %dma_start3A_435 = arith.constant 0 : i32
      %dma_start3A_436 = arith.constant 0 : i32
      %dma_start3A_437 = tpu.memref_slice %arg10[%dma_start3A_433, %dma_start3A_434, %dma_start3A_435, %dma_start3A_436] : memref<2x3x128x64xf32, #tpu.memory_space<vmem>> -> memref<1x1x128x64xf32, #tpu.memory_space<vmem>>
      %dma_start3A_438 = tpu.memref_squeeze %dma_start3A_437 : memref<1x1x128x64xf32, #tpu.memory_space<vmem>> -> memref<128x64xf32, #tpu.memory_space<vmem>>
      %dma_start3A_439 = arith.constant 0 : i32
      %dma_start3A_440 = tpu.memref_slice %arg8[%add3A_432, %dma_start3A_439] : memref<81x128xi32, #tpu.memory_space<vmem>> -> memref<1x128xi32, #tpu.memory_space<vmem>>
      %dma_start3A_441 = tpu.memref_squeeze %dma_start3A_440 : memref<1x128xi32, #tpu.memory_space<vmem>> -> memref<128xi32, #tpu.memory_space<vmem>>
      %dma_start3A_442 = arith.constant 0 : i32
      %dma_start3A_443 = arith.constant 0 : i32
      %dma_start3A_444 = tpu.memref_slice %arg3[%dma_start3A_442, %dma_start3A_443] : memref<10240x64xf32, #tpu.memory_space<hbm>> -> memref<10240x64xf32, #tpu.memory_space<hbm>>
      tpu.enqueue_indirect_dma source(%dma_start3A_444 : memref<10240x64xf32, #tpu.memory_space<hbm>>) target(%dma_start3A_438 : memref<128x64xf32, #tpu.memory_space<vmem>>) offsets(%dma_start3A_441 : memref<128xi32, #tpu.memory_space<vmem>>) semaphore(%arg14 : memref<!tpu.dma_semaphore, #tpu.memory_space<semaphore_mem>>)
      %mul3A_445 = arith.constant 3 : i32
      %mul3A_446 = arith.muli %add3A_380, %mul3A_445 : i32
      %add3A_447 = arith.constant 1 : i32
      %add3A_448 = arith.addi %mul3A_446, %add3A_447 : i32
      %dma_start3A_449 = arith.constant 1 : i32
      %dma_start3A_450 = arith.constant 1 : i32
      %dma_start3A_451 = arith.constant 0 : i32
      %dma_start3A_452 = arith.constant 0 : i32
      %dma_start3A_453 = tpu.memref_slice %arg10[%dma_start3A_449, %dma_start3A_450, %dma_start3A_451, %dma_start3A_452] : memref<2x3x128x64xf32, #tpu.memory_space<vmem>> -> memref<1x1x128x64xf32, #tpu.memory_space<vmem>>
      %dma_start3A_454 = tpu.memref_squeeze %dma_start3A_453 : memref<1x1x128x64xf32, #tpu.memory_space<vmem>> -> memref<128x64xf32, #tpu.memory_space<vmem>>
      %dma_start3A_455 = arith.constant 0 : i32
      %dma_start3A_456 = tpu.memref_slice %arg8[%add3A_448, %dma_start3A_455] : memref<81x128xi32, #tpu.memory_space<vmem>> -> memref<1x128xi32, #tpu.memory_space<vmem>>
      %dma_start3A_457 = tpu.memref_squeeze %dma_start3A_456 : memref<1x128xi32, #tpu.memory_space<vmem>> -> memref<128xi32, #tpu.memory_space<vmem>>
      %dma_start3A_458 = arith.constant 0 : i32
      %dma_start3A_459 = arith.constant 0 : i32
      %dma_start3A_460 = tpu.memref_slice %arg3[%dma_start3A_458, %dma_start3A_459] : memref<10240x64xf32, #tpu.memory_space<hbm>> -> memref<10240x64xf32, #tpu.memory_space<hbm>>
      tpu.enqueue_indirect_dma source(%dma_start3A_460 : memref<10240x64xf32, #tpu.memory_space<hbm>>) target(%dma_start3A_454 : memref<128x64xf32, #tpu.memory_space<vmem>>) offsets(%dma_start3A_457 : memref<128xi32, #tpu.memory_space<vmem>>) semaphore(%arg14 : memref<!tpu.dma_semaphore, #tpu.memory_space<semaphore_mem>>)
      %mul3A_461 = arith.constant 3 : i32
      %mul3A_462 = arith.muli %add3A_380, %mul3A_461 : i32
      %add3A_463 = arith.constant 2 : i32
      %add3A_464 = arith.addi %mul3A_462, %add3A_463 : i32
      %dma_start3A_465 = arith.constant 1 : i32
      %dma_start3A_466 = arith.constant 2 : i32
      %dma_start3A_467 = arith.constant 0 : i32
      %dma_start3A_468 = arith.constant 0 : i32
      %dma_start3A_469 = tpu.memref_slice %arg10[%dma_start3A_465, %dma_start3A_466, %dma_start3A_467, %dma_start3A_468] : memref<2x3x128x64xf32, #tpu.memory_space<vmem>> -> memref<1x1x128x64xf32, #tpu.memory_space<vmem>>
      %dma_start3A_470 = tpu.memref_squeeze %dma_start3A_469 : memref<1x1x128x64xf32, #tpu.memory_space<vmem>> -> memref<128x64xf32, #tpu.memory_space<vmem>>
      %dma_start3A_471 = arith.constant 0 : i32
      %dma_start3A_472 = tpu.memref_slice %arg8[%add3A_464, %dma_start3A_471] : memref<81x128xi32, #tpu.memory_space<vmem>> -> memref<1x128xi32, #tpu.memory_space<vmem>>
      %dma_start3A_473 = tpu.memref_squeeze %dma_start3A_472 : memref<1x128xi32, #tpu.memory_space<vmem>> -> memref<128xi32, #tpu.memory_space<vmem>>
      %dma_start3A_474 = arith.constant 0 : i32
      %dma_start3A_475 = arith.constant 0 : i32
      %dma_start3A_476 = tpu.memref_slice %arg3[%dma_start3A_474, %dma_start3A_475] : memref<10240x64xf32, #tpu.memory_space<hbm>> -> memref<10240x64xf32, #tpu.memory_space<hbm>>
      tpu.enqueue_indirect_dma source(%dma_start3A_476 : memref<10240x64xf32, #tpu.memory_space<hbm>>) target(%dma_start3A_470 : memref<128x64xf32, #tpu.memory_space<vmem>>) offsets(%dma_start3A_473 : memref<128xi32, #tpu.memory_space<vmem>>) semaphore(%arg14 : memref<!tpu.dma_semaphore, #tpu.memory_space<semaphore_mem>>)
      %mul3A_477 = arith.constant 3 : i32
      %mul3A_478 = arith.muli %mul3A_376, %mul3A_477 : i32
      %add3A_479 = arith.constant 0 : i32
      %add3A_480 = arith.addi %mul3A_478, %add3A_479 : i32
      %dma_start3A_481 = arith.constant 0 : i32
      %dma_start3A_482 = arith.constant 0 : i32
      %dma_start3A_483 = arith.constant 0 : i32
      %dma_start3A_484 = arith.constant 0 : i32
      %dma_start3A_485 = tpu.memref_slice %arg10[%dma_start3A_481, %dma_start3A_482, %dma_start3A_483, %dma_start3A_484] : memref<2x3x128x64xf32, #tpu.memory_space<vmem>> -> memref<1x1x128x64xf32, #tpu.memory_space<vmem>>
      %dma_start3A_486 = tpu.memref_squeeze %dma_start3A_485 : memref<1x1x128x64xf32, #tpu.memory_space<vmem>> -> memref<128x64xf32, #tpu.memory_space<vmem>>
      %dma_start3A_487 = arith.constant 0 : i32
      %dma_start3A_488 = tpu.memref_slice %arg9[%add3A_480, %dma_start3A_487] : memref<81x128xi32, #tpu.memory_space<vmem>> -> memref<1x128xi32, #tpu.memory_space<vmem>>
      %dma_start3A_489 = tpu.memref_squeeze %dma_start3A_488 : memref<1x128xi32, #tpu.memory_space<vmem>> -> memref<128xi32, #tpu.memory_space<vmem>>
      %dma_start3A_490 = arith.constant 0 : i32
      %dma_start3A_491 = arith.constant 0 : i32
      %dma_start3A_492 = tpu.memref_slice %arg12[%dma_start3A_490, %dma_start3A_491] : memref<10240x64xf32, #tpu.memory_space<vmem_shared>> -> memref<10240x64xf32, #tpu.memory_space<vmem_shared>>
      tpu.enqueue_indirect_dma source(%dma_start3A_486 : memref<128x64xf32, #tpu.memory_space<vmem>>) target(%dma_start3A_492 : memref<10240x64xf32, #tpu.memory_space<vmem_shared>>) offsets(%dma_start3A_489 : memref<128xi32, #tpu.memory_space<vmem>>) semaphore(%arg15 : memref<!tpu.dma_semaphore, #tpu.memory_space<semaphore_mem>>) {add = true}
      %mul3A_493 = arith.constant 3 : i32
      %mul3A_494 = arith.muli %mul3A_376, %mul3A_493 : i32
      %add3A_495 = arith.constant 1 : i32
      %add3A_496 = arith.addi %mul3A_494, %add3A_495 : i32
      %dma_start3A_497 = arith.constant 0 : i32
      %dma_start3A_498 = arith.constant 1 : i32
      %dma_start3A_499 = arith.constant 0 : i32
      %dma_start3A_500 = arith.constant 0 : i32
      %dma_start3A_501 = tpu.memref_slice %arg10[%dma_start3A_497, %dma_start3A_498, %dma_start3A_499, %dma_start3A_500] : memref<2x3x128x64xf32, #tpu.memory_space<vmem>> -> memref<1x1x128x64xf32, #tpu.memory_space<vmem>>
      %dma_start3A_502 = tpu.memref_squeeze %dma_start3A_501 : memref<1x1x128x64xf32, #tpu.memory_space<vmem>> -> memref<128x64xf32, #tpu.memory_space<vmem>>
      %dma_start3A_503 = arith.constant 0 : i32
      %dma_start3A_504 = tpu.memref_slice %arg9[%add3A_496, %dma_start3A_503] : memref<81x128xi32, #tpu.memory_space<vmem>> -> memref<1x128xi32, #tpu.memory_space<vmem>>
      %dma_start3A_505 = tpu.memref_squeeze %dma_start3A_504 : memref<1x128xi32, #tpu.memory_space<vmem>> -> memref<128xi32, #tpu.memory_space<vmem>>
      %dma_start3A_506 = arith.constant 0 : i32
      %dma_start3A_507 = arith.constant 0 : i32
      %dma_start3A_508 = tpu.memref_slice %arg12[%dma_start3A_506, %dma_start3A_507] : memref<10240x64xf32, #tpu.memory_space<vmem_shared>> -> memref<10240x64xf32, #tpu.memory_space<vmem_shared>>
      tpu.enqueue_indirect_dma source(%dma_start3A_502 : memref<128x64xf32, #tpu.memory_space<vmem>>) target(%dma_start3A_508 : memref<10240x64xf32, #tpu.memory_space<vmem_shared>>) offsets(%dma_start3A_505 : memref<128xi32, #tpu.memory_space<vmem>>) semaphore(%arg15 : memref<!tpu.dma_semaphore, #tpu.memory_space<semaphore_mem>>) {add = true}
      %mul3A_509 = arith.constant 3 : i32
      %mul3A_510 = arith.muli %mul3A_376, %mul3A_509 : i32
      %add3A_511 = arith.constant 2 : i32
      %add3A_512 = arith.addi %mul3A_510, %add3A_511 : i32
      %dma_start3A_513 = arith.constant 0 : i32
      %dma_start3A_514 = arith.constant 2 : i32
      %dma_start3A_515 = arith.constant 0 : i32
      %dma_start3A_516 = arith.constant 0 : i32
      %dma_start3A_517 = tpu.memref_slice %arg10[%dma_start3A_513, %dma_start3A_514, %dma_start3A_515, %dma_start3A_516] : memref<2x3x128x64xf32, #tpu.memory_space<vmem>> -> memref<1x1x128x64xf32, #tpu.memory_space<vmem>>
      %dma_start3A_518 = tpu.memref_squeeze %dma_start3A_517 : memref<1x1x128x64xf32, #tpu.memory_space<vmem>> -> memref<128x64xf32, #tpu.memory_space<vmem>>
      %dma_start3A_519 = arith.constant 0 : i32
      %dma_start3A_520 = tpu.memref_slice %arg9[%add3A_512, %dma_start3A_519] : memref<81x128xi32, #tpu.memory_space<vmem>> -> memref<1x128xi32, #tpu.memory_space<vmem>>
      %dma_start3A_521 = tpu.memref_squeeze %dma_start3A_520 : memref<1x128xi32, #tpu.memory_space<vmem>> -> memref<128xi32, #tpu.memory_space<vmem>>
      %dma_start3A_522 = arith.constant 0 : i32
      %dma_start3A_523 = arith.constant 0 : i32
      %dma_start3A_524 = tpu.memref_slice %arg12[%dma_start3A_522, %dma_start3A_523] : memref<10240x64xf32, #tpu.memory_space<vmem_shared>> -> memref<10240x64xf32, #tpu.memory_space<vmem_shared>>
      tpu.enqueue_indirect_dma source(%dma_start3A_518 : memref<128x64xf32, #tpu.memory_space<vmem>>) target(%dma_start3A_524 : memref<10240x64xf32, #tpu.memory_space<vmem_shared>>) offsets(%dma_start3A_521 : memref<128xi32, #tpu.memory_space<vmem>>) semaphore(%arg15 : memref<!tpu.dma_semaphore, #tpu.memory_space<semaphore_mem>>) {add = true}
      %mul3A_525 = arith.constant 3 : i32
      %mul3A_526 = arith.muli %mul3A_376, %mul3A_525 : i32
      %add3A_527 = arith.constant 0 : i32
      %add3A_528 = arith.addi %mul3A_526, %add3A_527 : i32
      %dma_wait3A_529 = arith.constant 0 : i32
      %dma_wait3A_530 = arith.constant 0 : i32
      %dma_wait3A_531 = arith.constant 0 : i32
      %dma_wait3A_532 = arith.constant 0 : i32
      %dma_wait3A_533 = tpu.memref_slice %arg10[%dma_wait3A_529, %dma_wait3A_530, %dma_wait3A_531, %dma_wait3A_532] : memref<2x3x128x64xf32, #tpu.memory_space<vmem>> -> memref<1x1x128x64xf32, #tpu.memory_space<vmem>>
      %dma_wait3A_534 = tpu.memref_squeeze %dma_wait3A_533 : memref<1x1x128x64xf32, #tpu.memory_space<vmem>> -> memref<128x64xf32, #tpu.memory_space<vmem>>
      %dma_wait3A_535 = arith.constant 0 : i32
      %dma_wait3A_536 = tpu.memref_slice %arg9[%add3A_528, %dma_wait3A_535] : memref<81x128xi32, #tpu.memory_space<vmem>> -> memref<1x128xi32, #tpu.memory_space<vmem>>
      %dma_wait3A_537 = tpu.memref_squeeze %dma_wait3A_536 : memref<1x128xi32, #tpu.memory_space<vmem>> -> memref<128xi32, #tpu.memory_space<vmem>>
      %dma_wait3A_538 = arith.constant 0 : i32
      %dma_wait3A_539 = arith.constant 0 : i32
      %dma_wait3A_540 = tpu.memref_slice %arg12[%dma_wait3A_538, %dma_wait3A_539] : memref<10240x64xf32, #tpu.memory_space<vmem_shared>> -> memref<10240x64xf32, #tpu.memory_space<vmem_shared>>
      tpu.wait_indirect_dma semaphore(%arg15 : memref<!tpu.dma_semaphore, #tpu.memory_space<semaphore_mem>>) src(%dma_wait3A_534 : memref<128x64xf32, #tpu.memory_space<vmem>>) dst(%dma_wait3A_540 : memref<10240x64xf32, #tpu.memory_space<vmem_shared>>)
      %mul3A_541 = arith.constant 3 : i32
      %mul3A_542 = arith.muli %mul3A_376, %mul3A_541 : i32
      %add3A_543 = arith.constant 1 : i32
      %add3A_544 = arith.addi %mul3A_542, %add3A_543 : i32
      %dma_wait3A_545 = arith.constant 0 : i32
      %dma_wait3A_546 = arith.constant 1 : i32
      %dma_wait3A_547 = arith.constant 0 : i32
      %dma_wait3A_548 = arith.constant 0 : i32
      %dma_wait3A_549 = tpu.memref_slice %arg10[%dma_wait3A_545, %dma_wait3A_546, %dma_wait3A_547, %dma_wait3A_548] : memref<2x3x128x64xf32, #tpu.memory_space<vmem>> -> memref<1x1x128x64xf32, #tpu.memory_space<vmem>>
      %dma_wait3A_550 = tpu.memref_squeeze %dma_wait3A_549 : memref<1x1x128x64xf32, #tpu.memory_space<vmem>> -> memref<128x64xf32, #tpu.memory_space<vmem>>
      %dma_wait3A_551 = arith.constant 0 : i32
      %dma_wait3A_552 = tpu.memref_slice %arg9[%add3A_544, %dma_wait3A_551] : memref<81x128xi32, #tpu.memory_space<vmem>> -> memref<1x128xi32, #tpu.memory_space<vmem>>
      %dma_wait3A_553 = tpu.memref_squeeze %dma_wait3A_552 : memref<1x128xi32, #tpu.memory_space<vmem>> -> memref<128xi32, #tpu.memory_space<vmem>>
      %dma_wait3A_554 = arith.constant 0 : i32
      %dma_wait3A_555 = arith.constant 0 : i32
      %dma_wait3A_556 = tpu.memref_slice %arg12[%dma_wait3A_554, %dma_wait3A_555] : memref<10240x64xf32, #tpu.memory_space<vmem_shared>> -> memref<10240x64xf32, #tpu.memory_space<vmem_shared>>
      tpu.wait_indirect_dma semaphore(%arg15 : memref<!tpu.dma_semaphore, #tpu.memory_space<semaphore_mem>>) src(%dma_wait3A_550 : memref<128x64xf32, #tpu.memory_space<vmem>>) dst(%dma_wait3A_556 : memref<10240x64xf32, #tpu.memory_space<vmem_shared>>)
      %mul3A_557 = arith.constant 3 : i32
      %mul3A_558 = arith.muli %mul3A_376, %mul3A_557 : i32
      %add3A_559 = arith.constant 2 : i32
      %add3A_560 = arith.addi %mul3A_558, %add3A_559 : i32
      %dma_wait3A_561 = arith.constant 0 : i32
      %dma_wait3A_562 = arith.constant 2 : i32
      %dma_wait3A_563 = arith.constant 0 : i32
      %dma_wait3A_564 = arith.constant 0 : i32
      %dma_wait3A_565 = tpu.memref_slice %arg10[%dma_wait3A_561, %dma_wait3A_562, %dma_wait3A_563, %dma_wait3A_564] : memref<2x3x128x64xf32, #tpu.memory_space<vmem>> -> memref<1x1x128x64xf32, #tpu.memory_space<vmem>>
      %dma_wait3A_566 = tpu.memref_squeeze %dma_wait3A_565 : memref<1x1x128x64xf32, #tpu.memory_space<vmem>> -> memref<128x64xf32, #tpu.memory_space<vmem>>
      %dma_wait3A_567 = arith.constant 0 : i32
      %dma_wait3A_568 = tpu.memref_slice %arg9[%add3A_560, %dma_wait3A_567] : memref<81x128xi32, #tpu.memory_space<vmem>> -> memref<1x128xi32, #tpu.memory_space<vmem>>
      %dma_wait3A_569 = tpu.memref_squeeze %dma_wait3A_568 : memref<1x128xi32, #tpu.memory_space<vmem>> -> memref<128xi32, #tpu.memory_space<vmem>>
      %dma_wait3A_570 = arith.constant 0 : i32
      %dma_wait3A_571 = arith.constant 0 : i32
      %dma_wait3A_572 = tpu.memref_slice %arg12[%dma_wait3A_570, %dma_wait3A_571] : memref<10240x64xf32, #tpu.memory_space<vmem_shared>> -> memref<10240x64xf32, #tpu.memory_space<vmem_shared>>
      tpu.wait_indirect_dma semaphore(%arg15 : memref<!tpu.dma_semaphore, #tpu.memory_space<semaphore_mem>>) src(%dma_wait3A_566 : memref<128x64xf32, #tpu.memory_space<vmem>>) dst(%dma_wait3A_572 : memref<10240x64xf32, #tpu.memory_space<vmem_shared>>)
      %mul3A_573 = arith.constant 3 : i32
      %mul3A_574 = arith.muli %add3A_380, %mul3A_573 : i32
      %add3A_575 = arith.constant 0 : i32
      %add3A_576 = arith.addi %mul3A_574, %add3A_575 : i32
      %dma_wait3A_577 = arith.constant 1 : i32
      %dma_wait3A_578 = arith.constant 0 : i32
      %dma_wait3A_579 = arith.constant 0 : i32
      %dma_wait3A_580 = arith.constant 0 : i32
      %dma_wait3A_581 = tpu.memref_slice %arg10[%dma_wait3A_577, %dma_wait3A_578, %dma_wait3A_579, %dma_wait3A_580] : memref<2x3x128x64xf32, #tpu.memory_space<vmem>> -> memref<1x1x128x64xf32, #tpu.memory_space<vmem>>
      %dma_wait3A_582 = tpu.memref_squeeze %dma_wait3A_581 : memref<1x1x128x64xf32, #tpu.memory_space<vmem>> -> memref<128x64xf32, #tpu.memory_space<vmem>>
      %dma_wait3A_583 = arith.constant 0 : i32
      %dma_wait3A_584 = tpu.memref_slice %arg8[%add3A_576, %dma_wait3A_583] : memref<81x128xi32, #tpu.memory_space<vmem>> -> memref<1x128xi32, #tpu.memory_space<vmem>>
      %dma_wait3A_585 = tpu.memref_squeeze %dma_wait3A_584 : memref<1x128xi32, #tpu.memory_space<vmem>> -> memref<128xi32, #tpu.memory_space<vmem>>
      %dma_wait3A_586 = arith.constant 0 : i32
      %dma_wait3A_587 = arith.constant 0 : i32
      %dma_wait3A_588 = tpu.memref_slice %arg3[%dma_wait3A_586, %dma_wait3A_587] : memref<10240x64xf32, #tpu.memory_space<hbm>> -> memref<10240x64xf32, #tpu.memory_space<hbm>>
      tpu.wait_indirect_dma semaphore(%arg14 : memref<!tpu.dma_semaphore, #tpu.memory_space<semaphore_mem>>) src(%dma_wait3A_588 : memref<10240x64xf32, #tpu.memory_space<hbm>>) dst(%dma_wait3A_582 : memref<128x64xf32, #tpu.memory_space<vmem>>)
      %mul3A_589 = arith.constant 3 : i32
      %mul3A_590 = arith.muli %add3A_380, %mul3A_589 : i32
      %add3A_591 = arith.constant 1 : i32
      %add3A_592 = arith.addi %mul3A_590, %add3A_591 : i32
      %dma_wait3A_593 = arith.constant 1 : i32
      %dma_wait3A_594 = arith.constant 1 : i32
      %dma_wait3A_595 = arith.constant 0 : i32
      %dma_wait3A_596 = arith.constant 0 : i32
      %dma_wait3A_597 = tpu.memref_slice %arg10[%dma_wait3A_593, %dma_wait3A_594, %dma_wait3A_595, %dma_wait3A_596] : memref<2x3x128x64xf32, #tpu.memory_space<vmem>> -> memref<1x1x128x64xf32, #tpu.memory_space<vmem>>
      %dma_wait3A_598 = tpu.memref_squeeze %dma_wait3A_597 : memref<1x1x128x64xf32, #tpu.memory_space<vmem>> -> memref<128x64xf32, #tpu.memory_space<vmem>>
      %dma_wait3A_599 = arith.constant 0 : i32
      %dma_wait3A_600 = tpu.memref_slice %arg8[%add3A_592, %dma_wait3A_599] : memref<81x128xi32, #tpu.memory_space<vmem>> -> memref<1x128xi32, #tpu.memory_space<vmem>>
      %dma_wait3A_601 = tpu.memref_squeeze %dma_wait3A_600 : memref<1x128xi32, #tpu.memory_space<vmem>> -> memref<128xi32, #tpu.memory_space<vmem>>
      %dma_wait3A_602 = arith.constant 0 : i32
      %dma_wait3A_603 = arith.constant 0 : i32
      %dma_wait3A_604 = tpu.memref_slice %arg3[%dma_wait3A_602, %dma_wait3A_603] : memref<10240x64xf32, #tpu.memory_space<hbm>> -> memref<10240x64xf32, #tpu.memory_space<hbm>>
      tpu.wait_indirect_dma semaphore(%arg14 : memref<!tpu.dma_semaphore, #tpu.memory_space<semaphore_mem>>) src(%dma_wait3A_604 : memref<10240x64xf32, #tpu.memory_space<hbm>>) dst(%dma_wait3A_598 : memref<128x64xf32, #tpu.memory_space<vmem>>)
      %mul3A_605 = arith.constant 3 : i32
      %mul3A_606 = arith.muli %add3A_380, %mul3A_605 : i32
      %add3A_607 = arith.constant 2 : i32
      %add3A_608 = arith.addi %mul3A_606, %add3A_607 : i32
      %dma_wait3A_609 = arith.constant 1 : i32
      %dma_wait3A_610 = arith.constant 2 : i32
      %dma_wait3A_611 = arith.constant 0 : i32
      %dma_wait3A_612 = arith.constant 0 : i32
      %dma_wait3A_613 = tpu.memref_slice %arg10[%dma_wait3A_609, %dma_wait3A_610, %dma_wait3A_611, %dma_wait3A_612] : memref<2x3x128x64xf32, #tpu.memory_space<vmem>> -> memref<1x1x128x64xf32, #tpu.memory_space<vmem>>
      %dma_wait3A_614 = tpu.memref_squeeze %dma_wait3A_613 : memref<1x1x128x64xf32, #tpu.memory_space<vmem>> -> memref<128x64xf32, #tpu.memory_space<vmem>>
      %dma_wait3A_615 = arith.constant 0 : i32
      %dma_wait3A_616 = tpu.memref_slice %arg8[%add3A_608, %dma_wait3A_615] : memref<81x128xi32, #tpu.memory_space<vmem>> -> memref<1x128xi32, #tpu.memory_space<vmem>>
      %dma_wait3A_617 = tpu.memref_squeeze %dma_wait3A_616 : memref<1x128xi32, #tpu.memory_space<vmem>> -> memref<128xi32, #tpu.memory_space<vmem>>
      %dma_wait3A_618 = arith.constant 0 : i32
      %dma_wait3A_619 = arith.constant 0 : i32
      %dma_wait3A_620 = tpu.memref_slice %arg3[%dma_wait3A_618, %dma_wait3A_619] : memref<10240x64xf32, #tpu.memory_space<hbm>> -> memref<10240x64xf32, #tpu.memory_space<hbm>>
      tpu.wait_indirect_dma semaphore(%arg14 : memref<!tpu.dma_semaphore, #tpu.memory_space<semaphore_mem>>) src(%dma_wait3A_620 : memref<10240x64xf32, #tpu.memory_space<hbm>>) dst(%dma_wait3A_614 : memref<128x64xf32, #tpu.memory_space<vmem>>)
      %add3A_621 = arith.constant 1 : i32
      %add3A_622 = arith.addi %add3A_380, %add3A_621 : i32
      %mul3A_623 = arith.constant 3 : i32
      %mul3A_624 = arith.muli %add3A_622, %mul3A_623 : i32
      %add3A_625 = arith.constant 0 : i32
      %add3A_626 = arith.addi %mul3A_624, %add3A_625 : i32
      %dma_start3A_627 = arith.constant 0 : i32
      %dma_start3A_628 = arith.constant 0 : i32
      %dma_start3A_629 = arith.constant 0 : i32
      %dma_start3A_630 = arith.constant 0 : i32
      %dma_start3A_631 = tpu.memref_slice %arg10[%dma_start3A_627, %dma_start3A_628, %dma_start3A_629, %dma_start3A_630] : memref<2x3x128x64xf32, #tpu.memory_space<vmem>> -> memref<1x1x128x64xf32, #tpu.memory_space<vmem>>
      %dma_start3A_632 = tpu.memref_squeeze %dma_start3A_631 : memref<1x1x128x64xf32, #tpu.memory_space<vmem>> -> memref<128x64xf32, #tpu.memory_space<vmem>>
      %dma_start3A_633 = arith.constant 0 : i32
      %dma_start3A_634 = tpu.memref_slice %arg8[%add3A_626, %dma_start3A_633] : memref<81x128xi32, #tpu.memory_space<vmem>> -> memref<1x128xi32, #tpu.memory_space<vmem>>
      %dma_start3A_635 = tpu.memref_squeeze %dma_start3A_634 : memref<1x128xi32, #tpu.memory_space<vmem>> -> memref<128xi32, #tpu.memory_space<vmem>>
      %dma_start3A_636 = arith.constant 0 : i32
      %dma_start3A_637 = arith.constant 0 : i32
      %dma_start3A_638 = tpu.memref_slice %arg3[%dma_start3A_636, %dma_start3A_637] : memref<10240x64xf32, #tpu.memory_space<hbm>> -> memref<10240x64xf32, #tpu.memory_space<hbm>>
      tpu.enqueue_indirect_dma source(%dma_start3A_638 : memref<10240x64xf32, #tpu.memory_space<hbm>>) target(%dma_start3A_632 : memref<128x64xf32, #tpu.memory_space<vmem>>) offsets(%dma_start3A_635 : memref<128xi32, #tpu.memory_space<vmem>>) semaphore(%arg13 : memref<!tpu.dma_semaphore, #tpu.memory_space<semaphore_mem>>)
      %mul3A_639 = arith.constant 3 : i32
      %mul3A_640 = arith.muli %add3A_622, %mul3A_639 : i32
      %add3A_641 = arith.constant 1 : i32
      %add3A_642 = arith.addi %mul3A_640, %add3A_641 : i32
      %dma_start3A_643 = arith.constant 0 : i32
      %dma_start3A_644 = arith.constant 1 : i32
      %dma_start3A_645 = arith.constant 0 : i32
      %dma_start3A_646 = arith.constant 0 : i32
      %dma_start3A_647 = tpu.memref_slice %arg10[%dma_start3A_643, %dma_start3A_644, %dma_start3A_645, %dma_start3A_646] : memref<2x3x128x64xf32, #tpu.memory_space<vmem>> -> memref<1x1x128x64xf32, #tpu.memory_space<vmem>>
      %dma_start3A_648 = tpu.memref_squeeze %dma_start3A_647 : memref<1x1x128x64xf32, #tpu.memory_space<vmem>> -> memref<128x64xf32, #tpu.memory_space<vmem>>
      %dma_start3A_649 = arith.constant 0 : i32
      %dma_start3A_650 = tpu.memref_slice %arg8[%add3A_642, %dma_start3A_649] : memref<81x128xi32, #tpu.memory_space<vmem>> -> memref<1x128xi32, #tpu.memory_space<vmem>>
      %dma_start3A_651 = tpu.memref_squeeze %dma_start3A_650 : memref<1x128xi32, #tpu.memory_space<vmem>> -> memref<128xi32, #tpu.memory_space<vmem>>
      %dma_start3A_652 = arith.constant 0 : i32
      %dma_start3A_653 = arith.constant 0 : i32
      %dma_start3A_654 = tpu.memref_slice %arg3[%dma_start3A_652, %dma_start3A_653] : memref<10240x64xf32, #tpu.memory_space<hbm>> -> memref<10240x64xf32, #tpu.memory_space<hbm>>
      tpu.enqueue_indirect_dma source(%dma_start3A_654 : memref<10240x64xf32, #tpu.memory_space<hbm>>) target(%dma_start3A_648 : memref<128x64xf32, #tpu.memory_space<vmem>>) offsets(%dma_start3A_651 : memref<128xi32, #tpu.memory_space<vmem>>) semaphore(%arg13 : memref<!tpu.dma_semaphore, #tpu.memory_space<semaphore_mem>>)
      %mul3A_655 = arith.constant 3 : i32
      %mul3A_656 = arith.muli %add3A_622, %mul3A_655 : i32
      %add3A_657 = arith.constant 2 : i32
      %add3A_658 = arith.addi %mul3A_656, %add3A_657 : i32
      %dma_start3A_659 = arith.constant 0 : i32
      %dma_start3A_660 = arith.constant 2 : i32
      %dma_start3A_661 = arith.constant 0 : i32
      %dma_start3A_662 = arith.constant 0 : i32
      %dma_start3A_663 = tpu.memref_slice %arg10[%dma_start3A_659, %dma_start3A_660, %dma_start3A_661, %dma_start3A_662] : memref<2x3x128x64xf32, #tpu.memory_space<vmem>> -> memref<1x1x128x64xf32, #tpu.memory_space<vmem>>
      %dma_start3A_664 = tpu.memref_squeeze %dma_start3A_663 : memref<1x1x128x64xf32, #tpu.memory_space<vmem>> -> memref<128x64xf32, #tpu.memory_space<vmem>>
      %dma_start3A_665 = arith.constant 0 : i32
      %dma_start3A_666 = tpu.memref_slice %arg8[%add3A_658, %dma_start3A_665] : memref<81x128xi32, #tpu.memory_space<vmem>> -> memref<1x128xi32, #tpu.memory_space<vmem>>
      %dma_start3A_667 = tpu.memref_squeeze %dma_start3A_666 : memref<1x128xi32, #tpu.memory_space<vmem>> -> memref<128xi32, #tpu.memory_space<vmem>>
      %dma_start3A_668 = arith.constant 0 : i32
      %dma_start3A_669 = arith.constant 0 : i32
      %dma_start3A_670 = tpu.memref_slice %arg3[%dma_start3A_668, %dma_start3A_669] : memref<10240x64xf32, #tpu.memory_space<hbm>> -> memref<10240x64xf32, #tpu.memory_space<hbm>>
      tpu.enqueue_indirect_dma source(%dma_start3A_670 : memref<10240x64xf32, #tpu.memory_space<hbm>>) target(%dma_start3A_664 : memref<128x64xf32, #tpu.memory_space<vmem>>) offsets(%dma_start3A_667 : memref<128xi32, #tpu.memory_space<vmem>>) semaphore(%arg13 : memref<!tpu.dma_semaphore, #tpu.memory_space<semaphore_mem>>)
      %mul3A_671 = arith.constant 3 : i32
      %mul3A_672 = arith.muli %add3A_380, %mul3A_671 : i32
      %add3A_673 = arith.constant 0 : i32
      %add3A_674 = arith.addi %mul3A_672, %add3A_673 : i32
      %dma_start3A_675 = arith.constant 1 : i32
      %dma_start3A_676 = arith.constant 0 : i32
      %dma_start3A_677 = arith.constant 0 : i32
      %dma_start3A_678 = arith.constant 0 : i32
      %dma_start3A_679 = tpu.memref_slice %arg10[%dma_start3A_675, %dma_start3A_676, %dma_start3A_677, %dma_start3A_678] : memref<2x3x128x64xf32, #tpu.memory_space<vmem>> -> memref<1x1x128x64xf32, #tpu.memory_space<vmem>>
      %dma_start3A_680 = tpu.memref_squeeze %dma_start3A_679 : memref<1x1x128x64xf32, #tpu.memory_space<vmem>> -> memref<128x64xf32, #tpu.memory_space<vmem>>
      %dma_start3A_681 = arith.constant 0 : i32
      %dma_start3A_682 = tpu.memref_slice %arg9[%add3A_674, %dma_start3A_681] : memref<81x128xi32, #tpu.memory_space<vmem>> -> memref<1x128xi32, #tpu.memory_space<vmem>>
      %dma_start3A_683 = tpu.memref_squeeze %dma_start3A_682 : memref<1x128xi32, #tpu.memory_space<vmem>> -> memref<128xi32, #tpu.memory_space<vmem>>
      %dma_start3A_684 = arith.constant 0 : i32
      %dma_start3A_685 = arith.constant 0 : i32
      %dma_start3A_686 = tpu.memref_slice %arg12[%dma_start3A_684, %dma_start3A_685] : memref<10240x64xf32, #tpu.memory_space<vmem_shared>> -> memref<10240x64xf32, #tpu.memory_space<vmem_shared>>
      tpu.enqueue_indirect_dma source(%dma_start3A_680 : memref<128x64xf32, #tpu.memory_space<vmem>>) target(%dma_start3A_686 : memref<10240x64xf32, #tpu.memory_space<vmem_shared>>) offsets(%dma_start3A_683 : memref<128xi32, #tpu.memory_space<vmem>>) semaphore(%arg16 : memref<!tpu.dma_semaphore, #tpu.memory_space<semaphore_mem>>) {add = true}
      %mul3A_687 = arith.constant 3 : i32
      %mul3A_688 = arith.muli %add3A_380, %mul3A_687 : i32
      %add3A_689 = arith.constant 1 : i32
      %add3A_690 = arith.addi %mul3A_688, %add3A_689 : i32
      %dma_start3A_691 = arith.constant 1 : i32
      %dma_start3A_692 = arith.constant 1 : i32
      %dma_start3A_693 = arith.constant 0 : i32
      %dma_start3A_694 = arith.constant 0 : i32
      %dma_start3A_695 = tpu.memref_slice %arg10[%dma_start3A_691, %dma_start3A_692, %dma_start3A_693, %dma_start3A_694] : memref<2x3x128x64xf32, #tpu.memory_space<vmem>> -> memref<1x1x128x64xf32, #tpu.memory_space<vmem>>
      %dma_start3A_696 = tpu.memref_squeeze %dma_start3A_695 : memref<1x1x128x64xf32, #tpu.memory_space<vmem>> -> memref<128x64xf32, #tpu.memory_space<vmem>>
      %dma_start3A_697 = arith.constant 0 : i32
      %dma_start3A_698 = tpu.memref_slice %arg9[%add3A_690, %dma_start3A_697] : memref<81x128xi32, #tpu.memory_space<vmem>> -> memref<1x128xi32, #tpu.memory_space<vmem>>
      %dma_start3A_699 = tpu.memref_squeeze %dma_start3A_698 : memref<1x128xi32, #tpu.memory_space<vmem>> -> memref<128xi32, #tpu.memory_space<vmem>>
      %dma_start3A_700 = arith.constant 0 : i32
      %dma_start3A_701 = arith.constant 0 : i32
      %dma_start3A_702 = tpu.memref_slice %arg12[%dma_start3A_700, %dma_start3A_701] : memref<10240x64xf32, #tpu.memory_space<vmem_shared>> -> memref<10240x64xf32, #tpu.memory_space<vmem_shared>>
      tpu.enqueue_indirect_dma source(%dma_start3A_696 : memref<128x64xf32, #tpu.memory_space<vmem>>) target(%dma_start3A_702 : memref<10240x64xf32, #tpu.memory_space<vmem_shared>>) offsets(%dma_start3A_699 : memref<128xi32, #tpu.memory_space<vmem>>) semaphore(%arg16 : memref<!tpu.dma_semaphore, #tpu.memory_space<semaphore_mem>>) {add = true}
      %mul3A_703 = arith.constant 3 : i32
      %mul3A_704 = arith.muli %add3A_380, %mul3A_703 : i32
      %add3A_705 = arith.constant 2 : i32
      %add3A_706 = arith.addi %mul3A_704, %add3A_705 : i32
      %dma_start3A_707 = arith.constant 1 : i32
      %dma_start3A_708 = arith.constant 2 : i32
      %dma_start3A_709 = arith.constant 0 : i32
      %dma_start3A_710 = arith.constant 0 : i32
      %dma_start3A_711 = tpu.memref_slice %arg10[%dma_start3A_707, %dma_start3A_708, %dma_start3A_709, %dma_start3A_710] : memref<2x3x128x64xf32, #tpu.memory_space<vmem>> -> memref<1x1x128x64xf32, #tpu.memory_space<vmem>>
      %dma_start3A_712 = tpu.memref_squeeze %dma_start3A_711 : memref<1x1x128x64xf32, #tpu.memory_space<vmem>> -> memref<128x64xf32, #tpu.memory_space<vmem>>
      %dma_start3A_713 = arith.constant 0 : i32
      %dma_start3A_714 = tpu.memref_slice %arg9[%add3A_706, %dma_start3A_713] : memref<81x128xi32, #tpu.memory_space<vmem>> -> memref<1x128xi32, #tpu.memory_space<vmem>>
      %dma_start3A_715 = tpu.memref_squeeze %dma_start3A_714 : memref<1x128xi32, #tpu.memory_space<vmem>> -> memref<128xi32, #tpu.memory_space<vmem>>
      %dma_start3A_716 = arith.constant 0 : i32
      %dma_start3A_717 = arith.constant 0 : i32
      %dma_start3A_718 = tpu.memref_slice %arg12[%dma_start3A_716, %dma_start3A_717] : memref<10240x64xf32, #tpu.memory_space<vmem_shared>> -> memref<10240x64xf32, #tpu.memory_space<vmem_shared>>
      tpu.enqueue_indirect_dma source(%dma_start3A_712 : memref<128x64xf32, #tpu.memory_space<vmem>>) target(%dma_start3A_718 : memref<10240x64xf32, #tpu.memory_space<vmem_shared>>) offsets(%dma_start3A_715 : memref<128xi32, #tpu.memory_space<vmem>>) semaphore(%arg16 : memref<!tpu.dma_semaphore, #tpu.memory_space<semaphore_mem>>) {add = true}
      %mul3A_719 = arith.constant 3 : i32
      %mul3A_720 = arith.muli %add3A_380, %mul3A_719 : i32
      %add3A_721 = arith.constant 0 : i32
      %add3A_722 = arith.addi %mul3A_720, %add3A_721 : i32
      %dma_wait3A_723 = arith.constant 1 : i32
      %dma_wait3A_724 = arith.constant 0 : i32
      %dma_wait3A_725 = arith.constant 0 : i32
      %dma_wait3A_726 = arith.constant 0 : i32
      %dma_wait3A_727 = tpu.memref_slice %arg10[%dma_wait3A_723, %dma_wait3A_724, %dma_wait3A_725, %dma_wait3A_726] : memref<2x3x128x64xf32, #tpu.memory_space<vmem>> -> memref<1x1x128x64xf32, #tpu.memory_space<vmem>>
      %dma_wait3A_728 = tpu.memref_squeeze %dma_wait3A_727 : memref<1x1x128x64xf32, #tpu.memory_space<vmem>> -> memref<128x64xf32, #tpu.memory_space<vmem>>
      %dma_wait3A_729 = arith.constant 0 : i32
      %dma_wait3A_730 = tpu.memref_slice %arg9[%add3A_722, %dma_wait3A_729] : memref<81x128xi32, #tpu.memory_space<vmem>> -> memref<1x128xi32, #tpu.memory_space<vmem>>
      %dma_wait3A_731 = tpu.memref_squeeze %dma_wait3A_730 : memref<1x128xi32, #tpu.memory_space<vmem>> -> memref<128xi32, #tpu.memory_space<vmem>>
      %dma_wait3A_732 = arith.constant 0 : i32
      %dma_wait3A_733 = arith.constant 0 : i32
      %dma_wait3A_734 = tpu.memref_slice %arg12[%dma_wait3A_732, %dma_wait3A_733] : memref<10240x64xf32, #tpu.memory_space<vmem_shared>> -> memref<10240x64xf32, #tpu.memory_space<vmem_shared>>
      tpu.wait_indirect_dma semaphore(%arg16 : memref<!tpu.dma_semaphore, #tpu.memory_space<semaphore_mem>>) src(%dma_wait3A_728 : memref<128x64xf32, #tpu.memory_space<vmem>>) dst(%dma_wait3A_734 : memref<10240x64xf32, #tpu.memory_space<vmem_shared>>)
      %mul3A_735 = arith.constant 3 : i32
      %mul3A_736 = arith.muli %add3A_380, %mul3A_735 : i32
      %add3A_737 = arith.constant 1 : i32
      %add3A_738 = arith.addi %mul3A_736, %add3A_737 : i32
      %dma_wait3A_739 = arith.constant 1 : i32
      %dma_wait3A_740 = arith.constant 1 : i32
      %dma_wait3A_741 = arith.constant 0 : i32
      %dma_wait3A_742 = arith.constant 0 : i32
      %dma_wait3A_743 = tpu.memref_slice %arg10[%dma_wait3A_739, %dma_wait3A_740, %dma_wait3A_741, %dma_wait3A_742] : memref<2x3x128x64xf32, #tpu.memory_space<vmem>> -> memref<1x1x128x64xf32, #tpu.memory_space<vmem>>
      %dma_wait3A_744 = tpu.memref_squeeze %dma_wait3A_743 : memref<1x1x128x64xf32, #tpu.memory_space<vmem>> -> memref<128x64xf32, #tpu.memory_space<vmem>>
      %dma_wait3A_745 = arith.constant 0 : i32
      %dma_wait3A_746 = tpu.memref_slice %arg9[%add3A_738, %dma_wait3A_745] : memref<81x128xi32, #tpu.memory_space<vmem>> -> memref<1x128xi32, #tpu.memory_space<vmem>>
      %dma_wait3A_747 = tpu.memref_squeeze %dma_wait3A_746 : memref<1x128xi32, #tpu.memory_space<vmem>> -> memref<128xi32, #tpu.memory_space<vmem>>
      %dma_wait3A_748 = arith.constant 0 : i32
      %dma_wait3A_749 = arith.constant 0 : i32
      %dma_wait3A_750 = tpu.memref_slice %arg12[%dma_wait3A_748, %dma_wait3A_749] : memref<10240x64xf32, #tpu.memory_space<vmem_shared>> -> memref<10240x64xf32, #tpu.memory_space<vmem_shared>>
      tpu.wait_indirect_dma semaphore(%arg16 : memref<!tpu.dma_semaphore, #tpu.memory_space<semaphore_mem>>) src(%dma_wait3A_744 : memref<128x64xf32, #tpu.memory_space<vmem>>) dst(%dma_wait3A_750 : memref<10240x64xf32, #tpu.memory_space<vmem_shared>>)
      %mul3A_751 = arith.constant 3 : i32
      %mul3A_752 = arith.muli %add3A_380, %mul3A_751 : i32
      %add3A_753 = arith.constant 2 : i32
      %add3A_754 = arith.addi %mul3A_752, %add3A_753 : i32
      %dma_wait3A_755 = arith.constant 1 : i32
      %dma_wait3A_756 = arith.constant 2 : i32
      %dma_wait3A_757 = arith.constant 0 : i32
      %dma_wait3A_758 = arith.constant 0 : i32
      %dma_wait3A_759 = tpu.memref_slice %arg10[%dma_wait3A_755, %dma_wait3A_756, %dma_wait3A_757, %dma_wait3A_758] : memref<2x3x128x64xf32, #tpu.memory_space<vmem>> -> memref<1x1x128x64xf32, #tpu.memory_space<vmem>>
      %dma_wait3A_760 = tpu.memref_squeeze %dma_wait3A_759 : memref<1x1x128x64xf32, #tpu.memory_space<vmem>> -> memref<128x64xf32, #tpu.memory_space<vmem>>
      %dma_wait3A_761 = arith.constant 0 : i32
      %dma_wait3A_762 = tpu.memref_slice %arg9[%add3A_754, %dma_wait3A_761] : memref<81x128xi32, #tpu.memory_space<vmem>> -> memref<1x128xi32, #tpu.memory_space<vmem>>
      %dma_wait3A_763 = tpu.memref_squeeze %dma_wait3A_762 : memref<1x128xi32, #tpu.memory_space<vmem>> -> memref<128xi32, #tpu.memory_space<vmem>>
      %dma_wait3A_764 = arith.constant 0 : i32
      %dma_wait3A_765 = arith.constant 0 : i32
      %dma_wait3A_766 = tpu.memref_slice %arg12[%dma_wait3A_764, %dma_wait3A_765] : memref<10240x64xf32, #tpu.memory_space<vmem_shared>> -> memref<10240x64xf32, #tpu.memory_space<vmem_shared>>
      tpu.wait_indirect_dma semaphore(%arg16 : memref<!tpu.dma_semaphore, #tpu.memory_space<semaphore_mem>>) src(%dma_wait3A_760 : memref<128x64xf32, #tpu.memory_space<vmem>>) dst(%dma_wait3A_766 : memref<10240x64xf32, #tpu.memory_space<vmem_shared>>)
    }
    %scan3A_250 = arith.constant 13 : i32
    %dma_wait3A_251 = arith.constant 78 : i32
    %dma_wait3A_252 = arith.constant 0 : i32
    %dma_wait3A_253 = arith.constant 0 : i32
    %dma_wait3A_254 = arith.constant 0 : i32
    %dma_wait3A_255 = arith.constant 0 : i32
    %dma_wait3A_256 = tpu.memref_slice %arg10[%dma_wait3A_252, %dma_wait3A_253, %dma_wait3A_254, %dma_wait3A_255] : memref<2x3x128x64xf32, #tpu.memory_space<vmem>> -> memref<1x1x128x64xf32, #tpu.memory_space<vmem>>
    %dma_wait3A_257 = tpu.memref_squeeze %dma_wait3A_256 : memref<1x1x128x64xf32, #tpu.memory_space<vmem>> -> memref<128x64xf32, #tpu.memory_space<vmem>>
    %dma_wait3A_258 = arith.constant 0 : i32
    %dma_wait3A_259 = tpu.memref_slice %arg8[%dma_wait3A_251, %dma_wait3A_258] : memref<81x128xi32, #tpu.memory_space<vmem>> -> memref<1x128xi32, #tpu.memory_space<vmem>>
    %dma_wait3A_260 = tpu.memref_squeeze %dma_wait3A_259 : memref<1x128xi32, #tpu.memory_space<vmem>> -> memref<128xi32, #tpu.memory_space<vmem>>
    %dma_wait3A_261 = arith.constant 0 : i32
    %dma_wait3A_262 = arith.constant 0 : i32
    %dma_wait3A_263 = tpu.memref_slice %arg3[%dma_wait3A_261, %dma_wait3A_262] : memref<10240x64xf32, #tpu.memory_space<hbm>> -> memref<10240x64xf32, #tpu.memory_space<hbm>>
    tpu.wait_indirect_dma semaphore(%arg13 : memref<!tpu.dma_semaphore, #tpu.memory_space<semaphore_mem>>) src(%dma_wait3A_263 : memref<10240x64xf32, #tpu.memory_space<hbm>>) dst(%dma_wait3A_257 : memref<128x64xf32, #tpu.memory_space<vmem>>)
    %dma_wait3A_264 = arith.constant 79 : i32
    %dma_wait3A_265 = arith.constant 0 : i32
    %dma_wait3A_266 = arith.constant 1 : i32
    %dma_wait3A_267 = arith.constant 0 : i32
    %dma_wait3A_268 = arith.constant 0 : i32
    %dma_wait3A_269 = tpu.memref_slice %arg10[%dma_wait3A_265, %dma_wait3A_266, %dma_wait3A_267, %dma_wait3A_268] : memref<2x3x128x64xf32, #tpu.memory_space<vmem>> -> memref<1x1x128x64xf32, #tpu.memory_space<vmem>>
    %dma_wait3A_270 = tpu.memref_squeeze %dma_wait3A_269 : memref<1x1x128x64xf32, #tpu.memory_space<vmem>> -> memref<128x64xf32, #tpu.memory_space<vmem>>
    %dma_wait3A_271 = arith.constant 0 : i32
    %dma_wait3A_272 = tpu.memref_slice %arg8[%dma_wait3A_264, %dma_wait3A_271] : memref<81x128xi32, #tpu.memory_space<vmem>> -> memref<1x128xi32, #tpu.memory_space<vmem>>
    %dma_wait3A_273 = tpu.memref_squeeze %dma_wait3A_272 : memref<1x128xi32, #tpu.memory_space<vmem>> -> memref<128xi32, #tpu.memory_space<vmem>>
    %dma_wait3A_274 = arith.constant 0 : i32
    %dma_wait3A_275 = arith.constant 0 : i32
    %dma_wait3A_276 = tpu.memref_slice %arg3[%dma_wait3A_274, %dma_wait3A_275] : memref<10240x64xf32, #tpu.memory_space<hbm>> -> memref<10240x64xf32, #tpu.memory_space<hbm>>
    tpu.wait_indirect_dma semaphore(%arg13 : memref<!tpu.dma_semaphore, #tpu.memory_space<semaphore_mem>>) src(%dma_wait3A_276 : memref<10240x64xf32, #tpu.memory_space<hbm>>) dst(%dma_wait3A_270 : memref<128x64xf32, #tpu.memory_space<vmem>>)
    %dma_wait3A_277 = arith.constant 80 : i32
    %dma_wait3A_278 = arith.constant 0 : i32
    %dma_wait3A_279 = arith.constant 2 : i32
    %dma_wait3A_280 = arith.constant 0 : i32
    %dma_wait3A_281 = arith.constant 0 : i32
    %dma_wait3A_282 = tpu.memref_slice %arg10[%dma_wait3A_278, %dma_wait3A_279, %dma_wait3A_280, %dma_wait3A_281] : memref<2x3x128x64xf32, #tpu.memory_space<vmem>> -> memref<1x1x128x64xf32, #tpu.memory_space<vmem>>
    %dma_wait3A_283 = tpu.memref_squeeze %dma_wait3A_282 : memref<1x1x128x64xf32, #tpu.memory_space<vmem>> -> memref<128x64xf32, #tpu.memory_space<vmem>>
    %dma_wait3A_284 = arith.constant 0 : i32
    %dma_wait3A_285 = tpu.memref_slice %arg8[%dma_wait3A_277, %dma_wait3A_284] : memref<81x128xi32, #tpu.memory_space<vmem>> -> memref<1x128xi32, #tpu.memory_space<vmem>>
    %dma_wait3A_286 = tpu.memref_squeeze %dma_wait3A_285 : memref<1x128xi32, #tpu.memory_space<vmem>> -> memref<128xi32, #tpu.memory_space<vmem>>
    %dma_wait3A_287 = arith.constant 0 : i32
    %dma_wait3A_288 = arith.constant 0 : i32
    %dma_wait3A_289 = tpu.memref_slice %arg3[%dma_wait3A_287, %dma_wait3A_288] : memref<10240x64xf32, #tpu.memory_space<hbm>> -> memref<10240x64xf32, #tpu.memory_space<hbm>>
    tpu.wait_indirect_dma semaphore(%arg13 : memref<!tpu.dma_semaphore, #tpu.memory_space<semaphore_mem>>) src(%dma_wait3A_289 : memref<10240x64xf32, #tpu.memory_space<hbm>>) dst(%dma_wait3A_283 : memref<128x64xf32, #tpu.memory_space<vmem>>)
    %dma_start3A_290 = arith.constant 0 : i32
    %dma_start3A_291 = arith.constant 0 : i32
    %dma_start3A_292 = arith.constant 78 : i32
    %dma_start3A_293 = arith.constant 0 : i32
    %dma_start3A_294 = arith.constant 0 : i32
    %dma_start3A_295 = tpu.memref_slice %arg10[%dma_start3A_290, %dma_start3A_291, %dma_start3A_293, %dma_start3A_294] : memref<2x3x128x64xf32, #tpu.memory_space<vmem>> -> memref<1x1x128x64xf32, #tpu.memory_space<vmem>>
    %dma_start3A_296 = tpu.memref_squeeze %dma_start3A_295 : memref<1x1x128x64xf32, #tpu.memory_space<vmem>> -> memref<128x64xf32, #tpu.memory_space<vmem>>
    %dma_start3A_297 = arith.constant 0 : i32
    %dma_start3A_298 = tpu.memref_slice %arg9[%dma_start3A_292, %dma_start3A_297] : memref<81x128xi32, #tpu.memory_space<vmem>> -> memref<1x128xi32, #tpu.memory_space<vmem>>
    %dma_start3A_299 = tpu.memref_squeeze %dma_start3A_298 : memref<1x128xi32, #tpu.memory_space<vmem>> -> memref<128xi32, #tpu.memory_space<vmem>>
    %dma_start3A_300 = arith.constant 0 : i32
    %dma_start3A_301 = arith.constant 0 : i32
    %dma_start3A_302 = tpu.memref_slice %arg12[%dma_start3A_300, %dma_start3A_301] : memref<10240x64xf32, #tpu.memory_space<vmem_shared>> -> memref<10240x64xf32, #tpu.memory_space<vmem_shared>>
    tpu.enqueue_indirect_dma source(%dma_start3A_296 : memref<128x64xf32, #tpu.memory_space<vmem>>) target(%dma_start3A_302 : memref<10240x64xf32, #tpu.memory_space<vmem_shared>>) offsets(%dma_start3A_299 : memref<128xi32, #tpu.memory_space<vmem>>) semaphore(%arg15 : memref<!tpu.dma_semaphore, #tpu.memory_space<semaphore_mem>>) {add = true}
    %dma_start3A_303 = arith.constant 0 : i32
    %dma_start3A_304 = arith.constant 1 : i32
    %dma_start3A_305 = arith.constant 79 : i32
    %dma_start3A_306 = arith.constant 0 : i32
    %dma_start3A_307 = arith.constant 0 : i32
    %dma_start3A_308 = tpu.memref_slice %arg10[%dma_start3A_303, %dma_start3A_304, %dma_start3A_306, %dma_start3A_307] : memref<2x3x128x64xf32, #tpu.memory_space<vmem>> -> memref<1x1x128x64xf32, #tpu.memory_space<vmem>>
    %dma_start3A_309 = tpu.memref_squeeze %dma_start3A_308 : memref<1x1x128x64xf32, #tpu.memory_space<vmem>> -> memref<128x64xf32, #tpu.memory_space<vmem>>
    %dma_start3A_310 = arith.constant 0 : i32
    %dma_start3A_311 = tpu.memref_slice %arg9[%dma_start3A_305, %dma_start3A_310] : memref<81x128xi32, #tpu.memory_space<vmem>> -> memref<1x128xi32, #tpu.memory_space<vmem>>
    %dma_start3A_312 = tpu.memref_squeeze %dma_start3A_311 : memref<1x128xi32, #tpu.memory_space<vmem>> -> memref<128xi32, #tpu.memory_space<vmem>>
    %dma_start3A_313 = arith.constant 0 : i32
    %dma_start3A_314 = arith.constant 0 : i32
    %dma_start3A_315 = tpu.memref_slice %arg12[%dma_start3A_313, %dma_start3A_314] : memref<10240x64xf32, #tpu.memory_space<vmem_shared>> -> memref<10240x64xf32, #tpu.memory_space<vmem_shared>>
    tpu.enqueue_indirect_dma source(%dma_start3A_309 : memref<128x64xf32, #tpu.memory_space<vmem>>) target(%dma_start3A_315 : memref<10240x64xf32, #tpu.memory_space<vmem_shared>>) offsets(%dma_start3A_312 : memref<128xi32, #tpu.memory_space<vmem>>) semaphore(%arg15 : memref<!tpu.dma_semaphore, #tpu.memory_space<semaphore_mem>>) {add = true}
    %dma_start3A_316 = arith.constant 0 : i32
    %dma_start3A_317 = arith.constant 2 : i32
    %dma_start3A_318 = arith.constant 80 : i32
    %dma_start3A_319 = arith.constant 0 : i32
    %dma_start3A_320 = arith.constant 0 : i32
    %dma_start3A_321 = tpu.memref_slice %arg10[%dma_start3A_316, %dma_start3A_317, %dma_start3A_319, %dma_start3A_320] : memref<2x3x128x64xf32, #tpu.memory_space<vmem>> -> memref<1x1x128x64xf32, #tpu.memory_space<vmem>>
    %dma_start3A_322 = tpu.memref_squeeze %dma_start3A_321 : memref<1x1x128x64xf32, #tpu.memory_space<vmem>> -> memref<128x64xf32, #tpu.memory_space<vmem>>
    %dma_start3A_323 = arith.constant 0 : i32
    %dma_start3A_324 = tpu.memref_slice %arg9[%dma_start3A_318, %dma_start3A_323] : memref<81x128xi32, #tpu.memory_space<vmem>> -> memref<1x128xi32, #tpu.memory_space<vmem>>
    %dma_start3A_325 = tpu.memref_squeeze %dma_start3A_324 : memref<1x128xi32, #tpu.memory_space<vmem>> -> memref<128xi32, #tpu.memory_space<vmem>>
    %dma_start3A_326 = arith.constant 0 : i32
    %dma_start3A_327 = arith.constant 0 : i32
    %dma_start3A_328 = tpu.memref_slice %arg12[%dma_start3A_326, %dma_start3A_327] : memref<10240x64xf32, #tpu.memory_space<vmem_shared>> -> memref<10240x64xf32, #tpu.memory_space<vmem_shared>>
    tpu.enqueue_indirect_dma source(%dma_start3A_322 : memref<128x64xf32, #tpu.memory_space<vmem>>) target(%dma_start3A_328 : memref<10240x64xf32, #tpu.memory_space<vmem_shared>>) offsets(%dma_start3A_325 : memref<128xi32, #tpu.memory_space<vmem>>) semaphore(%arg15 : memref<!tpu.dma_semaphore, #tpu.memory_space<semaphore_mem>>) {add = true}
    %dma_wait3A_329 = arith.constant 0 : i32
    %dma_wait3A_330 = arith.constant 0 : i32
    %dma_wait3A_331 = arith.constant 78 : i32
    %dma_wait3A_332 = arith.constant 0 : i32
    %dma_wait3A_333 = arith.constant 0 : i32
    %dma_wait3A_334 = tpu.memref_slice %arg10[%dma_wait3A_329, %dma_wait3A_330, %dma_wait3A_332, %dma_wait3A_333] : memref<2x3x128x64xf32, #tpu.memory_space<vmem>> -> memref<1x1x128x64xf32, #tpu.memory_space<vmem>>
    %dma_wait3A_335 = tpu.memref_squeeze %dma_wait3A_334 : memref<1x1x128x64xf32, #tpu.memory_space<vmem>> -> memref<128x64xf32, #tpu.memory_space<vmem>>
    %dma_wait3A_336 = arith.constant 0 : i32
    %dma_wait3A_337 = tpu.memref_slice %arg9[%dma_wait3A_331, %dma_wait3A_336] : memref<81x128xi32, #tpu.memory_space<vmem>> -> memref<1x128xi32, #tpu.memory_space<vmem>>
    %dma_wait3A_338 = tpu.memref_squeeze %dma_wait3A_337 : memref<1x128xi32, #tpu.memory_space<vmem>> -> memref<128xi32, #tpu.memory_space<vmem>>
    %dma_wait3A_339 = arith.constant 0 : i32
    %dma_wait3A_340 = arith.constant 0 : i32
    %dma_wait3A_341 = tpu.memref_slice %arg12[%dma_wait3A_339, %dma_wait3A_340] : memref<10240x64xf32, #tpu.memory_space<vmem_shared>> -> memref<10240x64xf32, #tpu.memory_space<vmem_shared>>
    tpu.wait_indirect_dma semaphore(%arg15 : memref<!tpu.dma_semaphore, #tpu.memory_space<semaphore_mem>>) src(%dma_wait3A_335 : memref<128x64xf32, #tpu.memory_space<vmem>>) dst(%dma_wait3A_341 : memref<10240x64xf32, #tpu.memory_space<vmem_shared>>)
    %dma_wait3A_342 = arith.constant 0 : i32
    %dma_wait3A_343 = arith.constant 1 : i32
    %dma_wait3A_344 = arith.constant 79 : i32
    %dma_wait3A_345 = arith.constant 0 : i32
    %dma_wait3A_346 = arith.constant 0 : i32
    %dma_wait3A_347 = tpu.memref_slice %arg10[%dma_wait3A_342, %dma_wait3A_343, %dma_wait3A_345, %dma_wait3A_346] : memref<2x3x128x64xf32, #tpu.memory_space<vmem>> -> memref<1x1x128x64xf32, #tpu.memory_space<vmem>>
    %dma_wait3A_348 = tpu.memref_squeeze %dma_wait3A_347 : memref<1x1x128x64xf32, #tpu.memory_space<vmem>> -> memref<128x64xf32, #tpu.memory_space<vmem>>
    %dma_wait3A_349 = arith.constant 0 : i32
    %dma_wait3A_350 = tpu.memref_slice %arg9[%dma_wait3A_344, %dma_wait3A_349] : memref<81x128xi32, #tpu.memory_space<vmem>> -> memref<1x128xi32, #tpu.memory_space<vmem>>
    %dma_wait3A_351 = tpu.memref_squeeze %dma_wait3A_350 : memref<1x128xi32, #tpu.memory_space<vmem>> -> memref<128xi32, #tpu.memory_space<vmem>>
    %dma_wait3A_352 = arith.constant 0 : i32
    %dma_wait3A_353 = arith.constant 0 : i32
    %dma_wait3A_354 = tpu.memref_slice %arg12[%dma_wait3A_352, %dma_wait3A_353] : memref<10240x64xf32, #tpu.memory_space<vmem_shared>> -> memref<10240x64xf32, #tpu.memory_space<vmem_shared>>
    tpu.wait_indirect_dma semaphore(%arg15 : memref<!tpu.dma_semaphore, #tpu.memory_space<semaphore_mem>>) src(%dma_wait3A_348 : memref<128x64xf32, #tpu.memory_space<vmem>>) dst(%dma_wait3A_354 : memref<10240x64xf32, #tpu.memory_space<vmem_shared>>)
    %dma_wait3A_355 = arith.constant 0 : i32
    %dma_wait3A_356 = arith.constant 2 : i32
    %dma_wait3A_357 = arith.constant 80 : i32
    %dma_wait3A_358 = arith.constant 0 : i32
    %dma_wait3A_359 = arith.constant 0 : i32
    %dma_wait3A_360 = tpu.memref_slice %arg10[%dma_wait3A_355, %dma_wait3A_356, %dma_wait3A_358, %dma_wait3A_359] : memref<2x3x128x64xf32, #tpu.memory_space<vmem>> -> memref<1x1x128x64xf32, #tpu.memory_space<vmem>>
    %dma_wait3A_361 = tpu.memref_squeeze %dma_wait3A_360 : memref<1x1x128x64xf32, #tpu.memory_space<vmem>> -> memref<128x64xf32, #tpu.memory_space<vmem>>
    %dma_wait3A_362 = arith.constant 0 : i32
    %dma_wait3A_363 = tpu.memref_slice %arg9[%dma_wait3A_357, %dma_wait3A_362] : memref<81x128xi32, #tpu.memory_space<vmem>> -> memref<1x128xi32, #tpu.memory_space<vmem>>
    %dma_wait3A_364 = tpu.memref_squeeze %dma_wait3A_363 : memref<1x128xi32, #tpu.memory_space<vmem>> -> memref<128xi32, #tpu.memory_space<vmem>>
    %dma_wait3A_365 = arith.constant 0 : i32
    %dma_wait3A_366 = arith.constant 0 : i32
    %dma_wait3A_367 = tpu.memref_slice %arg12[%dma_wait3A_365, %dma_wait3A_366] : memref<10240x64xf32, #tpu.memory_space<vmem_shared>> -> memref<10240x64xf32, #tpu.memory_space<vmem_shared>>
    tpu.wait_indirect_dma semaphore(%arg15 : memref<!tpu.dma_semaphore, #tpu.memory_space<semaphore_mem>>) src(%dma_wait3A_361 : memref<128x64xf32, #tpu.memory_space<vmem>>) dst(%dma_wait3A_367 : memref<10240x64xf32, #tpu.memory_space<vmem_shared>>)
    %barrier3A_368 = arith.constant 0 : index
    tpu.barrier barrier_id(%barrier3A_368)
    %mul3A_369 = arith.constant 640 : i32
    %mul3A_370 = arith.muli %arg1, %mul3A_369 : i32
    %mul3A_371 = arith.constant 640 : i32
    %mul3A_372 = arith.muli %arg1, %mul3A_371 : i32
    %run_scoped3A_373 = arith.constant 1 : i32
    "tpu.region"() ({
      %run_scoped3A_374 = tpu.sem_alloc : memref<!tpu.dma_semaphore, #tpu.memory_space<semaphore_mem>>
      %dma_start3A_375 = arith.constant 0 : i32
      %dma_start3A_376 = tpu.memref_slice %arg7[%arg0, %run_scoped3A_373, %mul3A_372, %dma_start3A_375] : memref<2x2x10240x64xf32, #tpu.memory_space<hbm>> -> memref<1x1x640x64xf32, #tpu.memory_space<hbm>>
      %dma_start3A_377 = tpu.memref_squeeze %dma_start3A_376 : memref<1x1x640x64xf32, #tpu.memory_space<hbm>> -> memref<640x64xf32, #tpu.memory_space<hbm>>
      %dma_start3A_378 = arith.constant 0 : i32
      %dma_start3A_379 = tpu.memref_slice %arg12[%mul3A_370, %dma_start3A_378] : memref<10240x64xf32, #tpu.memory_space<vmem_shared>> -> memref<640x64xf32, #tpu.memory_space<vmem_shared>>
      tpu.enqueue_dma source(%dma_start3A_379 : memref<640x64xf32, #tpu.memory_space<vmem_shared>>) target(%dma_start3A_377 : memref<640x64xf32, #tpu.memory_space<hbm>>) target_semaphore(%run_scoped3A_374 : memref<!tpu.dma_semaphore, #tpu.memory_space<semaphore_mem>>)
      %dma_wait3A_380 = arith.constant 0 : i32
      %dma_wait3A_381 = tpu.memref_slice %arg7[%arg0, %run_scoped3A_373, %mul3A_372, %dma_wait3A_380] : memref<2x2x10240x64xf32, #tpu.memory_space<hbm>> -> memref<1x1x640x64xf32, #tpu.memory_space<hbm>>
      %dma_wait3A_382 = tpu.memref_squeeze %dma_wait3A_381 : memref<1x1x640x64xf32, #tpu.memory_space<hbm>> -> memref<640x64xf32, #tpu.memory_space<hbm>>
      %dma_wait3A_383 = arith.constant 0 : i32
      %dma_wait3A_384 = tpu.memref_slice %arg12[%mul3A_370, %dma_wait3A_383] : memref<10240x64xf32, #tpu.memory_space<vmem_shared>> -> memref<640x64xf32, #tpu.memory_space<vmem_shared>>
      tpu.wait_dma2 semaphore(%run_scoped3A_374 : memref<!tpu.dma_semaphore, #tpu.memory_space<semaphore_mem>>) src(%dma_wait3A_384 : memref<640x64xf32, #tpu.memory_space<vmem_shared>>) dst(%dma_wait3A_382 : memref<640x64xf32, #tpu.memory_space<hbm>>)
      tpu.yield
    }) : () -> ()
    return
  }
}

module attributes {stable_mosaic.version = 14 : i64} {
  func.func @_tc1_body(%arg0: i32, %arg1: memref<1024x128xf32, #tpu.memory_space<vmem>>, %arg2: memref<128x128xf32, #tpu.memory_space<vmem>>, %arg3: memref<1x1024x16xf32, #tpu.memory_space<vmem>>, %arg4: memref<1x1024x16xf32, #tpu.memory_space<vmem>>, %arg5: memref<1024x128xf32, #tpu.memory_space<vmem>>, %arg6: memref<1024x64xf32, #tpu.memory_space<vmem>>, %arg7: memref<1024x64xf32, #tpu.memory_space<vmem>>) attributes {dimension_semantics = [#tpu.dimension_semantics<arbitrary>], iteration_bounds = array<i64: 10>, scalar_prefetch = 0 : i64, scratch_operands = 0 : i64, tpu.core_type = #tpu.core_type<tc>, window_params = [{transform_indices = @transform_0, window_bounds = array<i64: 1024, 128>}, {pipeline_mode = #tpu.pipeline_mode<synchronous>, transform_indices = @transform_1, window_bounds = array<i64: 128, 128>}, {transform_indices = @transform_2, window_bounds = array<i64: 1, 1024, 16>}, {transform_indices = @transform_3, window_bounds = array<i64: 1, 1024, 16>}, {transform_indices = @transform_4, window_bounds = array<i64: 1024, 128>}, {transform_indices = @transform_5, window_bounds = array<i64: 1024, 64>}, {transform_indices = @transform_6, window_bounds = array<i64: 1024, 64>}]} {
    %get3A = arith.constant 0 : index
    %get3A_0 = arith.constant 0 : index
    %get3A_1 = vector.load %arg1[%get3A, %get3A_0] : memref<1024x128xf32, #tpu.memory_space<vmem>>, vector<1024x128xf32>
    %get3A_2 = arith.constant 0 : index
    %get3A_3 = arith.constant 0 : index
    %get3A_4 = vector.load %arg2[%get3A_2, %get3A_3] : memref<128x128xf32, #tpu.memory_space<vmem>>, vector<128x128xf32>
    %dot_general3A = arith.constant dense<0.000000e+00> : vector<1024x128xf32>
    %dot_general3A_5 = tpu.matmul %get3A_1, %get3A_4, %dot_general3A {dimension_numbers = #tpu.dot_dimension_numbers<[1], [0], [0], [1], [0, 0, 1, 1], [], []>, transpose_lhs_hint = false} : vector<1024x128xf32>, vector<128x128xf32>, vector<1024x128xf32> -> vector<1024x128xf32>
    %get3A_6 = arith.constant 0 : index
    %get3A_7 = arith.constant 0 : index
    %get3A_8 = arith.constant 0 : index
    %get3A_9 = vector.load %arg3[%get3A_6, %get3A_7, %get3A_8] : memref<1x1024x16xf32, #tpu.memory_space<vmem>>, vector<1x1024x1xf32>
    %get3A_10 = vector.shape_cast %get3A_9 : vector<1x1024x1xf32> to vector<1024x1xf32>
    %add3A = arith.constant 1.000000e+00 : f32
    %add3A_11 = vector.broadcast %add3A : f32 to vector<1024x1xf32>
    %add3A_12 = arith.addf %add3A_11, %get3A_10 : vector<1024x1xf32>
    %get3A_13 = arith.constant 0 : index
    %get3A_14 = arith.constant 0 : index
    %get3A_15 = arith.constant 0 : index
    %get3A_16 = vector.load %arg4[%get3A_13, %get3A_14, %get3A_15] : memref<1x1024x16xf32, #tpu.memory_space<vmem>>, vector<1x1024x1xf32>
    %get3A_17 = vector.shape_cast %get3A_16 : vector<1x1024x1xf32> to vector<1024x1xf32>
    %add3A_18 = arith.addf %add3A_12, %get3A_17 : vector<1024x1xf32>
    %rsqrt3A = math.rsqrt %add3A_18 : vector<1024x1xf32>
    %swap3A = arith.constant 0 : index
    %swap3A_19 = arith.constant 0 : index
    %swap3A_20 = vector.load %arg5[%swap3A, %swap3A_19] : memref<1024x128xf32, #tpu.memory_space<vmem>>, vector<1024x128xf32>
    tpu.vector_store %arg5[%swap3A, %swap3A_19], %dot_general3A_5 {strides = array<i32>} : memref<1024x128xf32, #tpu.memory_space<vmem>>, vector<1024x128xf32>,
    %mul3A = vector.broadcast %rsqrt3A : vector<1024x1xf32> to vector<1024x128xf32>
    %mul3A_21 = arith.mulf %dot_general3A_5, %mul3A : vector<1024x128xf32>
    %slice3A = vector.extract_strided_slice %mul3A_21 {offsets = [0, 0], sizes = [1024, 64], strides = [1, 1]} : vector<1024x128xf32> to vector<1024x64xf32>
    %swap3A_22 = arith.constant 0 : index
    %swap3A_23 = arith.constant 0 : index
    %swap3A_24 = vector.load %arg6[%swap3A_22, %swap3A_23] : memref<1024x64xf32, #tpu.memory_space<vmem>>, vector<1024x64xf32>
    tpu.vector_store %arg6[%swap3A_22, %swap3A_23], %slice3A {strides = array<i32>} : memref<1024x64xf32, #tpu.memory_space<vmem>>, vector<1024x64xf32>,
    %slice3A_25 = vector.extract_strided_slice %mul3A_21 {offsets = [0, 64], sizes = [1024, 64], strides = [1, 1]} : vector<1024x128xf32> to vector<1024x64xf32>
    %swap3A_26 = arith.constant 0 : index
    %swap3A_27 = arith.constant 0 : index
    %swap3A_28 = vector.load %arg7[%swap3A_26, %swap3A_27] : memref<1024x64xf32, #tpu.memory_space<vmem>>, vector<1024x64xf32>
    tpu.vector_store %arg7[%swap3A_26, %swap3A_27], %slice3A_25 {strides = array<i32>} : memref<1024x64xf32, #tpu.memory_space<vmem>>, vector<1024x64xf32>,
    return
  }
  func.func @transform_0(%arg0: i32) -> (i32, i32) {
    %c0_i32 = arith.constant 0 : i32
    %c0_i32_0 = arith.constant 0 : i32
    return %arg0, %c0_i32 : i32, i32
  }
  func.func @transform_1(%arg0: i32) -> (i32, i32) {
    %c0_i32 = arith.constant 0 : i32
    %c0_i32_0 = arith.constant 0 : i32
    %c0_i32_1 = arith.constant 0 : i32
    return %c0_i32, %c0_i32_0 : i32, i32
  }
  func.func @transform_2(%arg0: i32) -> (i32, i32, i32) {
    %c0_i32 = arith.constant 0 : i32
    %c0_i32_0 = arith.constant 0 : i32
    %c0_i32_1 = arith.constant 0 : i32
    return %c0_i32, %arg0, %c0_i32_0 : i32, i32, i32
  }
  func.func @transform_3(%arg0: i32) -> (i32, i32, i32) {
    %c1_i32 = arith.constant 1 : i32
    %c0_i32 = arith.constant 0 : i32
    %c0_i32_0 = arith.constant 0 : i32
    return %c1_i32, %arg0, %c0_i32 : i32, i32, i32
  }
  func.func @transform_4(%arg0: i32) -> (i32, i32) {
    %c0_i32 = arith.constant 0 : i32
    %c0_i32_0 = arith.constant 0 : i32
    return %arg0, %c0_i32 : i32, i32
  }
  func.func @transform_5(%arg0: i32) -> (i32, i32) {
    %c0_i32 = arith.constant 0 : i32
    %c0_i32_0 = arith.constant 0 : i32
    return %arg0, %c0_i32 : i32, i32
  }
  func.func @transform_6(%arg0: i32) -> (i32, i32) {
    %c0_i32 = arith.constant 0 : i32
    %c0_i32_0 = arith.constant 0 : i32
    return %arg0, %c0_i32 : i32, i32
  }
}

module attributes {stable_mosaic.version = 14 : i64} {
  func.func @_tc2_body(%arg0: i32, %arg1: memref<1x1x1024x64xf32, #tpu.memory_space<vmem>>, %arg2: memref<1x1x1024x64xf32, #tpu.memory_space<vmem>>, %arg3: memref<1x1x1024x64xf32, #tpu.memory_space<vmem>>, %arg4: memref<1x1x1024x64xf32, #tpu.memory_space<vmem>>, %arg5: memref<1024x128xf32, #tpu.memory_space<vmem>>, %arg6: memref<1x1024x16xf32, #tpu.memory_space<vmem>>, %arg7: memref<1x1024x16xf32, #tpu.memory_space<vmem>>, %arg8: memref<1x128xf32, #tpu.memory_space<vmem>>, %arg9: memref<128x128xf32, #tpu.memory_space<vmem>>, %arg10: memref<1024x128xf32, #tpu.memory_space<vmem>>, %arg11: memref<1024x64xf32, #tpu.memory_space<vmem>>, %arg12: memref<1024x64xf32, #tpu.memory_space<vmem>>) attributes {dimension_semantics = [#tpu.dimension_semantics<arbitrary>], iteration_bounds = array<i64: 10>, scalar_prefetch = 0 : i64, scratch_operands = 0 : i64, tpu.core_type = #tpu.core_type<tc>, window_params = [{transform_indices = @transform_0, window_bounds = array<i64: 1, 1, 1024, 64>}, {transform_indices = @transform_1, window_bounds = array<i64: 1, 1, 1024, 64>}, {transform_indices = @transform_2, window_bounds = array<i64: 1, 1, 1024, 64>}, {transform_indices = @transform_3, window_bounds = array<i64: 1, 1, 1024, 64>}, {transform_indices = @transform_4, window_bounds = array<i64: 1024, 128>}, {transform_indices = @transform_5, window_bounds = array<i64: 1, 1024, 16>}, {transform_indices = @transform_6, window_bounds = array<i64: 1, 1024, 16>}, {pipeline_mode = #tpu.pipeline_mode<synchronous>, transform_indices = @transform_7, window_bounds = array<i64: 1, 128>}, {pipeline_mode = #tpu.pipeline_mode<synchronous>, transform_indices = @transform_8, window_bounds = array<i64: 128, 128>}, {transform_indices = @transform_9, window_bounds = array<i64: 1024, 128>}, {transform_indices = @transform_10, window_bounds = array<i64: 1024, 64>}, {transform_indices = @transform_11, window_bounds = array<i64: 1024, 64>}]} {
    %get3A = arith.constant 0 : index
    %get3A_0 = arith.constant 0 : index
    %get3A_1 = arith.constant 0 : index
    %get3A_2 = vector.load %arg6[%get3A, %get3A_0, %get3A_1] : memref<1x1024x16xf32, #tpu.memory_space<vmem>>, vector<1x1024x1xf32>
    %get3A_3 = vector.shape_cast %get3A_2 : vector<1x1024x1xf32> to vector<1024x1xf32>
    %add3A = arith.constant 1.000000e+00 : f32
    %add3A_4 = vector.broadcast %add3A : f32 to vector<1024x1xf32>
    %add3A_5 = arith.addf %add3A_4, %get3A_3 : vector<1024x1xf32>
    %get3A_6 = arith.constant 0 : index
    %get3A_7 = arith.constant 0 : index
    %get3A_8 = arith.constant 0 : index
    %get3A_9 = vector.load %arg7[%get3A_6, %get3A_7, %get3A_8] : memref<1x1024x16xf32, #tpu.memory_space<vmem>>, vector<1x1024x1xf32>
    %get3A_10 = vector.shape_cast %get3A_9 : vector<1x1024x1xf32> to vector<1024x1xf32>
    %add3A_11 = arith.addf %add3A_5, %get3A_10 : vector<1024x1xf32>
    %rsqrt3A = math.rsqrt %add3A_11 : vector<1024x1xf32>
    %get3A_12 = arith.constant 0 : index
    %get3A_13 = arith.constant 0 : index
    %get3A_14 = arith.constant 0 : index
    %get3A_15 = arith.constant 0 : index
    %get3A_16 = vector.load %arg1[%get3A_12, %get3A_13, %get3A_14, %get3A_15] : memref<1x1x1024x64xf32, #tpu.memory_space<vmem>>, vector<1x1x1024x64xf32>
    %get3A_17 = vector.shape_cast %get3A_16 : vector<1x1x1024x64xf32> to vector<1024x64xf32>
    %get3A_18 = arith.constant 0 : index
    %get3A_19 = arith.constant 0 : index
    %get3A_20 = arith.constant 0 : index
    %get3A_21 = arith.constant 0 : index
    %get3A_22 = vector.load %arg2[%get3A_18, %get3A_19, %get3A_20, %get3A_21] : memref<1x1x1024x64xf32, #tpu.memory_space<vmem>>, vector<1x1x1024x64xf32>
    %get3A_23 = vector.shape_cast %get3A_22 : vector<1x1x1024x64xf32> to vector<1024x64xf32>
    %add3A_24 = arith.addf %get3A_17, %get3A_23 : vector<1024x64xf32>
    %get3A_25 = arith.constant 0 : index
    %get3A_26 = arith.constant 0 : index
    %get3A_27 = arith.constant 0 : index
    %get3A_28 = arith.constant 0 : index
    %get3A_29 = vector.load %arg3[%get3A_25, %get3A_26, %get3A_27, %get3A_28] : memref<1x1x1024x64xf32, #tpu.memory_space<vmem>>, vector<1x1x1024x64xf32>
    %get3A_30 = vector.shape_cast %get3A_29 : vector<1x1x1024x64xf32> to vector<1024x64xf32>
    %get3A_31 = arith.constant 0 : index
    %get3A_32 = arith.constant 0 : index
    %get3A_33 = arith.constant 0 : index
    %get3A_34 = arith.constant 0 : index
    %get3A_35 = vector.load %arg4[%get3A_31, %get3A_32, %get3A_33, %get3A_34] : memref<1x1x1024x64xf32, #tpu.memory_space<vmem>>, vector<1x1x1024x64xf32>
    %get3A_36 = vector.shape_cast %get3A_35 : vector<1x1x1024x64xf32> to vector<1024x64xf32>
    %add3A_37 = arith.addf %get3A_30, %get3A_36 : vector<1024x64xf32>
    %concatenate3A = tpu.concatenate %add3A_24, %add3A_37 in 1 : vector<1024x64xf32>, vector<1024x64xf32> -> vector<1024x128xf32>
    %mul3A = vector.broadcast %rsqrt3A : vector<1024x1xf32> to vector<1024x128xf32>
    %mul3A_38 = arith.mulf %mul3A, %concatenate3A : vector<1024x128xf32>
    %mul3A_39 = arith.mulf %rsqrt3A, %rsqrt3A : vector<1024x1xf32>
    %get3A_40 = arith.constant 0 : index
    %get3A_41 = arith.constant 0 : index
    %get3A_42 = vector.load %arg5[%get3A_40, %get3A_41] : memref<1024x128xf32, #tpu.memory_space<vmem>>, vector<1024x128xf32>
    %mul3A_43 = vector.broadcast %mul3A_39 : vector<1024x1xf32> to vector<1024x128xf32>
    %mul3A_44 = arith.mulf %mul3A_43, %get3A_42 : vector<1024x128xf32>
    %add3A_45 = arith.addf %mul3A_38, %mul3A_44 : vector<1024x128xf32>
    %get3A_46 = arith.constant 0 : index
    %get3A_47 = arith.constant 0 : index
    %get3A_48 = vector.load %arg8[%get3A_46, %get3A_47] : memref<1x128xf32, #tpu.memory_space<vmem>>, vector<1x128xf32>
    %add3A_49 = vector.broadcast %get3A_48 : vector<1x128xf32> to vector<1024x128xf32>
    %add3A_50 = arith.addf %add3A_45, %add3A_49 : vector<1024x128xf32>
    %max3A = arith.constant 0.000000e+00 : f32
    %max3A_51 = vector.broadcast %max3A : f32 to vector<1024x128xf32>
    %max3A_52 = arith.maximumf %add3A_50, %max3A_51 : vector<1024x128xf32>
    %get3A_53 = arith.constant 0 : index
    %get3A_54 = arith.constant 0 : index
    %get3A_55 = vector.load %arg9[%get3A_53, %get3A_54] : memref<128x128xf32, #tpu.memory_space<vmem>>, vector<128x128xf32>
    %dot_general3A = arith.constant dense<0.000000e+00> : vector<1024x128xf32>
    %dot_general3A_56 = tpu.matmul %max3A_52, %get3A_55, %dot_general3A {dimension_numbers = #tpu.dot_dimension_numbers<[1], [0], [0], [1], [0, 0, 1, 1], [], []>, transpose_lhs_hint = false} : vector<1024x128xf32>, vector<128x128xf32>, vector<1024x128xf32> -> vector<1024x128xf32>
    %swap3A = arith.constant 0 : index
    %swap3A_57 = arith.constant 0 : index
    %swap3A_58 = vector.load %arg10[%swap3A, %swap3A_57] : memref<1024x128xf32, #tpu.memory_space<vmem>>, vector<1024x128xf32>
    tpu.vector_store %arg10[%swap3A, %swap3A_57], %dot_general3A_56 {strides = array<i32>} : memref<1024x128xf32, #tpu.memory_space<vmem>>, vector<1024x128xf32>,
    %mul3A_59 = vector.broadcast %rsqrt3A : vector<1024x1xf32> to vector<1024x128xf32>
    %mul3A_60 = arith.mulf %dot_general3A_56, %mul3A_59 : vector<1024x128xf32>
    %slice3A = vector.extract_strided_slice %mul3A_60 {offsets = [0, 0], sizes = [1024, 64], strides = [1, 1]} : vector<1024x128xf32> to vector<1024x64xf32>
    %swap3A_61 = arith.constant 0 : index
    %swap3A_62 = arith.constant 0 : index
    %swap3A_63 = vector.load %arg11[%swap3A_61, %swap3A_62] : memref<1024x64xf32, #tpu.memory_space<vmem>>, vector<1024x64xf32>
    tpu.vector_store %arg11[%swap3A_61, %swap3A_62], %slice3A {strides = array<i32>} : memref<1024x64xf32, #tpu.memory_space<vmem>>, vector<1024x64xf32>,
    %slice3A_64 = vector.extract_strided_slice %mul3A_60 {offsets = [0, 64], sizes = [1024, 64], strides = [1, 1]} : vector<1024x128xf32> to vector<1024x64xf32>
    %swap3A_65 = arith.constant 0 : index
    %swap3A_66 = arith.constant 0 : index
    %swap3A_67 = vector.load %arg12[%swap3A_65, %swap3A_66] : memref<1024x64xf32, #tpu.memory_space<vmem>>, vector<1024x64xf32>
    tpu.vector_store %arg12[%swap3A_65, %swap3A_66], %slice3A_64 {strides = array<i32>} : memref<1024x64xf32, #tpu.memory_space<vmem>>, vector<1024x64xf32>,
    return
  }
  func.func @transform_0(%arg0: i32) -> (i32, i32, i32, i32) {
    %c0_i32 = arith.constant 0 : i32
    %c0_i32_0 = arith.constant 0 : i32
    %c0_i32_1 = arith.constant 0 : i32
    %c0_i32_2 = arith.constant 0 : i32
    return %c0_i32, %c0_i32_0, %arg0, %c0_i32_1 : i32, i32, i32, i32
  }
  func.func @transform_1(%arg0: i32) -> (i32, i32, i32, i32) {
    %c1_i32 = arith.constant 1 : i32
    %c0_i32 = arith.constant 0 : i32
    %c0_i32_0 = arith.constant 0 : i32
    %c0_i32_1 = arith.constant 0 : i32
    return %c1_i32, %c0_i32, %arg0, %c0_i32_0 : i32, i32, i32, i32
  }
  func.func @transform_2(%arg0: i32) -> (i32, i32, i32, i32) {
    %c0_i32 = arith.constant 0 : i32
    %c1_i32 = arith.constant 1 : i32
    %c0_i32_0 = arith.constant 0 : i32
    %c0_i32_1 = arith.constant 0 : i32
    return %c0_i32, %c1_i32, %arg0, %c0_i32_0 : i32, i32, i32, i32
  }
  func.func @transform_3(%arg0: i32) -> (i32, i32, i32, i32) {
    %c1_i32 = arith.constant 1 : i32
    %c1_i32_0 = arith.constant 1 : i32
    %c0_i32 = arith.constant 0 : i32
    %c0_i32_1 = arith.constant 0 : i32
    return %c1_i32, %c1_i32_0, %arg0, %c0_i32 : i32, i32, i32, i32
  }
  func.func @transform_4(%arg0: i32) -> (i32, i32) {
    %c0_i32 = arith.constant 0 : i32
    %c0_i32_0 = arith.constant 0 : i32
    return %arg0, %c0_i32 : i32, i32
  }
  func.func @transform_5(%arg0: i32) -> (i32, i32, i32) {
    %c0_i32 = arith.constant 0 : i32
    %c0_i32_0 = arith.constant 0 : i32
    %c0_i32_1 = arith.constant 0 : i32
    return %c0_i32, %arg0, %c0_i32_0 : i32, i32, i32
  }
  func.func @transform_6(%arg0: i32) -> (i32, i32, i32) {
    %c1_i32 = arith.constant 1 : i32
    %c0_i32 = arith.constant 0 : i32
    %c0_i32_0 = arith.constant 0 : i32
    return %c1_i32, %arg0, %c0_i32 : i32, i32, i32
  }
  func.func @transform_7(%arg0: i32) -> (i32, i32) {
    %c0_i32 = arith.constant 0 : i32
    %c0_i32_0 = arith.constant 0 : i32
    %c0_i32_1 = arith.constant 0 : i32
    return %c0_i32, %c0_i32_0 : i32, i32
  }
  func.func @transform_8(%arg0: i32) -> (i32, i32) {
    %c0_i32 = arith.constant 0 : i32
    %c0_i32_0 = arith.constant 0 : i32
    %c0_i32_1 = arith.constant 0 : i32
    return %c0_i32, %c0_i32_0 : i32, i32
  }
  func.func @transform_9(%arg0: i32) -> (i32, i32) {
    %c0_i32 = arith.constant 0 : i32
    %c0_i32_0 = arith.constant 0 : i32
    return %arg0, %c0_i32 : i32, i32
  }
  func.func @transform_10(%arg0: i32) -> (i32, i32) {
    %c0_i32 = arith.constant 0 : i32
    %c0_i32_0 = arith.constant 0 : i32
    return %arg0, %c0_i32 : i32, i32
  }
  func.func @transform_11(%arg0: i32) -> (i32, i32) {
    %c0_i32 = arith.constant 0 : i32
    %c0_i32_0 = arith.constant 0 : i32
    return %arg0, %c0_i32 : i32, i32
  }
}

module attributes {stable_mosaic.version = 14 : i64} {
  func.func @_tc3_body(%arg0: i32, %arg1: memref<1x1x1024x64xf32, #tpu.memory_space<vmem>>, %arg2: memref<1x1x1024x64xf32, #tpu.memory_space<vmem>>, %arg3: memref<1x1x1024x64xf32, #tpu.memory_space<vmem>>, %arg4: memref<1x1x1024x64xf32, #tpu.memory_space<vmem>>, %arg5: memref<1024x128xf32, #tpu.memory_space<vmem>>, %arg6: memref<1x1024x16xf32, #tpu.memory_space<vmem>>, %arg7: memref<1x1024x16xf32, #tpu.memory_space<vmem>>, %arg8: memref<1x128xf32, #tpu.memory_space<vmem>>, %arg9: memref<1024x128xf32, #tpu.memory_space<vmem>>) attributes {dimension_semantics = [#tpu.dimension_semantics<arbitrary>], iteration_bounds = array<i64: 10>, scalar_prefetch = 0 : i64, scratch_operands = 0 : i64, tpu.core_type = #tpu.core_type<tc>, window_params = [{transform_indices = @transform_0, window_bounds = array<i64: 1, 1, 1024, 64>}, {transform_indices = @transform_1, window_bounds = array<i64: 1, 1, 1024, 64>}, {transform_indices = @transform_2, window_bounds = array<i64: 1, 1, 1024, 64>}, {transform_indices = @transform_3, window_bounds = array<i64: 1, 1, 1024, 64>}, {transform_indices = @transform_4, window_bounds = array<i64: 1024, 128>}, {transform_indices = @transform_5, window_bounds = array<i64: 1, 1024, 16>}, {transform_indices = @transform_6, window_bounds = array<i64: 1, 1024, 16>}, {pipeline_mode = #tpu.pipeline_mode<synchronous>, transform_indices = @transform_7, window_bounds = array<i64: 1, 128>}, {transform_indices = @transform_8, window_bounds = array<i64: 1024, 128>}]} {
    %get3A = arith.constant 0 : index
    %get3A_0 = arith.constant 0 : index
    %get3A_1 = arith.constant 0 : index
    %get3A_2 = vector.load %arg6[%get3A, %get3A_0, %get3A_1] : memref<1x1024x16xf32, #tpu.memory_space<vmem>>, vector<1x1024x1xf32>
    %get3A_3 = vector.shape_cast %get3A_2 : vector<1x1024x1xf32> to vector<1024x1xf32>
    %add3A = arith.constant 1.000000e+00 : f32
    %add3A_4 = vector.broadcast %add3A : f32 to vector<1024x1xf32>
    %add3A_5 = arith.addf %add3A_4, %get3A_3 : vector<1024x1xf32>
    %get3A_6 = arith.constant 0 : index
    %get3A_7 = arith.constant 0 : index
    %get3A_8 = arith.constant 0 : index
    %get3A_9 = vector.load %arg7[%get3A_6, %get3A_7, %get3A_8] : memref<1x1024x16xf32, #tpu.memory_space<vmem>>, vector<1x1024x1xf32>
    %get3A_10 = vector.shape_cast %get3A_9 : vector<1x1024x1xf32> to vector<1024x1xf32>
    %add3A_11 = arith.addf %add3A_5, %get3A_10 : vector<1024x1xf32>
    %rsqrt3A = math.rsqrt %add3A_11 : vector<1024x1xf32>
    %get3A_12 = arith.constant 0 : index
    %get3A_13 = arith.constant 0 : index
    %get3A_14 = arith.constant 0 : index
    %get3A_15 = arith.constant 0 : index
    %get3A_16 = vector.load %arg1[%get3A_12, %get3A_13, %get3A_14, %get3A_15] : memref<1x1x1024x64xf32, #tpu.memory_space<vmem>>, vector<1x1x1024x64xf32>
    %get3A_17 = vector.shape_cast %get3A_16 : vector<1x1x1024x64xf32> to vector<1024x64xf32>
    %get3A_18 = arith.constant 0 : index
    %get3A_19 = arith.constant 0 : index
    %get3A_20 = arith.constant 0 : index
    %get3A_21 = arith.constant 0 : index
    %get3A_22 = vector.load %arg2[%get3A_18, %get3A_19, %get3A_20, %get3A_21] : memref<1x1x1024x64xf32, #tpu.memory_space<vmem>>, vector<1x1x1024x64xf32>
    %get3A_23 = vector.shape_cast %get3A_22 : vector<1x1x1024x64xf32> to vector<1024x64xf32>
    %add3A_24 = arith.addf %get3A_17, %get3A_23 : vector<1024x64xf32>
    %get3A_25 = arith.constant 0 : index
    %get3A_26 = arith.constant 0 : index
    %get3A_27 = arith.constant 0 : index
    %get3A_28 = arith.constant 0 : index
    %get3A_29 = vector.load %arg3[%get3A_25, %get3A_26, %get3A_27, %get3A_28] : memref<1x1x1024x64xf32, #tpu.memory_space<vmem>>, vector<1x1x1024x64xf32>
    %get3A_30 = vector.shape_cast %get3A_29 : vector<1x1x1024x64xf32> to vector<1024x64xf32>
    %get3A_31 = arith.constant 0 : index
    %get3A_32 = arith.constant 0 : index
    %get3A_33 = arith.constant 0 : index
    %get3A_34 = arith.constant 0 : index
    %get3A_35 = vector.load %arg4[%get3A_31, %get3A_32, %get3A_33, %get3A_34] : memref<1x1x1024x64xf32, #tpu.memory_space<vmem>>, vector<1x1x1024x64xf32>
    %get3A_36 = vector.shape_cast %get3A_35 : vector<1x1x1024x64xf32> to vector<1024x64xf32>
    %add3A_37 = arith.addf %get3A_30, %get3A_36 : vector<1024x64xf32>
    %concatenate3A = tpu.concatenate %add3A_24, %add3A_37 in 1 : vector<1024x64xf32>, vector<1024x64xf32> -> vector<1024x128xf32>
    %mul3A = vector.broadcast %rsqrt3A : vector<1024x1xf32> to vector<1024x128xf32>
    %mul3A_38 = arith.mulf %mul3A, %concatenate3A : vector<1024x128xf32>
    %mul3A_39 = arith.mulf %rsqrt3A, %rsqrt3A : vector<1024x1xf32>
    %get3A_40 = arith.constant 0 : index
    %get3A_41 = arith.constant 0 : index
    %get3A_42 = vector.load %arg5[%get3A_40, %get3A_41] : memref<1024x128xf32, #tpu.memory_space<vmem>>, vector<1024x128xf32>
    %mul3A_43 = vector.broadcast %mul3A_39 : vector<1024x1xf32> to vector<1024x128xf32>
    %mul3A_44 = arith.mulf %mul3A_43, %get3A_42 : vector<1024x128xf32>
    %add3A_45 = arith.addf %mul3A_38, %mul3A_44 : vector<1024x128xf32>
    %get3A_46 = arith.constant 0 : index
    %get3A_47 = arith.constant 0 : index
    %get3A_48 = vector.load %arg8[%get3A_46, %get3A_47] : memref<1x128xf32, #tpu.memory_space<vmem>>, vector<1x128xf32>
    %add3A_49 = vector.broadcast %get3A_48 : vector<1x128xf32> to vector<1024x128xf32>
    %add3A_50 = arith.addf %add3A_45, %add3A_49 : vector<1024x128xf32>
    %swap3A = arith.constant 0 : index
    %swap3A_51 = arith.constant 0 : index
    %swap3A_52 = vector.load %arg9[%swap3A, %swap3A_51] : memref<1024x128xf32, #tpu.memory_space<vmem>>, vector<1024x128xf32>
    tpu.vector_store %arg9[%swap3A, %swap3A_51], %add3A_50 {strides = array<i32>} : memref<1024x128xf32, #tpu.memory_space<vmem>>, vector<1024x128xf32>,
    return
  }
  func.func @transform_0(%arg0: i32) -> (i32, i32, i32, i32) {
    %c0_i32 = arith.constant 0 : i32
    %c0_i32_0 = arith.constant 0 : i32
    %c0_i32_1 = arith.constant 0 : i32
    %c0_i32_2 = arith.constant 0 : i32
    return %c0_i32, %c0_i32_0, %arg0, %c0_i32_1 : i32, i32, i32, i32
  }
  func.func @transform_1(%arg0: i32) -> (i32, i32, i32, i32) {
    %c1_i32 = arith.constant 1 : i32
    %c0_i32 = arith.constant 0 : i32
    %c0_i32_0 = arith.constant 0 : i32
    %c0_i32_1 = arith.constant 0 : i32
    return %c1_i32, %c0_i32, %arg0, %c0_i32_0 : i32, i32, i32, i32
  }
  func.func @transform_2(%arg0: i32) -> (i32, i32, i32, i32) {
    %c0_i32 = arith.constant 0 : i32
    %c1_i32 = arith.constant 1 : i32
    %c0_i32_0 = arith.constant 0 : i32
    %c0_i32_1 = arith.constant 0 : i32
    return %c0_i32, %c1_i32, %arg0, %c0_i32_0 : i32, i32, i32, i32
  }
  func.func @transform_3(%arg0: i32) -> (i32, i32, i32, i32) {
    %c1_i32 = arith.constant 1 : i32
    %c1_i32_0 = arith.constant 1 : i32
    %c0_i32 = arith.constant 0 : i32
    %c0_i32_1 = arith.constant 0 : i32
    return %c1_i32, %c1_i32_0, %arg0, %c0_i32 : i32, i32, i32, i32
  }
  func.func @transform_4(%arg0: i32) -> (i32, i32) {
    %c0_i32 = arith.constant 0 : i32
    %c0_i32_0 = arith.constant 0 : i32
    return %arg0, %c0_i32 : i32, i32
  }
  func.func @transform_5(%arg0: i32) -> (i32, i32, i32) {
    %c0_i32 = arith.constant 0 : i32
    %c0_i32_0 = arith.constant 0 : i32
    %c0_i32_1 = arith.constant 0 : i32
    return %c0_i32, %arg0, %c0_i32_0 : i32, i32, i32
  }
  func.func @transform_6(%arg0: i32) -> (i32, i32, i32) {
    %c1_i32 = arith.constant 1 : i32
    %c0_i32 = arith.constant 0 : i32
    %c0_i32_0 = arith.constant 0 : i32
    return %c1_i32, %arg0, %c0_i32 : i32, i32, i32
  }
  func.func @transform_7(%arg0: i32) -> (i32, i32) {
    %c0_i32 = arith.constant 0 : i32
    %c0_i32_0 = arith.constant 0 : i32
    %c0_i32_1 = arith.constant 0 : i32
    return %c0_i32, %c0_i32_0 : i32, i32
  }
  func.func @transform_8(%arg0: i32) -> (i32, i32) {
    %c0_i32 = arith.constant 0 : i32
    %c0_i32_0 = arith.constant 0 : i32
    return %arg0, %c0_i32 : i32, i32
  }
}

</mosaic_0001>

<sc_bundles>
// kernel: kernel.11.cloned.1.call-start
scs
__scs_entry_jumppad:
0x0: {  	(pc) =	sbr.rel $0x88, $3  }
0x1: {  	(tag) =	ssettag $0x0;
	lr =	simm.s32 $0x1  }
0x2: {  	[smem:$0x3F9B] =	sst lr;
	_ =	strace $0xD0000000  }
0x3: {  	_ = 	snop  }
0x4: {  	_ = 	snop  }
0x5: {  	_ = 	snop  }
0x6: {  	_ = 	snop  }
0x7: {  	_ = 	snop  }
__scs_overlays_trampoline_lowered:
0x8: {  	[smem:$0x3FAA] =	sst s0  }
0x9: {  	[smem:$0x3FAB] =	sst s1  }
0xa: {  	[smem:$0x3FAC] =	sst s2  }
0xb: {  	[smem:$0x3FAD] =	sst s3  }
0xc: {  	[smem:$0x3FAE] =	sst s4  }
0xd: {  	[smem:$0x3FAF] =	sst s5  }
0xe: {  	[smem:$0x3FB0] =	sst s6  }
0xf: {  	[smem:$0x3FB1] =	sst s7  }
0x10: {  	[smem:$0x3FB2] =	sst s8  }
0x11: {  	[smem:$0x3FB3] =	sst s9;
	s0 =	simm.s32 @!p0 $0x0  }
0x12: {  	s1 =	sld [smem:$0x3F99];
	s0 =	simm.s32 @p0 $0x1  }
0x13: {  	[smem:$0x3FB4] =	sst s0;
	s0 =	simm.s32 @!p1 $0x0  }
0x14: {  	s2 =	sld [smem:$0x3F98];
	s0 =	simm.s32 @p1 $0x1  }
0x15: {  	[smem:$0x3FB5] =	sst s0;
	s0 =	simm.s32 @!p2 $0x0  }
0x16: {  	s3 =	sld [smem:$0x3FDB];
	s0 =	simm.s32 @p2 $0x1  }
0x17: {  	s4 =	simm.s32 $0x1BF5;
	[smem:$0x3FB7] =	sst s0  }
0x18: {  	s0 =	sld [smem:$0x3F9A];
	_ =	swait.ge [sflag:s4], $0x0  }
0x19: {  	s7 =	sld [smem:$0x3F9B]  }
0x1a: {  	s8 =	sadd.s32 $0xFFFFE003, lr  }
0x1b: {  	s9 =	sadd.s32 $0xFFFFFEF7, lr;
	s5 =	simm.s32 $0xFFFFFFFF;
	p2 =	slt.u32 s8, $0xFFFFF086  }
0x1c: {  	p1 =	slt.u32 s9, $0xF7A;
	s5 =	simm.s32 @!p2 $0x0  }
0x1d: {  	s5 =	simm.s32 @p1 $0x1;
	p0 =	seq.s32 s7, s2  }
0x1e: {  	s7 =	smul.u32 @!p0 $0xF7A, s2;
	p2 =	seq.s32 @!p0 s5, $0x0  }
0x1f: {  	s9 =	smul.u32 $0xF7A, s1;
	s8 =	simm.s32 @!p0 $0x1BF5;
	p2 =	por !p2, p0  }
0x20: {  	[sflag:s8] =	ssyncset.s32 @!p0 $0xFFFFF086;
	s6 =	sadd.s32 @!p0 s3, s7;
	s7 =	simm.s32 @!p0 $0x108  }
0x21: {  	s3 =	sadd.s32 s3, s9;
	s6 =	sadd.s32 @!p0 $0x88, s6;
	s7 =	simm.s32 @p2 $0x1082  }
0x22: {  	[simem:s7], [sflag:s8] =	dma.local @!p0 [hbm:s6], $0xF7A  }
0x23: {  	s9 =	sor.u32 $0xD0000000, s2;
	s6 =	simm.s32 $0x108;
	_ =	swait.ge @!p0 [sflag:s8], $0x0  }
0x24: {  	s3 =	sadd.s32 $0x88, s3;
	s6 =	simm.s32 @!p1 $0x1082;
	[sflag:s4] =	ssyncset.s32 $0xFFFFF086  }
0x25: {  	[simem:s6], [sflag:s4] =	dma.local [hbm:s3], $0xF7A  }
0x26: {  	[smem:$0x3F9B] =	sst s1;
	(tag) =	ssettag s2;
	_ =	strace s9  }
0x27: {  	s1 =	sld [smem:$0x3FAB]  }
0x28: {  	s2 =	sld [smem:$0x3FAC]  }
0x29: {  	s4 =	sld [smem:$0x3FAE]  }
0x2a: {  	p0 =	seq.s32 s5, $0x0;
	s5 =	sld [smem:$0x3FAF]  }
0x2b: {  	s6 =	sld [smem:$0x3FB0]  }
0x2c: {  	s7 =	sld [smem:$0x3FB1]  }
0x2d: {  	s3 =	simm.s32 $0x108;
	s8 =	sld [smem:$0x3FB2]  }
0x2e: {  	s3 =	simm.s32 @!p0 $0x1082;
	s9 =	sld [smem:$0x3FB3]  }
0x2f: {  	lr =	sadd.s32 s0, s3;
	s0 =	sld [smem:$0x3FAA]  }
0x30: {  	s3 =	sld [smem:$0x3FAD]  }
0x31: {  	[smem:$0x3FB6] =	sst s10  }
0x32: {  	s10 =	sld [smem:$0x3FB4];
	_ =	sdelay $0x3  }
0x33: {  	p0 =	seq.s32 s10, $0x1;
	s10 =	sld [smem:$0x3FB6];
	_ =	sdelay $0x3  }
0x34: {  	[smem:$0x3FB6] =	sst s10  }
0x35: {  	s10 =	sld [smem:$0x3FB5];
	_ =	sdelay $0x3  }
0x36: {  	p1 =	seq.s32 s10, $0x1;
	s10 =	sld [smem:$0x3FB6];
	_ =	sdelay $0x3  }
0x37: {  	[smem:$0x3FB6] =	sst s10  }
0x38: {  	s10 =	sld [smem:$0x3FB7]  }
0x39: {  	_ = 	snop;
	(pc) =	sbr.ind lr, $3  }
0x3a: {  	_ = 	snop  }
0x3b: {  	_ = 	snop  }
0x3c: {  	p2 =	seq.s32 s10, $0x1;
	s10 =	sld [smem:$0x3FB6]  }
0x3d: {  	_ =	shalt  }
0x3e: {  	_ =	shalt  }
0x3f: {  	_ =	shalt  }
0x40: {  	_ =	shalt  }
0x41: {  	_ =	shalt  }
0x42: {  	_ =	shalt  }
0x43: {  	_ =	shalt  }
0x44: {  	_ =	shalt  }
0x45: {  	_ =	shalt  }
0x46: {  	_ =	shalt  }
0x47: {  	_ =	shalt  }
0x48: {  	_ =	shalt  }
0x49: {  	_ =	shalt  }
0x4a: {  	_ =	shalt  }
0x4b: {  	_ =	shalt  }
0x4c: {  	_ =	shalt  }
0x4d: {  	_ =	shalt  }
0x4e: {  	_ =	shalt  }
0x4f: {  	_ =	shalt  }
0x50: {  	_ =	shalt  }
0x51: {  	_ =	shalt  }
0x52: {  	_ =	shalt  }
0x53: {  	_ =	shalt  }
0x54: {  	_ =	shalt  }
0x55: {  	_ =	shalt  }
0x56: {  	_ =	shalt  }
0x57: {  	_ =	shalt  }
0x58: {  	_ =	shalt  }
0x59: {  	_ =	shalt  }
0x5a: {  	_ =	shalt  }
0x5b: {  	_ =	shalt  }
0x5c: {  	_ =	shalt  }
0x5d: {  	_ =	shalt  }
0x5e: {  	_ =	shalt  }
0x5f: {  	_ =	shalt  }
0x60: {  	_ =	shalt  }
0x61: {  	_ =	shalt  }
0x62: {  	_ =	shalt  }
0x63: {  	_ =	shalt  }
0x64: {  	_ =	shalt  }
0x65: {  	_ =	shalt  }
0x66: {  	_ =	shalt  }
0x67: {  	_ =	shalt  }
0x68: {  	_ =	shalt  }
0x69: {  	_ =	shalt  }
0x6a: {  	_ =	shalt  }
0x6b: {  	_ =	shalt  }
0x6c: {  	_ =	shalt  }
0x6d: {  	_ =	shalt  }
0x6e: {  	_ =	shalt  }
0x6f: {  	_ =	shalt  }
0x70: {  	_ =	shalt  }
0x71: {  	_ =	shalt  }
0x72: {  	_ =	shalt  }
0x73: {  	_ =	shalt  }
0x74: {  	_ =	shalt  }
0x75: {  	_ =	shalt  }
0x76: {  	_ =	shalt  }
0x77: {  	_ =	shalt  }
0x78: {  	_ =	shalt  }
0x79: {  	_ =	shalt  }
0x7a: {  	_ =	shalt  }
0x7b: {  	_ =	shalt  }
0x7c: {  	_ =	shalt  }
0x7d: {  	_ =	shalt  }
0x7e: {  	_ =	shalt  }
0x7f: {  	_ =	shalt  }
0x80: {  	_ =	shalt  }
0x81: {  	_ =	shalt  }
0x82: {  	_ =	shalt  }
0x83: {  	_ =	shalt  }
0x84: {  	_ =	shalt  }
0x85: {  	_ =	shalt  }
0x86: {  	_ =	shalt  }
0x87: {  	_ =	shalt  }
.Lfunc_end0:
.L_simem_size_0:
called_computation.1_lowered:
.L_overlay_start_0:
0x88: {  	s2 =	sld [smem:$0x3FD9]  }
0x89: {  	s3 =	sld [smem:$0x3FFE];
	_ =	sdelay $0x1  }
0x8a: {  	s1 =	srdreg.scid  }
0x8b: {  	s0 =	sand.u32 $0x1, s1  }
0x8c: {  	s17 =	sshll.u32 s0, $0xA;
	s2 =	sadd.s32 s3, s2  }
0x8d: {  	s2 =	sadd.s32 s2, s17  }
0x8e: {  	[smem:$0x3FC2] =	sst s2  }
0x8f: {  	_ = 	snop  }
0x90: {  	s2 =	sld [smem:$0x3FD0];
	(tm) =	ssettm $0x1  }
0x91: {  	s18 =	sld [smem:$0x3FFB];
	_ =	sdelay $0x3  }
0x92: {  	_ =	strace s18  }
0x93: {  	s3 =	sld [smem:$0x3FFC];
	_ =	sdelay $0x3  }
0x94: {  	_ =	strace s3  }
0x95: {  	s3 =	sld [smem:$0x3FFD];
	_ =	sdelay $0x3  }
0x96: {  	_ =	strace s3  }
0x97: {  	_ =	strace $0x8FFFFFFF  }
0x98: {  	s19 =	sld [smem:$0x3FDB];
	_ =	sdelay $0x1  }
0x99: {  	s4 =	simm.s32 $_scs_section_size  }
0x9a: {  	s5 =	simm.s32 $_size__tile_overlayer_lowered;
	s6 =	simm.s32 $_tile_overlayer_lowered  }
0x9b: {  	s22 =	simm.s32 $0x1BFF;
	s21 =	sshll.u32 s6, $0x1;
	s3 =	sadd.s32 s4, s19  }
0x9c: {  	s7 =	simm.s32 $0x0;
	s20 =	sshll.u32 s5, $0x1;
	s5 =	sadd.s32 s21, s3  }
0x9d: {  	[timem:s7], [sflag:s22] =	dma.local [hbm:s5], s20  }
0x9e: {  	_ =	swait.ge [sflag:s22], s20  }
0x9f: {  	s4 =	ssub.s32 $0x0, s20;
	[sflag:s22] =	ssyncset.done $0x0  }
0xa0: {  	[sflag:s22] =	ssyncadd.s32 s4;
	_ =	sdelay $0x1  }
0xa1: {  	s23 =	simm.s32 $0x1B8B  }
0xa2: {  	_ =	swait.ge [sflag:s23], $0x1  }
0xa3: {  	[sflag:s23] =	ssyncset.done $0x0  }
0xa4: {  	s25 =	simm.s32 $0x1B8E;
	s24 =	sld [smem:$0x3FFE];
	[sflag:s23] =	ssyncadd.s32 $0xFFFFFFFF  }
0xa5: {  	s26 =	simm.s32 $execute0_lowered;
	[smem:$0x3FD2] =	sst s25  }
0xa6: {  	s5 =	sshll.u32 s26, $0x1;
	_ =	strace $0x80000049;
	[dreg:$0x1] =	wrdreg $0xFFFFFFFF  }
0xa7: {  	s28 =	simm.s32 $_size_execute0_lowered;
	s3 =	sadd.s32 s3, s5;
	[dreg:$0x0] =	wrdreg $0x0  }
0xa8: {  	s5 =	sshll.u32 s28, $0x1;
	[dreg:$0x2] =	wrdreg s3  }
0xa9: {  	[dreg:$0x3] =	wrdreg s5  }
0xaa: {  	[dreg:$0x4] =	wrdreg $0xC0  }
0xab: {  	_ =	task [dreg:s7], $0x5FFFF  }
0xac: {  	[dreg:$0x1] =	wrdreg $0xFFFFFFFF  }
0xad: {  	[dreg:$0x0] =	wrdreg $0x60  }
0xae: {  	[dreg:$0x2] =	wrdreg s2  }
0xaf: {  	[dreg:$0x3] =	wrdreg s24  }
0xb0: {  	[dreg:$0x4] =	wrdreg $0x131000  }
0xb1: {  	[dreg:$0x5] =	wrdreg $0x9  }
0xb2: {  	_ =	task.clear_ibuf [dreg:s7], $0x6FFFF;
	_ =	strace $0x90000049  }
0xb3: {  	s29 =	simm.s32 $0x9;
	_ =	strace $0x8000004B  }
0xb4: {  	_ =	swait.ge [sflag:s29], $0x1  }
0xb5: {  	[sflag:s29] =	ssyncadd.s32 $0xFFFFFFFF  }
0xb6: {  	_ =	strace $0x9000004B  }
0xb7: {  	_ =	sfence  }
0xb8: {  	s30 =	sld [smem:$0x0];
	_ =	sdelay $0x2  }
0xb9: {  	s31 =	sshll.u32 s1, $0xD;
	s1 =	sshrl.u32 s1, $0x2  }
0xba: {  	s3 =	sand.u32 $0x4000, s31;
	s1 =	sadd.s32 s1, s30  }
0xbb: {  	s0 =	sor.u32 s3, s0;
	s1 =	sshll.u32 s1, $0x11  }
0xbc: {  	s0 =	sor.u32 s1, s0  }
0xbd: {  	s0 =	sadd.s32 $0x8F2B, s0  }
0xbe: {  	[sflag:s0] =	ssyncadd.remote.s32 $0x1  }
0xbf: {  	_ =	sfence.sel $0xFFFF  }
0xc0: {  	[dreg:$0x0] =	wrdreg $0xFFFFFFFF;
	(pc) =	sbr.abs _section_cstart, $3  }
0xc1: {  	[dreg:$0x1] =	wrdreg $0xFFFFFFFF  }
0xc2: {  	_ =	task.clear_ibuf [dreg:s7], $0x2FFFF;
	_ =	strace $0x9FFFFFFF  }
0xc3: {  	(tm) =	ssettm $0x7FFFFFFF  }
tec
execute0_lowered:
.L_overlay_start_1:
0x0: {  	(tag) =	ssettag $0x1  }
0x1: {  	s1 =	rddreg [dreg:$0x0]  }
0x2: {  	s0 =	srdreg.scid;
	s6 =	rddreg [dreg:$0x1]  }
0x3: {  	s9 =	stileid.u32;
	s3 =	rddreg [dreg:$0x2];
	s4 =	simm.s32 $0x0  }
0x4: {  	s17 =	simm.s32 $0x5;
	s19 =	simm.s32 $0x11100;
	s20 =	simm.s32 $0x80  }
0x5: {  	s16 =	simm.s32 $0x100;
	s28 =	simm.s32 $0xD100;
	s29 =	simm.s32 $0xF100  }
0x6: {  	s30 =	simm.s32 $0x3;
	s31 =	simm.s32 $0x2;
	s18 =	simm.s32 $0x4F80  }
0x7: {  	s0 =	sand.u32 $0x1, s0;
	s2 =	sshll.u32 s9, $0x1;
	s7 =	smul.u32 $0xA000, s9  }
0x8: {  	[smem:$0x7FF] =	sst s4;
	s5 =	sadd.s32 $0x66A00, s6;
	s9 =	smul.u32 $0x28000, s9  }
0x9: {  	s10 =	sadd.s32 $0x7AA00, s6;
	s2 =	sor.u32 s0, s2;
	s8 =	smul.u32 $0x140000, s0  }
0xa: {  	_ =	strace $0x8000004A;
	s0 =	ssub.s32 $0x2, s0;
	[dreg:$0x4] =	wrdreg s10  }
0xb: {  	s2 =	smul.u32 $0x510, s2;
	s21 =	sshrl.u32 s0, $0x1;
	s22 =	sshrl.u32 s9, $0x2  }
0xc: {  	s9 =	sadd.s32 s7, s3;
	s8 =	sadd.s32 s7, s8;
	s0 =	ssub.s32 s0, s21  }
0xd: {  	s24 =	sadd.s32 s22, s3;
	s21 =	simm.s32 $0x5100;
	s22 =	simm.s32 $0x7100  }
0xe: {  	s7 =	simm.s32 $0x0;
	s2 =	sadd.s32 s2, s6;
	s8 =	sshrl.u32 s8, $0x3  }
0xf: {  	s10 =	sadd.s32 $0x2000, s24;
	s11 =	sadd.s32 $0x4000, s24;
	s12 =	sadd.s32 $0x6000, s24  }
0x10: {  	s13 =	sadd.s32 $0x8000, s24;
	s0 =	smax.u32 s0, $0x1;
	s24 =	simm.s32 $0x9100  }
0x11: {  	s6 =	sadd.s32 s8, s6;
	s23 =	sadd.s32 $0x2600, s2;
	[dreg:$0x9] =	wrdreg s0  }
0x12: {  	s2 =	sadd.s32 $0xC800, s2;
	s0 =	simm.s32 $0x5000;
	[dreg:$0x5] =	wrdreg s23  }
0x13: {  	[dreg:$0x6] =	wrdreg s2;
	s25 =	sadd.s32 $0x7AE00, s6;
	s26 =	sadd.s32 $0x8EE00, s6  }
0x14: {  	s2 =	simm.s32 $0x4;
	s6 =	simm.s32 $0x5080;
	[dreg:$0x7] =	wrdreg s25  }
0x15: {  	[dreg:$0x8] =	wrdreg s26;
	s25 =	simm.s32 $0x1;
	s26 =	simm.s32 $0xB100  }
.LBB2_1:
0x16: {  	s8 =	rddreg [dreg:$0x5]  }
0x17: {  	[tilespmem:s4], [sflag:$0x5] =	stream.linear.gather [hbm4b:s8+s4], $0x2880, $0x38;
	[tilespmem:$0x1D100] =	vst v63  }
0x18: {  	_ =	swait.ge [sflag:s17], $0x2880  }
0x19: {  	[sflag:s17] =	ssyncset.done $0x0  }
0x1a: {  	s14 =	simm.s32 $0x2880;
	s15 =	rddreg [dreg:$0x6];
	[sflag:s17] =	ssyncadd.s32 $0xFFFFD780  }
0x1b: {  	[tilespmem:s14], [sflag:$0x5] =	stream.linear.gather [hbm4b:s15+s4], $0x2880, $0x38;
	[tilespmem:$0x1D100] =	vst v63  }
0x1c: {  	_ =	swait.ge [sflag:s17], $0x2880  }
0x1d: {  	[sflag:s17] =	ssyncset.done $0x0  }
0x1e: {  	s23 =	rddreg [dreg:$0x4];
	[sflag:s17] =	ssyncadd.s32 $0xFFFFD780  }
0x1f: {  	[tilespmem:s19], [sflag:$0x5] =	stream.linear.gather [hbm4b:s23+s4], $0x2000, $0x38;
	[tilespmem:$0x1D100] =	vst v63  }
0x20: {  	_ =	swait.ge [sflag:s17], $0x2000  }
0x21: {  	[sflag:s17] =	ssyncset.done $0x0  }
0x22: {  	[sflag:s17] =	ssyncadd.s32 $0xFFFFE000  }
0x23: {  	[spmem:s9] =	stream.linear.scatter [tilespmem:s19], [sflag:$0x5], $0x2000, $0x38;
	[tilespmem:$0x1D100] =	vst v63  }
0x24: {  	_ =	swait.ge [sflag:s17], $0x2000  }
0x25: {  	[sflag:s17] =	ssyncset.done $0x0  }
0x26: {  	[sflag:s17] =	ssyncadd.s32 $0xFFFFE000  }
0x27: {  	[spmem:s10] =	stream.linear.scatter [tilespmem:s19], [sflag:$0x5], $0x2000, $0x38;
	[tilespmem:$0x1D100] =	vst v63  }
0x28: {  	_ =	swait.ge [sflag:s17], $0x2000  }
0x29: {  	[sflag:s17] =	ssyncset.done $0x0  }
0x2a: {  	[sflag:s17] =	ssyncadd.s32 $0xFFFFE000  }
0x2b: {  	[spmem:s11] =	stream.linear.scatter [tilespmem:s19], [sflag:$0x5], $0x2000, $0x38;
	[tilespmem:$0x1D100] =	vst v63  }
0x2c: {  	_ =	swait.ge [sflag:s17], $0x2000  }
0x2d: {  	[sflag:s17] =	ssyncset.done $0x0  }
0x2e: {  	[sflag:s17] =	ssyncadd.s32 $0xFFFFE000  }
0x2f: {  	[spmem:s12] =	stream.linear.scatter [tilespmem:s19], [sflag:$0x5], $0x2000, $0x38;
	[tilespmem:$0x1D100] =	vst v63  }
0x30: {  	_ =	swait.ge [sflag:s17], $0x2000  }
0x31: {  	[sflag:s17] =	ssyncset.done $0x0  }
0x32: {  	[sflag:s17] =	ssyncadd.s32 $0xFFFFE000  }
0x33: {  	[spmem:s13] =	stream.linear.scatter [tilespmem:s19], [sflag:$0x5], $0x2000, $0x38;
	[tilespmem:$0x1D100] =	vst v63  }
0x34: {  	_ =	swait.ge [sflag:s17], $0x2000  }
0x35: {  	[sflag:s17] =	ssyncset.done $0x0  }
0x36: {  	[sflag:s17] =	ssyncadd.s32 $0xFFFFE000  }
0x37: {  	[bflag:$0x0] =	sbarrier.arrive $0xFFFF  }
0x38: {  	[tilespmem:s21], [sflag:$0x1] =	stream.indirect.gather [hbm4b:s1+s20], $0x40, s4, s20, $0xb8;
	[tilespmem:$0x1D100] =	vst v63  }
0x39: {  	_ = 	snop  }
0x3a: {  	[tilespmem:s22], [sflag:$0x1] =	stream.indirect.gather [hbm4b:s1+s20], $0x40, s20, s20, $0xb8;
	[tilespmem:$0x1D100] =	vst v63  }
0x3b: {  	_ = 	snop  }
0x3c: {  	[tilespmem:s24], [sflag:$0x1] =	stream.indirect.gather [hbm4b:s1+s20], $0x40, s16, s20, $0xb8;
	[tilespmem:$0x1D100] =	vst v63  }
0x3d: {  	_ =	swait.ge [sflag:s25], $0x2000  }
0x3e: {  	[sflag:s25] =	ssyncset.done $0x0  }
0x3f: {  	[sflag:s25] =	ssyncadd.s32 $0xFFFFE000  }
0x40: {  	_ =	swait.ge [sflag:s25], $0x2000  }
0x41: {  	[sflag:s25] =	ssyncset.done $0x0  }
0x42: {  	[sflag:s25] =	ssyncadd.s32 $0xFFFFE000  }
0x43: {  	_ =	swait.ge [sflag:s25], $0x2000  }
0x44: {  	[sflag:s25] =	ssyncset.done $0x0  }
0x45: {  	s14 =	simm.s32 $0x180;
	[sflag:s25] =	ssyncadd.s32 $0xFFFFE000  }
0x46: {  	[tilespmem:s26], [sflag:$0x2] =	stream.indirect.gather [hbm4b:s1+s20], $0x40, s14, s20, $0xb8;
	[tilespmem:$0x1D100] =	vst v63  }
0x47: {  	s15 =	simm.s32 $0x200  }
0x48: {  	[tilespmem:s28], [sflag:$0x2] =	stream.indirect.gather [hbm4b:s1+s20], $0x40, s15, s20, $0xb8;
	[tilespmem:$0x1D100] =	vst v63  }
0x49: {  	s23 =	simm.s32 $0x280  }
0x4a: {  	[tilespmem:s29], [sflag:$0x2] =	stream.indirect.gather [hbm4b:s1+s20], $0x40, s23, s20, $0xb8;
	[tilespmem:$0x1D100] =	vst v63  }
0x4b: {  	s14 =	simm.s32 $0x2880  }
0x4c: {  	[spmem:s3] =	stream.indirect.scatter.add.f32 [tilespmem:s21], [sflag:$0x3], $0x40, s14, s20, $0xb8;
	[tilespmem:$0x1D100] =	vst v63  }
0x4d: {  	s15 =	simm.s32 $0x2900  }
0x4e: {  	[spmem:s3] =	stream.indirect.scatter.add.f32 [tilespmem:s22], [sflag:$0x3], $0x40, s15, s20, $0xb8;
	[tilespmem:$0x1D100] =	vst v63  }
0x4f: {  	s23 =	simm.s32 $0x2980  }
0x50: {  	[spmem:s3] =	stream.indirect.scatter.add.f32 [tilespmem:s24], [sflag:$0x3], $0x40, s23, s20, $0xb8;
	[tilespmem:$0x1D100] =	vst v63  }
0x51: {  	_ =	swait.ge [sflag:s30], $0x2000  }
0x52: {  	[sflag:s30] =	ssyncset.done $0x0  }
0x53: {  	[sflag:s30] =	ssyncadd.s32 $0xFFFFE000  }
0x54: {  	_ =	swait.ge [sflag:s30], $0x2000  }
0x55: {  	[sflag:s30] =	ssyncset.done $0x0  }
0x56: {  	[sflag:s30] =	ssyncadd.s32 $0xFFFFE000  }
0x57: {  	_ =	swait.ge [sflag:s30], $0x2000  }
0x58: {  	[sflag:s30] =	ssyncset.done $0x0  }
0x59: {  	[sflag:s30] =	ssyncadd.s32 $0xFFFFE000  }
0x5a: {  	_ =	swait.ge [sflag:s31], $0x2000  }
0x5b: {  	[sflag:s31] =	ssyncset.done $0x0  }
0x5c: {  	[sflag:s31] =	ssyncadd.s32 $0xFFFFE000  }
0x5d: {  	_ =	swait.ge [sflag:s31], $0x2000  }
0x5e: {  	[sflag:s31] =	ssyncset.done $0x0  }
0x5f: {  	[sflag:s31] =	ssyncadd.s32 $0xFFFFE000  }
0x60: {  	_ =	swait.ge [sflag:s31], $0x2000  }
0x61: {  	[sflag:s31] =	ssyncset.done $0x0  }
0x62: {  	s14 =	simm.s32 $0x300;
	[sflag:s31] =	ssyncadd.s32 $0xFFFFE000  }
0x63: {  	[tilespmem:s21], [sflag:$0x1] =	stream.indirect.gather [hbm4b:s1+s20], $0x40, s14, s20, $0xb8;
	[tilespmem:$0x1D100] =	vst v63  }
0x64: {  	s15 =	simm.s32 $0x380  }
0x65: {  	[tilespmem:s22], [sflag:$0x1] =	stream.indirect.gather [hbm4b:s1+s20], $0x40, s15, s20, $0xb8;
	[tilespmem:$0x1D100] =	vst v63  }
0x66: {  	s23 =	simm.s32 $0x400  }
0x67: {  	[tilespmem:s24], [sflag:$0x1] =	stream.indirect.gather [hbm4b:s1+s20], $0x40, s23, s20, $0xb8;
	[tilespmem:$0x1D100] =	vst v63  }
0x68: {  	s14 =	simm.s32 $0x2A00  }
0x69: {  	[spmem:s3] =	stream.indirect.scatter.add.f32 [tilespmem:s26], [sflag:$0x4], $0x40, s14, s20, $0xb8;
	[tilespmem:$0x1D100] =	vst v63  }
0x6a: {  	s15 =	simm.s32 $0x2A80  }
0x6b: {  	[spmem:s3] =	stream.indirect.scatter.add.f32 [tilespmem:s28], [sflag:$0x4], $0x40, s15, s20, $0xb8;
	[tilespmem:$0x1D100] =	vst v63  }
0x6c: {  	s23 =	simm.s32 $0x2B00  }
0x6d: {  	[spmem:s3] =	stream.indirect.scatter.add.f32 [tilespmem:s29], [sflag:$0x4], $0x40, s23, s20, $0xb8;
	[tilespmem:$0x1D100] =	vst v63  }
0x6e: {  	_ =	swait.ge [sflag:s2], $0x2000  }
0x6f: {  	[sflag:s2] =	ssyncset.done $0x0  }
0x70: {  	[sflag:s2] =	ssyncadd.s32 $0xFFFFE000  }
0x71: {  	_ =	swait.ge [sflag:s2], $0x2000  }
0x72: {  	[sflag:s2] =	ssyncset.done $0x0  }
0x73: {  	[sflag:s2] =	ssyncadd.s32 $0xFFFFE000  }
0x74: {  	_ =	swait.ge [sflag:s2], $0x2000  }
0x75: {  	s8 =	simm.s32 $0xC00;
	[sflag:s2] =	ssyncset.done $0x0  }
.LBB2_2:
0x76: {  	p0 =	sne.s32 s8, $0x9000  }
0x77: {  	[sflag:s2] =	ssyncadd.s32 $0xFFFFE000;
	s14 =	smov.u32 s8;
	s8 =	sadd.s32 $0xC00, s8  }
0x78: {  	_ =	swait.ge [sflag:s25], $0x2000  }
0x79: {  	[sflag:s25] =	ssyncset.done $0x0  }
0x7a: {  	[sflag:s25] =	ssyncadd.s32 $0xFFFFE000  }
0x7b: {  	_ =	swait.ge [sflag:s25], $0x2000  }
0x7c: {  	[sflag:s25] =	ssyncset.done $0x0  }
0x7d: {  	[sflag:s25] =	ssyncadd.s32 $0xFFFFE000  }
0x7e: {  	_ =	swait.ge [sflag:s25], $0x2000  }
0x7f: {  	s14 =	sshra.s32 s14, $0x2;
	[sflag:s25] =	ssyncset.done $0x0  }
0x80: {  	s15 =	sadd.s32 $0x180, s14;
	[sflag:s25] =	ssyncadd.s32 $0xFFFFE000  }
0x81: {  	[tilespmem:s26], [sflag:$0x2] =	stream.indirect.gather [hbm4b:s1+s20], $0x40, s15, s20, $0xb8;
	[tilespmem:$0x1D100] =	vst v63  }
0x82: {  	s15 =	sadd.s32 $0x200, s14  }
0x83: {  	[tilespmem:s28], [sflag:$0x2] =	stream.indirect.gather [hbm4b:s1+s20], $0x40, s15, s20, $0xb8;
	[tilespmem:$0x1D100] =	vst v63  }
0x84: {  	s15 =	sadd.s32 $0x280, s14  }
0x85: {  	[tilespmem:s29], [sflag:$0x2] =	stream.indirect.gather [hbm4b:s1+s20], $0x40, s15, s20, $0xb8;
	[tilespmem:$0x1D100] =	vst v63  }
0x86: {  	s15 =	sadd.s32 $0x2880, s14  }
0x87: {  	[spmem:s3] =	stream.indirect.scatter.add.f32 [tilespmem:s21], [sflag:$0x3], $0x40, s15, s20, $0xb8;
	[tilespmem:$0x1D100] =	vst v63  }
0x88: {  	s15 =	sadd.s32 $0x2900, s14  }
0x89: {  	[spmem:s3] =	stream.indirect.scatter.add.f32 [tilespmem:s22], [sflag:$0x3], $0x40, s15, s20, $0xb8;
	[tilespmem:$0x1D100] =	vst v63  }
0x8a: {  	s15 =	sadd.s32 $0x2980, s14  }
0x8b: {  	[spmem:s3] =	stream.indirect.scatter.add.f32 [tilespmem:s24], [sflag:$0x3], $0x40, s15, s20, $0xb8;
	[tilespmem:$0x1D100] =	vst v63  }
0x8c: {  	_ =	swait.ge [sflag:s30], $0x2000  }
0x8d: {  	[sflag:s30] =	ssyncset.done $0x0  }
0x8e: {  	[sflag:s30] =	ssyncadd.s32 $0xFFFFE000  }
0x8f: {  	_ =	swait.ge [sflag:s30], $0x2000  }
0x90: {  	[sflag:s30] =	ssyncset.done $0x0  }
0x91: {  	[sflag:s30] =	ssyncadd.s32 $0xFFFFE000  }
0x92: {  	_ =	swait.ge [sflag:s30], $0x2000  }
0x93: {  	[sflag:s30] =	ssyncset.done $0x0  }
0x94: {  	[sflag:s30] =	ssyncadd.s32 $0xFFFFE000  }
0x95: {  	_ =	swait.ge [sflag:s31], $0x2000  }
0x96: {  	[sflag:s31] =	ssyncset.done $0x0  }
0x97: {  	[sflag:s31] =	ssyncadd.s32 $0xFFFFE000  }
0x98: {  	_ =	swait.ge [sflag:s31], $0x2000  }
0x99: {  	[sflag:s31] =	ssyncset.done $0x0  }
0x9a: {  	[sflag:s31] =	ssyncadd.s32 $0xFFFFE000  }
0x9b: {  	_ =	swait.ge [sflag:s31], $0x2000  }
0x9c: {  	[sflag:s31] =	ssyncset.done $0x0  }
0x9d: {  	s15 =	sadd.s32 $0x300, s14;
	[sflag:s31] =	ssyncadd.s32 $0xFFFFE000  }
0x9e: {  	[tilespmem:s21], [sflag:$0x1] =	stream.indirect.gather [hbm4b:s1+s20], $0x40, s15, s20, $0xb8;
	[tilespmem:$0x1D100] =	vst v63  }
0x9f: {  	s15 =	sadd.s32 $0x380, s14  }
0xa0: {  	[tilespmem:s22], [sflag:$0x1] =	stream.indirect.gather [hbm4b:s1+s20], $0x40, s15, s20, $0xb8;
	[tilespmem:$0x1D100] =	vst v63  }
0xa1: {  	s15 =	sadd.s32 $0x400, s14  }
0xa2: {  	[tilespmem:s24], [sflag:$0x1] =	stream.indirect.gather [hbm4b:s1+s20], $0x40, s15, s20, $0xb8;
	[tilespmem:$0x1D100] =	vst v63  }
0xa3: {  	s15 =	sadd.s32 $0x2A00, s14  }
0xa4: {  	[spmem:s3] =	stream.indirect.scatter.add.f32 [tilespmem:s26], [sflag:$0x4], $0x40, s15, s20, $0xb8;
	[tilespmem:$0x1D100] =	vst v63  }
0xa5: {  	s15 =	sadd.s32 $0x2A80, s14  }
0xa6: {  	[spmem:s3] =	stream.indirect.scatter.add.f32 [tilespmem:s28], [sflag:$0x4], $0x40, s15, s20, $0xb8;
	[tilespmem:$0x1D100] =	vst v63  }
0xa7: {  	s14 =	sadd.s32 $0x2B00, s14  }
0xa8: {  	[spmem:s3] =	stream.indirect.scatter.add.f32 [tilespmem:s29], [sflag:$0x4], $0x40, s14, s20, $0xb8;
	[tilespmem:$0x1D100] =	vst v63  }
0xa9: {  	_ =	swait.ge [sflag:s2], $0x2000  }
0xaa: {  	[sflag:s2] =	ssyncset.done $0x0  }
0xab: {  	[sflag:s2] =	ssyncadd.s32 $0xFFFFE000  }
.Ltmp0:
0xac: {  	_ =	swait.ge [sflag:s2], $0x2000;
	(pc) =	sbr.rel @p0 .LBB2_2-.Ltmp0, $4  }
0xad: {  	[sflag:s2] =	ssyncset.done $0x0  }
0xae: {  	[sflag:s2] =	ssyncadd.s32 $0xFFFFE000  }
0xaf: {  	_ =	swait.ge [sflag:s2], $0x2000  }
0xb0: {  	[sflag:s2] =	ssyncset.done $0x0  }
0xb1: {  	[sflag:s2] =	ssyncadd.s32 $0xFFFFE000  }
0xb2: {  	_ =	swait.ge [sflag:s25], $0x2000  }
0xb3: {  	[sflag:s25] =	ssyncset.done $0x0  }
0xb4: {  	[sflag:s25] =	ssyncadd.s32 $0xFFFFE000  }
0xb5: {  	_ =	swait.ge [sflag:s25], $0x2000  }
0xb6: {  	[sflag:s25] =	ssyncset.done $0x0  }
0xb7: {  	[sflag:s25] =	ssyncadd.s32 $0xFFFFE000  }
0xb8: {  	_ =	swait.ge [sflag:s25], $0x2000  }
0xb9: {  	[sflag:s25] =	ssyncset.done $0x0  }
0xba: {  	[sflag:s25] =	ssyncadd.s32 $0xFFFFE000  }
0xbb: {  	[spmem:s3] =	stream.indirect.scatter.add.f32 [tilespmem:s21], [sflag:$0x3], $0x40, s18, s20, $0xb8;
	[tilespmem:$0x1D100] =	vst v63  }
0xbc: {  	_ = 	snop  }
0xbd: {  	[spmem:s3] =	stream.indirect.scatter.add.f32 [tilespmem:s22], [sflag:$0x3], $0x40, s0, s20, $0xb8;
	[tilespmem:$0x1D100] =	vst v63  }
0xbe: {  	_ = 	snop  }
0xbf: {  	[spmem:s3] =	stream.indirect.scatter.add.f32 [tilespmem:s24], [sflag:$0x3], $0x40, s6, s20, $0xb8;
	[tilespmem:$0x1D100] =	vst v63  }
0xc0: {  	_ =	swait.ge [sflag:s30], $0x2000  }
0xc1: {  	[sflag:s30] =	ssyncset.done $0x0  }
0xc2: {  	[sflag:s30] =	ssyncadd.s32 $0xFFFFE000  }
0xc3: {  	_ =	swait.ge [sflag:s30], $0x2000  }
0xc4: {  	[sflag:s30] =	ssyncset.done $0x0  }
0xc5: {  	[sflag:s30] =	ssyncadd.s32 $0xFFFFE000  }
0xc6: {  	_ =	swait.ge [sflag:s30], $0x2000  }
0xc7: {  	[sflag:s30] =	ssyncset.done $0x0  }
0xc8: {  	s8 =	stileid.u32;
	[sflag:s30] =	ssyncadd.s32 $0xFFFFE000  }
0xc9: {  	s8 =	sshll.u32 s8, $0x6;
	[bflag:$0x0] =	sbarrier.arrive $0xFFFF  }
0xca: {  	s14 =	sshrl.u32 s9, $0x3;
	s8 =	sor.u32 $0x1C05, s8;
	s15 =	rddreg [dreg:$0x7]  }
0xcb: {  	[hbm:s15], [sflag:s8] =	dma.local [spmem:s14], $0x1400  }
0xcc: {  	_ =	swait.ge [sflag:s17], $0x1400  }
0xcd: {  	[sflag:s17] =	ssyncset.done $0x0  }
0xce: {  	[sflag:s17] =	ssyncadd.s32 $0xFFFFEC00  }
0xcf: {  	[spmem:s9] =	stream.linear.scatter [tilespmem:s19], [sflag:$0x5], $0x2000, $0x38;
	[tilespmem:$0x1D100] =	vst v63  }
0xd0: {  	_ =	swait.ge [sflag:s17], $0x2000  }
0xd1: {  	[sflag:s17] =	ssyncset.done $0x0  }
0xd2: {  	[sflag:s17] =	ssyncadd.s32 $0xFFFFE000  }
0xd3: {  	[spmem:s10] =	stream.linear.scatter [tilespmem:s19], [sflag:$0x5], $0x2000, $0x38;
	[tilespmem:$0x1D100] =	vst v63  }
0xd4: {  	_ =	swait.ge [sflag:s17], $0x2000  }
0xd5: {  	[sflag:s17] =	ssyncset.done $0x0  }
0xd6: {  	[sflag:s17] =	ssyncadd.s32 $0xFFFFE000  }
0xd7: {  	[spmem:s11] =	stream.linear.scatter [tilespmem:s19], [sflag:$0x5], $0x2000, $0x38;
	[tilespmem:$0x1D100] =	vst v63  }
0xd8: {  	_ =	swait.ge [sflag:s17], $0x2000  }
0xd9: {  	[sflag:s17] =	ssyncset.done $0x0  }
0xda: {  	[sflag:s17] =	ssyncadd.s32 $0xFFFFE000  }
0xdb: {  	[spmem:s12] =	stream.linear.scatter [tilespmem:s19], [sflag:$0x5], $0x2000, $0x38;
	[tilespmem:$0x1D100] =	vst v63  }
0xdc: {  	_ =	swait.ge [sflag:s17], $0x2000  }
0xdd: {  	[sflag:s17] =	ssyncset.done $0x0  }
0xde: {  	[sflag:s17] =	ssyncadd.s32 $0xFFFFE000  }
0xdf: {  	[spmem:s13] =	stream.linear.scatter [tilespmem:s19], [sflag:$0x5], $0x2000, $0x38;
	[tilespmem:$0x1D100] =	vst v63  }
0xe0: {  	_ =	swait.ge [sflag:s17], $0x2000  }
0xe1: {  	[sflag:s17] =	ssyncset.done $0x0  }
0xe2: {  	[sflag:s17] =	ssyncadd.s32 $0xFFFFE000  }
0xe3: {  	s23 =	simm.s32 $0x0;
	[bflag:$0x0] =	sbarrier.arrive $0xFFFF  }
0xe4: {  	[tilespmem:s21], [sflag:$0x1] =	stream.indirect.gather [hbm4b:s5+s20], $0x40, s23, s20, $0xb8;
	[tilespmem:$0x1D100] =	vst v63  }
0xe5: {  	_ = 	snop  }
0xe6: {  	[tilespmem:s22], [sflag:$0x1] =	stream.indirect.gather [hbm4b:s5+s20], $0x40, s20, s20, $0xb8;
	[tilespmem:$0x1D100] =	vst v63  }
0xe7: {  	_ = 	snop  }
0xe8: {  	[tilespmem:s24], [sflag:$0x1] =	stream.indirect.gather [hbm4b:s5+s20], $0x40, s16, s20, $0xb8;
	[tilespmem:$0x1D100] =	vst v63  }
0xe9: {  	_ =	swait.ge [sflag:s25], $0x2000  }
0xea: {  	[sflag:s25] =	ssyncset.done $0x0  }
0xeb: {  	[sflag:s25] =	ssyncadd.s32 $0xFFFFE000  }
0xec: {  	_ =	swait.ge [sflag:s25], $0x2000  }
0xed: {  	[sflag:s25] =	ssyncset.done $0x0  }
0xee: {  	[sflag:s25] =	ssyncadd.s32 $0xFFFFE000  }
0xef: {  	_ =	swait.ge [sflag:s25], $0x2000  }
0xf0: {  	[sflag:s25] =	ssyncset.done $0x0  }
0xf1: {  	s16 =	simm.s32 $0x180;
	[sflag:s25] =	ssyncadd.s32 $0xFFFFE000  }
0xf2: {  	[tilespmem:s26], [sflag:$0x2] =	stream.indirect.gather [hbm4b:s5+s20], $0x40, s16, s20, $0xb8;
	[tilespmem:$0x1D100] =	vst v63  }
0xf3: {  	s23 =	simm.s32 $0x200  }
0xf4: {  	[tilespmem:s28], [sflag:$0x2] =	stream.indirect.gather [hbm4b:s5+s20], $0x40, s23, s20, $0xb8;
	[tilespmem:$0x1D100] =	vst v63  }
0xf5: {  	s16 =	simm.s32 $0x280  }
0xf6: {  	[tilespmem:s29], [sflag:$0x2] =	stream.indirect.gather [hbm4b:s5+s20], $0x40, s16, s20, $0xb8;
	[tilespmem:$0x1D100] =	vst v63  }
0xf7: {  	s23 =	simm.s32 $0x2880  }
0xf8: {  	[spmem:s3] =	stream.indirect.scatter.add.f32 [tilespmem:s21], [sflag:$0x3], $0x40, s23, s20, $0xb8;
	[tilespmem:$0x1D100] =	vst v63  }
0xf9: {  	s16 =	simm.s32 $0x2900  }
0xfa: {  	[spmem:s3] =	stream.indirect.scatter.add.f32 [tilespmem:s22], [sflag:$0x3], $0x40, s16, s20, $0xb8;
	[tilespmem:$0x1D100] =	vst v63  }
0xfb: {  	s23 =	simm.s32 $0x2980  }
0xfc: {  	[spmem:s3] =	stream.indirect.scatter.add.f32 [tilespmem:s24], [sflag:$0x3], $0x40, s23, s20, $0xb8;
	[tilespmem:$0x1D100] =	vst v63  }
0xfd: {  	_ =	swait.ge [sflag:s30], $0x2000  }
0xfe: {  	[sflag:s30] =	ssyncset.done $0x0  }
0xff: {  	[sflag:s30] =	ssyncadd.s32 $0xFFFFE000  }
0x100: {  	_ =	swait.ge [sflag:s30], $0x2000  }
0x101: {  	[sflag:s30] =	ssyncset.done $0x0  }
0x102: {  	[sflag:s30] =	ssyncadd.s32 $0xFFFFE000  }
0x103: {  	_ =	swait.ge [sflag:s30], $0x2000  }
0x104: {  	[sflag:s30] =	ssyncset.done $0x0  }
0x105: {  	[sflag:s30] =	ssyncadd.s32 $0xFFFFE000  }
0x106: {  	_ =	swait.ge [sflag:s31], $0x2000  }
0x107: {  	[sflag:s31] =	ssyncset.done $0x0  }
0x108: {  	[sflag:s31] =	ssyncadd.s32 $0xFFFFE000  }
0x109: {  	_ =	swait.ge [sflag:s31], $0x2000  }
0x10a: {  	[sflag:s31] =	ssyncset.done $0x0  }
0x10b: {  	[sflag:s31] =	ssyncadd.s32 $0xFFFFE000  }
0x10c: {  	_ =	swait.ge [sflag:s31], $0x2000  }
0x10d: {  	[sflag:s31] =	ssyncset.done $0x0  }
0x10e: {  	s16 =	simm.s32 $0x300;
	[sflag:s31] =	ssyncadd.s32 $0xFFFFE000  }
0x10f: {  	[tilespmem:s21], [sflag:$0x1] =	stream.indirect.gather [hbm4b:s5+s20], $0x40, s16, s20, $0xb8;
	[tilespmem:$0x1D100] =	vst v63  }
0x110: {  	s23 =	simm.s32 $0x380  }
0x111: {  	[tilespmem:s22], [sflag:$0x1] =	stream.indirect.gather [hbm4b:s5+s20], $0x40, s23, s20, $0xb8;
	[tilespmem:$0x1D100] =	vst v63  }
0x112: {  	s16 =	simm.s32 $0x400  }
0x113: {  	[tilespmem:s24], [sflag:$0x1] =	stream.indirect.gather [hbm4b:s5+s20], $0x40, s16, s20, $0xb8;
	[tilespmem:$0x1D100] =	vst v63  }
0x114: {  	s23 =	simm.s32 $0x2A00  }
0x115: {  	[spmem:s3] =	stream.indirect.scatter.add.f32 [tilespmem:s26], [sflag:$0x4], $0x40, s23, s20, $0xb8;
	[tilespmem:$0x1D100] =	vst v63  }
0x116: {  	s16 =	simm.s32 $0x2A80  }
0x117: {  	[spmem:s3] =	stream.indirect.scatter.add.f32 [tilespmem:s28], [sflag:$0x4], $0x40, s16, s20, $0xb8;
	[tilespmem:$0x1D100] =	vst v63  }
0x118: {  	s23 =	simm.s32 $0x2B00  }
0x119: {  	[spmem:s3] =	stream.indirect.scatter.add.f32 [tilespmem:s29], [sflag:$0x4], $0x40, s23, s20, $0xb8;
	[tilespmem:$0x1D100] =	vst v63  }
0x11a: {  	_ =	swait.ge [sflag:s2], $0x2000  }
0x11b: {  	[sflag:s2] =	ssyncset.done $0x0  }
0x11c: {  	[sflag:s2] =	ssyncadd.s32 $0xFFFFE000  }
0x11d: {  	_ =	swait.ge [sflag:s2], $0x2000  }
0x11e: {  	[sflag:s2] =	ssyncset.done $0x0  }
0x11f: {  	[sflag:s2] =	ssyncadd.s32 $0xFFFFE000  }
0x120: {  	_ =	swait.ge [sflag:s2], $0x2000  }
0x121: {  	s23 =	simm.s32 $0xC00;
	[sflag:s2] =	ssyncset.done $0x0  }
.LBB2_4:
0x122: {  	p0 =	sne.s32 s23, $0x9000  }
0x123: {  	[sflag:s2] =	ssyncadd.s32 $0xFFFFE000;
	s15 =	smov.u32 s23;
	s23 =	sadd.s32 $0xC00, s23  }
0x124: {  	_ =	swait.ge [sflag:s25], $0x2000  }
0x125: {  	[sflag:s25] =	ssyncset.done $0x0  }
0x126: {  	[sflag:s25] =	ssyncadd.s32 $0xFFFFE000  }
0x127: {  	_ =	swait.ge [sflag:s25], $0x2000  }
0x128: {  	[sflag:s25] =	ssyncset.done $0x0  }
0x129: {  	[sflag:s25] =	ssyncadd.s32 $0xFFFFE000  }
0x12a: {  	_ =	swait.ge [sflag:s25], $0x2000  }
0x12b: {  	s15 =	sshra.s32 s15, $0x2;
	[sflag:s25] =	ssyncset.done $0x0  }
0x12c: {  	s16 =	sadd.s32 $0x180, s15;
	[sflag:s25] =	ssyncadd.s32 $0xFFFFE000  }
0x12d: {  	[tilespmem:s26], [sflag:$0x2] =	stream.indirect.gather [hbm4b:s5+s20], $0x40, s16, s20, $0xb8;
	[tilespmem:$0x1D100] =	vst v63  }
0x12e: {  	s16 =	sadd.s32 $0x200, s15  }
0x12f: {  	[tilespmem:s28], [sflag:$0x2] =	stream.indirect.gather [hbm4b:s5+s20], $0x40, s16, s20, $0xb8;
	[tilespmem:$0x1D100] =	vst v63  }
0x130: {  	s16 =	sadd.s32 $0x280, s15  }
0x131: {  	[tilespmem:s29], [sflag:$0x2] =	stream.indirect.gather [hbm4b:s5+s20], $0x40, s16, s20, $0xb8;
	[tilespmem:$0x1D100] =	vst v63  }
0x132: {  	s16 =	sadd.s32 $0x2880, s15  }
0x133: {  	[spmem:s3] =	stream.indirect.scatter.add.f32 [tilespmem:s21], [sflag:$0x3], $0x40, s16, s20, $0xb8;
	[tilespmem:$0x1D100] =	vst v63  }
0x134: {  	s16 =	sadd.s32 $0x2900, s15  }
0x135: {  	[spmem:s3] =	stream.indirect.scatter.add.f32 [tilespmem:s22], [sflag:$0x3], $0x40, s16, s20, $0xb8;
	[tilespmem:$0x1D100] =	vst v63  }
0x136: {  	s16 =	sadd.s32 $0x2980, s15  }
0x137: {  	[spmem:s3] =	stream.indirect.scatter.add.f32 [tilespmem:s24], [sflag:$0x3], $0x40, s16, s20, $0xb8;
	[tilespmem:$0x1D100] =	vst v63  }
0x138: {  	_ =	swait.ge [sflag:s30], $0x2000  }
0x139: {  	[sflag:s30] =	ssyncset.done $0x0  }
0x13a: {  	[sflag:s30] =	ssyncadd.s32 $0xFFFFE000  }
0x13b: {  	_ =	swait.ge [sflag:s30], $0x2000  }
0x13c: {  	[sflag:s30] =	ssyncset.done $0x0  }
0x13d: {  	[sflag:s30] =	ssyncadd.s32 $0xFFFFE000  }
0x13e: {  	_ =	swait.ge [sflag:s30], $0x2000  }
0x13f: {  	[sflag:s30] =	ssyncset.done $0x0  }
0x140: {  	[sflag:s30] =	ssyncadd.s32 $0xFFFFE000  }
0x141: {  	_ =	swait.ge [sflag:s31], $0x2000  }
0x142: {  	[sflag:s31] =	ssyncset.done $0x0  }
0x143: {  	[sflag:s31] =	ssyncadd.s32 $0xFFFFE000  }
0x144: {  	_ =	swait.ge [sflag:s31], $0x2000  }
0x145: {  	[sflag:s31] =	ssyncset.done $0x0  }
0x146: {  	[sflag:s31] =	ssyncadd.s32 $0xFFFFE000  }
0x147: {  	_ =	swait.ge [sflag:s31], $0x2000  }
0x148: {  	[sflag:s31] =	ssyncset.done $0x0  }
0x149: {  	s16 =	sadd.s32 $0x300, s15;
	[sflag:s31] =	ssyncadd.s32 $0xFFFFE000  }
0x14a: {  	[tilespmem:s21], [sflag:$0x1] =	stream.indirect.gather [hbm4b:s5+s20], $0x40, s16, s20, $0xb8;
	[tilespmem:$0x1D100] =	vst v63  }
0x14b: {  	s16 =	sadd.s32 $0x380, s15  }
0x14c: {  	[tilespmem:s22], [sflag:$0x1] =	stream.indirect.gather [hbm4b:s5+s20], $0x40, s16, s20, $0xb8;
	[tilespmem:$0x1D100] =	vst v63  }
0x14d: {  	s16 =	sadd.s32 $0x400, s15  }
0x14e: {  	[tilespmem:s24], [sflag:$0x1] =	stream.indirect.gather [hbm4b:s5+s20], $0x40, s16, s20, $0xb8;
	[tilespmem:$0x1D100] =	vst v63  }
0x14f: {  	s16 =	sadd.s32 $0x2A00, s15  }
0x150: {  	[spmem:s3] =	stream.indirect.scatter.add.f32 [tilespmem:s26], [sflag:$0x4], $0x40, s16, s20, $0xb8;
	[tilespmem:$0x1D100] =	vst v63  }
0x151: {  	s16 =	sadd.s32 $0x2A80, s15  }
0x152: {  	[spmem:s3] =	stream.indirect.scatter.add.f32 [tilespmem:s28], [sflag:$0x4], $0x40, s16, s20, $0xb8;
	[tilespmem:$0x1D100] =	vst v63  }
0x153: {  	s15 =	sadd.s32 $0x2B00, s15  }
0x154: {  	[spmem:s3] =	stream.indirect.scatter.add.f32 [tilespmem:s29], [sflag:$0x4], $0x40, s15, s20, $0xb8;
	[tilespmem:$0x1D100] =	vst v63  }
0x155: {  	_ =	swait.ge [sflag:s2], $0x2000  }
0x156: {  	[sflag:s2] =	ssyncset.done $0x0  }
0x157: {  	[sflag:s2] =	ssyncadd.s32 $0xFFFFE000  }
.Ltmp1:
0x158: {  	_ =	swait.ge [sflag:s2], $0x2000;
	(pc) =	sbr.rel @p0 .LBB2_4-.Ltmp1, $4  }
0x159: {  	[sflag:s2] =	ssyncset.done $0x0  }
0x15a: {  	[sflag:s2] =	ssyncadd.s32 $0xFFFFE000  }
0x15b: {  	_ =	swait.ge [sflag:s2], $0x2000  }
0x15c: {  	[sflag:s2] =	ssyncset.done $0x0  }
0x15d: {  	[sflag:s2] =	ssyncadd.s32 $0xFFFFE000  }
0x15e: {  	_ =	swait.ge [sflag:s25], $0x2000  }
0x15f: {  	[sflag:s25] =	ssyncset.done $0x0  }
0x160: {  	[sflag:s25] =	ssyncadd.s32 $0xFFFFE000  }
0x161: {  	_ =	swait.ge [sflag:s25], $0x2000  }
0x162: {  	[sflag:s25] =	ssyncset.done $0x0  }
0x163: {  	[sflag:s25] =	ssyncadd.s32 $0xFFFFE000  }
0x164: {  	_ =	swait.ge [sflag:s25], $0x2000  }
0x165: {  	[sflag:s25] =	ssyncset.done $0x0  }
0x166: {  	[sflag:s25] =	ssyncadd.s32 $0xFFFFE000  }
0x167: {  	[spmem:s3] =	stream.indirect.scatter.add.f32 [tilespmem:s21], [sflag:$0x3], $0x40, s18, s20, $0xb8;
	[tilespmem:$0x1D100] =	vst v63  }
0x168: {  	_ = 	snop  }
0x169: {  	[spmem:s3] =	stream.indirect.scatter.add.f32 [tilespmem:s22], [sflag:$0x3], $0x40, s0, s20, $0xb8;
	[tilespmem:$0x1D100] =	vst v63  }
0x16a: {  	_ = 	snop  }
0x16b: {  	[spmem:s3] =	stream.indirect.scatter.add.f32 [tilespmem:s24], [sflag:$0x3], $0x40, s6, s20, $0xb8;
	[tilespmem:$0x1D100] =	vst v63  }
0x16c: {  	_ =	swait.ge [sflag:s30], $0x2000  }
0x16d: {  	[sflag:s30] =	ssyncset.done $0x0  }
0x16e: {  	[sflag:s30] =	ssyncadd.s32 $0xFFFFE000  }
0x16f: {  	_ =	swait.ge [sflag:s30], $0x2000  }
0x170: {  	[sflag:s30] =	ssyncset.done $0x0  }
0x171: {  	[sflag:s30] =	ssyncadd.s32 $0xFFFFE000  }
0x172: {  	_ =	swait.ge [sflag:s30], $0x2000  }
0x173: {  	[sflag:s30] =	ssyncset.done $0x0  }
0x174: {  	[sflag:s30] =	ssyncadd.s32 $0xFFFFE000  }
0x175: {  	[bflag:$0x0] =	sbarrier.arrive $0xFFFF  }
0x176: {  	s15 =	rddreg [dreg:$0x8]  }
0x177: {  	[hbm:s15], [sflag:s8] =	dma.local [spmem:s14], $0x1400  }
0x178: {  	_ =	swait.ge [sflag:s17], $0x1400  }
0x179: {  	s7 =	sadd.s32 $0x1, s7;
	s23 =	rddreg [dreg:$0x9]  }
0x17a: {  	p0 =	sne.s32 s7, s23  }
.Ltmp2:
0x17b: {  	_ = 	snop;
	(pc) =	sbr.rel @p0 .LBB2_1-.Ltmp2, $3  }
0x17c: {  	_ =	sdelay $0x1  }
0x17d: {  	[sflag:s17] =	ssyncset.done $0x0  }
0x17e: {  	s16 =	simm.s32 $0x100;
	[sflag:s17] =	ssyncadd.s32 $0xFFFFEC00  }
0x17f: {  	_ =	sfence.sel $0x180000  }
0x180: {  	[bflag:$0x0] =	sbarrier.arrive $0xFFFF  }
0x181: {  	_ =	strace $0x9000004A  }
0x182: {  	s0 =	stileid.u32;
	[bflag:$0x2] =	sbarrier.arrive $0xFFFF  }
0x183: {  	p0 =	sne.s32 s0, $0x0;
	s0 =	rddreg [dreg:$0x3]  }
0x184: {  	s0 =	sadd.s32 @!p0 $0x100000, s0  }
0x185: {  	[sflag:s0] =	ssyncadd.tile.s32 @!p0 $0x1;
	_ =	shalt  }
.Lfunc_end2:
_tile_overlayer_lowered:
.L_overlay_start_2:
0x186: {  	(tag) =	ssettag $0x2  }
0x187: {  	s0 =	rddreg [dreg:$0x0];
	s2 =	stileid.u32  }
0x188: {  	s1 =	rddreg [dreg:$0x1];
	p0 =	sne.s32 s2, $0x0  }
0x189: {  	s3 =	rddreg [dreg:$0x2];
	[bflag:$0x3] =	sbarrier.arrive $0xFFFF;
	s2 =	simm.s32 @!p0 $0x1C05  }
0x18a: {  	[timem:s3], [sflag:s2] =	dma.local @!p0 [hbm:s0], s1  }
0x18b: {  	s0 =	simm.s32 @!p0 $0x5  }
0x18c: {  	_ =	swait.ge @!p0 [sflag:s0], s1  }
0x18d: {  	s1 =	ssub.s32 @!p0 $0x0, s1;
	[sflag:s0] =	ssyncset.done @!p0 $0x0  }
0x18e: {  	[sflag:s0] =	ssyncadd.s32 @!p0 s1  }
0x18f: {  	[bflag:$0x3] =	sbarrier.arrive $0xFFFF  }
0x190: {  	_ =	shalt  }

// kernel: kernel.14.cloned.1.call-start
scs
__scs_entry_jumppad:
0x0: {  	(pc) =	sbr.rel $0x88, $3  }
0x1: {  	(tag) =	ssettag $0x0;
	lr =	simm.s32 $0x1  }
0x2: {  	[smem:$0x3F9B] =	sst lr;
	_ =	strace $0xD0000000  }
0x3: {  	_ = 	snop  }
0x4: {  	_ = 	snop  }
0x5: {  	_ = 	snop  }
0x6: {  	_ = 	snop  }
0x7: {  	_ = 	snop  }
__scs_overlays_trampoline_lowered:
0x8: {  	[smem:$0x3FAA] =	sst s0  }
0x9: {  	[smem:$0x3FAB] =	sst s1  }
0xa: {  	[smem:$0x3FAC] =	sst s2  }
0xb: {  	[smem:$0x3FAD] =	sst s3  }
0xc: {  	[smem:$0x3FAE] =	sst s4  }
0xd: {  	[smem:$0x3FAF] =	sst s5  }
0xe: {  	[smem:$0x3FB0] =	sst s6  }
0xf: {  	[smem:$0x3FB1] =	sst s7  }
0x10: {  	[smem:$0x3FB2] =	sst s8  }
0x11: {  	[smem:$0x3FB3] =	sst s9;
	s0 =	simm.s32 @!p0 $0x0  }
0x12: {  	s1 =	sld [smem:$0x3F99];
	s0 =	simm.s32 @p0 $0x1  }
0x13: {  	[smem:$0x3FB4] =	sst s0;
	s0 =	simm.s32 @!p1 $0x0  }
0x14: {  	s2 =	sld [smem:$0x3F98];
	s0 =	simm.s32 @p1 $0x1  }
0x15: {  	[smem:$0x3FB5] =	sst s0;
	s0 =	simm.s32 @!p2 $0x0  }
0x16: {  	s3 =	sld [smem:$0x3FDB];
	s0 =	simm.s32 @p2 $0x1  }
0x17: {  	s4 =	simm.s32 $0x1BF5;
	[smem:$0x3FB7] =	sst s0  }
0x18: {  	s0 =	sld [smem:$0x3F9A];
	_ =	swait.ge [sflag:s4], $0x0  }
0x19: {  	s7 =	sld [smem:$0x3F9B]  }
0x1a: {  	s8 =	sadd.s32 $0xFFFFE003, lr  }
0x1b: {  	s9 =	sadd.s32 $0xFFFFFEF7, lr;
	s5 =	simm.s32 $0xFFFFFFFF;
	p2 =	slt.u32 s8, $0xFFFFF086  }
0x1c: {  	p1 =	slt.u32 s9, $0xF7A;
	s5 =	simm.s32 @!p2 $0x0  }
0x1d: {  	s5 =	simm.s32 @p1 $0x1;
	p0 =	seq.s32 s7, s2  }
0x1e: {  	s7 =	smul.u32 @!p0 $0xF7A, s2;
	p2 =	seq.s32 @!p0 s5, $0x0  }
0x1f: {  	s9 =	smul.u32 $0xF7A, s1;
	s8 =	simm.s32 @!p0 $0x1BF5;
	p2 =	por !p2, p0  }
0x20: {  	[sflag:s8] =	ssyncset.s32 @!p0 $0xFFFFF086;
	s6 =	sadd.s32 @!p0 s3, s7;
	s7 =	simm.s32 @!p0 $0x108  }
0x21: {  	s3 =	sadd.s32 s3, s9;
	s6 =	sadd.s32 @!p0 $0x88, s6;
	s7 =	simm.s32 @p2 $0x1082  }
0x22: {  	[simem:s7], [sflag:s8] =	dma.local @!p0 [hbm:s6], $0xF7A  }
0x23: {  	s9 =	sor.u32 $0xD0000000, s2;
	s6 =	simm.s32 $0x108;
	_ =	swait.ge @!p0 [sflag:s8], $0x0  }
0x24: {  	s3 =	sadd.s32 $0x88, s3;
	s6 =	simm.s32 @!p1 $0x1082;
	[sflag:s4] =	ssyncset.s32 $0xFFFFF086  }
0x25: {  	[simem:s6], [sflag:s4] =	dma.local [hbm:s3], $0xF7A  }
0x26: {  	[smem:$0x3F9B] =	sst s1;
	(tag) =	ssettag s2;
	_ =	strace s9  }
0x27: {  	s1 =	sld [smem:$0x3FAB]  }
0x28: {  	s2 =	sld [smem:$0x3FAC]  }
0x29: {  	s4 =	sld [smem:$0x3FAE]  }
0x2a: {  	p0 =	seq.s32 s5, $0x0;
	s5 =	sld [smem:$0x3FAF]  }
0x2b: {  	s6 =	sld [smem:$0x3FB0]  }
0x2c: {  	s7 =	sld [smem:$0x3FB1]  }
0x2d: {  	s3 =	simm.s32 $0x108;
	s8 =	sld [smem:$0x3FB2]  }
0x2e: {  	s3 =	simm.s32 @!p0 $0x1082;
	s9 =	sld [smem:$0x3FB3]  }
0x2f: {  	lr =	sadd.s32 s0, s3;
	s0 =	sld [smem:$0x3FAA]  }
0x30: {  	s3 =	sld [smem:$0x3FAD]  }
0x31: {  	[smem:$0x3FB6] =	sst s10  }
0x32: {  	s10 =	sld [smem:$0x3FB4];
	_ =	sdelay $0x3  }
0x33: {  	p0 =	seq.s32 s10, $0x1;
	s10 =	sld [smem:$0x3FB6];
	_ =	sdelay $0x3  }
0x34: {  	[smem:$0x3FB6] =	sst s10  }
0x35: {  	s10 =	sld [smem:$0x3FB5];
	_ =	sdelay $0x3  }
0x36: {  	p1 =	seq.s32 s10, $0x1;
	s10 =	sld [smem:$0x3FB6];
	_ =	sdelay $0x3  }
0x37: {  	[smem:$0x3FB6] =	sst s10  }
0x38: {  	s10 =	sld [smem:$0x3FB7]  }
0x39: {  	_ = 	snop;
	(pc) =	sbr.ind lr, $3  }
0x3a: {  	_ = 	snop  }
0x3b: {  	_ = 	snop  }
0x3c: {  	p2 =	seq.s32 s10, $0x1;
	s10 =	sld [smem:$0x3FB6]  }
0x3d: {  	_ =	shalt  }
0x3e: {  	_ =	shalt  }
0x3f: {  	_ =	shalt  }
0x40: {  	_ =	shalt  }
0x41: {  	_ =	shalt  }
0x42: {  	_ =	shalt  }
0x43: {  	_ =	shalt  }
0x44: {  	_ =	shalt  }
0x45: {  	_ =	shalt  }
0x46: {  	_ =	shalt  }
0x47: {  	_ =	shalt  }
0x48: {  	_ =	shalt  }
0x49: {  	_ =	shalt  }
0x4a: {  	_ =	shalt  }
0x4b: {  	_ =	shalt  }
0x4c: {  	_ =	shalt  }
0x4d: {  	_ =	shalt  }
0x4e: {  	_ =	shalt  }
0x4f: {  	_ =	shalt  }
0x50: {  	_ =	shalt  }
0x51: {  	_ =	shalt  }
0x52: {  	_ =	shalt  }
0x53: {  	_ =	shalt  }
0x54: {  	_ =	shalt  }
0x55: {  	_ =	shalt  }
0x56: {  	_ =	shalt  }
0x57: {  	_ =	shalt  }
0x58: {  	_ =	shalt  }
0x59: {  	_ =	shalt  }
0x5a: {  	_ =	shalt  }
0x5b: {  	_ =	shalt  }
0x5c: {  	_ =	shalt  }
0x5d: {  	_ =	shalt  }
0x5e: {  	_ =	shalt  }
0x5f: {  	_ =	shalt  }
0x60: {  	_ =	shalt  }
0x61: {  	_ =	shalt  }
0x62: {  	_ =	shalt  }
0x63: {  	_ =	shalt  }
0x64: {  	_ =	shalt  }
0x65: {  	_ =	shalt  }
0x66: {  	_ =	shalt  }
0x67: {  	_ =	shalt  }
0x68: {  	_ =	shalt  }
0x69: {  	_ =	shalt  }
0x6a: {  	_ =	shalt  }
0x6b: {  	_ =	shalt  }
0x6c: {  	_ =	shalt  }
0x6d: {  	_ =	shalt  }
0x6e: {  	_ =	shalt  }
0x6f: {  	_ =	shalt  }
0x70: {  	_ =	shalt  }
0x71: {  	_ =	shalt  }
0x72: {  	_ =	shalt  }
0x73: {  	_ =	shalt  }
0x74: {  	_ =	shalt  }
0x75: {  	_ =	shalt  }
0x76: {  	_ =	shalt  }
0x77: {  	_ =	shalt  }
0x78: {  	_ =	shalt  }
0x79: {  	_ =	shalt  }
0x7a: {  	_ =	shalt  }
0x7b: {  	_ =	shalt  }
0x7c: {  	_ =	shalt  }
0x7d: {  	_ =	shalt  }
0x7e: {  	_ =	shalt  }
0x7f: {  	_ =	shalt  }
0x80: {  	_ =	shalt  }
0x81: {  	_ =	shalt  }
0x82: {  	_ =	shalt  }
0x83: {  	_ =	shalt  }
0x84: {  	_ =	shalt  }
0x85: {  	_ =	shalt  }
0x86: {  	_ =	shalt  }
0x87: {  	_ =	shalt  }
.Lfunc_end0:
.L_simem_size_0:
called_computation.2_lowered:
.L_overlay_start_0:
0x88: {  	s2 =	sld [smem:$0x3FD9]  }
0x89: {  	s3 =	sld [smem:$0x3FFE];
	_ =	sdelay $0x1  }
0x8a: {  	s1 =	srdreg.scid  }
0x8b: {  	s0 =	sand.u32 $0x1, s1  }
0x8c: {  	s17 =	sshll.u32 s0, $0xA;
	s2 =	sadd.s32 s3, s2  }
0x8d: {  	s2 =	sadd.s32 s2, s17  }
0x8e: {  	[smem:$0x3FC2] =	sst s2  }
0x8f: {  	_ = 	snop  }
0x90: {  	s2 =	sld [smem:$0x3FD0];
	(tm) =	ssettm $0x1  }
0x91: {  	s18 =	sld [smem:$0x3FFB];
	_ =	sdelay $0x3  }
0x92: {  	_ =	strace s18  }
0x93: {  	s3 =	sld [smem:$0x3FFC];
	_ =	sdelay $0x3  }
0x94: {  	_ =	strace s3  }
0x95: {  	s3 =	sld [smem:$0x3FFD];
	_ =	sdelay $0x3  }
0x96: {  	_ =	strace s3  }
0x97: {  	_ =	strace $0x8FFFFFFF  }
0x98: {  	s19 =	sld [smem:$0x3FDB];
	_ =	sdelay $0x1  }
0x99: {  	s4 =	simm.s32 $_scs_section_size  }
0x9a: {  	s5 =	simm.s32 $_size__tile_overlayer_lowered;
	s6 =	simm.s32 $_tile_overlayer_lowered  }
0x9b: {  	s22 =	simm.s32 $0x1BFF;
	s21 =	sshll.u32 s6, $0x1;
	s3 =	sadd.s32 s4, s19  }
0x9c: {  	s7 =	simm.s32 $0x0;
	s20 =	sshll.u32 s5, $0x1;
	s5 =	sadd.s32 s21, s3  }
0x9d: {  	[timem:s7], [sflag:s22] =	dma.local [hbm:s5], s20  }
0x9e: {  	_ =	swait.ge [sflag:s22], s20  }
0x9f: {  	s4 =	ssub.s32 $0x0, s20;
	[sflag:s22] =	ssyncset.done $0x0  }
0xa0: {  	[sflag:s22] =	ssyncadd.s32 s4;
	_ =	sdelay $0x1  }
0xa1: {  	s23 =	simm.s32 $0x1B8B  }
0xa2: {  	_ =	swait.ge [sflag:s23], $0x1  }
0xa3: {  	[sflag:s23] =	ssyncset.done $0x0  }
0xa4: {  	s25 =	simm.s32 $0x1B8E;
	s24 =	sld [smem:$0x3FFE];
	[sflag:s23] =	ssyncadd.s32 $0xFFFFFFFF  }
0xa5: {  	s26 =	simm.s32 $execute0_lowered;
	[smem:$0x3FD2] =	sst s25  }
0xa6: {  	s5 =	sshll.u32 s26, $0x1;
	_ =	strace $0x8000004C;
	[dreg:$0x1] =	wrdreg $0xFFFFFFFF  }
0xa7: {  	s28 =	simm.s32 $_size_execute0_lowered;
	s3 =	sadd.s32 s3, s5;
	[dreg:$0x0] =	wrdreg $0x0  }
0xa8: {  	s5 =	sshll.u32 s28, $0x1;
	[dreg:$0x2] =	wrdreg s3  }
0xa9: {  	[dreg:$0x3] =	wrdreg s5  }
0xaa: {  	[dreg:$0x4] =	wrdreg $0xC0  }
0xab: {  	_ =	task [dreg:s7], $0x5FFFF  }
0xac: {  	[dreg:$0x1] =	wrdreg $0xFFFFFFFF  }
0xad: {  	[dreg:$0x0] =	wrdreg $0x60  }
0xae: {  	[dreg:$0x2] =	wrdreg s2  }
0xaf: {  	[dreg:$0x3] =	wrdreg s24  }
0xb0: {  	[dreg:$0x4] =	wrdreg $0x131000  }
0xb1: {  	[dreg:$0x5] =	wrdreg $0x9  }
0xb2: {  	_ =	task.clear_ibuf [dreg:s7], $0x6FFFF;
	_ =	strace $0x9000004C  }
0xb3: {  	s29 =	simm.s32 $0x9;
	_ =	strace $0x8000004E  }
0xb4: {  	_ =	swait.ge [sflag:s29], $0x1  }
0xb5: {  	[sflag:s29] =	ssyncadd.s32 $0xFFFFFFFF  }
0xb6: {  	_ =	strace $0x9000004E  }
0xb7: {  	_ =	sfence  }
0xb8: {  	s30 =	sld [smem:$0x0];
	_ =	sdelay $0x2  }
0xb9: {  	s31 =	sshll.u32 s1, $0xD;
	s1 =	sshrl.u32 s1, $0x2  }
0xba: {  	s3 =	sand.u32 $0x4000, s31;
	s1 =	sadd.s32 s1, s30  }
0xbb: {  	s0 =	sor.u32 s3, s0;
	s1 =	sshll.u32 s1, $0x11  }
0xbc: {  	s0 =	sor.u32 s1, s0  }
0xbd: {  	s0 =	sadd.s32 $0x8F2B, s0  }
0xbe: {  	[sflag:s0] =	ssyncadd.remote.s32 $0x1  }
0xbf: {  	_ =	sfence.sel $0xFFFF  }
0xc0: {  	[dreg:$0x0] =	wrdreg $0xFFFFFFFF;
	(pc) =	sbr.abs _section_cstart, $3  }
0xc1: {  	[dreg:$0x1] =	wrdreg $0xFFFFFFFF  }
0xc2: {  	_ =	task.clear_ibuf [dreg:s7], $0x2FFFF;
	_ =	strace $0x9FFFFFFF  }
0xc3: {  	(tm) =	ssettm $0x7FFFFFFF  }
tec
execute0_lowered:
.L_overlay_start_1:
0x0: {  	(tag) =	ssettag $0x1  }
0x1: {  	s1 =	rddreg [dreg:$0x0]  }
0x2: {  	s0 =	srdreg.scid;
	s6 =	rddreg [dreg:$0x1]  }
0x3: {  	s9 =	stileid.u32;
	s3 =	rddreg [dreg:$0x2];
	s4 =	simm.s32 $0x0  }
0x4: {  	s17 =	simm.s32 $0x5;
	s19 =	simm.s32 $0x11100;
	s20 =	simm.s32 $0x80  }
0x5: {  	s16 =	simm.s32 $0x100;
	s28 =	simm.s32 $0xD100;
	s29 =	simm.s32 $0xF100  }
0x6: {  	s30 =	simm.s32 $0x3;
	s31 =	simm.s32 $0x2;
	s18 =	simm.s32 $0x4F80  }
0x7: {  	s0 =	sand.u32 $0x1, s0;
	s2 =	sshll.u32 s9, $0x1;
	s7 =	smul.u32 $0xA000, s9  }
0x8: {  	[smem:$0x7FF] =	sst s4;
	s5 =	sadd.s32 $0x66A00, s6;
	s9 =	smul.u32 $0x28000, s9  }
0x9: {  	s10 =	sadd.s32 $0x7AA00, s6;
	s2 =	sor.u32 s0, s2;
	s8 =	smul.u32 $0x140000, s0  }
0xa: {  	_ =	strace $0x8000004D;
	s0 =	ssub.s32 $0x2, s0;
	[dreg:$0x4] =	wrdreg s10  }
0xb: {  	s2 =	smul.u32 $0x510, s2;
	s21 =	sshrl.u32 s0, $0x1;
	s22 =	sshrl.u32 s9, $0x2  }
0xc: {  	s9 =	sadd.s32 s7, s3;
	s8 =	sadd.s32 s7, s8;
	s0 =	ssub.s32 s0, s21  }
0xd: {  	s24 =	sadd.s32 s22, s3;
	s21 =	simm.s32 $0x5100;
	s22 =	simm.s32 $0x7100  }
0xe: {  	s7 =	simm.s32 $0x0;
	s2 =	sadd.s32 s2, s6;
	s8 =	sshrl.u32 s8, $0x3  }
0xf: {  	s10 =	sadd.s32 $0x2000, s24;
	s11 =	sadd.s32 $0x4000, s24;
	s12 =	sadd.s32 $0x6000, s24  }
0x10: {  	s13 =	sadd.s32 $0x8000, s24;
	s0 =	smax.u32 s0, $0x1;
	s24 =	simm.s32 $0x9100  }
0x11: {  	s6 =	sadd.s32 s8, s6;
	s23 =	sadd.s32 $0x2600, s2;
	[dreg:$0x9] =	wrdreg s0  }
0x12: {  	s2 =	sadd.s32 $0xC800, s2;
	s0 =	simm.s32 $0x5000;
	[dreg:$0x5] =	wrdreg s23  }
0x13: {  	[dreg:$0x6] =	wrdreg s2;
	s25 =	sadd.s32 $0x7AE00, s6;
	s26 =	sadd.s32 $0x8EE00, s6  }
0x14: {  	s2 =	simm.s32 $0x4;
	s6 =	simm.s32 $0x5080;
	[dreg:$0x7] =	wrdreg s25  }
0x15: {  	[dreg:$0x8] =	wrdreg s26;
	s25 =	simm.s32 $0x1;
	s26 =	simm.s32 $0xB100  }
.LBB2_1:
0x16: {  	s8 =	rddreg [dreg:$0x5]  }
0x17: {  	[tilespmem:s4], [sflag:$0x5] =	stream.linear.gather [hbm4b:s8+s4], $0x2880, $0x38;
	[tilespmem:$0x1D100] =	vst v63  }
0x18: {  	_ =	swait.ge [sflag:s17], $0x2880  }
0x19: {  	[sflag:s17] =	ssyncset.done $0x0  }
0x1a: {  	s14 =	simm.s32 $0x2880;
	s15 =	rddreg [dreg:$0x6];
	[sflag:s17] =	ssyncadd.s32 $0xFFFFD780  }
0x1b: {  	[tilespmem:s14], [sflag:$0x5] =	stream.linear.gather [hbm4b:s15+s4], $0x2880, $0x38;
	[tilespmem:$0x1D100] =	vst v63  }
0x1c: {  	_ =	swait.ge [sflag:s17], $0x2880  }
0x1d: {  	[sflag:s17] =	ssyncset.done $0x0  }
0x1e: {  	s23 =	rddreg [dreg:$0x4];
	[sflag:s17] =	ssyncadd.s32 $0xFFFFD780  }
0x1f: {  	[tilespmem:s19], [sflag:$0x5] =	stream.linear.gather [hbm4b:s23+s4], $0x2000, $0x38;
	[tilespmem:$0x1D100] =	vst v63  }
0x20: {  	_ =	swait.ge [sflag:s17], $0x2000  }
0x21: {  	[sflag:s17] =	ssyncset.done $0x0  }
0x22: {  	[sflag:s17] =	ssyncadd.s32 $0xFFFFE000  }
0x23: {  	[spmem:s9] =	stream.linear.scatter [tilespmem:s19], [sflag:$0x5], $0x2000, $0x38;
	[tilespmem:$0x1D100] =	vst v63  }
0x24: {  	_ =	swait.ge [sflag:s17], $0x2000  }
0x25: {  	[sflag:s17] =	ssyncset.done $0x0  }
0x26: {  	[sflag:s17] =	ssyncadd.s32 $0xFFFFE000  }
0x27: {  	[spmem:s10] =	stream.linear.scatter [tilespmem:s19], [sflag:$0x5], $0x2000, $0x38;
	[tilespmem:$0x1D100] =	vst v63  }
0x28: {  	_ =	swait.ge [sflag:s17], $0x2000  }
0x29: {  	[sflag:s17] =	ssyncset.done $0x0  }
0x2a: {  	[sflag:s17] =	ssyncadd.s32 $0xFFFFE000  }
0x2b: {  	[spmem:s11] =	stream.linear.scatter [tilespmem:s19], [sflag:$0x5], $0x2000, $0x38;
	[tilespmem:$0x1D100] =	vst v63  }
0x2c: {  	_ =	swait.ge [sflag:s17], $0x2000  }
0x2d: {  	[sflag:s17] =	ssyncset.done $0x0  }
0x2e: {  	[sflag:s17] =	ssyncadd.s32 $0xFFFFE000  }
0x2f: {  	[spmem:s12] =	stream.linear.scatter [tilespmem:s19], [sflag:$0x5], $0x2000, $0x38;
	[tilespmem:$0x1D100] =	vst v63  }
0x30: {  	_ =	swait.ge [sflag:s17], $0x2000  }
0x31: {  	[sflag:s17] =	ssyncset.done $0x0  }
0x32: {  	[sflag:s17] =	ssyncadd.s32 $0xFFFFE000  }
0x33: {  	[spmem:s13] =	stream.linear.scatter [tilespmem:s19], [sflag:$0x5], $0x2000, $0x38;
	[tilespmem:$0x1D100] =	vst v63  }
0x34: {  	_ =	swait.ge [sflag:s17], $0x2000  }
0x35: {  	[sflag:s17] =	ssyncset.done $0x0  }
0x36: {  	[sflag:s17] =	ssyncadd.s32 $0xFFFFE000  }
0x37: {  	[bflag:$0x0] =	sbarrier.arrive $0xFFFF  }
0x38: {  	[tilespmem:s21], [sflag:$0x1] =	stream.indirect.gather [hbm4b:s1+s20], $0x40, s4, s20, $0xb8;
	[tilespmem:$0x1D100] =	vst v63  }
0x39: {  	_ = 	snop  }
0x3a: {  	[tilespmem:s22], [sflag:$0x1] =	stream.indirect.gather [hbm4b:s1+s20], $0x40, s20, s20, $0xb8;
	[tilespmem:$0x1D100] =	vst v63  }
0x3b: {  	_ = 	snop  }
0x3c: {  	[tilespmem:s24], [sflag:$0x1] =	stream.indirect.gather [hbm4b:s1+s20], $0x40, s16, s20, $0xb8;
	[tilespmem:$0x1D100] =	vst v63  }
0x3d: {  	_ =	swait.ge [sflag:s25], $0x2000  }
0x3e: {  	[sflag:s25] =	ssyncset.done $0x0  }
0x3f: {  	[sflag:s25] =	ssyncadd.s32 $0xFFFFE000  }
0x40: {  	_ =	swait.ge [sflag:s25], $0x2000  }
0x41: {  	[sflag:s25] =	ssyncset.done $0x0  }
0x42: {  	[sflag:s25] =	ssyncadd.s32 $0xFFFFE000  }
0x43: {  	_ =	swait.ge [sflag:s25], $0x2000  }
0x44: {  	[sflag:s25] =	ssyncset.done $0x0  }
0x45: {  	s14 =	simm.s32 $0x180;
	[sflag:s25] =	ssyncadd.s32 $0xFFFFE000  }
0x46: {  	[tilespmem:s26], [sflag:$0x2] =	stream.indirect.gather [hbm4b:s1+s20], $0x40, s14, s20, $0xb8;
	[tilespmem:$0x1D100] =	vst v63  }
0x47: {  	s15 =	simm.s32 $0x200  }
0x48: {  	[tilespmem:s28], [sflag:$0x2] =	stream.indirect.gather [hbm4b:s1+s20], $0x40, s15, s20, $0xb8;
	[tilespmem:$0x1D100] =	vst v63  }
0x49: {  	s23 =	simm.s32 $0x280  }
0x4a: {  	[tilespmem:s29], [sflag:$0x2] =	stream.indirect.gather [hbm4b:s1+s20], $0x40, s23, s20, $0xb8;
	[tilespmem:$0x1D100] =	vst v63  }
0x4b: {  	s14 =	simm.s32 $0x2880  }
0x4c: {  	[spmem:s3] =	stream.indirect.scatter.add.f32 [tilespmem:s21], [sflag:$0x3], $0x40, s14, s20, $0xb8;
	[tilespmem:$0x1D100] =	vst v63  }
0x4d: {  	s15 =	simm.s32 $0x2900  }
0x4e: {  	[spmem:s3] =	stream.indirect.scatter.add.f32 [tilespmem:s22], [sflag:$0x3], $0x40, s15, s20, $0xb8;
	[tilespmem:$0x1D100] =	vst v63  }
0x4f: {  	s23 =	simm.s32 $0x2980  }
0x50: {  	[spmem:s3] =	stream.indirect.scatter.add.f32 [tilespmem:s24], [sflag:$0x3], $0x40, s23, s20, $0xb8;
	[tilespmem:$0x1D100] =	vst v63  }
0x51: {  	_ =	swait.ge [sflag:s30], $0x2000  }
0x52: {  	[sflag:s30] =	ssyncset.done $0x0  }
0x53: {  	[sflag:s30] =	ssyncadd.s32 $0xFFFFE000  }
0x54: {  	_ =	swait.ge [sflag:s30], $0x2000  }
0x55: {  	[sflag:s30] =	ssyncset.done $0x0  }
0x56: {  	[sflag:s30] =	ssyncadd.s32 $0xFFFFE000  }
0x57: {  	_ =	swait.ge [sflag:s30], $0x2000  }
0x58: {  	[sflag:s30] =	ssyncset.done $0x0  }
0x59: {  	[sflag:s30] =	ssyncadd.s32 $0xFFFFE000  }
0x5a: {  	_ =	swait.ge [sflag:s31], $0x2000  }
0x5b: {  	[sflag:s31] =	ssyncset.done $0x0  }
0x5c: {  	[sflag:s31] =	ssyncadd.s32 $0xFFFFE000  }
0x5d: {  	_ =	swait.ge [sflag:s31], $0x2000  }
0x5e: {  	[sflag:s31] =	ssyncset.done $0x0  }
0x5f: {  	[sflag:s31] =	ssyncadd.s32 $0xFFFFE000  }
0x60: {  	_ =	swait.ge [sflag:s31], $0x2000  }
0x61: {  	[sflag:s31] =	ssyncset.done $0x0  }
0x62: {  	s14 =	simm.s32 $0x300;
	[sflag:s31] =	ssyncadd.s32 $0xFFFFE000  }
0x63: {  	[tilespmem:s21], [sflag:$0x1] =	stream.indirect.gather [hbm4b:s1+s20], $0x40, s14, s20, $0xb8;
	[tilespmem:$0x1D100] =	vst v63  }
0x64: {  	s15 =	simm.s32 $0x380  }
0x65: {  	[tilespmem:s22], [sflag:$0x1] =	stream.indirect.gather [hbm4b:s1+s20], $0x40, s15, s20, $0xb8;
	[tilespmem:$0x1D100] =	vst v63  }
0x66: {  	s23 =	simm.s32 $0x400  }
0x67: {  	[tilespmem:s24], [sflag:$0x1] =	stream.indirect.gather [hbm4b:s1+s20], $0x40, s23, s20, $0xb8;
	[tilespmem:$0x1D100] =	vst v63  }
0x68: {  	s14 =	simm.s32 $0x2A00  }
0x69: {  	[spmem:s3] =	stream.indirect.scatter.add.f32 [tilespmem:s26], [sflag:$0x4], $0x40, s14, s20, $0xb8;
	[tilespmem:$0x1D100] =	vst v63  }
0x6a: {  	s15 =	simm.s32 $0x2A80  }
0x6b: {  	[spmem:s3] =	stream.indirect.scatter.add.f32 [tilespmem:s28], [sflag:$0x4], $0x40, s15, s20, $0xb8;
	[tilespmem:$0x1D100] =	vst v63  }
0x6c: {  	s23 =	simm.s32 $0x2B00  }
0x6d: {  	[spmem:s3] =	stream.indirect.scatter.add.f32 [tilespmem:s29], [sflag:$0x4], $0x40, s23, s20, $0xb8;
	[tilespmem:$0x1D100] =	vst v63  }
0x6e: {  	_ =	swait.ge [sflag:s2], $0x2000  }
0x6f: {  	[sflag:s2] =	ssyncset.done $0x0  }
0x70: {  	[sflag:s2] =	ssyncadd.s32 $0xFFFFE000  }
0x71: {  	_ =	swait.ge [sflag:s2], $0x2000  }
0x72: {  	[sflag:s2] =	ssyncset.done $0x0  }
0x73: {  	[sflag:s2] =	ssyncadd.s32 $0xFFFFE000  }
0x74: {  	_ =	swait.ge [sflag:s2], $0x2000  }
0x75: {  	s8 =	simm.s32 $0xC00;
	[sflag:s2] =	ssyncset.done $0x0  }
.LBB2_2:
0x76: {  	p0 =	sne.s32 s8, $0x9000  }
0x77: {  	[sflag:s2] =	ssyncadd.s32 $0xFFFFE000;
	s14 =	smov.u32 s8;
	s8 =	sadd.s32 $0xC00, s8  }
0x78: {  	_ =	swait.ge [sflag:s25], $0x2000  }
0x79: {  	[sflag:s25] =	ssyncset.done $0x0  }
0x7a: {  	[sflag:s25] =	ssyncadd.s32 $0xFFFFE000  }
0x7b: {  	_ =	swait.ge [sflag:s25], $0x2000  }
0x7c: {  	[sflag:s25] =	ssyncset.done $0x0  }
0x7d: {  	[sflag:s25] =	ssyncadd.s32 $0xFFFFE000  }
0x7e: {  	_ =	swait.ge [sflag:s25], $0x2000  }
0x7f: {  	s14 =	sshra.s32 s14, $0x2;
	[sflag:s25] =	ssyncset.done $0x0  }
0x80: {  	s15 =	sadd.s32 $0x180, s14;
	[sflag:s25] =	ssyncadd.s32 $0xFFFFE000  }
0x81: {  	[tilespmem:s26], [sflag:$0x2] =	stream.indirect.gather [hbm4b:s1+s20], $0x40, s15, s20, $0xb8;
	[tilespmem:$0x1D100] =	vst v63  }
0x82: {  	s15 =	sadd.s32 $0x200, s14  }
0x83: {  	[tilespmem:s28], [sflag:$0x2] =	stream.indirect.gather [hbm4b:s1+s20], $0x40, s15, s20, $0xb8;
	[tilespmem:$0x1D100] =	vst v63  }
0x84: {  	s15 =	sadd.s32 $0x280, s14  }
0x85: {  	[tilespmem:s29], [sflag:$0x2] =	stream.indirect.gather [hbm4b:s1+s20], $0x40, s15, s20, $0xb8;
	[tilespmem:$0x1D100] =	vst v63  }
0x86: {  	s15 =	sadd.s32 $0x2880, s14  }
0x87: {  	[spmem:s3] =	stream.indirect.scatter.add.f32 [tilespmem:s21], [sflag:$0x3], $0x40, s15, s20, $0xb8;
	[tilespmem:$0x1D100] =	vst v63  }
0x88: {  	s15 =	sadd.s32 $0x2900, s14  }
0x89: {  	[spmem:s3] =	stream.indirect.scatter.add.f32 [tilespmem:s22], [sflag:$0x3], $0x40, s15, s20, $0xb8;
	[tilespmem:$0x1D100] =	vst v63  }
0x8a: {  	s15 =	sadd.s32 $0x2980, s14  }
0x8b: {  	[spmem:s3] =	stream.indirect.scatter.add.f32 [tilespmem:s24], [sflag:$0x3], $0x40, s15, s20, $0xb8;
	[tilespmem:$0x1D100] =	vst v63  }
0x8c: {  	_ =	swait.ge [sflag:s30], $0x2000  }
0x8d: {  	[sflag:s30] =	ssyncset.done $0x0  }
0x8e: {  	[sflag:s30] =	ssyncadd.s32 $0xFFFFE000  }
0x8f: {  	_ =	swait.ge [sflag:s30], $0x2000  }
0x90: {  	[sflag:s30] =	ssyncset.done $0x0  }
0x91: {  	[sflag:s30] =	ssyncadd.s32 $0xFFFFE000  }
0x92: {  	_ =	swait.ge [sflag:s30], $0x2000  }
0x93: {  	[sflag:s30] =	ssyncset.done $0x0  }
0x94: {  	[sflag:s30] =	ssyncadd.s32 $0xFFFFE000  }
0x95: {  	_ =	swait.ge [sflag:s31], $0x2000  }
0x96: {  	[sflag:s31] =	ssyncset.done $0x0  }
0x97: {  	[sflag:s31] =	ssyncadd.s32 $0xFFFFE000  }
0x98: {  	_ =	swait.ge [sflag:s31], $0x2000  }
0x99: {  	[sflag:s31] =	ssyncset.done $0x0  }
0x9a: {  	[sflag:s31] =	ssyncadd.s32 $0xFFFFE000  }
0x9b: {  	_ =	swait.ge [sflag:s31], $0x2000  }
0x9c: {  	[sflag:s31] =	ssyncset.done $0x0  }
0x9d: {  	s15 =	sadd.s32 $0x300, s14;
	[sflag:s31] =	ssyncadd.s32 $0xFFFFE000  }
0x9e: {  	[tilespmem:s21], [sflag:$0x1] =	stream.indirect.gather [hbm4b:s1+s20], $0x40, s15, s20, $0xb8;
	[tilespmem:$0x1D100] =	vst v63  }
0x9f: {  	s15 =	sadd.s32 $0x380, s14  }
0xa0: {  	[tilespmem:s22], [sflag:$0x1] =	stream.indirect.gather [hbm4b:s1+s20], $0x40, s15, s20, $0xb8;
	[tilespmem:$0x1D100] =	vst v63  }
0xa1: {  	s15 =	sadd.s32 $0x400, s14  }
0xa2: {  	[tilespmem:s24], [sflag:$0x1] =	stream.indirect.gather [hbm4b:s1+s20], $0x40, s15, s20, $0xb8;
	[tilespmem:$0x1D100] =	vst v63  }
0xa3: {  	s15 =	sadd.s32 $0x2A00, s14  }
0xa4: {  	[spmem:s3] =	stream.indirect.scatter.add.f32 [tilespmem:s26], [sflag:$0x4], $0x40, s15, s20, $0xb8;
	[tilespmem:$0x1D100] =	vst v63  }
0xa5: {  	s15 =	sadd.s32 $0x2A80, s14  }
0xa6: {  	[spmem:s3] =	stream.indirect.scatter.add.f32 [tilespmem:s28], [sflag:$0x4], $0x40, s15, s20, $0xb8;
	[tilespmem:$0x1D100] =	vst v63  }
0xa7: {  	s14 =	sadd.s32 $0x2B00, s14  }
0xa8: {  	[spmem:s3] =	stream.indirect.scatter.add.f32 [tilespmem:s29], [sflag:$0x4], $0x40, s14, s20, $0xb8;
	[tilespmem:$0x1D100] =	vst v63  }
0xa9: {  	_ =	swait.ge [sflag:s2], $0x2000  }
0xaa: {  	[sflag:s2] =	ssyncset.done $0x0  }
0xab: {  	[sflag:s2] =	ssyncadd.s32 $0xFFFFE000  }
.Ltmp0:
0xac: {  	_ =	swait.ge [sflag:s2], $0x2000;
	(pc) =	sbr.rel @p0 .LBB2_2-.Ltmp0, $4  }
0xad: {  	[sflag:s2] =	ssyncset.done $0x0  }
0xae: {  	[sflag:s2] =	ssyncadd.s32 $0xFFFFE000  }
0xaf: {  	_ =	swait.ge [sflag:s2], $0x2000  }
0xb0: {  	[sflag:s2] =	ssyncset.done $0x0  }
0xb1: {  	[sflag:s2] =	ssyncadd.s32 $0xFFFFE000  }
0xb2: {  	_ =	swait.ge [sflag:s25], $0x2000  }
0xb3: {  	[sflag:s25] =	ssyncset.done $0x0  }
0xb4: {  	[sflag:s25] =	ssyncadd.s32 $0xFFFFE000  }
0xb5: {  	_ =	swait.ge [sflag:s25], $0x2000  }
0xb6: {  	[sflag:s25] =	ssyncset.done $0x0  }
0xb7: {  	[sflag:s25] =	ssyncadd.s32 $0xFFFFE000  }
0xb8: {  	_ =	swait.ge [sflag:s25], $0x2000  }
0xb9: {  	[sflag:s25] =	ssyncset.done $0x0  }
0xba: {  	[sflag:s25] =	ssyncadd.s32 $0xFFFFE000  }
0xbb: {  	[spmem:s3] =	stream.indirect.scatter.add.f32 [tilespmem:s21], [sflag:$0x3], $0x40, s18, s20, $0xb8;
	[tilespmem:$0x1D100] =	vst v63  }
0xbc: {  	_ = 	snop  }
0xbd: {  	[spmem:s3] =	stream.indirect.scatter.add.f32 [tilespmem:s22], [sflag:$0x3], $0x40, s0, s20, $0xb8;
	[tilespmem:$0x1D100] =	vst v63  }
0xbe: {  	_ = 	snop  }
0xbf: {  	[spmem:s3] =	stream.indirect.scatter.add.f32 [tilespmem:s24], [sflag:$0x3], $0x40, s6, s20, $0xb8;
	[tilespmem:$0x1D100] =	vst v63  }
0xc0: {  	_ =	swait.ge [sflag:s30], $0x2000  }
0xc1: {  	[sflag:s30] =	ssyncset.done $0x0  }
0xc2: {  	[sflag:s30] =	ssyncadd.s32 $0xFFFFE000  }
0xc3: {  	_ =	swait.ge [sflag:s30], $0x2000  }
0xc4: {  	[sflag:s30] =	ssyncset.done $0x0  }
0xc5: {  	[sflag:s30] =	ssyncadd.s32 $0xFFFFE000  }
0xc6: {  	_ =	swait.ge [sflag:s30], $0x2000  }
0xc7: {  	[sflag:s30] =	ssyncset.done $0x0  }
0xc8: {  	s8 =	stileid.u32;
	[sflag:s30] =	ssyncadd.s32 $0xFFFFE000  }
0xc9: {  	s8 =	sshll.u32 s8, $0x6;
	[bflag:$0x0] =	sbarrier.arrive $0xFFFF  }
0xca: {  	s14 =	sshrl.u32 s9, $0x3;
	s8 =	sor.u32 $0x1C05, s8;
	s15 =	rddreg [dreg:$0x7]  }
0xcb: {  	[hbm:s15], [sflag:s8] =	dma.local [spmem:s14], $0x1400  }
0xcc: {  	_ =	swait.ge [sflag:s17], $0x1400  }
0xcd: {  	[sflag:s17] =	ssyncset.done $0x0  }
0xce: {  	[sflag:s17] =	ssyncadd.s32 $0xFFFFEC00  }
0xcf: {  	[spmem:s9] =	stream.linear.scatter [tilespmem:s19], [sflag:$0x5], $0x2000, $0x38;
	[tilespmem:$0x1D100] =	vst v63  }
0xd0: {  	_ =	swait.ge [sflag:s17], $0x2000  }
0xd1: {  	[sflag:s17] =	ssyncset.done $0x0  }
0xd2: {  	[sflag:s17] =	ssyncadd.s32 $0xFFFFE000  }
0xd3: {  	[spmem:s10] =	stream.linear.scatter [tilespmem:s19], [sflag:$0x5], $0x2000, $0x38;
	[tilespmem:$0x1D100] =	vst v63  }
0xd4: {  	_ =	swait.ge [sflag:s17], $0x2000  }
0xd5: {  	[sflag:s17] =	ssyncset.done $0x0  }
0xd6: {  	[sflag:s17] =	ssyncadd.s32 $0xFFFFE000  }
0xd7: {  	[spmem:s11] =	stream.linear.scatter [tilespmem:s19], [sflag:$0x5], $0x2000, $0x38;
	[tilespmem:$0x1D100] =	vst v63  }
0xd8: {  	_ =	swait.ge [sflag:s17], $0x2000  }
0xd9: {  	[sflag:s17] =	ssyncset.done $0x0  }
0xda: {  	[sflag:s17] =	ssyncadd.s32 $0xFFFFE000  }
0xdb: {  	[spmem:s12] =	stream.linear.scatter [tilespmem:s19], [sflag:$0x5], $0x2000, $0x38;
	[tilespmem:$0x1D100] =	vst v63  }
0xdc: {  	_ =	swait.ge [sflag:s17], $0x2000  }
0xdd: {  	[sflag:s17] =	ssyncset.done $0x0  }
0xde: {  	[sflag:s17] =	ssyncadd.s32 $0xFFFFE000  }
0xdf: {  	[spmem:s13] =	stream.linear.scatter [tilespmem:s19], [sflag:$0x5], $0x2000, $0x38;
	[tilespmem:$0x1D100] =	vst v63  }
0xe0: {  	_ =	swait.ge [sflag:s17], $0x2000  }
0xe1: {  	[sflag:s17] =	ssyncset.done $0x0  }
0xe2: {  	[sflag:s17] =	ssyncadd.s32 $0xFFFFE000  }
0xe3: {  	s23 =	simm.s32 $0x0;
	[bflag:$0x0] =	sbarrier.arrive $0xFFFF  }
0xe4: {  	[tilespmem:s21], [sflag:$0x1] =	stream.indirect.gather [hbm4b:s5+s20], $0x40, s23, s20, $0xb8;
	[tilespmem:$0x1D100] =	vst v63  }
0xe5: {  	_ = 	snop  }
0xe6: {  	[tilespmem:s22], [sflag:$0x1] =	stream.indirect.gather [hbm4b:s5+s20], $0x40, s20, s20, $0xb8;
	[tilespmem:$0x1D100] =	vst v63  }
0xe7: {  	_ = 	snop  }
0xe8: {  	[tilespmem:s24], [sflag:$0x1] =	stream.indirect.gather [hbm4b:s5+s20], $0x40, s16, s20, $0xb8;
	[tilespmem:$0x1D100] =	vst v63  }
0xe9: {  	_ =	swait.ge [sflag:s25], $0x2000  }
0xea: {  	[sflag:s25] =	ssyncset.done $0x0  }
0xeb: {  	[sflag:s25] =	ssyncadd.s32 $0xFFFFE000  }
0xec: {  	_ =	swait.ge [sflag:s25], $0x2000  }
0xed: {  	[sflag:s25] =	ssyncset.done $0x0  }
0xee: {  	[sflag:s25] =	ssyncadd.s32 $0xFFFFE000  }
0xef: {  	_ =	swait.ge [sflag:s25], $0x2000  }
0xf0: {  	[sflag:s25] =	ssyncset.done $0x0  }
0xf1: {  	s16 =	simm.s32 $0x180;
	[sflag:s25] =	ssyncadd.s32 $0xFFFFE000  }
0xf2: {  	[tilespmem:s26], [sflag:$0x2] =	stream.indirect.gather [hbm4b:s5+s20], $0x40, s16, s20, $0xb8;
	[tilespmem:$0x1D100] =	vst v63  }
0xf3: {  	s23 =	simm.s32 $0x200  }
0xf4: {  	[tilespmem:s28], [sflag:$0x2] =	stream.indirect.gather [hbm4b:s5+s20], $0x40, s23, s20, $0xb8;
	[tilespmem:$0x1D100] =	vst v63  }
0xf5: {  	s16 =	simm.s32 $0x280  }
0xf6: {  	[tilespmem:s29], [sflag:$0x2] =	stream.indirect.gather [hbm4b:s5+s20], $0x40, s16, s20, $0xb8;
	[tilespmem:$0x1D100] =	vst v63  }
0xf7: {  	s23 =	simm.s32 $0x2880  }
0xf8: {  	[spmem:s3] =	stream.indirect.scatter.add.f32 [tilespmem:s21], [sflag:$0x3], $0x40, s23, s20, $0xb8;
	[tilespmem:$0x1D100] =	vst v63  }
0xf9: {  	s16 =	simm.s32 $0x2900  }
0xfa: {  	[spmem:s3] =	stream.indirect.scatter.add.f32 [tilespmem:s22], [sflag:$0x3], $0x40, s16, s20, $0xb8;
	[tilespmem:$0x1D100] =	vst v63  }
0xfb: {  	s23 =	simm.s32 $0x2980  }
0xfc: {  	[spmem:s3] =	stream.indirect.scatter.add.f32 [tilespmem:s24], [sflag:$0x3], $0x40, s23, s20, $0xb8;
	[tilespmem:$0x1D100] =	vst v63  }
0xfd: {  	_ =	swait.ge [sflag:s30], $0x2000  }
0xfe: {  	[sflag:s30] =	ssyncset.done $0x0  }
0xff: {  	[sflag:s30] =	ssyncadd.s32 $0xFFFFE000  }
0x100: {  	_ =	swait.ge [sflag:s30], $0x2000  }
0x101: {  	[sflag:s30] =	ssyncset.done $0x0  }
0x102: {  	[sflag:s30] =	ssyncadd.s32 $0xFFFFE000  }
0x103: {  	_ =	swait.ge [sflag:s30], $0x2000  }
0x104: {  	[sflag:s30] =	ssyncset.done $0x0  }
0x105: {  	[sflag:s30] =	ssyncadd.s32 $0xFFFFE000  }
0x106: {  	_ =	swait.ge [sflag:s31], $0x2000  }
0x107: {  	[sflag:s31] =	ssyncset.done $0x0  }
0x108: {  	[sflag:s31] =	ssyncadd.s32 $0xFFFFE000  }
0x109: {  	_ =	swait.ge [sflag:s31], $0x2000  }
0x10a: {  	[sflag:s31] =	ssyncset.done $0x0  }
0x10b: {  	[sflag:s31] =	ssyncadd.s32 $0xFFFFE000  }
0x10c: {  	_ =	swait.ge [sflag:s31], $0x2000  }
0x10d: {  	[sflag:s31] =	ssyncset.done $0x0  }
0x10e: {  	s16 =	simm.s32 $0x300;
	[sflag:s31] =	ssyncadd.s32 $0xFFFFE000  }
0x10f: {  	[tilespmem:s21], [sflag:$0x1] =	stream.indirect.gather [hbm4b:s5+s20], $0x40, s16, s20, $0xb8;
	[tilespmem:$0x1D100] =	vst v63  }
0x110: {  	s23 =	simm.s32 $0x380  }
0x111: {  	[tilespmem:s22], [sflag:$0x1] =	stream.indirect.gather [hbm4b:s5+s20], $0x40, s23, s20, $0xb8;
	[tilespmem:$0x1D100] =	vst v63  }
0x112: {  	s16 =	simm.s32 $0x400  }
0x113: {  	[tilespmem:s24], [sflag:$0x1] =	stream.indirect.gather [hbm4b:s5+s20], $0x40, s16, s20, $0xb8;
	[tilespmem:$0x1D100] =	vst v63  }
0x114: {  	s23 =	simm.s32 $0x2A00  }
0x115: {  	[spmem:s3] =	stream.indirect.scatter.add.f32 [tilespmem:s26], [sflag:$0x4], $0x40, s23, s20, $0xb8;
	[tilespmem:$0x1D100] =	vst v63  }
0x116: {  	s16 =	simm.s32 $0x2A80  }
0x117: {  	[spmem:s3] =	stream.indirect.scatter.add.f32 [tilespmem:s28], [sflag:$0x4], $0x40, s16, s20, $0xb8;
	[tilespmem:$0x1D100] =	vst v63  }
0x118: {  	s23 =	simm.s32 $0x2B00  }
0x119: {  	[spmem:s3] =	stream.indirect.scatter.add.f32 [tilespmem:s29], [sflag:$0x4], $0x40, s23, s20, $0xb8;
	[tilespmem:$0x1D100] =	vst v63  }
0x11a: {  	_ =	swait.ge [sflag:s2], $0x2000  }
0x11b: {  	[sflag:s2] =	ssyncset.done $0x0  }
0x11c: {  	[sflag:s2] =	ssyncadd.s32 $0xFFFFE000  }
0x11d: {  	_ =	swait.ge [sflag:s2], $0x2000  }
0x11e: {  	[sflag:s2] =	ssyncset.done $0x0  }
0x11f: {  	[sflag:s2] =	ssyncadd.s32 $0xFFFFE000  }
0x120: {  	_ =	swait.ge [sflag:s2], $0x2000  }
0x121: {  	s23 =	simm.s32 $0xC00;
	[sflag:s2] =	ssyncset.done $0x0  }
.LBB2_4:
0x122: {  	p0 =	sne.s32 s23, $0x9000  }
0x123: {  	[sflag:s2] =	ssyncadd.s32 $0xFFFFE000;
	s15 =	smov.u32 s23;
	s23 =	sadd.s32 $0xC00, s23  }
0x124: {  	_ =	swait.ge [sflag:s25], $0x2000  }
0x125: {  	[sflag:s25] =	ssyncset.done $0x0  }
0x126: {  	[sflag:s25] =	ssyncadd.s32 $0xFFFFE000  }
0x127: {  	_ =	swait.ge [sflag:s25], $0x2000  }
0x128: {  	[sflag:s25] =	ssyncset.done $0x0  }
0x129: {  	[sflag:s25] =	ssyncadd.s32 $0xFFFFE000  }
0x12a: {  	_ =	swait.ge [sflag:s25], $0x2000  }
0x12b: {  	s15 =	sshra.s32 s15, $0x2;
	[sflag:s25] =	ssyncset.done $0x0  }
0x12c: {  	s16 =	sadd.s32 $0x180, s15;
	[sflag:s25] =	ssyncadd.s32 $0xFFFFE000  }
0x12d: {  	[tilespmem:s26], [sflag:$0x2] =	stream.indirect.gather [hbm4b:s5+s20], $0x40, s16, s20, $0xb8;
	[tilespmem:$0x1D100] =	vst v63  }
0x12e: {  	s16 =	sadd.s32 $0x200, s15  }
0x12f: {  	[tilespmem:s28], [sflag:$0x2] =	stream.indirect.gather [hbm4b:s5+s20], $0x40, s16, s20, $0xb8;
	[tilespmem:$0x1D100] =	vst v63  }
0x130: {  	s16 =	sadd.s32 $0x280, s15  }
0x131: {  	[tilespmem:s29], [sflag:$0x2] =	stream.indirect.gather [hbm4b:s5+s20], $0x40, s16, s20, $0xb8;
	[tilespmem:$0x1D100] =	vst v63  }
0x132: {  	s16 =	sadd.s32 $0x2880, s15  }
0x133: {  	[spmem:s3] =	stream.indirect.scatter.add.f32 [tilespmem:s21], [sflag:$0x3], $0x40, s16, s20, $0xb8;
	[tilespmem:$0x1D100] =	vst v63  }
0x134: {  	s16 =	sadd.s32 $0x2900, s15  }
0x135: {  	[spmem:s3] =	stream.indirect.scatter.add.f32 [tilespmem:s22], [sflag:$0x3], $0x40, s16, s20, $0xb8;
	[tilespmem:$0x1D100] =	vst v63  }
0x136: {  	s16 =	sadd.s32 $0x2980, s15  }
0x137: {  	[spmem:s3] =	stream.indirect.scatter.add.f32 [tilespmem:s24], [sflag:$0x3], $0x40, s16, s20, $0xb8;
	[tilespmem:$0x1D100] =	vst v63  }
0x138: {  	_ =	swait.ge [sflag:s30], $0x2000  }
0x139: {  	[sflag:s30] =	ssyncset.done $0x0  }
0x13a: {  	[sflag:s30] =	ssyncadd.s32 $0xFFFFE000  }
0x13b: {  	_ =	swait.ge [sflag:s30], $0x2000  }
0x13c: {  	[sflag:s30] =	ssyncset.done $0x0  }
0x13d: {  	[sflag:s30] =	ssyncadd.s32 $0xFFFFE000  }
0x13e: {  	_ =	swait.ge [sflag:s30], $0x2000  }
0x13f: {  	[sflag:s30] =	ssyncset.done $0x0  }
0x140: {  	[sflag:s30] =	ssyncadd.s32 $0xFFFFE000  }
0x141: {  	_ =	swait.ge [sflag:s31], $0x2000  }
0x142: {  	[sflag:s31] =	ssyncset.done $0x0  }
0x143: {  	[sflag:s31] =	ssyncadd.s32 $0xFFFFE000  }
0x144: {  	_ =	swait.ge [sflag:s31], $0x2000  }
0x145: {  	[sflag:s31] =	ssyncset.done $0x0  }
0x146: {  	[sflag:s31] =	ssyncadd.s32 $0xFFFFE000  }
0x147: {  	_ =	swait.ge [sflag:s31], $0x2000  }
0x148: {  	[sflag:s31] =	ssyncset.done $0x0  }
0x149: {  	s16 =	sadd.s32 $0x300, s15;
	[sflag:s31] =	ssyncadd.s32 $0xFFFFE000  }
0x14a: {  	[tilespmem:s21], [sflag:$0x1] =	stream.indirect.gather [hbm4b:s5+s20], $0x40, s16, s20, $0xb8;
	[tilespmem:$0x1D100] =	vst v63  }
0x14b: {  	s16 =	sadd.s32 $0x380, s15  }
0x14c: {  	[tilespmem:s22], [sflag:$0x1] =	stream.indirect.gather [hbm4b:s5+s20], $0x40, s16, s20, $0xb8;
	[tilespmem:$0x1D100] =	vst v63  }
0x14d: {  	s16 =	sadd.s32 $0x400, s15  }
0x14e: {  	[tilespmem:s24], [sflag:$0x1] =	stream.indirect.gather [hbm4b:s5+s20], $0x40, s16, s20, $0xb8;
	[tilespmem:$0x1D100] =	vst v63  }
0x14f: {  	s16 =	sadd.s32 $0x2A00, s15  }
0x150: {  	[spmem:s3] =	stream.indirect.scatter.add.f32 [tilespmem:s26], [sflag:$0x4], $0x40, s16, s20, $0xb8;
	[tilespmem:$0x1D100] =	vst v63  }
0x151: {  	s16 =	sadd.s32 $0x2A80, s15  }
0x152: {  	[spmem:s3] =	stream.indirect.scatter.add.f32 [tilespmem:s28], [sflag:$0x4], $0x40, s16, s20, $0xb8;
	[tilespmem:$0x1D100] =	vst v63  }
0x153: {  	s15 =	sadd.s32 $0x2B00, s15  }
0x154: {  	[spmem:s3] =	stream.indirect.scatter.add.f32 [tilespmem:s29], [sflag:$0x4], $0x40, s15, s20, $0xb8;
	[tilespmem:$0x1D100] =	vst v63  }
0x155: {  	_ =	swait.ge [sflag:s2], $0x2000  }
0x156: {  	[sflag:s2] =	ssyncset.done $0x0  }
0x157: {  	[sflag:s2] =	ssyncadd.s32 $0xFFFFE000  }
.Ltmp1:
0x158: {  	_ =	swait.ge [sflag:s2], $0x2000;
	(pc) =	sbr.rel @p0 .LBB2_4-.Ltmp1, $4  }
0x159: {  	[sflag:s2] =	ssyncset.done $0x0  }
0x15a: {  	[sflag:s2] =	ssyncadd.s32 $0xFFFFE000  }
0x15b: {  	_ =	swait.ge [sflag:s2], $0x2000  }
0x15c: {  	[sflag:s2] =	ssyncset.done $0x0  }
0x15d: {  	[sflag:s2] =	ssyncadd.s32 $0xFFFFE000  }
0x15e: {  	_ =	swait.ge [sflag:s25], $0x2000  }
0x15f: {  	[sflag:s25] =	ssyncset.done $0x0  }
0x160: {  	[sflag:s25] =	ssyncadd.s32 $0xFFFFE000  }
0x161: {  	_ =	swait.ge [sflag:s25], $0x2000  }
0x162: {  	[sflag:s25] =	ssyncset.done $0x0  }
0x163: {  	[sflag:s25] =	ssyncadd.s32 $0xFFFFE000  }
0x164: {  	_ =	swait.ge [sflag:s25], $0x2000  }
0x165: {  	[sflag:s25] =	ssyncset.done $0x0  }
0x166: {  	[sflag:s25] =	ssyncadd.s32 $0xFFFFE000  }
0x167: {  	[spmem:s3] =	stream.indirect.scatter.add.f32 [tilespmem:s21], [sflag:$0x3], $0x40, s18, s20, $0xb8;
	[tilespmem:$0x1D100] =	vst v63  }
0x168: {  	_ = 	snop  }
0x169: {  	[spmem:s3] =	stream.indirect.scatter.add.f32 [tilespmem:s22], [sflag:$0x3], $0x40, s0, s20, $0xb8;
	[tilespmem:$0x1D100] =	vst v63  }
0x16a: {  	_ = 	snop  }
0x16b: {  	[spmem:s3] =	stream.indirect.scatter.add.f32 [tilespmem:s24], [sflag:$0x3], $0x40, s6, s20, $0xb8;
	[tilespmem:$0x1D100] =	vst v63  }
0x16c: {  	_ =	swait.ge [sflag:s30], $0x2000  }
0x16d: {  	[sflag:s30] =	ssyncset.done $0x0  }
0x16e: {  	[sflag:s30] =	ssyncadd.s32 $0xFFFFE000  }
0x16f: {  	_ =	swait.ge [sflag:s30], $0x2000  }
0x170: {  	[sflag:s30] =	ssyncset.done $0x0  }
0x171: {  	[sflag:s30] =	ssyncadd.s32 $0xFFFFE000  }
0x172: {  	_ =	swait.ge [sflag:s30], $0x2000  }
0x173: {  	[sflag:s30] =	ssyncset.done $0x0  }
0x174: {  	[sflag:s30] =	ssyncadd.s32 $0xFFFFE000  }
0x175: {  	[bflag:$0x0] =	sbarrier.arrive $0xFFFF  }
0x176: {  	s15 =	rddreg [dreg:$0x8]  }
0x177: {  	[hbm:s15], [sflag:s8] =	dma.local [spmem:s14], $0x1400  }
0x178: {  	_ =	swait.ge [sflag:s17], $0x1400  }
0x179: {  	s7 =	sadd.s32 $0x1, s7;
	s23 =	rddreg [dreg:$0x9]  }
0x17a: {  	p0 =	sne.s32 s7, s23  }
.Ltmp2:
0x17b: {  	_ = 	snop;
	(pc) =	sbr.rel @p0 .LBB2_1-.Ltmp2, $3  }
0x17c: {  	_ =	sdelay $0x1  }
0x17d: {  	[sflag:s17] =	ssyncset.done $0x0  }
0x17e: {  	s16 =	simm.s32 $0x100;
	[sflag:s17] =	ssyncadd.s32 $0xFFFFEC00  }
0x17f: {  	_ =	sfence.sel $0x180000  }
0x180: {  	[bflag:$0x0] =	sbarrier.arrive $0xFFFF  }
0x181: {  	_ =	strace $0x9000004D  }
0x182: {  	s0 =	stileid.u32;
	[bflag:$0x2] =	sbarrier.arrive $0xFFFF  }
0x183: {  	p0 =	sne.s32 s0, $0x0;
	s0 =	rddreg [dreg:$0x3]  }
0x184: {  	s0 =	sadd.s32 @!p0 $0x100000, s0  }
0x185: {  	[sflag:s0] =	ssyncadd.tile.s32 @!p0 $0x1;
	_ =	shalt  }
.Lfunc_end2:
_tile_overlayer_lowered:
.L_overlay_start_2:
0x186: {  	(tag) =	ssettag $0x2  }
0x187: {  	s0 =	rddreg [dreg:$0x0];
	s2 =	stileid.u32  }
0x188: {  	s1 =	rddreg [dreg:$0x1];
	p0 =	sne.s32 s2, $0x0  }
0x189: {  	s3 =	rddreg [dreg:$0x2];
	[bflag:$0x3] =	sbarrier.arrive $0xFFFF;
	s2 =	simm.s32 @!p0 $0x1C05  }
0x18a: {  	[timem:s3], [sflag:s2] =	dma.local @!p0 [hbm:s0], s1  }
0x18b: {  	s0 =	simm.s32 @!p0 $0x5  }
0x18c: {  	_ =	swait.ge @!p0 [sflag:s0], s1  }
0x18d: {  	s1 =	ssub.s32 @!p0 $0x0, s1;
	[sflag:s0] =	ssyncset.done @!p0 $0x0  }
0x18e: {  	[sflag:s0] =	ssyncadd.s32 @!p0 s1  }
0x18f: {  	[bflag:$0x3] =	sbarrier.arrive $0xFFFF  }
0x190: {  	_ =	shalt  }

// kernel: kernel.8.cloned.1.call-start
scs
__scs_entry_jumppad:
0x0: {  	(pc) =	sbr.rel $0x88, $3  }
0x1: {  	(tag) =	ssettag $0x0;
	lr =	simm.s32 $0x1  }
0x2: {  	[smem:$0x3F9B] =	sst lr;
	_ =	strace $0xD0000000  }
0x3: {  	_ = 	snop  }
0x4: {  	_ = 	snop  }
0x5: {  	_ = 	snop  }
0x6: {  	_ = 	snop  }
0x7: {  	_ = 	snop  }
__scs_overlays_trampoline_lowered:
0x8: {  	[smem:$0x3FAA] =	sst s0  }
0x9: {  	[smem:$0x3FAB] =	sst s1  }
0xa: {  	[smem:$0x3FAC] =	sst s2  }
0xb: {  	[smem:$0x3FAD] =	sst s3  }
0xc: {  	[smem:$0x3FAE] =	sst s4  }
0xd: {  	[smem:$0x3FAF] =	sst s5  }
0xe: {  	[smem:$0x3FB0] =	sst s6  }
0xf: {  	[smem:$0x3FB1] =	sst s7  }
0x10: {  	[smem:$0x3FB2] =	sst s8  }
0x11: {  	[smem:$0x3FB3] =	sst s9;
	s0 =	simm.s32 @!p0 $0x0  }
0x12: {  	s1 =	sld [smem:$0x3F99];
	s0 =	simm.s32 @p0 $0x1  }
0x13: {  	[smem:$0x3FB4] =	sst s0;
	s0 =	simm.s32 @!p1 $0x0  }
0x14: {  	s2 =	sld [smem:$0x3F98];
	s0 =	simm.s32 @p1 $0x1  }
0x15: {  	[smem:$0x3FB5] =	sst s0;
	s0 =	simm.s32 @!p2 $0x0  }
0x16: {  	s3 =	sld [smem:$0x3FDB];
	s0 =	simm.s32 @p2 $0x1  }
0x17: {  	s4 =	simm.s32 $0x1BF5;
	[smem:$0x3FB7] =	sst s0  }
0x18: {  	s0 =	sld [smem:$0x3F9A];
	_ =	swait.ge [sflag:s4], $0x0  }
0x19: {  	s7 =	sld [smem:$0x3F9B]  }
0x1a: {  	s8 =	sadd.s32 $0xFFFFE003, lr  }
0x1b: {  	s9 =	sadd.s32 $0xFFFFFEF7, lr;
	s5 =	simm.s32 $0xFFFFFFFF;
	p2 =	slt.u32 s8, $0xFFFFF086  }
0x1c: {  	p1 =	slt.u32 s9, $0xF7A;
	s5 =	simm.s32 @!p2 $0x0  }
0x1d: {  	s5 =	simm.s32 @p1 $0x1;
	p0 =	seq.s32 s7, s2  }
0x1e: {  	s7 =	smul.u32 @!p0 $0xF7A, s2;
	p2 =	seq.s32 @!p0 s5, $0x0  }
0x1f: {  	s9 =	smul.u32 $0xF7A, s1;
	s8 =	simm.s32 @!p0 $0x1BF5;
	p2 =	por !p2, p0  }
0x20: {  	[sflag:s8] =	ssyncset.s32 @!p0 $0xFFFFF086;
	s6 =	sadd.s32 @!p0 s3, s7;
	s7 =	simm.s32 @!p0 $0x108  }
0x21: {  	s3 =	sadd.s32 s3, s9;
	s6 =	sadd.s32 @!p0 $0x88, s6;
	s7 =	simm.s32 @p2 $0x1082  }
0x22: {  	[simem:s7], [sflag:s8] =	dma.local @!p0 [hbm:s6], $0xF7A  }
0x23: {  	s9 =	sor.u32 $0xD0000000, s2;
	s6 =	simm.s32 $0x108;
	_ =	swait.ge @!p0 [sflag:s8], $0x0  }
0x24: {  	s3 =	sadd.s32 $0x88, s3;
	s6 =	simm.s32 @!p1 $0x1082;
	[sflag:s4] =	ssyncset.s32 $0xFFFFF086  }
0x25: {  	[simem:s6], [sflag:s4] =	dma.local [hbm:s3], $0xF7A  }
0x26: {  	[smem:$0x3F9B] =	sst s1;
	(tag) =	ssettag s2;
	_ =	strace s9  }
0x27: {  	s1 =	sld [smem:$0x3FAB]  }
0x28: {  	s2 =	sld [smem:$0x3FAC]  }
0x29: {  	s4 =	sld [smem:$0x3FAE]  }
0x2a: {  	p0 =	seq.s32 s5, $0x0;
	s5 =	sld [smem:$0x3FAF]  }
0x2b: {  	s6 =	sld [smem:$0x3FB0]  }
0x2c: {  	s7 =	sld [smem:$0x3FB1]  }
0x2d: {  	s3 =	simm.s32 $0x108;
	s8 =	sld [smem:$0x3FB2]  }
0x2e: {  	s3 =	simm.s32 @!p0 $0x1082;
	s9 =	sld [smem:$0x3FB3]  }
0x2f: {  	lr =	sadd.s32 s0, s3;
	s0 =	sld [smem:$0x3FAA]  }
0x30: {  	s3 =	sld [smem:$0x3FAD]  }
0x31: {  	[smem:$0x3FB6] =	sst s10  }
0x32: {  	s10 =	sld [smem:$0x3FB4];
	_ =	sdelay $0x3  }
0x33: {  	p0 =	seq.s32 s10, $0x1;
	s10 =	sld [smem:$0x3FB6];
	_ =	sdelay $0x3  }
0x34: {  	[smem:$0x3FB6] =	sst s10  }
0x35: {  	s10 =	sld [smem:$0x3FB5];
	_ =	sdelay $0x3  }
0x36: {  	p1 =	seq.s32 s10, $0x1;
	s10 =	sld [smem:$0x3FB6];
	_ =	sdelay $0x3  }
0x37: {  	[smem:$0x3FB6] =	sst s10  }
0x38: {  	s10 =	sld [smem:$0x3FB7]  }
0x39: {  	_ = 	snop;
	(pc) =	sbr.ind lr, $3  }
0x3a: {  	_ = 	snop  }
0x3b: {  	_ = 	snop  }
0x3c: {  	p2 =	seq.s32 s10, $0x1;
	s10 =	sld [smem:$0x3FB6]  }
0x3d: {  	_ =	shalt  }
0x3e: {  	_ =	shalt  }
0x3f: {  	_ =	shalt  }
0x40: {  	_ =	shalt  }
0x41: {  	_ =	shalt  }
0x42: {  	_ =	shalt  }
0x43: {  	_ =	shalt  }
0x44: {  	_ =	shalt  }
0x45: {  	_ =	shalt  }
0x46: {  	_ =	shalt  }
0x47: {  	_ =	shalt  }
0x48: {  	_ =	shalt  }
0x49: {  	_ =	shalt  }
0x4a: {  	_ =	shalt  }
0x4b: {  	_ =	shalt  }
0x4c: {  	_ =	shalt  }
0x4d: {  	_ =	shalt  }
0x4e: {  	_ =	shalt  }
0x4f: {  	_ =	shalt  }
0x50: {  	_ =	shalt  }
0x51: {  	_ =	shalt  }
0x52: {  	_ =	shalt  }
0x53: {  	_ =	shalt  }
0x54: {  	_ =	shalt  }
0x55: {  	_ =	shalt  }
0x56: {  	_ =	shalt  }
0x57: {  	_ =	shalt  }
0x58: {  	_ =	shalt  }
0x59: {  	_ =	shalt  }
0x5a: {  	_ =	shalt  }
0x5b: {  	_ =	shalt  }
0x5c: {  	_ =	shalt  }
0x5d: {  	_ =	shalt  }
0x5e: {  	_ =	shalt  }
0x5f: {  	_ =	shalt  }
0x60: {  	_ =	shalt  }
0x61: {  	_ =	shalt  }
0x62: {  	_ =	shalt  }
0x63: {  	_ =	shalt  }
0x64: {  	_ =	shalt  }
0x65: {  	_ =	shalt  }
0x66: {  	_ =	shalt  }
0x67: {  	_ =	shalt  }
0x68: {  	_ =	shalt  }
0x69: {  	_ =	shalt  }
0x6a: {  	_ =	shalt  }
0x6b: {  	_ =	shalt  }
0x6c: {  	_ =	shalt  }
0x6d: {  	_ =	shalt  }
0x6e: {  	_ =	shalt  }
0x6f: {  	_ =	shalt  }
0x70: {  	_ =	shalt  }
0x71: {  	_ =	shalt  }
0x72: {  	_ =	shalt  }
0x73: {  	_ =	shalt  }
0x74: {  	_ =	shalt  }
0x75: {  	_ =	shalt  }
0x76: {  	_ =	shalt  }
0x77: {  	_ =	shalt  }
0x78: {  	_ =	shalt  }
0x79: {  	_ =	shalt  }
0x7a: {  	_ =	shalt  }
0x7b: {  	_ =	shalt  }
0x7c: {  	_ =	shalt  }
0x7d: {  	_ =	shalt  }
0x7e: {  	_ =	shalt  }
0x7f: {  	_ =	shalt  }
0x80: {  	_ =	shalt  }
0x81: {  	_ =	shalt  }
0x82: {  	_ =	shalt  }
0x83: {  	_ =	shalt  }
0x84: {  	_ =	shalt  }
0x85: {  	_ =	shalt  }
0x86: {  	_ =	shalt  }
0x87: {  	_ =	shalt  }
.Lfunc_end0:
.L_simem_size_0:
called_computation_lowered:
.L_overlay_start_0:
0x88: {  	s2 =	sld [smem:$0x3FD9]  }
0x89: {  	s3 =	sld [smem:$0x3FFE];
	_ =	sdelay $0x1  }
0x8a: {  	s1 =	srdreg.scid  }
0x8b: {  	s0 =	sand.u32 $0x1, s1  }
0x8c: {  	s17 =	sshll.u32 s0, $0xA;
	s2 =	sadd.s32 s3, s2  }
0x8d: {  	s2 =	sadd.s32 s2, s17  }
0x8e: {  	[smem:$0x3FC2] =	sst s2  }
0x8f: {  	_ = 	snop  }
0x90: {  	s2 =	sld [smem:$0x3FD0];
	(tm) =	ssettm $0x1  }
0x91: {  	s18 =	sld [smem:$0x3FFB];
	_ =	sdelay $0x3  }
0x92: {  	_ =	strace s18  }
0x93: {  	s3 =	sld [smem:$0x3FFC];
	_ =	sdelay $0x3  }
0x94: {  	_ =	strace s3  }
0x95: {  	s3 =	sld [smem:$0x3FFD];
	_ =	sdelay $0x3  }
0x96: {  	_ =	strace s3  }
0x97: {  	_ =	strace $0x8FFFFFFF  }
0x98: {  	s19 =	sld [smem:$0x3FDB];
	_ =	sdelay $0x1  }
0x99: {  	s4 =	simm.s32 $_scs_section_size  }
0x9a: {  	s5 =	simm.s32 $_size__tile_overlayer_lowered;
	s6 =	simm.s32 $_tile_overlayer_lowered  }
0x9b: {  	s22 =	simm.s32 $0x1BFF;
	s21 =	sshll.u32 s6, $0x1;
	s3 =	sadd.s32 s4, s19  }
0x9c: {  	s7 =	simm.s32 $0x0;
	s20 =	sshll.u32 s5, $0x1;
	s5 =	sadd.s32 s21, s3  }
0x9d: {  	[timem:s7], [sflag:s22] =	dma.local [hbm:s5], s20  }
0x9e: {  	_ =	swait.ge [sflag:s22], s20  }
0x9f: {  	s4 =	ssub.s32 $0x0, s20;
	[sflag:s22] =	ssyncset.done $0x0  }
0xa0: {  	[sflag:s22] =	ssyncadd.s32 s4;
	_ =	sdelay $0x1  }
0xa1: {  	s23 =	simm.s32 $0x1B8B  }
0xa2: {  	_ =	swait.ge [sflag:s23], $0x1  }
0xa3: {  	[sflag:s23] =	ssyncset.done $0x0  }
0xa4: {  	s25 =	simm.s32 $0x1B8E;
	s24 =	sld [smem:$0x3FFE];
	[sflag:s23] =	ssyncadd.s32 $0xFFFFFFFF  }
0xa5: {  	s26 =	simm.s32 $execute0_lowered;
	[smem:$0x3FD2] =	sst s25  }
0xa6: {  	s5 =	sshll.u32 s26, $0x1;
	_ =	strace $0x80000046;
	[dreg:$0x1] =	wrdreg $0xFFFFFFFF  }
0xa7: {  	s28 =	simm.s32 $_size_execute0_lowered;
	s3 =	sadd.s32 s3, s5;
	[dreg:$0x0] =	wrdreg $0x0  }
0xa8: {  	s5 =	sshll.u32 s28, $0x1;
	[dreg:$0x2] =	wrdreg s3  }
0xa9: {  	[dreg:$0x3] =	wrdreg s5  }
0xaa: {  	[dreg:$0x4] =	wrdreg $0xC0  }
0xab: {  	_ =	task [dreg:s7], $0x5FFFF  }
0xac: {  	[dreg:$0x1] =	wrdreg $0xFFFFFFFF  }
0xad: {  	[dreg:$0x0] =	wrdreg $0x60  }
0xae: {  	[dreg:$0x2] =	wrdreg s24  }
0xaf: {  	[dreg:$0x3] =	wrdreg s2  }
0xb0: {  	[dreg:$0x4] =	wrdreg $0x38800  }
0xb1: {  	[dreg:$0x5] =	wrdreg $0x9  }
0xb2: {  	_ =	task.clear_ibuf [dreg:s7], $0x6FFFF;
	_ =	strace $0x90000046  }
0xb3: {  	s29 =	simm.s32 $0x9;
	_ =	strace $0x80000048  }
0xb4: {  	_ =	swait.ge [sflag:s29], $0x1  }
0xb5: {  	[sflag:s29] =	ssyncadd.s32 $0xFFFFFFFF  }
0xb6: {  	_ =	strace $0x90000048  }
0xb7: {  	_ =	sfence  }
0xb8: {  	s30 =	sld [smem:$0x0];
	_ =	sdelay $0x2  }
0xb9: {  	s31 =	sshll.u32 s1, $0xD;
	s1 =	sshrl.u32 s1, $0x2  }
0xba: {  	s3 =	sand.u32 $0x4000, s31;
	s1 =	sadd.s32 s1, s30  }
0xbb: {  	s0 =	sor.u32 s3, s0;
	s1 =	sshll.u32 s1, $0x11  }
0xbc: {  	s0 =	sor.u32 s1, s0  }
0xbd: {  	s0 =	sadd.s32 $0x8F2B, s0  }
0xbe: {  	[sflag:s0] =	ssyncadd.remote.s32 $0x1  }
0xbf: {  	_ =	sfence.sel $0xFFFF  }
0xc0: {  	[dreg:$0x0] =	wrdreg $0xFFFFFFFF;
	(pc) =	sbr.abs _section_cstart, $3  }
0xc1: {  	[dreg:$0x1] =	wrdreg $0xFFFFFFFF  }
0xc2: {  	_ =	task.clear_ibuf [dreg:s7], $0x2FFFF;
	_ =	strace $0x9FFFFFFF  }
0xc3: {  	(tm) =	ssettm $0x7FFFFFFF  }
tec
execute0_lowered:
.L_overlay_start_1:
0x0: {  	(tag) =	ssettag $0x1  }
0x1: {  	s5 =	rddreg [dreg:$0x0]  }
0x2: {  	s1 =	srdreg.scid;
	s12 =	rddreg [dreg:$0x1]  }
0x3: {  	s0 =	stileid.u32;
	s2 =	rddreg [dreg:$0x2];
	s3 =	simm.s32 $0x0  }
0x4: {  	s15 =	simm.s32 $0x2880;
	s16 =	simm.s32 $0x3080;
	s17 =	simm.s32 $0x80  }
0x5: {  	s20 =	simm.s32 $0x0;
	s6 =	sand.u32 $0x1, s1;
	s1 =	rddreg [dreg:$0x3]  }
0x6: {  	s28 =	sshll.u32 s0, $0x1;
	[smem:$0x7FF] =	sst s3;
	s8 =	smul.u32 $0x2800, s0  }
0x7: {  	s10 =	smul.u32 $0xA000, s0;
	s18 =	sshll.u32 s0, $0x6;
	s4 =	sor.u32 s6, s28  }
0x8: {  	_ =	strace $0x80000047;
	s9 =	ssub.s32 $0x2, s6;
	s13 =	smul.u32 $0x28000, s6  }
0x9: {  	s4 =	smul.u32 $0x510, s4;
	s11 =	sshrl.u32 s9, $0x1;
	s29 =	sshrl.u32 s10, $0x2  }
0xa: {  	s18 =	sor.u32 $0x1C01, s18;
	s14 =	ssub.s32 s9, s11;
	s30 =	sadd.s32 s29, s2  }
0xb: {  	s31 =	sadd.s32 s8, s13;
	s7 =	sadd.s32 s4, s5;
	s4 =	sadd.s32 $0x16C00, s5  }
0xc: {  	s5 =	sadd.s32 $0x16A00, s5;
	s9 =	sadd.s32 $0x1000, s30;
	s13 =	sshrl.u32 s31, $0x3  }
0xd: {  	s10 =	sadd.s32 $0x1800, s30;
	s11 =	sadd.s32 $0x2000, s30;
	s6 =	sadd.s32 $0xC800, s7  }
0xe: {  	s7 =	sadd.s32 s8, s2;
	s8 =	sadd.s32 $0x800, s30;
	s12 =	sadd.s32 s12, s13  }
0xf: {  	s13 =	smax.u32 s14, $0x1;
	s14 =	simm.s32 $0x1;
	s19 =	sshrl.u32 s7, $0x3  }
.LBB2_1:
0x10: {  	[tilespmem:s3], [sflag:$0x1] =	stream.linear.gather [hbm4b:s6+s3], $0x2880, $0x38;
	[tilespmem:$0x6080] =	vst v63  }
0x11: {  	_ =	swait.ge [sflag:s14], $0x2880  }
0x12: {  	[sflag:s14] =	ssyncset.done $0x0  }
0x13: {  	[sflag:s14] =	ssyncadd.s32 $0xFFFFD780  }
0x14: {  	[tilespmem:s15], [sflag:$0x1] =	stream.linear.gather [hbm4b:s4+s3], $0x800, $0x38;
	[tilespmem:$0x6080] =	vst v63  }
0x15: {  	_ =	swait.ge [sflag:s14], $0x800  }
0x16: {  	[sflag:s14] =	ssyncset.done $0x0  }
0x17: {  	[sflag:s14] =	ssyncadd.s32 $0xFFFFF800  }
0x18: {  	[tilespmem:s16], [sflag:$0x1] =	stream.linear.gather [hbm4b:s5+s3], $0x800, $0x38;
	[tilespmem:$0x6080] =	vst v63  }
0x19: {  	_ =	swait.ge [sflag:s14], $0x800  }
0x1a: {  	[sflag:s14] =	ssyncset.done $0x0  }
0x1b: {  	[sflag:s14] =	ssyncadd.s32 $0xFFFFF800  }
0x1c: {  	[spmem:s7] =	stream.linear.scatter [tilespmem:s16], [sflag:$0x1], $0x800, $0x38;
	[tilespmem:$0x6080] =	vst v63  }
0x1d: {  	_ =	swait.ge [sflag:s14], $0x800  }
0x1e: {  	[sflag:s14] =	ssyncset.done $0x0  }
0x1f: {  	[sflag:s14] =	ssyncadd.s32 $0xFFFFF800  }
0x20: {  	[spmem:s8] =	stream.linear.scatter [tilespmem:s16], [sflag:$0x1], $0x800, $0x38;
	[tilespmem:$0x6080] =	vst v63  }
0x21: {  	_ =	swait.ge [sflag:s14], $0x800  }
0x22: {  	[sflag:s14] =	ssyncset.done $0x0  }
0x23: {  	[sflag:s14] =	ssyncadd.s32 $0xFFFFF800  }
0x24: {  	[spmem:s9] =	stream.linear.scatter [tilespmem:s16], [sflag:$0x1], $0x800, $0x38;
	[tilespmem:$0x6080] =	vst v63  }
0x25: {  	_ =	swait.ge [sflag:s14], $0x800  }
0x26: {  	[sflag:s14] =	ssyncset.done $0x0  }
0x27: {  	[sflag:s14] =	ssyncadd.s32 $0xFFFFF800  }
0x28: {  	[spmem:s10] =	stream.linear.scatter [tilespmem:s16], [sflag:$0x1], $0x800, $0x38;
	[tilespmem:$0x6080] =	vst v63  }
0x29: {  	_ =	swait.ge [sflag:s14], $0x800  }
0x2a: {  	[sflag:s14] =	ssyncset.done $0x0  }
0x2b: {  	[sflag:s14] =	ssyncadd.s32 $0xFFFFF800  }
0x2c: {  	[spmem:s11] =	stream.linear.scatter [tilespmem:s16], [sflag:$0x1], $0x800, $0x38;
	[tilespmem:$0x6080] =	vst v63  }
0x2d: {  	_ =	swait.ge [sflag:s14], $0x800  }
0x2e: {  	[sflag:s14] =	ssyncset.done $0x0  }
0x2f: {  	[sflag:s14] =	ssyncadd.s32 $0xFFFFF800  }
0x30: {  	s21 =	simm.s32 $0x0;
	[bflag:$0x0] =	sbarrier.arrive $0xFFFF  }
0x31: {  	[spmem:s2] =	stream.indirect.scatter.add.f32 [tilespmem:s15], [sflag:$0x1], $0x10, s21, s17, $0xb8;
	[tilespmem:$0x6080] =	vst v63  }
0x32: {  	_ =	swait.ge [sflag:s14], $0x800  }
0x33: {  	s21 =	simm.s32 $0x200;
	[sflag:s14] =	ssyncset.done $0x0  }
.LBB2_2:
0x34: {  	s22 =	sshra.s32 s21, $0x2;
	[sflag:s14] =	ssyncadd.s32 $0xFFFFF800;
	p0 =	sne.s32 s21, $0xA000  }
0x35: {  	[spmem:s2] =	stream.indirect.scatter.add.f32 [tilespmem:s15], [sflag:$0x1], $0x10, s22, s17, $0xb8;
	[tilespmem:$0x6080] =	vst v63  }
.Ltmp0:
0x36: {  	_ = 	snop;
	(pc) =	sbr.rel @p0 .LBB2_2-.Ltmp0, $4  }
0x37: {  	_ = 	snop  }
0x38: {  	s21 =	sadd.s32 $0x200, s21  }
0x39: {  	_ =	swait.ge [sflag:s14], $0x800  }
0x3a: {  	[sflag:s14] =	ssyncset.done $0x0  }
0x3b: {  	s20 =	sadd.s32 $0x1, s20  }
0x3c: {  	[sflag:s14] =	ssyncadd.s32 $0xFFFFF800;
	p0 =	sne.s32 s20, s13  }
.Ltmp1:
0x3d: {  	[bflag:$0x0] =	sbarrier.arrive $0xFFFF;
	(pc) =	sbr.rel @p0 .LBB2_1-.Ltmp1, $4  }
0x3e: {  	[hbm:s12], [sflag:s18] =	dma.local [spmem:s19], $0x500  }
0x3f: {  	_ =	swait.ge [sflag:s14], $0x500  }
0x40: {  	[sflag:s14] =	ssyncset.done $0x0  }
0x41: {  	[sflag:s14] =	ssyncadd.s32 $0xFFFFFB00  }
0x42: {  	_ =	sfence.sel $0x180000  }
0x43: {  	[bflag:$0x0] =	sbarrier.arrive $0xFFFF  }
0x44: {  	p0 =	sne.s32 s0, $0x0;
	_ =	strace $0x90000047  }
0x45: {  	s0 =	sadd.s32 @!p0 $0x100000, s1;
	[bflag:$0x2] =	sbarrier.arrive $0xFFFF  }
0x46: {  	[sflag:s0] =	ssyncadd.tile.s32 @!p0 $0x1;
	_ =	shalt  }
.Lfunc_end2:
_tile_overlayer_lowered:
.L_overlay_start_2:
0x47: {  	(tag) =	ssettag $0x2  }
0x48: {  	s0 =	rddreg [dreg:$0x0];
	s2 =	stileid.u32  }
0x49: {  	s1 =	rddreg [dreg:$0x1];
	p0 =	sne.s32 s2, $0x0  }
0x4a: {  	s3 =	rddreg [dreg:$0x2];
	[bflag:$0x3] =	sbarrier.arrive $0xFFFF;
	s2 =	simm.s32 @!p0 $0x1C01  }
0x4b: {  	[timem:s3], [sflag:s2] =	dma.local @!p0 [hbm:s0], s1  }
0x4c: {  	s0 =	simm.s32 @!p0 $0x1  }
0x4d: {  	_ =	swait.ge @!p0 [sflag:s0], s1  }
0x4e: {  	s1 =	ssub.s32 @!p0 $0x0, s1;
	[sflag:s0] =	ssyncset.done @!p0 $0x0  }
0x4f: {  	[sflag:s0] =	ssyncadd.s32 @!p0 s1  }
0x50: {  	[bflag:$0x3] =	sbarrier.arrive $0xFFFF  }
0x51: {  	_ =	shalt  }

</sc_bundles>
